<compile_context>
chip_gen: v7x
topology: tpu7x:2x2x1
jax: 0.10.2.dev20260603
libtpu: 0.0.44.dev20260713+nightly
codegen_flags: <defaults>
</compile_context>

<pallas_src>
import functools

import jax
import jax.numpy as jnp
from jax import lax
from jax.experimental import pallas as pl
from jax.experimental.pallas import tpu as pltpu
from jax.experimental.pallas import tpu_sc as plsc

B = 16384
D = 16
NROW = 1000000
NC = 2
NS = 16
NW = NC * NS
CH = B // NW
NCK = CH // D

_mesh = plsc.VectorSubcoreMesh(core_axis_name="c", subcore_axis_name="s")


@functools.partial(
    pl.kernel,
    out_type=jax.ShapeDtypeStruct((B,), jnp.float32),
    mesh=_mesh,
    compiler_params=pltpu.CompilerParams(
        needs_layout_passes=False, use_tc_tiling_on_sc=True),
    scratch_types=dict(
        u_v=pltpu.VMEM((CH,), jnp.int32),
        i_v=pltpu.VMEM((CH,), jnp.int32),
        blk=pltpu.VMEM((2 * D, D, 128), jnp.float32),
        vu_rows=pltpu.VMEM((D * D,), jnp.float32),
        prod=pltpu.VMEM((D * D,), jnp.float32),
        g_ubm=pltpu.VMEM((CH,), jnp.float32),
        g_ubl=pltpu.VMEM((CH,), jnp.float32),
        g_ibm=pltpu.VMEM((CH,), jnp.float32),
        g_ibl=pltpu.VMEM((CH,), jnp.float32),
        l_evu=pltpu.VMEM((D, CH), jnp.float32),
        l_evi=pltpu.VMEM((D, CH), jnp.float32),
        l_ebu=pltpu.VMEM((CH,), jnp.float32),
        l_ebi=pltpu.VMEM((CH,), jnp.float32),
        l_glob=pltpu.VMEM((D,), jnp.float32),
        out_v=pltpu.VMEM((CH,), jnp.float32),
        sem=pltpu.SemaphoreType.DMA,
        gsem=pltpu.SemaphoreType.DMA,
    ),
)
def _vmf_sc(u, i, ubm, ubl, uvm, uvl, ibm, ibl, ivm, ivl, glob,
            ebu, evu, ebi, evi, out,
            u_v, i_v, blk, vu_rows, prod,
            g_ubm, g_ubl, g_ibm, g_ibl,
            l_evu, l_evi, l_ebu, l_ebi, l_glob, out_v, sem, gsem):
  wid = lax.axis_index("s") * NC + lax.axis_index("c")
  base = wid * CH

  pltpu.sync_copy(u.at[pl.ds(base, CH)], u_v)
  pltpu.sync_copy(i.at[pl.ds(base, CH)], i_v)

  cps = [
      pltpu.async_copy(ebu.at[pl.ds(base, CH)], l_ebu, sem),
      pltpu.async_copy(ebi.at[pl.ds(base, CH)], l_ebi, sem),
      pltpu.async_copy(evu.at[:, pl.ds(base, CH)], l_evu, sem),
      pltpu.async_copy(evi.at[:, pl.ds(base, CH)], l_evi, sem),
      pltpu.async_copy(glob, l_glob, sem),
      pltpu.async_copy(ubm.at[u_v], g_ubm, sem),
      pltpu.async_copy(ubl.at[u_v], g_ubl, sem),
      pltpu.async_copy(ibm.at[i_v], g_ibm, sem),
      pltpu.async_copy(ibl.at[i_v], g_ibl, sem),
  ]
  for cp in cps:
    cp.wait()

  gv = l_glob[...]
  lane = lax.broadcasted_iota(jnp.int32, (D,), 0)

  def fetch_side(mu_t, lv_t, base16):
    grp = []
    for l in range(D):
      b = pl.multiple_of(base16[l], 128)
      sl = pl.ds(b, 128)
      grp += [
          pltpu.async_copy(mu_t.at[:, sl], blk.at[2 * l], gsem),
          pltpu.async_copy(lv_t.at[:, sl], blk.at[2 * l + 1], gsem),
      ]
    return grp

  def group_body(k, carry):
    r0 = k * D
    u16 = u_v[pl.ds(r0, D)]
    i16 = i_v[pl.ds(r0, D)]
    ub16 = u16 - jnp.bitwise_and(u16, 127)
    ib16 = i16 - jnp.bitwise_and(i16, 127)
    uc16 = jnp.bitwise_and(u16, 127)
    ic16 = jnp.bitwise_and(i16, 127)

    for cp in fetch_side(uvm, uvl, ub16):
      cp.wait()
    for l in range(D):
      col = jnp.full((D,), uc16[l], jnp.int32)
      mu = plsc.load_gather(blk.at[2 * l], [lane, col])
      lv = plsc.load_gather(blk.at[2 * l + 1], [lane, col])
      ev = plsc.load_gather(l_evu, [lane, jnp.full((D,), r0 + l, jnp.int32)])
      vu_rows[pl.ds(l * D, D)] = mu + jnp.exp(0.5 * lv) * ev

    for cp in fetch_side(ivm, ivl, ib16):
      cp.wait()
    for l in range(D):
      col = jnp.full((D,), ic16[l], jnp.int32)
      mu = plsc.load_gather(blk.at[2 * l], [lane, col])
      lv = plsc.load_gather(blk.at[2 * l + 1], [lane, col])
      ev = plsc.load_gather(l_evi, [lane, jnp.full((D,), r0 + l, jnp.int32)])
      vi = mu + jnp.exp(0.5 * lv) * ev
      p = vu_rows[pl.ds(l * D, D)] * vi
      plsc.store_scatter(prod, [lane * D + l], p)

    acc = prod[pl.ds(0, D)]
    for c in range(1, D):
      acc = acc + prod[pl.ds(c * D, D)]
    sl = pl.ds(r0, D)
    bu = g_ubm[sl] + jnp.exp(0.5 * g_ubl[sl]) * l_ebu[sl]
    bi = g_ibm[sl] + jnp.exp(0.5 * g_ibl[sl]) * l_ebi[sl]
    out_v[sl] = bu + bi + gv + acc
    return carry

  lax.fori_loop(0, NCK, group_body, 0)

  pltpu.sync_copy(out_v, out.at[pl.ds(base, CH)])


def kernel(u, i, user_bias_mu, user_bias_lv, user_vect_mu, user_vect_lv,
           item_bias_mu, item_bias_lv, item_vect_mu, item_vect_lv,
           glob_bias, eps_bu, eps_vu, eps_bi, eps_vi):
  return _vmf_sc(
      u, i,
      user_bias_mu.reshape(-1), user_bias_lv.reshape(-1),
      user_vect_mu.T, user_vect_lv.T,
      item_bias_mu.reshape(-1), item_bias_lv.reshape(-1),
      item_vect_mu.T, item_vect_lv.T,
      jnp.broadcast_to(glob_bias.reshape(1), (D,)),
      eps_bu, eps_vu.T, eps_bi, eps_vi.T)

# --- scband reference (transcript-rebuilt; emitter-appended) ---
"""Pipeline reference for scband-vmf-32014686224537 (READ-ONLY COPY).

The authoritative reference and input builder live on the scoring server;
editing this copy changes nothing except your own understanding.
"""

import jax, jax.numpy as jnp
import numpy as np

B = 16384
NU = 1000000
NI = 1000000
D = 16

def setup_inputs(seed: int = 0) -> dict:
    key = jax.random.key(seed)
    ks = jax.random.split(key, 16)
    u = jax.random.randint(ks[0], (B,), 0, NU, dtype=jnp.int32)
    i = jax.random.randint(ks[1], (B,), 0, NI, dtype=jnp.int32)
    user_bias_mu = jax.random.normal(ks[2], (NU, 1), dtype=jnp.float32) * 0.01
    user_bias_lv = jax.random.normal(ks[3], (NU, 1), dtype=jnp.float32) * 0.01 - 4.0
    user_vect_mu = jax.random.normal(ks[4], (NU, D), dtype=jnp.float32) * 0.01
    user_vect_lv = jax.random.normal(ks[5], (NU, D), dtype=jnp.float32) * 0.01 - 4.0
    item_bias_mu = jax.random.normal(ks[6], (NI, 1), dtype=jnp.float32) * 0.01
    item_bias_lv = jax.random.normal(ks[7], (NI, 1), dtype=jnp.float32) * 0.01 - 4.0
    item_vect_mu = jax.random.normal(ks[8], (NI, D), dtype=jnp.float32) * 0.01
    item_vect_lv = jax.random.normal(ks[9], (NI, D), dtype=jnp.float32) * 0.01 - 4.0
    glob_bias = jnp.zeros((1, 1), dtype=jnp.float32)
    eps_bu = jax.random.normal(ks[10], (B,), dtype=jnp.float32)
    eps_vu = jax.random.normal(ks[11], (B, D), dtype=jnp.float32)
    eps_bi = jax.random.normal(ks[12], (B,), dtype=jnp.float32)
    eps_vi = jax.random.normal(ks[13], (B, D), dtype=jnp.float32)
    return {"u": u, "i": i,
            "user_bias_mu": user_bias_mu, "user_bias_lv": user_bias_lv,
            "user_vect_mu": user_vect_mu, "user_vect_lv": user_vect_lv,
            "item_bias_mu": item_bias_mu, "item_bias_lv": item_bias_lv,
            "item_vect_mu": item_vect_mu, "item_vect_lv": item_vect_lv,
            "glob_bias": glob_bias,
            "eps_bu": eps_bu, "eps_vu": eps_vu, "eps_bi": eps_bi, "eps_vi": eps_vi}


def reference(u, i, user_bias_mu, user_bias_lv, user_vect_mu, user_vect_lv,
              item_bias_mu, item_bias_lv, item_vect_mu, item_vect_lv,
              glob_bias, eps_bu, eps_vu, eps_bi, eps_vi):
    # Variational bias embedding (VBE): reparameterized sample mu + exp(0.5*logvar)*eps
    bu = jnp.take(user_bias_mu, u, axis=0)[:, 0] + jnp.exp(0.5 * jnp.take(user_bias_lv, u, axis=0)[:, 0]) * eps_bu
    vu = jnp.take(user_vect_mu, u, axis=0) + jnp.exp(0.5 * jnp.take(user_vect_lv, u, axis=0)) * eps_vu
    bi = jnp.take(item_bias_mu, i, axis=0)[:, 0] + jnp.exp(0.5 * jnp.take(item_bias_lv, i, axis=0)[:, 0]) * eps_bi
    vi = jnp.take(item_vect_mu, i, axis=0) + jnp.exp(0.5 * jnp.take(item_vect_lv, i, axis=0)) * eps_vi
    intx = (vu * vi).sum(axis=1)
    bias = glob_bias[0, 0]
    logodds = bias + bi + bu + intx
    return logodds

if __name__ == "__main__":
    import jax
    _d = setup_inputs()
    print(jax.jit(kernel)(*tuple(_d.values())))

</pallas_src>

<mosaic_0001>
#map = affine_map<(d0, d1) -> (0)>
#map1 = affine_map<(d0, d1) -> (0, 0)>
module attributes {stable_mosaic.version = 14 : i64} {
  func.func @_vmf_sc(%arg0: i32, %arg1: i32, %arg2: memref<16384xi32, #tpu.memory_space<hbm>>, %arg3: memref<16384xi32, #tpu.memory_space<hbm>>, %arg4: memref<1000000xf32, #tpu.memory_space<hbm>>, %arg5: memref<1000000xf32, #tpu.memory_space<hbm>>, %arg6: memref<16x1000000xf32, #tpu.memory_space<hbm>>, %arg7: memref<16x1000000xf32, #tpu.memory_space<hbm>>, %arg8: memref<1000000xf32, #tpu.memory_space<hbm>>, %arg9: memref<1000000xf32, #tpu.memory_space<hbm>>, %arg10: memref<16x1000000xf32, #tpu.memory_space<hbm>>, %arg11: memref<16x1000000xf32, #tpu.memory_space<hbm>>, %arg12: memref<16xf32, #tpu.memory_space<hbm>>, %arg13: memref<16384xf32, #tpu.memory_space<hbm>>, %arg14: memref<16x16384xf32, #tpu.memory_space<hbm>>, %arg15: memref<16384xf32, #tpu.memory_space<hbm>>, %arg16: memref<16x16384xf32, #tpu.memory_space<hbm>>, %arg17: memref<16384xf32, #tpu.memory_space<hbm>>, %arg18: memref<32x16x128xf32, #tpu.memory_space<vmem>>, %arg19: memref<512xf32, #tpu.memory_space<vmem>>, %arg20: memref<512xf32, #tpu.memory_space<vmem>>, %arg21: memref<512xf32, #tpu.memory_space<vmem>>, %arg22: memref<512xf32, #tpu.memory_space<vmem>>, %arg23: memref<!tpu.dma_semaphore, #tpu.memory_space<semaphore_mem>>, %arg24: memref<512xi32, #tpu.memory_space<vmem>>, %arg25: memref<512xf32, #tpu.memory_space<vmem>>, %arg26: memref<512xf32, #tpu.memory_space<vmem>>, %arg27: memref<16x512xf32, #tpu.memory_space<vmem>>, %arg28: memref<16x512xf32, #tpu.memory_space<vmem>>, %arg29: memref<16xf32, #tpu.memory_space<vmem>>, %arg30: memref<512xf32, #tpu.memory_space<vmem>>, %arg31: memref<256xf32, #tpu.memory_space<vmem>>, %arg32: memref<!tpu.dma_semaphore, #tpu.memory_space<semaphore_mem>>, %arg33: memref<512xi32, #tpu.memory_space<vmem>>, %arg34: memref<256xf32, #tpu.memory_space<vmem>>) attributes {dimension_semantics = [#tpu.dimension_semantics<core_parallel>, #tpu.dimension_semantics<subcore_parallel>], iteration_bounds = array<i64: 2, 16>, scalar_prefetch = 0 : i64, scratch_operands = 17 : i64, tpu.core_type = #tpu.core_type<sc_vector_subcore>, window_params = [{transform_indices = #map}, {transform_indices = #map}, {transform_indices = #map}, {transform_indices = #map}, {transform_indices = #map1}, {transform_indices = #map1}, {transform_indices = #map}, {transform_indices = #map}, {transform_indices = #map1}, {transform_indices = #map1}, {transform_indices = #map}, {transform_indices = #map}, {transform_indices = #map1}, {transform_indices = #map}, {transform_indices = #map1}, {transform_indices = #map}]} {
    %mul3A = arith.constant 2 : i32
    %mul3A_0 = arith.muli %arg1, %mul3A : i32
    %add3A = arith.addi %mul3A_0, %arg0 : i32
    %mul3A_1 = arith.constant 512 : i32
    %mul3A_2 = arith.muli %add3A, %mul3A_1 : i32
    "tpu.region"() ({
      %run_scoped3A = tpu.sem_alloc : memref<!tpu.dma_semaphore, #tpu.memory_space<semaphore_mem>>
      %dma_start3A_47 = tpu.memref_slice %arg2[%mul3A_2] : memref<16384xi32, #tpu.memory_space<hbm>> -> memref<512xi32, #tpu.memory_space<hbm>>
      %dma_start3A_48 = tpu.memref_slice %arg2[%mul3A_2] : memref<16384xi32, #tpu.memory_space<hbm>> -> memref<512xi32, #tpu.memory_space<hbm>>
      tpu.enqueue_dma source(%dma_start3A_48 : memref<512xi32, #tpu.memory_space<hbm>>) target(%arg33 : memref<512xi32, #tpu.memory_space<vmem>>) target_semaphore(%run_scoped3A : memref<!tpu.dma_semaphore, #tpu.memory_space<semaphore_mem>>)
      %dma_wait3A_49 = tpu.memref_slice %arg2[%mul3A_2] : memref<16384xi32, #tpu.memory_space<hbm>> -> memref<512xi32, #tpu.memory_space<hbm>>
      %dma_wait3A_50 = tpu.memref_slice %arg2[%mul3A_2] : memref<16384xi32, #tpu.memory_space<hbm>> -> memref<512xi32, #tpu.memory_space<hbm>>
      tpu.wait_dma2 semaphore(%run_scoped3A : memref<!tpu.dma_semaphore, #tpu.memory_space<semaphore_mem>>) src(%dma_wait3A_50 : memref<512xi32, #tpu.memory_space<hbm>>) dst(%arg33 : memref<512xi32, #tpu.memory_space<vmem>>)
      tpu.yield
    }) : () -> ()
    "tpu.region"() ({
      %run_scoped3A = tpu.sem_alloc : memref<!tpu.dma_semaphore, #tpu.memory_space<semaphore_mem>>
      %dma_start3A_47 = tpu.memref_slice %arg3[%mul3A_2] : memref<16384xi32, #tpu.memory_space<hbm>> -> memref<512xi32, #tpu.memory_space<hbm>>
      %dma_start3A_48 = tpu.memref_slice %arg3[%mul3A_2] : memref<16384xi32, #tpu.memory_space<hbm>> -> memref<512xi32, #tpu.memory_space<hbm>>
      tpu.enqueue_dma source(%dma_start3A_48 : memref<512xi32, #tpu.memory_space<hbm>>) target(%arg24 : memref<512xi32, #tpu.memory_space<vmem>>) target_semaphore(%run_scoped3A : memref<!tpu.dma_semaphore, #tpu.memory_space<semaphore_mem>>)
      %dma_wait3A_49 = tpu.memref_slice %arg3[%mul3A_2] : memref<16384xi32, #tpu.memory_space<hbm>> -> memref<512xi32, #tpu.memory_space<hbm>>
      %dma_wait3A_50 = tpu.memref_slice %arg3[%mul3A_2] : memref<16384xi32, #tpu.memory_space<hbm>> -> memref<512xi32, #tpu.memory_space<hbm>>
      tpu.wait_dma2 semaphore(%run_scoped3A : memref<!tpu.dma_semaphore, #tpu.memory_space<semaphore_mem>>) src(%dma_wait3A_50 : memref<512xi32, #tpu.memory_space<hbm>>) dst(%arg24 : memref<512xi32, #tpu.memory_space<vmem>>)
      tpu.yield
    }) : () -> ()
    %dma_start3A = tpu.memref_slice %arg13[%mul3A_2] : memref<16384xf32, #tpu.memory_space<hbm>> -> memref<512xf32, #tpu.memory_space<hbm>>
    %dma_start3A_3 = tpu.memref_slice %arg13[%mul3A_2] : memref<16384xf32, #tpu.memory_space<hbm>> -> memref<512xf32, #tpu.memory_space<hbm>>
    tpu.enqueue_dma source(%dma_start3A_3 : memref<512xf32, #tpu.memory_space<hbm>>) target(%arg26 : memref<512xf32, #tpu.memory_space<vmem>>) target_semaphore(%arg32 : memref<!tpu.dma_semaphore, #tpu.memory_space<semaphore_mem>>)
    %dma_start3A_4 = tpu.memref_slice %arg15[%mul3A_2] : memref<16384xf32, #tpu.memory_space<hbm>> -> memref<512xf32, #tpu.memory_space<hbm>>
    %dma_start3A_5 = tpu.memref_slice %arg15[%mul3A_2] : memref<16384xf32, #tpu.memory_space<hbm>> -> memref<512xf32, #tpu.memory_space<hbm>>
    tpu.enqueue_dma source(%dma_start3A_5 : memref<512xf32, #tpu.memory_space<hbm>>) target(%arg25 : memref<512xf32, #tpu.memory_space<vmem>>) target_semaphore(%arg32 : memref<!tpu.dma_semaphore, #tpu.memory_space<semaphore_mem>>)
    %dma_start3A_6 = arith.constant 0 : i32
    %dma_start3A_7 = tpu.memref_slice %arg14[%dma_start3A_6, %mul3A_2] : memref<16x16384xf32, #tpu.memory_space<hbm>> -> memref<16x512xf32, #tpu.memory_space<hbm>>
    %dma_start3A_8 = arith.constant 0 : i32
    %dma_start3A_9 = tpu.memref_slice %arg14[%dma_start3A_8, %mul3A_2] : memref<16x16384xf32, #tpu.memory_space<hbm>> -> memref<16x512xf32, #tpu.memory_space<hbm>>
    tpu.enqueue_dma source(%dma_start3A_9 : memref<16x512xf32, #tpu.memory_space<hbm>>) target(%arg28 : memref<16x512xf32, #tpu.memory_space<vmem>>) target_semaphore(%arg32 : memref<!tpu.dma_semaphore, #tpu.memory_space<semaphore_mem>>)
    %dma_start3A_10 = arith.constant 0 : i32
    %dma_start3A_11 = tpu.memref_slice %arg16[%dma_start3A_10, %mul3A_2] : memref<16x16384xf32, #tpu.memory_space<hbm>> -> memref<16x512xf32, #tpu.memory_space<hbm>>
    %dma_start3A_12 = arith.constant 0 : i32
    %dma_start3A_13 = tpu.memref_slice %arg16[%dma_start3A_12, %mul3A_2] : memref<16x16384xf32, #tpu.memory_space<hbm>> -> memref<16x512xf32, #tpu.memory_space<hbm>>
    tpu.enqueue_dma source(%dma_start3A_13 : memref<16x512xf32, #tpu.memory_space<hbm>>) target(%arg27 : memref<16x512xf32, #tpu.memory_space<vmem>>) target_semaphore(%arg32 : memref<!tpu.dma_semaphore, #tpu.memory_space<semaphore_mem>>)
    tpu.enqueue_dma source(%arg12 : memref<16xf32, #tpu.memory_space<hbm>>) target(%arg29 : memref<16xf32, #tpu.memory_space<vmem>>) target_semaphore(%arg32 : memref<!tpu.dma_semaphore, #tpu.memory_space<semaphore_mem>>)
    %dma_start3A_14 = arith.constant 0 : i32
    %dma_start3A_15 = tpu.memref_slice %arg4[%dma_start3A_14] : memref<1000000xf32, #tpu.memory_space<hbm>> -> memref<1000000xf32, #tpu.memory_space<hbm>>
    tpu.enqueue_indirect_dma source(%dma_start3A_15 : memref<1000000xf32, #tpu.memory_space<hbm>>) target(%arg22 : memref<512xf32, #tpu.memory_space<vmem>>) offsets(%arg33 : memref<512xi32, #tpu.memory_space<vmem>>) semaphore(%arg32 : memref<!tpu.dma_semaphore, #tpu.memory_space<semaphore_mem>>)
    %dma_start3A_16 = arith.constant 0 : i32
    %dma_start3A_17 = tpu.memref_slice %arg5[%dma_start3A_16] : memref<1000000xf32, #tpu.memory_space<hbm>> -> memref<1000000xf32, #tpu.memory_space<hbm>>
    tpu.enqueue_indirect_dma source(%dma_start3A_17 : memref<1000000xf32, #tpu.memory_space<hbm>>) target(%arg21 : memref<512xf32, #tpu.memory_space<vmem>>) offsets(%arg33 : memref<512xi32, #tpu.memory_space<vmem>>) semaphore(%arg32 : memref<!tpu.dma_semaphore, #tpu.memory_space<semaphore_mem>>)
    %dma_start3A_18 = arith.constant 0 : i32
    %dma_start3A_19 = tpu.memref_slice %arg8[%dma_start3A_18] : memref<1000000xf32, #tpu.memory_space<hbm>> -> memref<1000000xf32, #tpu.memory_space<hbm>>
    tpu.enqueue_indirect_dma source(%dma_start3A_19 : memref<1000000xf32, #tpu.memory_space<hbm>>) target(%arg20 : memref<512xf32, #tpu.memory_space<vmem>>) offsets(%arg24 : memref<512xi32, #tpu.memory_space<vmem>>) semaphore(%arg32 : memref<!tpu.dma_semaphore, #tpu.memory_space<semaphore_mem>>)
    %dma_start3A_20 = arith.constant 0 : i32
    %dma_start3A_21 = tpu.memref_slice %arg9[%dma_start3A_20] : memref<1000000xf32, #tpu.memory_space<hbm>> -> memref<1000000xf32, #tpu.memory_space<hbm>>
    tpu.enqueue_indirect_dma source(%dma_start3A_21 : memref<1000000xf32, #tpu.memory_space<hbm>>) target(%arg19 : memref<512xf32, #tpu.memory_space<vmem>>) offsets(%arg24 : memref<512xi32, #tpu.memory_space<vmem>>) semaphore(%arg32 : memref<!tpu.dma_semaphore, #tpu.memory_space<semaphore_mem>>)
    %dma_wait3A = tpu.memref_slice %arg13[%mul3A_2] : memref<16384xf32, #tpu.memory_space<hbm>> -> memref<512xf32, #tpu.memory_space<hbm>>
    %dma_wait3A_22 = tpu.memref_slice %arg13[%mul3A_2] : memref<16384xf32, #tpu.memory_space<hbm>> -> memref<512xf32, #tpu.memory_space<hbm>>
    tpu.wait_dma2 semaphore(%arg32 : memref<!tpu.dma_semaphore, #tpu.memory_space<semaphore_mem>>) src(%dma_wait3A_22 : memref<512xf32, #tpu.memory_space<hbm>>) dst(%arg26 : memref<512xf32, #tpu.memory_space<vmem>>)
    %dma_wait3A_23 = tpu.memref_slice %arg15[%mul3A_2] : memref<16384xf32, #tpu.memory_space<hbm>> -> memref<512xf32, #tpu.memory_space<hbm>>
    %dma_wait3A_24 = tpu.memref_slice %arg15[%mul3A_2] : memref<16384xf32, #tpu.memory_space<hbm>> -> memref<512xf32, #tpu.memory_space<hbm>>
    tpu.wait_dma2 semaphore(%arg32 : memref<!tpu.dma_semaphore, #tpu.memory_space<semaphore_mem>>) src(%dma_wait3A_24 : memref<512xf32, #tpu.memory_space<hbm>>) dst(%arg25 : memref<512xf32, #tpu.memory_space<vmem>>)
    %dma_wait3A_25 = arith.constant 0 : i32
    %dma_wait3A_26 = tpu.memref_slice %arg14[%dma_wait3A_25, %mul3A_2] : memref<16x16384xf32, #tpu.memory_space<hbm>> -> memref<16x512xf32, #tpu.memory_space<hbm>>
    %dma_wait3A_27 = arith.constant 0 : i32
    %dma_wait3A_28 = tpu.memref_slice %arg14[%dma_wait3A_27, %mul3A_2] : memref<16x16384xf32, #tpu.memory_space<hbm>> -> memref<16x512xf32, #tpu.memory_space<hbm>>
    tpu.wait_dma2 semaphore(%arg32 : memref<!tpu.dma_semaphore, #tpu.memory_space<semaphore_mem>>) src(%dma_wait3A_28 : memref<16x512xf32, #tpu.memory_space<hbm>>) dst(%arg28 : memref<16x512xf32, #tpu.memory_space<vmem>>)
    %dma_wait3A_29 = arith.constant 0 : i32
    %dma_wait3A_30 = tpu.memref_slice %arg16[%dma_wait3A_29, %mul3A_2] : memref<16x16384xf32, #tpu.memory_space<hbm>> -> memref<16x512xf32, #tpu.memory_space<hbm>>
    %dma_wait3A_31 = arith.constant 0 : i32
    %dma_wait3A_32 = tpu.memref_slice %arg16[%dma_wait3A_31, %mul3A_2] : memref<16x16384xf32, #tpu.memory_space<hbm>> -> memref<16x512xf32, #tpu.memory_space<hbm>>
    tpu.wait_dma2 semaphore(%arg32 : memref<!tpu.dma_semaphore, #tpu.memory_space<semaphore_mem>>) src(%dma_wait3A_32 : memref<16x512xf32, #tpu.memory_space<hbm>>) dst(%arg27 : memref<16x512xf32, #tpu.memory_space<vmem>>)
    tpu.wait_dma2 semaphore(%arg32 : memref<!tpu.dma_semaphore, #tpu.memory_space<semaphore_mem>>) src(%arg12 : memref<16xf32, #tpu.memory_space<hbm>>) dst(%arg29 : memref<16xf32, #tpu.memory_space<vmem>>)
    %dma_wait3A_33 = arith.constant 0 : i32
    %dma_wait3A_34 = tpu.memref_slice %arg4[%dma_wait3A_33] : memref<1000000xf32, #tpu.memory_space<hbm>> -> memref<1000000xf32, #tpu.memory_space<hbm>>
    tpu.wait_indirect_dma semaphore(%arg32 : memref<!tpu.dma_semaphore, #tpu.memory_space<semaphore_mem>>) src(%dma_wait3A_34 : memref<1000000xf32, #tpu.memory_space<hbm>>) dst(%arg22 : memref<512xf32, #tpu.memory_space<vmem>>)
    %dma_wait3A_35 = arith.constant 0 : i32
    %dma_wait3A_36 = tpu.memref_slice %arg5[%dma_wait3A_35] : memref<1000000xf32, #tpu.memory_space<hbm>> -> memref<1000000xf32, #tpu.memory_space<hbm>>
    tpu.wait_indirect_dma semaphore(%arg32 : memref<!tpu.dma_semaphore, #tpu.memory_space<semaphore_mem>>) src(%dma_wait3A_36 : memref<1000000xf32, #tpu.memory_space<hbm>>) dst(%arg21 : memref<512xf32, #tpu.memory_space<vmem>>)
    %dma_wait3A_37 = arith.constant 0 : i32
    %dma_wait3A_38 = tpu.memref_slice %arg8[%dma_wait3A_37] : memref<1000000xf32, #tpu.memory_space<hbm>> -> memref<1000000xf32, #tpu.memory_space<hbm>>
    tpu.wait_indirect_dma semaphore(%arg32 : memref<!tpu.dma_semaphore, #tpu.memory_space<semaphore_mem>>) src(%dma_wait3A_38 : memref<1000000xf32, #tpu.memory_space<hbm>>) dst(%arg20 : memref<512xf32, #tpu.memory_space<vmem>>)
    %dma_wait3A_39 = arith.constant 0 : i32
    %dma_wait3A_40 = tpu.memref_slice %arg9[%dma_wait3A_39] : memref<1000000xf32, #tpu.memory_space<hbm>> -> memref<1000000xf32, #tpu.memory_space<hbm>>
    tpu.wait_indirect_dma semaphore(%arg32 : memref<!tpu.dma_semaphore, #tpu.memory_space<semaphore_mem>>) src(%dma_wait3A_40 : memref<1000000xf32, #tpu.memory_space<hbm>>) dst(%arg19 : memref<512xf32, #tpu.memory_space<vmem>>)
    %get3A = arith.constant 0 : index
    %get3A_41 = tpu.vector_load %arg29[%get3A] {strides = array<i32>} : memref<16xf32, #tpu.memory_space<vmem>>, vector<16xf32>,
    %iota3A = tpu.iota {dimensions = array<i32: 0>} : vector<16xi32>
    %scan3A = arith.constant 0 : i32
    %scan3A_42 = arith.constant 0 : i32
    %scan3A_43 = arith.constant 32 : i32
    %scan3A_44 = arith.addi %scan3A_42, %scan3A_43 : i32
    %scan3A_45 = arith.constant 1 : i32
    scf.for %scan3A_47 = %scan3A_42 to %scan3A_44 step %scan3A_45  : i32 {
      %mul3A_48 = arith.constant 16 : i32
      %mul3A_49 = arith.muli %scan3A_47, %mul3A_48 : i32
      %get3A_50 = arith.index_cast %mul3A_49 : i32 to index
      %get3A_51 = tpu.vector_load %arg33[%get3A_50] {strides = array<i32>} : memref<512xi32, #tpu.memory_space<vmem>>, vector<16xi32>,
      %get3A_52 = arith.index_cast %mul3A_49 : i32 to index
      %get3A_53 = tpu.vector_load %arg24[%get3A_52] {strides = array<i32>} : memref<512xi32, #tpu.memory_space<vmem>>, vector<16xi32>,
      %and3A = arith.constant 127 : i32
      %and3A_54 = vector.broadcast %and3A : i32 to vector<16xi32>
      %and3A_55 = arith.andi %get3A_51, %and3A_54 : vector<16xi32>
      %sub3A = arith.subi %get3A_51, %and3A_55 : vector<16xi32>
      %and3A_56 = arith.constant 127 : i32
      %and3A_57 = vector.broadcast %and3A_56 : i32 to vector<16xi32>
      %and3A_58 = arith.andi %get3A_53, %and3A_57 : vector<16xi32>
      %sub3A_59 = arith.subi %get3A_53, %and3A_58 : vector<16xi32>
      %and3A_60 = arith.constant 127 : i32
      %and3A_61 = vector.broadcast %and3A_60 : i32 to vector<16xi32>
      %and3A_62 = arith.andi %get3A_51, %and3A_61 : vector<16xi32>
      %and3A_63 = arith.constant 127 : i32
      %and3A_64 = vector.broadcast %and3A_63 : i32 to vector<16xi32>
      %and3A_65 = arith.andi %get3A_53, %and3A_64 : vector<16xi32>
      %slice3A = vector.extract_strided_slice %sub3A {offsets = [0], sizes = [1], strides = [1]} : vector<16xi32> to vector<1xi32>
      %squeeze3A = vector.extract %slice3A[0] : i32 from vector<1xi32>
      %multiple_of3A = tpu.assume_multiple %squeeze3A, 128 : i32
      %dma_start3A_66 = arith.constant 0 : i32
      %dma_start3A_67 = arith.constant 0 : i32
      %dma_start3A_68 = arith.constant 0 : i32
      %dma_start3A_69 = tpu.memref_slice %arg18[%dma_start3A_66, %dma_start3A_67, %dma_start3A_68] : memref<32x16x128xf32, #tpu.memory_space<vmem>> -> memref<1x16x128xf32, #tpu.memory_space<vmem>>
      %dma_start3A_70 = tpu.memref_squeeze %dma_start3A_69 : memref<1x16x128xf32, #tpu.memory_space<vmem>> -> memref<16x128xf32, #tpu.memory_space<vmem>>
      %dma_start3A_71 = arith.constant 0 : i32
      %dma_start3A_72 = tpu.memref_slice %arg6[%dma_start3A_71, %multiple_of3A] : memref<16x1000000xf32, #tpu.memory_space<hbm>> -> memref<16x128xf32, #tpu.memory_space<hbm>>
      %dma_start3A_73 = arith.constant 0 : i32
      %dma_start3A_74 = arith.constant 0 : i32
      %dma_start3A_75 = tpu.memref_slice %arg18[%dma_start3A_66, %dma_start3A_73, %dma_start3A_74] : memref<32x16x128xf32, #tpu.memory_space<vmem>> -> memref<1x16x128xf32, #tpu.memory_space<vmem>>
      %dma_start3A_76 = tpu.memref_squeeze %dma_start3A_75 : memref<1x16x128xf32, #tpu.memory_space<vmem>> -> memref<16x128xf32, #tpu.memory_space<vmem>>
      %dma_start3A_77 = arith.constant 0 : i32
      %dma_start3A_78 = tpu.memref_slice %arg6[%dma_start3A_77, %multiple_of3A] : memref<16x1000000xf32, #tpu.memory_space<hbm>> -> memref<16x128xf32, #tpu.memory_space<hbm>>
      tpu.enqueue_dma source(%dma_start3A_78 : memref<16x128xf32, #tpu.memory_space<hbm>>) target(%dma_start3A_76 : memref<16x128xf32, #tpu.memory_space<vmem>>) target_semaphore(%arg23 : memref<!tpu.dma_semaphore, #tpu.memory_space<semaphore_mem>>)
      %dma_start3A_79 = arith.constant 1 : i32
      %dma_start3A_80 = arith.constant 0 : i32
      %dma_start3A_81 = arith.constant 0 : i32
      %dma_start3A_82 = tpu.memref_slice %arg18[%dma_start3A_79, %dma_start3A_80, %dma_start3A_81] : memref<32x16x128xf32, #tpu.memory_space<vmem>> -> memref<1x16x128xf32, #tpu.memory_space<vmem>>
      %dma_start3A_83 = tpu.memref_squeeze %dma_start3A_82 : memref<1x16x128xf32, #tpu.memory_space<vmem>> -> memref<16x128xf32, #tpu.memory_space<vmem>>
      %dma_start3A_84 = arith.constant 0 : i32
      %dma_start3A_85 = tpu.memref_slice %arg7[%dma_start3A_84, %multiple_of3A] : memref<16x1000000xf32, #tpu.memory_space<hbm>> -> memref<16x128xf32, #tpu.memory_space<hbm>>
      %dma_start3A_86 = arith.constant 0 : i32
      %dma_start3A_87 = arith.constant 0 : i32
      %dma_start3A_88 = tpu.memref_slice %arg18[%dma_start3A_79, %dma_start3A_86, %dma_start3A_87] : memref<32x16x128xf32, #tpu.memory_space<vmem>> -> memref<1x16x128xf32, #tpu.memory_space<vmem>>
      %dma_start3A_89 = tpu.memref_squeeze %dma_start3A_88 : memref<1x16x128xf32, #tpu.memory_space<vmem>> -> memref<16x128xf32, #tpu.memory_space<vmem>>
      %dma_start3A_90 = arith.constant 0 : i32
      %dma_start3A_91 = tpu.memref_slice %arg7[%dma_start3A_90, %multiple_of3A] : memref<16x1000000xf32, #tpu.memory_space<hbm>> -> memref<16x128xf32, #tpu.memory_space<hbm>>
      tpu.enqueue_dma source(%dma_start3A_91 : memref<16x128xf32, #tpu.memory_space<hbm>>) target(%dma_start3A_89 : memref<16x128xf32, #tpu.memory_space<vmem>>) target_semaphore(%arg23 : memref<!tpu.dma_semaphore, #tpu.memory_space<semaphore_mem>>)
      %slice3A_92 = vector.extract_strided_slice %sub3A {offsets = [1], sizes = [1], strides = [1]} : vector<16xi32> to vector<1xi32>
      %squeeze3A_93 = vector.extract %slice3A_92[0] : i32 from vector<1xi32>
      %multiple_of3A_94 = tpu.assume_multiple %squeeze3A_93, 128 : i32
      %dma_start3A_95 = arith.constant 2 : i32
      %dma_start3A_96 = arith.constant 0 : i32
      %dma_start3A_97 = arith.constant 0 : i32
      %dma_start3A_98 = tpu.memref_slice %arg18[%dma_start3A_95, %dma_start3A_96, %dma_start3A_97] : memref<32x16x128xf32, #tpu.memory_space<vmem>> -> memref<1x16x128xf32, #tpu.memory_space<vmem>>
      %dma_start3A_99 = tpu.memref_squeeze %dma_start3A_98 : memref<1x16x128xf32, #tpu.memory_space<vmem>> -> memref<16x128xf32, #tpu.memory_space<vmem>>
      %dma_start3A_100 = arith.constant 0 : i32
      %dma_start3A_101 = tpu.memref_slice %arg6[%dma_start3A_100, %multiple_of3A_94] : memref<16x1000000xf32, #tpu.memory_space<hbm>> -> memref<16x128xf32, #tpu.memory_space<hbm>>
      %dma_start3A_102 = arith.constant 0 : i32
      %dma_start3A_103 = arith.constant 0 : i32
      %dma_start3A_104 = tpu.memref_slice %arg18[%dma_start3A_95, %dma_start3A_102, %dma_start3A_103] : memref<32x16x128xf32, #tpu.memory_space<vmem>> -> memref<1x16x128xf32, #tpu.memory_space<vmem>>
      %dma_start3A_105 = tpu.memref_squeeze %dma_start3A_104 : memref<1x16x128xf32, #tpu.memory_space<vmem>> -> memref<16x128xf32, #tpu.memory_space<vmem>>
      %dma_start3A_106 = arith.constant 0 : i32
      %dma_start3A_107 = tpu.memref_slice %arg6[%dma_start3A_106, %multiple_of3A_94] : memref<16x1000000xf32, #tpu.memory_space<hbm>> -> memref<16x128xf32, #tpu.memory_space<hbm>>
      tpu.enqueue_dma source(%dma_start3A_107 : memref<16x128xf32, #tpu.memory_space<hbm>>) target(%dma_start3A_105 : memref<16x128xf32, #tpu.memory_space<vmem>>) target_semaphore(%arg23 : memref<!tpu.dma_semaphore, #tpu.memory_space<semaphore_mem>>)
      %dma_start3A_108 = arith.constant 3 : i32
      %dma_start3A_109 = arith.constant 0 : i32
      %dma_start3A_110 = arith.constant 0 : i32
      %dma_start3A_111 = tpu.memref_slice %arg18[%dma_start3A_108, %dma_start3A_109, %dma_start3A_110] : memref<32x16x128xf32, #tpu.memory_space<vmem>> -> memref<1x16x128xf32, #tpu.memory_space<vmem>>
      %dma_start3A_112 = tpu.memref_squeeze %dma_start3A_111 : memref<1x16x128xf32, #tpu.memory_space<vmem>> -> memref<16x128xf32, #tpu.memory_space<vmem>>
      %dma_start3A_113 = arith.constant 0 : i32
      %dma_start3A_114 = tpu.memref_slice %arg7[%dma_start3A_113, %multiple_of3A_94] : memref<16x1000000xf32, #tpu.memory_space<hbm>> -> memref<16x128xf32, #tpu.memory_space<hbm>>
      %dma_start3A_115 = arith.constant 0 : i32
      %dma_start3A_116 = arith.constant 0 : i32
      %dma_start3A_117 = tpu.memref_slice %arg18[%dma_start3A_108, %dma_start3A_115, %dma_start3A_116] : memref<32x16x128xf32, #tpu.memory_space<vmem>> -> memref<1x16x128xf32, #tpu.memory_space<vmem>>
      %dma_start3A_118 = tpu.memref_squeeze %dma_start3A_117 : memref<1x16x128xf32, #tpu.memory_space<vmem>> -> memref<16x128xf32, #tpu.memory_space<vmem>>
      %dma_start3A_119 = arith.constant 0 : i32
      %dma_start3A_120 = tpu.memref_slice %arg7[%dma_start3A_119, %multiple_of3A_94] : memref<16x1000000xf32, #tpu.memory_space<hbm>> -> memref<16x128xf32, #tpu.memory_space<hbm>>
      tpu.enqueue_dma source(%dma_start3A_120 : memref<16x128xf32, #tpu.memory_space<hbm>>) target(%dma_start3A_118 : memref<16x128xf32, #tpu.memory_space<vmem>>) target_semaphore(%arg23 : memref<!tpu.dma_semaphore, #tpu.memory_space<semaphore_mem>>)
      %slice3A_121 = vector.extract_strided_slice %sub3A {offsets = [2], sizes = [1], strides = [1]} : vector<16xi32> to vector<1xi32>
      %squeeze3A_122 = vector.extract %slice3A_121[0] : i32 from vector<1xi32>
      %multiple_of3A_123 = tpu.assume_multiple %squeeze3A_122, 128 : i32
      %dma_start3A_124 = arith.constant 4 : i32
      %dma_start3A_125 = arith.constant 0 : i32
      %dma_start3A_126 = arith.constant 0 : i32
      %dma_start3A_127 = tpu.memref_slice %arg18[%dma_start3A_124, %dma_start3A_125, %dma_start3A_126] : memref<32x16x128xf32, #tpu.memory_space<vmem>> -> memref<1x16x128xf32, #tpu.memory_space<vmem>>
      %dma_start3A_128 = tpu.memref_squeeze %dma_start3A_127 : memref<1x16x128xf32, #tpu.memory_space<vmem>> -> memref<16x128xf32, #tpu.memory_space<vmem>>
      %dma_start3A_129 = arith.constant 0 : i32
      %dma_start3A_130 = tpu.memref_slice %arg6[%dma_start3A_129, %multiple_of3A_123] : memref<16x1000000xf32, #tpu.memory_space<hbm>> -> memref<16x128xf32, #tpu.memory_space<hbm>>
      %dma_start3A_131 = arith.constant 0 : i32
      %dma_start3A_132 = arith.constant 0 : i32
      %dma_start3A_133 = tpu.memref_slice %arg18[%dma_start3A_124, %dma_start3A_131, %dma_start3A_132] : memref<32x16x128xf32, #tpu.memory_space<vmem>> -> memref<1x16x128xf32, #tpu.memory_space<vmem>>
      %dma_start3A_134 = tpu.memref_squeeze %dma_start3A_133 : memref<1x16x128xf32, #tpu.memory_space<vmem>> -> memref<16x128xf32, #tpu.memory_space<vmem>>
      %dma_start3A_135 = arith.constant 0 : i32
      %dma_start3A_136 = tpu.memref_slice %arg6[%dma_start3A_135, %multiple_of3A_123] : memref<16x1000000xf32, #tpu.memory_space<hbm>> -> memref<16x128xf32, #tpu.memory_space<hbm>>
      tpu.enqueue_dma source(%dma_start3A_136 : memref<16x128xf32, #tpu.memory_space<hbm>>) target(%dma_start3A_134 : memref<16x128xf32, #tpu.memory_space<vmem>>) target_semaphore(%arg23 : memref<!tpu.dma_semaphore, #tpu.memory_space<semaphore_mem>>)
      %dma_start3A_137 = arith.constant 5 : i32
      %dma_start3A_138 = arith.constant 0 : i32
      %dma_start3A_139 = arith.constant 0 : i32
      %dma_start3A_140 = tpu.memref_slice %arg18[%dma_start3A_137, %dma_start3A_138, %dma_start3A_139] : memref<32x16x128xf32, #tpu.memory_space<vmem>> -> memref<1x16x128xf32, #tpu.memory_space<vmem>>
      %dma_start3A_141 = tpu.memref_squeeze %dma_start3A_140 : memref<1x16x128xf32, #tpu.memory_space<vmem>> -> memref<16x128xf32, #tpu.memory_space<vmem>>
      %dma_start3A_142 = arith.constant 0 : i32
      %dma_start3A_143 = tpu.memref_slice %arg7[%dma_start3A_142, %multiple_of3A_123] : memref<16x1000000xf32, #tpu.memory_space<hbm>> -> memref<16x128xf32, #tpu.memory_space<hbm>>
      %dma_start3A_144 = arith.constant 0 : i32
      %dma_start3A_145 = arith.constant 0 : i32
      %dma_start3A_146 = tpu.memref_slice %arg18[%dma_start3A_137, %dma_start3A_144, %dma_start3A_145] : memref<32x16x128xf32, #tpu.memory_space<vmem>> -> memref<1x16x128xf32, #tpu.memory_space<vmem>>
      %dma_start3A_147 = tpu.memref_squeeze %dma_start3A_146 : memref<1x16x128xf32, #tpu.memory_space<vmem>> -> memref<16x128xf32, #tpu.memory_space<vmem>>
      %dma_start3A_148 = arith.constant 0 : i32
      %dma_start3A_149 = tpu.memref_slice %arg7[%dma_start3A_148, %multiple_of3A_123] : memref<16x1000000xf32, #tpu.memory_space<hbm>> -> memref<16x128xf32, #tpu.memory_space<hbm>>
      tpu.enqueue_dma source(%dma_start3A_149 : memref<16x128xf32, #tpu.memory_space<hbm>>) target(%dma_start3A_147 : memref<16x128xf32, #tpu.memory_space<vmem>>) target_semaphore(%arg23 : memref<!tpu.dma_semaphore, #tpu.memory_space<semaphore_mem>>)
      %slice3A_150 = vector.extract_strided_slice %sub3A {offsets = [3], sizes = [1], strides = [1]} : vector<16xi32> to vector<1xi32>
      %squeeze3A_151 = vector.extract %slice3A_150[0] : i32 from vector<1xi32>
      %multiple_of3A_152 = tpu.assume_multiple %squeeze3A_151, 128 : i32
      %dma_start3A_153 = arith.constant 6 : i32
      %dma_start3A_154 = arith.constant 0 : i32
      %dma_start3A_155 = arith.constant 0 : i32
      %dma_start3A_156 = tpu.memref_slice %arg18[%dma_start3A_153, %dma_start3A_154, %dma_start3A_155] : memref<32x16x128xf32, #tpu.memory_space<vmem>> -> memref<1x16x128xf32, #tpu.memory_space<vmem>>
      %dma_start3A_157 = tpu.memref_squeeze %dma_start3A_156 : memref<1x16x128xf32, #tpu.memory_space<vmem>> -> memref<16x128xf32, #tpu.memory_space<vmem>>
      %dma_start3A_158 = arith.constant 0 : i32
      %dma_start3A_159 = tpu.memref_slice %arg6[%dma_start3A_158, %multiple_of3A_152] : memref<16x1000000xf32, #tpu.memory_space<hbm>> -> memref<16x128xf32, #tpu.memory_space<hbm>>
      %dma_start3A_160 = arith.constant 0 : i32
      %dma_start3A_161 = arith.constant 0 : i32
      %dma_start3A_162 = tpu.memref_slice %arg18[%dma_start3A_153, %dma_start3A_160, %dma_start3A_161] : memref<32x16x128xf32, #tpu.memory_space<vmem>> -> memref<1x16x128xf32, #tpu.memory_space<vmem>>
      %dma_start3A_163 = tpu.memref_squeeze %dma_start3A_162 : memref<1x16x128xf32, #tpu.memory_space<vmem>> -> memref<16x128xf32, #tpu.memory_space<vmem>>
      %dma_start3A_164 = arith.constant 0 : i32
      %dma_start3A_165 = tpu.memref_slice %arg6[%dma_start3A_164, %multiple_of3A_152] : memref<16x1000000xf32, #tpu.memory_space<hbm>> -> memref<16x128xf32, #tpu.memory_space<hbm>>
      tpu.enqueue_dma source(%dma_start3A_165 : memref<16x128xf32, #tpu.memory_space<hbm>>) target(%dma_start3A_163 : memref<16x128xf32, #tpu.memory_space<vmem>>) target_semaphore(%arg23 : memref<!tpu.dma_semaphore, #tpu.memory_space<semaphore_mem>>)
      %dma_start3A_166 = arith.constant 7 : i32
      %dma_start3A_167 = arith.constant 0 : i32
      %dma_start3A_168 = arith.constant 0 : i32
      %dma_start3A_169 = tpu.memref_slice %arg18[%dma_start3A_166, %dma_start3A_167, %dma_start3A_168] : memref<32x16x128xf32, #tpu.memory_space<vmem>> -> memref<1x16x128xf32, #tpu.memory_space<vmem>>
      %dma_start3A_170 = tpu.memref_squeeze %dma_start3A_169 : memref<1x16x128xf32, #tpu.memory_space<vmem>> -> memref<16x128xf32, #tpu.memory_space<vmem>>
      %dma_start3A_171 = arith.constant 0 : i32
      %dma_start3A_172 = tpu.memref_slice %arg7[%dma_start3A_171, %multiple_of3A_152] : memref<16x1000000xf32, #tpu.memory_space<hbm>> -> memref<16x128xf32, #tpu.memory_space<hbm>>
      %dma_start3A_173 = arith.constant 0 : i32
      %dma_start3A_174 = arith.constant 0 : i32
      %dma_start3A_175 = tpu.memref_slice %arg18[%dma_start3A_166, %dma_start3A_173, %dma_start3A_174] : memref<32x16x128xf32, #tpu.memory_space<vmem>> -> memref<1x16x128xf32, #tpu.memory_space<vmem>>
      %dma_start3A_176 = tpu.memref_squeeze %dma_start3A_175 : memref<1x16x128xf32, #tpu.memory_space<vmem>> -> memref<16x128xf32, #tpu.memory_space<vmem>>
      %dma_start3A_177 = arith.constant 0 : i32
      %dma_start3A_178 = tpu.memref_slice %arg7[%dma_start3A_177, %multiple_of3A_152] : memref<16x1000000xf32, #tpu.memory_space<hbm>> -> memref<16x128xf32, #tpu.memory_space<hbm>>
      tpu.enqueue_dma source(%dma_start3A_178 : memref<16x128xf32, #tpu.memory_space<hbm>>) target(%dma_start3A_176 : memref<16x128xf32, #tpu.memory_space<vmem>>) target_semaphore(%arg23 : memref<!tpu.dma_semaphore, #tpu.memory_space<semaphore_mem>>)
      %slice3A_179 = vector.extract_strided_slice %sub3A {offsets = [4], sizes = [1], strides = [1]} : vector<16xi32> to vector<1xi32>
      %squeeze3A_180 = vector.extract %slice3A_179[0] : i32 from vector<1xi32>
      %multiple_of3A_181 = tpu.assume_multiple %squeeze3A_180, 128 : i32
      %dma_start3A_182 = arith.constant 8 : i32
      %dma_start3A_183 = arith.constant 0 : i32
      %dma_start3A_184 = arith.constant 0 : i32
      %dma_start3A_185 = tpu.memref_slice %arg18[%dma_start3A_182, %dma_start3A_183, %dma_start3A_184] : memref<32x16x128xf32, #tpu.memory_space<vmem>> -> memref<1x16x128xf32, #tpu.memory_space<vmem>>
      %dma_start3A_186 = tpu.memref_squeeze %dma_start3A_185 : memref<1x16x128xf32, #tpu.memory_space<vmem>> -> memref<16x128xf32, #tpu.memory_space<vmem>>
      %dma_start3A_187 = arith.constant 0 : i32
      %dma_start3A_188 = tpu.memref_slice %arg6[%dma_start3A_187, %multiple_of3A_181] : memref<16x1000000xf32, #tpu.memory_space<hbm>> -> memref<16x128xf32, #tpu.memory_space<hbm>>
      %dma_start3A_189 = arith.constant 0 : i32
      %dma_start3A_190 = arith.constant 0 : i32
      %dma_start3A_191 = tpu.memref_slice %arg18[%dma_start3A_182, %dma_start3A_189, %dma_start3A_190] : memref<32x16x128xf32, #tpu.memory_space<vmem>> -> memref<1x16x128xf32, #tpu.memory_space<vmem>>
      %dma_start3A_192 = tpu.memref_squeeze %dma_start3A_191 : memref<1x16x128xf32, #tpu.memory_space<vmem>> -> memref<16x128xf32, #tpu.memory_space<vmem>>
      %dma_start3A_193 = arith.constant 0 : i32
      %dma_start3A_194 = tpu.memref_slice %arg6[%dma_start3A_193, %multiple_of3A_181] : memref<16x1000000xf32, #tpu.memory_space<hbm>> -> memref<16x128xf32, #tpu.memory_space<hbm>>
      tpu.enqueue_dma source(%dma_start3A_194 : memref<16x128xf32, #tpu.memory_space<hbm>>) target(%dma_start3A_192 : memref<16x128xf32, #tpu.memory_space<vmem>>) target_semaphore(%arg23 : memref<!tpu.dma_semaphore, #tpu.memory_space<semaphore_mem>>)
      %dma_start3A_195 = arith.constant 9 : i32
      %dma_start3A_196 = arith.constant 0 : i32
      %dma_start3A_197 = arith.constant 0 : i32
      %dma_start3A_198 = tpu.memref_slice %arg18[%dma_start3A_195, %dma_start3A_196, %dma_start3A_197] : memref<32x16x128xf32, #tpu.memory_space<vmem>> -> memref<1x16x128xf32, #tpu.memory_space<vmem>>
      %dma_start3A_199 = tpu.memref_squeeze %dma_start3A_198 : memref<1x16x128xf32, #tpu.memory_space<vmem>> -> memref<16x128xf32, #tpu.memory_space<vmem>>
      %dma_start3A_200 = arith.constant 0 : i32
      %dma_start3A_201 = tpu.memref_slice %arg7[%dma_start3A_200, %multiple_of3A_181] : memref<16x1000000xf32, #tpu.memory_space<hbm>> -> memref<16x128xf32, #tpu.memory_space<hbm>>
      %dma_start3A_202 = arith.constant 0 : i32
      %dma_start3A_203 = arith.constant 0 : i32
      %dma_start3A_204 = tpu.memref_slice %arg18[%dma_start3A_195, %dma_start3A_202, %dma_start3A_203] : memref<32x16x128xf32, #tpu.memory_space<vmem>> -> memref<1x16x128xf32, #tpu.memory_space<vmem>>
      %dma_start3A_205 = tpu.memref_squeeze %dma_start3A_204 : memref<1x16x128xf32, #tpu.memory_space<vmem>> -> memref<16x128xf32, #tpu.memory_space<vmem>>
      %dma_start3A_206 = arith.constant 0 : i32
      %dma_start3A_207 = tpu.memref_slice %arg7[%dma_start3A_206, %multiple_of3A_181] : memref<16x1000000xf32, #tpu.memory_space<hbm>> -> memref<16x128xf32, #tpu.memory_space<hbm>>
      tpu.enqueue_dma source(%dma_start3A_207 : memref<16x128xf32, #tpu.memory_space<hbm>>) target(%dma_start3A_205 : memref<16x128xf32, #tpu.memory_space<vmem>>) target_semaphore(%arg23 : memref<!tpu.dma_semaphore, #tpu.memory_space<semaphore_mem>>)
      %slice3A_208 = vector.extract_strided_slice %sub3A {offsets = [5], sizes = [1], strides = [1]} : vector<16xi32> to vector<1xi32>
      %squeeze3A_209 = vector.extract %slice3A_208[0] : i32 from vector<1xi32>
      %multiple_of3A_210 = tpu.assume_multiple %squeeze3A_209, 128 : i32
      %dma_start3A_211 = arith.constant 10 : i32
      %dma_start3A_212 = arith.constant 0 : i32
      %dma_start3A_213 = arith.constant 0 : i32
      %dma_start3A_214 = tpu.memref_slice %arg18[%dma_start3A_211, %dma_start3A_212, %dma_start3A_213] : memref<32x16x128xf32, #tpu.memory_space<vmem>> -> memref<1x16x128xf32, #tpu.memory_space<vmem>>
      %dma_start3A_215 = tpu.memref_squeeze %dma_start3A_214 : memref<1x16x128xf32, #tpu.memory_space<vmem>> -> memref<16x128xf32, #tpu.memory_space<vmem>>
      %dma_start3A_216 = arith.constant 0 : i32
      %dma_start3A_217 = tpu.memref_slice %arg6[%dma_start3A_216, %multiple_of3A_210] : memref<16x1000000xf32, #tpu.memory_space<hbm>> -> memref<16x128xf32, #tpu.memory_space<hbm>>
      %dma_start3A_218 = arith.constant 0 : i32
      %dma_start3A_219 = arith.constant 0 : i32
      %dma_start3A_220 = tpu.memref_slice %arg18[%dma_start3A_211, %dma_start3A_218, %dma_start3A_219] : memref<32x16x128xf32, #tpu.memory_space<vmem>> -> memref<1x16x128xf32, #tpu.memory_space<vmem>>
      %dma_start3A_221 = tpu.memref_squeeze %dma_start3A_220 : memref<1x16x128xf32, #tpu.memory_space<vmem>> -> memref<16x128xf32, #tpu.memory_space<vmem>>
      %dma_start3A_222 = arith.constant 0 : i32
      %dma_start3A_223 = tpu.memref_slice %arg6[%dma_start3A_222, %multiple_of3A_210] : memref<16x1000000xf32, #tpu.memory_space<hbm>> -> memref<16x128xf32, #tpu.memory_space<hbm>>
      tpu.enqueue_dma source(%dma_start3A_223 : memref<16x128xf32, #tpu.memory_space<hbm>>) target(%dma_start3A_221 : memref<16x128xf32, #tpu.memory_space<vmem>>) target_semaphore(%arg23 : memref<!tpu.dma_semaphore, #tpu.memory_space<semaphore_mem>>)
      %dma_start3A_224 = arith.constant 11 : i32
      %dma_start3A_225 = arith.constant 0 : i32
      %dma_start3A_226 = arith.constant 0 : i32
      %dma_start3A_227 = tpu.memref_slice %arg18[%dma_start3A_224, %dma_start3A_225, %dma_start3A_226] : memref<32x16x128xf32, #tpu.memory_space<vmem>> -> memref<1x16x128xf32, #tpu.memory_space<vmem>>
      %dma_start3A_228 = tpu.memref_squeeze %dma_start3A_227 : memref<1x16x128xf32, #tpu.memory_space<vmem>> -> memref<16x128xf32, #tpu.memory_space<vmem>>
      %dma_start3A_229 = arith.constant 0 : i32
      %dma_start3A_230 = tpu.memref_slice %arg7[%dma_start3A_229, %multiple_of3A_210] : memref<16x1000000xf32, #tpu.memory_space<hbm>> -> memref<16x128xf32, #tpu.memory_space<hbm>>
      %dma_start3A_231 = arith.constant 0 : i32
      %dma_start3A_232 = arith.constant 0 : i32
      %dma_start3A_233 = tpu.memref_slice %arg18[%dma_start3A_224, %dma_start3A_231, %dma_start3A_232] : memref<32x16x128xf32, #tpu.memory_space<vmem>> -> memref<1x16x128xf32, #tpu.memory_space<vmem>>
      %dma_start3A_234 = tpu.memref_squeeze %dma_start3A_233 : memref<1x16x128xf32, #tpu.memory_space<vmem>> -> memref<16x128xf32, #tpu.memory_space<vmem>>
      %dma_start3A_235 = arith.constant 0 : i32
      %dma_start3A_236 = tpu.memref_slice %arg7[%dma_start3A_235, %multiple_of3A_210] : memref<16x1000000xf32, #tpu.memory_space<hbm>> -> memref<16x128xf32, #tpu.memory_space<hbm>>
      tpu.enqueue_dma source(%dma_start3A_236 : memref<16x128xf32, #tpu.memory_space<hbm>>) target(%dma_start3A_234 : memref<16x128xf32, #tpu.memory_space<vmem>>) target_semaphore(%arg23 : memref<!tpu.dma_semaphore, #tpu.memory_space<semaphore_mem>>)
      %slice3A_237 = vector.extract_strided_slice %sub3A {offsets = [6], sizes = [1], strides = [1]} : vector<16xi32> to vector<1xi32>
      %squeeze3A_238 = vector.extract %slice3A_237[0] : i32 from vector<1xi32>
      %multiple_of3A_239 = tpu.assume_multiple %squeeze3A_238, 128 : i32
      %dma_start3A_240 = arith.constant 12 : i32
      %dma_start3A_241 = arith.constant 0 : i32
      %dma_start3A_242 = arith.constant 0 : i32
      %dma_start3A_243 = tpu.memref_slice %arg18[%dma_start3A_240, %dma_start3A_241, %dma_start3A_242] : memref<32x16x128xf32, #tpu.memory_space<vmem>> -> memref<1x16x128xf32, #tpu.memory_space<vmem>>
      %dma_start3A_244 = tpu.memref_squeeze %dma_start3A_243 : memref<1x16x128xf32, #tpu.memory_space<vmem>> -> memref<16x128xf32, #tpu.memory_space<vmem>>
      %dma_start3A_245 = arith.constant 0 : i32
      %dma_start3A_246 = tpu.memref_slice %arg6[%dma_start3A_245, %multiple_of3A_239] : memref<16x1000000xf32, #tpu.memory_space<hbm>> -> memref<16x128xf32, #tpu.memory_space<hbm>>
      %dma_start3A_247 = arith.constant 0 : i32
      %dma_start3A_248 = arith.constant 0 : i32
      %dma_start3A_249 = tpu.memref_slice %arg18[%dma_start3A_240, %dma_start3A_247, %dma_start3A_248] : memref<32x16x128xf32, #tpu.memory_space<vmem>> -> memref<1x16x128xf32, #tpu.memory_space<vmem>>
      %dma_start3A_250 = tpu.memref_squeeze %dma_start3A_249 : memref<1x16x128xf32, #tpu.memory_space<vmem>> -> memref<16x128xf32, #tpu.memory_space<vmem>>
      %dma_start3A_251 = arith.constant 0 : i32
      %dma_start3A_252 = tpu.memref_slice %arg6[%dma_start3A_251, %multiple_of3A_239] : memref<16x1000000xf32, #tpu.memory_space<hbm>> -> memref<16x128xf32, #tpu.memory_space<hbm>>
      tpu.enqueue_dma source(%dma_start3A_252 : memref<16x128xf32, #tpu.memory_space<hbm>>) target(%dma_start3A_250 : memref<16x128xf32, #tpu.memory_space<vmem>>) target_semaphore(%arg23 : memref<!tpu.dma_semaphore, #tpu.memory_space<semaphore_mem>>)
      %dma_start3A_253 = arith.constant 13 : i32
      %dma_start3A_254 = arith.constant 0 : i32
      %dma_start3A_255 = arith.constant 0 : i32
      %dma_start3A_256 = tpu.memref_slice %arg18[%dma_start3A_253, %dma_start3A_254, %dma_start3A_255] : memref<32x16x128xf32, #tpu.memory_space<vmem>> -> memref<1x16x128xf32, #tpu.memory_space<vmem>>
      %dma_start3A_257 = tpu.memref_squeeze %dma_start3A_256 : memref<1x16x128xf32, #tpu.memory_space<vmem>> -> memref<16x128xf32, #tpu.memory_space<vmem>>
      %dma_start3A_258 = arith.constant 0 : i32
      %dma_start3A_259 = tpu.memref_slice %arg7[%dma_start3A_258, %multiple_of3A_239] : memref<16x1000000xf32, #tpu.memory_space<hbm>> -> memref<16x128xf32, #tpu.memory_space<hbm>>
      %dma_start3A_260 = arith.constant 0 : i32
      %dma_start3A_261 = arith.constant 0 : i32
      %dma_start3A_262 = tpu.memref_slice %arg18[%dma_start3A_253, %dma_start3A_260, %dma_start3A_261] : memref<32x16x128xf32, #tpu.memory_space<vmem>> -> memref<1x16x128xf32, #tpu.memory_space<vmem>>
      %dma_start3A_263 = tpu.memref_squeeze %dma_start3A_262 : memref<1x16x128xf32, #tpu.memory_space<vmem>> -> memref<16x128xf32, #tpu.memory_space<vmem>>
      %dma_start3A_264 = arith.constant 0 : i32
      %dma_start3A_265 = tpu.memref_slice %arg7[%dma_start3A_264, %multiple_of3A_239] : memref<16x1000000xf32, #tpu.memory_space<hbm>> -> memref<16x128xf32, #tpu.memory_space<hbm>>
      tpu.enqueue_dma source(%dma_start3A_265 : memref<16x128xf32, #tpu.memory_space<hbm>>) target(%dma_start3A_263 : memref<16x128xf32, #tpu.memory_space<vmem>>) target_semaphore(%arg23 : memref<!tpu.dma_semaphore, #tpu.memory_space<semaphore_mem>>)
      %slice3A_266 = vector.extract_strided_slice %sub3A {offsets = [7], sizes = [1], strides = [1]} : vector<16xi32> to vector<1xi32>
      %squeeze3A_267 = vector.extract %slice3A_266[0] : i32 from vector<1xi32>
      %multiple_of3A_268 = tpu.assume_multiple %squeeze3A_267, 128 : i32
      %dma_start3A_269 = arith.constant 14 : i32
      %dma_start3A_270 = arith.constant 0 : i32
      %dma_start3A_271 = arith.constant 0 : i32
      %dma_start3A_272 = tpu.memref_slice %arg18[%dma_start3A_269, %dma_start3A_270, %dma_start3A_271] : memref<32x16x128xf32, #tpu.memory_space<vmem>> -> memref<1x16x128xf32, #tpu.memory_space<vmem>>
      %dma_start3A_273 = tpu.memref_squeeze %dma_start3A_272 : memref<1x16x128xf32, #tpu.memory_space<vmem>> -> memref<16x128xf32, #tpu.memory_space<vmem>>
      %dma_start3A_274 = arith.constant 0 : i32
      %dma_start3A_275 = tpu.memref_slice %arg6[%dma_start3A_274, %multiple_of3A_268] : memref<16x1000000xf32, #tpu.memory_space<hbm>> -> memref<16x128xf32, #tpu.memory_space<hbm>>
      %dma_start3A_276 = arith.constant 0 : i32
      %dma_start3A_277 = arith.constant 0 : i32
      %dma_start3A_278 = tpu.memref_slice %arg18[%dma_start3A_269, %dma_start3A_276, %dma_start3A_277] : memref<32x16x128xf32, #tpu.memory_space<vmem>> -> memref<1x16x128xf32, #tpu.memory_space<vmem>>
      %dma_start3A_279 = tpu.memref_squeeze %dma_start3A_278 : memref<1x16x128xf32, #tpu.memory_space<vmem>> -> memref<16x128xf32, #tpu.memory_space<vmem>>
      %dma_start3A_280 = arith.constant 0 : i32
      %dma_start3A_281 = tpu.memref_slice %arg6[%dma_start3A_280, %multiple_of3A_268] : memref<16x1000000xf32, #tpu.memory_space<hbm>> -> memref<16x128xf32, #tpu.memory_space<hbm>>
      tpu.enqueue_dma source(%dma_start3A_281 : memref<16x128xf32, #tpu.memory_space<hbm>>) target(%dma_start3A_279 : memref<16x128xf32, #tpu.memory_space<vmem>>) target_semaphore(%arg23 : memref<!tpu.dma_semaphore, #tpu.memory_space<semaphore_mem>>)
      %dma_start3A_282 = arith.constant 15 : i32
      %dma_start3A_283 = arith.constant 0 : i32
      %dma_start3A_284 = arith.constant 0 : i32
      %dma_start3A_285 = tpu.memref_slice %arg18[%dma_start3A_282, %dma_start3A_283, %dma_start3A_284] : memref<32x16x128xf32, #tpu.memory_space<vmem>> -> memref<1x16x128xf32, #tpu.memory_space<vmem>>
      %dma_start3A_286 = tpu.memref_squeeze %dma_start3A_285 : memref<1x16x128xf32, #tpu.memory_space<vmem>> -> memref<16x128xf32, #tpu.memory_space<vmem>>
      %dma_start3A_287 = arith.constant 0 : i32
      %dma_start3A_288 = tpu.memref_slice %arg7[%dma_start3A_287, %multiple_of3A_268] : memref<16x1000000xf32, #tpu.memory_space<hbm>> -> memref<16x128xf32, #tpu.memory_space<hbm>>
      %dma_start3A_289 = arith.constant 0 : i32
      %dma_start3A_290 = arith.constant 0 : i32
      %dma_start3A_291 = tpu.memref_slice %arg18[%dma_start3A_282, %dma_start3A_289, %dma_start3A_290] : memref<32x16x128xf32, #tpu.memory_space<vmem>> -> memref<1x16x128xf32, #tpu.memory_space<vmem>>
      %dma_start3A_292 = tpu.memref_squeeze %dma_start3A_291 : memref<1x16x128xf32, #tpu.memory_space<vmem>> -> memref<16x128xf32, #tpu.memory_space<vmem>>
      %dma_start3A_293 = arith.constant 0 : i32
      %dma_start3A_294 = tpu.memref_slice %arg7[%dma_start3A_293, %multiple_of3A_268] : memref<16x1000000xf32, #tpu.memory_space<hbm>> -> memref<16x128xf32, #tpu.memory_space<hbm>>
      tpu.enqueue_dma source(%dma_start3A_294 : memref<16x128xf32, #tpu.memory_space<hbm>>) target(%dma_start3A_292 : memref<16x128xf32, #tpu.memory_space<vmem>>) target_semaphore(%arg23 : memref<!tpu.dma_semaphore, #tpu.memory_space<semaphore_mem>>)
      %slice3A_295 = vector.extract_strided_slice %sub3A {offsets = [8], sizes = [1], strides = [1]} : vector<16xi32> to vector<1xi32>
      %squeeze3A_296 = vector.extract %slice3A_295[0] : i32 from vector<1xi32>
      %multiple_of3A_297 = tpu.assume_multiple %squeeze3A_296, 128 : i32
      %dma_start3A_298 = arith.constant 16 : i32
      %dma_start3A_299 = arith.constant 0 : i32
      %dma_start3A_300 = arith.constant 0 : i32
      %dma_start3A_301 = tpu.memref_slice %arg18[%dma_start3A_298, %dma_start3A_299, %dma_start3A_300] : memref<32x16x128xf32, #tpu.memory_space<vmem>> -> memref<1x16x128xf32, #tpu.memory_space<vmem>>
      %dma_start3A_302 = tpu.memref_squeeze %dma_start3A_301 : memref<1x16x128xf32, #tpu.memory_space<vmem>> -> memref<16x128xf32, #tpu.memory_space<vmem>>
      %dma_start3A_303 = arith.constant 0 : i32
      %dma_start3A_304 = tpu.memref_slice %arg6[%dma_start3A_303, %multiple_of3A_297] : memref<16x1000000xf32, #tpu.memory_space<hbm>> -> memref<16x128xf32, #tpu.memory_space<hbm>>
      %dma_start3A_305 = arith.constant 0 : i32
      %dma_start3A_306 = arith.constant 0 : i32
      %dma_start3A_307 = tpu.memref_slice %arg18[%dma_start3A_298, %dma_start3A_305, %dma_start3A_306] : memref<32x16x128xf32, #tpu.memory_space<vmem>> -> memref<1x16x128xf32, #tpu.memory_space<vmem>>
      %dma_start3A_308 = tpu.memref_squeeze %dma_start3A_307 : memref<1x16x128xf32, #tpu.memory_space<vmem>> -> memref<16x128xf32, #tpu.memory_space<vmem>>
      %dma_start3A_309 = arith.constant 0 : i32
      %dma_start3A_310 = tpu.memref_slice %arg6[%dma_start3A_309, %multiple_of3A_297] : memref<16x1000000xf32, #tpu.memory_space<hbm>> -> memref<16x128xf32, #tpu.memory_space<hbm>>
      tpu.enqueue_dma source(%dma_start3A_310 : memref<16x128xf32, #tpu.memory_space<hbm>>) target(%dma_start3A_308 : memref<16x128xf32, #tpu.memory_space<vmem>>) target_semaphore(%arg23 : memref<!tpu.dma_semaphore, #tpu.memory_space<semaphore_mem>>)
      %dma_start3A_311 = arith.constant 17 : i32
      %dma_start3A_312 = arith.constant 0 : i32
      %dma_start3A_313 = arith.constant 0 : i32
      %dma_start3A_314 = tpu.memref_slice %arg18[%dma_start3A_311, %dma_start3A_312, %dma_start3A_313] : memref<32x16x128xf32, #tpu.memory_space<vmem>> -> memref<1x16x128xf32, #tpu.memory_space<vmem>>
      %dma_start3A_315 = tpu.memref_squeeze %dma_start3A_314 : memref<1x16x128xf32, #tpu.memory_space<vmem>> -> memref<16x128xf32, #tpu.memory_space<vmem>>
      %dma_start3A_316 = arith.constant 0 : i32
      %dma_start3A_317 = tpu.memref_slice %arg7[%dma_start3A_316, %multiple_of3A_297] : memref<16x1000000xf32, #tpu.memory_space<hbm>> -> memref<16x128xf32, #tpu.memory_space<hbm>>
      %dma_start3A_318 = arith.constant 0 : i32
      %dma_start3A_319 = arith.constant 0 : i32
      %dma_start3A_320 = tpu.memref_slice %arg18[%dma_start3A_311, %dma_start3A_318, %dma_start3A_319] : memref<32x16x128xf32, #tpu.memory_space<vmem>> -> memref<1x16x128xf32, #tpu.memory_space<vmem>>
      %dma_start3A_321 = tpu.memref_squeeze %dma_start3A_320 : memref<1x16x128xf32, #tpu.memory_space<vmem>> -> memref<16x128xf32, #tpu.memory_space<vmem>>
      %dma_start3A_322 = arith.constant 0 : i32
      %dma_start3A_323 = tpu.memref_slice %arg7[%dma_start3A_322, %multiple_of3A_297] : memref<16x1000000xf32, #tpu.memory_space<hbm>> -> memref<16x128xf32, #tpu.memory_space<hbm>>
      tpu.enqueue_dma source(%dma_start3A_323 : memref<16x128xf32, #tpu.memory_space<hbm>>) target(%dma_start3A_321 : memref<16x128xf32, #tpu.memory_space<vmem>>) target_semaphore(%arg23 : memref<!tpu.dma_semaphore, #tpu.memory_space<semaphore_mem>>)
      %slice3A_324 = vector.extract_strided_slice %sub3A {offsets = [9], sizes = [1], strides = [1]} : vector<16xi32> to vector<1xi32>
      %squeeze3A_325 = vector.extract %slice3A_324[0] : i32 from vector<1xi32>
      %multiple_of3A_326 = tpu.assume_multiple %squeeze3A_325, 128 : i32
      %dma_start3A_327 = arith.constant 18 : i32
      %dma_start3A_328 = arith.constant 0 : i32
      %dma_start3A_329 = arith.constant 0 : i32
      %dma_start3A_330 = tpu.memref_slice %arg18[%dma_start3A_327, %dma_start3A_328, %dma_start3A_329] : memref<32x16x128xf32, #tpu.memory_space<vmem>> -> memref<1x16x128xf32, #tpu.memory_space<vmem>>
      %dma_start3A_331 = tpu.memref_squeeze %dma_start3A_330 : memref<1x16x128xf32, #tpu.memory_space<vmem>> -> memref<16x128xf32, #tpu.memory_space<vmem>>
      %dma_start3A_332 = arith.constant 0 : i32
      %dma_start3A_333 = tpu.memref_slice %arg6[%dma_start3A_332, %multiple_of3A_326] : memref<16x1000000xf32, #tpu.memory_space<hbm>> -> memref<16x128xf32, #tpu.memory_space<hbm>>
      %dma_start3A_334 = arith.constant 0 : i32
      %dma_start3A_335 = arith.constant 0 : i32
      %dma_start3A_336 = tpu.memref_slice %arg18[%dma_start3A_327, %dma_start3A_334, %dma_start3A_335] : memref<32x16x128xf32, #tpu.memory_space<vmem>> -> memref<1x16x128xf32, #tpu.memory_space<vmem>>
      %dma_start3A_337 = tpu.memref_squeeze %dma_start3A_336 : memref<1x16x128xf32, #tpu.memory_space<vmem>> -> memref<16x128xf32, #tpu.memory_space<vmem>>
      %dma_start3A_338 = arith.constant 0 : i32
      %dma_start3A_339 = tpu.memref_slice %arg6[%dma_start3A_338, %multiple_of3A_326] : memref<16x1000000xf32, #tpu.memory_space<hbm>> -> memref<16x128xf32, #tpu.memory_space<hbm>>
      tpu.enqueue_dma source(%dma_start3A_339 : memref<16x128xf32, #tpu.memory_space<hbm>>) target(%dma_start3A_337 : memref<16x128xf32, #tpu.memory_space<vmem>>) target_semaphore(%arg23 : memref<!tpu.dma_semaphore, #tpu.memory_space<semaphore_mem>>)
      %dma_start3A_340 = arith.constant 19 : i32
      %dma_start3A_341 = arith.constant 0 : i32
      %dma_start3A_342 = arith.constant 0 : i32
      %dma_start3A_343 = tpu.memref_slice %arg18[%dma_start3A_340, %dma_start3A_341, %dma_start3A_342] : memref<32x16x128xf32, #tpu.memory_space<vmem>> -> memref<1x16x128xf32, #tpu.memory_space<vmem>>
      %dma_start3A_344 = tpu.memref_squeeze %dma_start3A_343 : memref<1x16x128xf32, #tpu.memory_space<vmem>> -> memref<16x128xf32, #tpu.memory_space<vmem>>
      %dma_start3A_345 = arith.constant 0 : i32
      %dma_start3A_346 = tpu.memref_slice %arg7[%dma_start3A_345, %multiple_of3A_326] : memref<16x1000000xf32, #tpu.memory_space<hbm>> -> memref<16x128xf32, #tpu.memory_space<hbm>>
      %dma_start3A_347 = arith.constant 0 : i32
      %dma_start3A_348 = arith.constant 0 : i32
      %dma_start3A_349 = tpu.memref_slice %arg18[%dma_start3A_340, %dma_start3A_347, %dma_start3A_348] : memref<32x16x128xf32, #tpu.memory_space<vmem>> -> memref<1x16x128xf32, #tpu.memory_space<vmem>>
      %dma_start3A_350 = tpu.memref_squeeze %dma_start3A_349 : memref<1x16x128xf32, #tpu.memory_space<vmem>> -> memref<16x128xf32, #tpu.memory_space<vmem>>
      %dma_start3A_351 = arith.constant 0 : i32
      %dma_start3A_352 = tpu.memref_slice %arg7[%dma_start3A_351, %multiple_of3A_326] : memref<16x1000000xf32, #tpu.memory_space<hbm>> -> memref<16x128xf32, #tpu.memory_space<hbm>>
      tpu.enqueue_dma source(%dma_start3A_352 : memref<16x128xf32, #tpu.memory_space<hbm>>) target(%dma_start3A_350 : memref<16x128xf32, #tpu.memory_space<vmem>>) target_semaphore(%arg23 : memref<!tpu.dma_semaphore, #tpu.memory_space<semaphore_mem>>)
      %slice3A_353 = vector.extract_strided_slice %sub3A {offsets = [10], sizes = [1], strides = [1]} : vector<16xi32> to vector<1xi32>
      %squeeze3A_354 = vector.extract %slice3A_353[0] : i32 from vector<1xi32>
      %multiple_of3A_355 = tpu.assume_multiple %squeeze3A_354, 128 : i32
      %dma_start3A_356 = arith.constant 20 : i32
      %dma_start3A_357 = arith.constant 0 : i32
      %dma_start3A_358 = arith.constant 0 : i32
      %dma_start3A_359 = tpu.memref_slice %arg18[%dma_start3A_356, %dma_start3A_357, %dma_start3A_358] : memref<32x16x128xf32, #tpu.memory_space<vmem>> -> memref<1x16x128xf32, #tpu.memory_space<vmem>>
      %dma_start3A_360 = tpu.memref_squeeze %dma_start3A_359 : memref<1x16x128xf32, #tpu.memory_space<vmem>> -> memref<16x128xf32, #tpu.memory_space<vmem>>
      %dma_start3A_361 = arith.constant 0 : i32
      %dma_start3A_362 = tpu.memref_slice %arg6[%dma_start3A_361, %multiple_of3A_355] : memref<16x1000000xf32, #tpu.memory_space<hbm>> -> memref<16x128xf32, #tpu.memory_space<hbm>>
      %dma_start3A_363 = arith.constant 0 : i32
      %dma_start3A_364 = arith.constant 0 : i32
      %dma_start3A_365 = tpu.memref_slice %arg18[%dma_start3A_356, %dma_start3A_363, %dma_start3A_364] : memref<32x16x128xf32, #tpu.memory_space<vmem>> -> memref<1x16x128xf32, #tpu.memory_space<vmem>>
      %dma_start3A_366 = tpu.memref_squeeze %dma_start3A_365 : memref<1x16x128xf32, #tpu.memory_space<vmem>> -> memref<16x128xf32, #tpu.memory_space<vmem>>
      %dma_start3A_367 = arith.constant 0 : i32
      %dma_start3A_368 = tpu.memref_slice %arg6[%dma_start3A_367, %multiple_of3A_355] : memref<16x1000000xf32, #tpu.memory_space<hbm>> -> memref<16x128xf32, #tpu.memory_space<hbm>>
      tpu.enqueue_dma source(%dma_start3A_368 : memref<16x128xf32, #tpu.memory_space<hbm>>) target(%dma_start3A_366 : memref<16x128xf32, #tpu.memory_space<vmem>>) target_semaphore(%arg23 : memref<!tpu.dma_semaphore, #tpu.memory_space<semaphore_mem>>)
      %dma_start3A_369 = arith.constant 21 : i32
      %dma_start3A_370 = arith.constant 0 : i32
      %dma_start3A_371 = arith.constant 0 : i32
      %dma_start3A_372 = tpu.memref_slice %arg18[%dma_start3A_369, %dma_start3A_370, %dma_start3A_371] : memref<32x16x128xf32, #tpu.memory_space<vmem>> -> memref<1x16x128xf32, #tpu.memory_space<vmem>>
      %dma_start3A_373 = tpu.memref_squeeze %dma_start3A_372 : memref<1x16x128xf32, #tpu.memory_space<vmem>> -> memref<16x128xf32, #tpu.memory_space<vmem>>
      %dma_start3A_374 = arith.constant 0 : i32
      %dma_start3A_375 = tpu.memref_slice %arg7[%dma_start3A_374, %multiple_of3A_355] : memref<16x1000000xf32, #tpu.memory_space<hbm>> -> memref<16x128xf32, #tpu.memory_space<hbm>>
      %dma_start3A_376 = arith.constant 0 : i32
      %dma_start3A_377 = arith.constant 0 : i32
      %dma_start3A_378 = tpu.memref_slice %arg18[%dma_start3A_369, %dma_start3A_376, %dma_start3A_377] : memref<32x16x128xf32, #tpu.memory_space<vmem>> -> memref<1x16x128xf32, #tpu.memory_space<vmem>>
      %dma_start3A_379 = tpu.memref_squeeze %dma_start3A_378 : memref<1x16x128xf32, #tpu.memory_space<vmem>> -> memref<16x128xf32, #tpu.memory_space<vmem>>
      %dma_start3A_380 = arith.constant 0 : i32
      %dma_start3A_381 = tpu.memref_slice %arg7[%dma_start3A_380, %multiple_of3A_355] : memref<16x1000000xf32, #tpu.memory_space<hbm>> -> memref<16x128xf32, #tpu.memory_space<hbm>>
      tpu.enqueue_dma source(%dma_start3A_381 : memref<16x128xf32, #tpu.memory_space<hbm>>) target(%dma_start3A_379 : memref<16x128xf32, #tpu.memory_space<vmem>>) target_semaphore(%arg23 : memref<!tpu.dma_semaphore, #tpu.memory_space<semaphore_mem>>)
      %slice3A_382 = vector.extract_strided_slice %sub3A {offsets = [11], sizes = [1], strides = [1]} : vector<16xi32> to vector<1xi32>
      %squeeze3A_383 = vector.extract %slice3A_382[0] : i32 from vector<1xi32>
      %multiple_of3A_384 = tpu.assume_multiple %squeeze3A_383, 128 : i32
      %dma_start3A_385 = arith.constant 22 : i32
      %dma_start3A_386 = arith.constant 0 : i32
      %dma_start3A_387 = arith.constant 0 : i32
      %dma_start3A_388 = tpu.memref_slice %arg18[%dma_start3A_385, %dma_start3A_386, %dma_start3A_387] : memref<32x16x128xf32, #tpu.memory_space<vmem>> -> memref<1x16x128xf32, #tpu.memory_space<vmem>>
      %dma_start3A_389 = tpu.memref_squeeze %dma_start3A_388 : memref<1x16x128xf32, #tpu.memory_space<vmem>> -> memref<16x128xf32, #tpu.memory_space<vmem>>
      %dma_start3A_390 = arith.constant 0 : i32
      %dma_start3A_391 = tpu.memref_slice %arg6[%dma_start3A_390, %multiple_of3A_384] : memref<16x1000000xf32, #tpu.memory_space<hbm>> -> memref<16x128xf32, #tpu.memory_space<hbm>>
      %dma_start3A_392 = arith.constant 0 : i32
      %dma_start3A_393 = arith.constant 0 : i32
      %dma_start3A_394 = tpu.memref_slice %arg18[%dma_start3A_385, %dma_start3A_392, %dma_start3A_393] : memref<32x16x128xf32, #tpu.memory_space<vmem>> -> memref<1x16x128xf32, #tpu.memory_space<vmem>>
      %dma_start3A_395 = tpu.memref_squeeze %dma_start3A_394 : memref<1x16x128xf32, #tpu.memory_space<vmem>> -> memref<16x128xf32, #tpu.memory_space<vmem>>
      %dma_start3A_396 = arith.constant 0 : i32
      %dma_start3A_397 = tpu.memref_slice %arg6[%dma_start3A_396, %multiple_of3A_384] : memref<16x1000000xf32, #tpu.memory_space<hbm>> -> memref<16x128xf32, #tpu.memory_space<hbm>>
      tpu.enqueue_dma source(%dma_start3A_397 : memref<16x128xf32, #tpu.memory_space<hbm>>) target(%dma_start3A_395 : memref<16x128xf32, #tpu.memory_space<vmem>>) target_semaphore(%arg23 : memref<!tpu.dma_semaphore, #tpu.memory_space<semaphore_mem>>)
      %dma_start3A_398 = arith.constant 23 : i32
      %dma_start3A_399 = arith.constant 0 : i32
      %dma_start3A_400 = arith.constant 0 : i32
      %dma_start3A_401 = tpu.memref_slice %arg18[%dma_start3A_398, %dma_start3A_399, %dma_start3A_400] : memref<32x16x128xf32, #tpu.memory_space<vmem>> -> memref<1x16x128xf32, #tpu.memory_space<vmem>>
      %dma_start3A_402 = tpu.memref_squeeze %dma_start3A_401 : memref<1x16x128xf32, #tpu.memory_space<vmem>> -> memref<16x128xf32, #tpu.memory_space<vmem>>
      %dma_start3A_403 = arith.constant 0 : i32
      %dma_start3A_404 = tpu.memref_slice %arg7[%dma_start3A_403, %multiple_of3A_384] : memref<16x1000000xf32, #tpu.memory_space<hbm>> -> memref<16x128xf32, #tpu.memory_space<hbm>>
      %dma_start3A_405 = arith.constant 0 : i32
      %dma_start3A_406 = arith.constant 0 : i32
      %dma_start3A_407 = tpu.memref_slice %arg18[%dma_start3A_398, %dma_start3A_405, %dma_start3A_406] : memref<32x16x128xf32, #tpu.memory_space<vmem>> -> memref<1x16x128xf32, #tpu.memory_space<vmem>>
      %dma_start3A_408 = tpu.memref_squeeze %dma_start3A_407 : memref<1x16x128xf32, #tpu.memory_space<vmem>> -> memref<16x128xf32, #tpu.memory_space<vmem>>
      %dma_start3A_409 = arith.constant 0 : i32
      %dma_start3A_410 = tpu.memref_slice %arg7[%dma_start3A_409, %multiple_of3A_384] : memref<16x1000000xf32, #tpu.memory_space<hbm>> -> memref<16x128xf32, #tpu.memory_space<hbm>>
      tpu.enqueue_dma source(%dma_start3A_410 : memref<16x128xf32, #tpu.memory_space<hbm>>) target(%dma_start3A_408 : memref<16x128xf32, #tpu.memory_space<vmem>>) target_semaphore(%arg23 : memref<!tpu.dma_semaphore, #tpu.memory_space<semaphore_mem>>)
      %slice3A_411 = vector.extract_strided_slice %sub3A {offsets = [12], sizes = [1], strides = [1]} : vector<16xi32> to vector<1xi32>
      %squeeze3A_412 = vector.extract %slice3A_411[0] : i32 from vector<1xi32>
      %multiple_of3A_413 = tpu.assume_multiple %squeeze3A_412, 128 : i32
      %dma_start3A_414 = arith.constant 24 : i32
      %dma_start3A_415 = arith.constant 0 : i32
      %dma_start3A_416 = arith.constant 0 : i32
      %dma_start3A_417 = tpu.memref_slice %arg18[%dma_start3A_414, %dma_start3A_415, %dma_start3A_416] : memref<32x16x128xf32, #tpu.memory_space<vmem>> -> memref<1x16x128xf32, #tpu.memory_space<vmem>>
      %dma_start3A_418 = tpu.memref_squeeze %dma_start3A_417 : memref<1x16x128xf32, #tpu.memory_space<vmem>> -> memref<16x128xf32, #tpu.memory_space<vmem>>
      %dma_start3A_419 = arith.constant 0 : i32
      %dma_start3A_420 = tpu.memref_slice %arg6[%dma_start3A_419, %multiple_of3A_413] : memref<16x1000000xf32, #tpu.memory_space<hbm>> -> memref<16x128xf32, #tpu.memory_space<hbm>>
      %dma_start3A_421 = arith.constant 0 : i32
      %dma_start3A_422 = arith.constant 0 : i32
      %dma_start3A_423 = tpu.memref_slice %arg18[%dma_start3A_414, %dma_start3A_421, %dma_start3A_422] : memref<32x16x128xf32, #tpu.memory_space<vmem>> -> memref<1x16x128xf32, #tpu.memory_space<vmem>>
      %dma_start3A_424 = tpu.memref_squeeze %dma_start3A_423 : memref<1x16x128xf32, #tpu.memory_space<vmem>> -> memref<16x128xf32, #tpu.memory_space<vmem>>
      %dma_start3A_425 = arith.constant 0 : i32
      %dma_start3A_426 = tpu.memref_slice %arg6[%dma_start3A_425, %multiple_of3A_413] : memref<16x1000000xf32, #tpu.memory_space<hbm>> -> memref<16x128xf32, #tpu.memory_space<hbm>>
      tpu.enqueue_dma source(%dma_start3A_426 : memref<16x128xf32, #tpu.memory_space<hbm>>) target(%dma_start3A_424 : memref<16x128xf32, #tpu.memory_space<vmem>>) target_semaphore(%arg23 : memref<!tpu.dma_semaphore, #tpu.memory_space<semaphore_mem>>)
      %dma_start3A_427 = arith.constant 25 : i32
      %dma_start3A_428 = arith.constant 0 : i32
      %dma_start3A_429 = arith.constant 0 : i32
      %dma_start3A_430 = tpu.memref_slice %arg18[%dma_start3A_427, %dma_start3A_428, %dma_start3A_429] : memref<32x16x128xf32, #tpu.memory_space<vmem>> -> memref<1x16x128xf32, #tpu.memory_space<vmem>>
      %dma_start3A_431 = tpu.memref_squeeze %dma_start3A_430 : memref<1x16x128xf32, #tpu.memory_space<vmem>> -> memref<16x128xf32, #tpu.memory_space<vmem>>
      %dma_start3A_432 = arith.constant 0 : i32
      %dma_start3A_433 = tpu.memref_slice %arg7[%dma_start3A_432, %multiple_of3A_413] : memref<16x1000000xf32, #tpu.memory_space<hbm>> -> memref<16x128xf32, #tpu.memory_space<hbm>>
      %dma_start3A_434 = arith.constant 0 : i32
      %dma_start3A_435 = arith.constant 0 : i32
      %dma_start3A_436 = tpu.memref_slice %arg18[%dma_start3A_427, %dma_start3A_434, %dma_start3A_435] : memref<32x16x128xf32, #tpu.memory_space<vmem>> -> memref<1x16x128xf32, #tpu.memory_space<vmem>>
      %dma_start3A_437 = tpu.memref_squeeze %dma_start3A_436 : memref<1x16x128xf32, #tpu.memory_space<vmem>> -> memref<16x128xf32, #tpu.memory_space<vmem>>
      %dma_start3A_438 = arith.constant 0 : i32
      %dma_start3A_439 = tpu.memref_slice %arg7[%dma_start3A_438, %multiple_of3A_413] : memref<16x1000000xf32, #tpu.memory_space<hbm>> -> memref<16x128xf32, #tpu.memory_space<hbm>>
      tpu.enqueue_dma source(%dma_start3A_439 : memref<16x128xf32, #tpu.memory_space<hbm>>) target(%dma_start3A_437 : memref<16x128xf32, #tpu.memory_space<vmem>>) target_semaphore(%arg23 : memref<!tpu.dma_semaphore, #tpu.memory_space<semaphore_mem>>)
      %slice3A_440 = vector.extract_strided_slice %sub3A {offsets = [13], sizes = [1], strides = [1]} : vector<16xi32> to vector<1xi32>
      %squeeze3A_441 = vector.extract %slice3A_440[0] : i32 from vector<1xi32>
      %multiple_of3A_442 = tpu.assume_multiple %squeeze3A_441, 128 : i32
      %dma_start3A_443 = arith.constant 26 : i32
      %dma_start3A_444 = arith.constant 0 : i32
      %dma_start3A_445 = arith.constant 0 : i32
      %dma_start3A_446 = tpu.memref_slice %arg18[%dma_start3A_443, %dma_start3A_444, %dma_start3A_445] : memref<32x16x128xf32, #tpu.memory_space<vmem>> -> memref<1x16x128xf32, #tpu.memory_space<vmem>>
      %dma_start3A_447 = tpu.memref_squeeze %dma_start3A_446 : memref<1x16x128xf32, #tpu.memory_space<vmem>> -> memref<16x128xf32, #tpu.memory_space<vmem>>
      %dma_start3A_448 = arith.constant 0 : i32
      %dma_start3A_449 = tpu.memref_slice %arg6[%dma_start3A_448, %multiple_of3A_442] : memref<16x1000000xf32, #tpu.memory_space<hbm>> -> memref<16x128xf32, #tpu.memory_space<hbm>>
      %dma_start3A_450 = arith.constant 0 : i32
      %dma_start3A_451 = arith.constant 0 : i32
      %dma_start3A_452 = tpu.memref_slice %arg18[%dma_start3A_443, %dma_start3A_450, %dma_start3A_451] : memref<32x16x128xf32, #tpu.memory_space<vmem>> -> memref<1x16x128xf32, #tpu.memory_space<vmem>>
      %dma_start3A_453 = tpu.memref_squeeze %dma_start3A_452 : memref<1x16x128xf32, #tpu.memory_space<vmem>> -> memref<16x128xf32, #tpu.memory_space<vmem>>
      %dma_start3A_454 = arith.constant 0 : i32
      %dma_start3A_455 = tpu.memref_slice %arg6[%dma_start3A_454, %multiple_of3A_442] : memref<16x1000000xf32, #tpu.memory_space<hbm>> -> memref<16x128xf32, #tpu.memory_space<hbm>>
      tpu.enqueue_dma source(%dma_start3A_455 : memref<16x128xf32, #tpu.memory_space<hbm>>) target(%dma_start3A_453 : memref<16x128xf32, #tpu.memory_space<vmem>>) target_semaphore(%arg23 : memref<!tpu.dma_semaphore, #tpu.memory_space<semaphore_mem>>)
      %dma_start3A_456 = arith.constant 27 : i32
      %dma_start3A_457 = arith.constant 0 : i32
      %dma_start3A_458 = arith.constant 0 : i32
      %dma_start3A_459 = tpu.memref_slice %arg18[%dma_start3A_456, %dma_start3A_457, %dma_start3A_458] : memref<32x16x128xf32, #tpu.memory_space<vmem>> -> memref<1x16x128xf32, #tpu.memory_space<vmem>>
      %dma_start3A_460 = tpu.memref_squeeze %dma_start3A_459 : memref<1x16x128xf32, #tpu.memory_space<vmem>> -> memref<16x128xf32, #tpu.memory_space<vmem>>
      %dma_start3A_461 = arith.constant 0 : i32
      %dma_start3A_462 = tpu.memref_slice %arg7[%dma_start3A_461, %multiple_of3A_442] : memref<16x1000000xf32, #tpu.memory_space<hbm>> -> memref<16x128xf32, #tpu.memory_space<hbm>>
      %dma_start3A_463 = arith.constant 0 : i32
      %dma_start3A_464 = arith.constant 0 : i32
      %dma_start3A_465 = tpu.memref_slice %arg18[%dma_start3A_456, %dma_start3A_463, %dma_start3A_464] : memref<32x16x128xf32, #tpu.memory_space<vmem>> -> memref<1x16x128xf32, #tpu.memory_space<vmem>>
      %dma_start3A_466 = tpu.memref_squeeze %dma_start3A_465 : memref<1x16x128xf32, #tpu.memory_space<vmem>> -> memref<16x128xf32, #tpu.memory_space<vmem>>
      %dma_start3A_467 = arith.constant 0 : i32
      %dma_start3A_468 = tpu.memref_slice %arg7[%dma_start3A_467, %multiple_of3A_442] : memref<16x1000000xf32, #tpu.memory_space<hbm>> -> memref<16x128xf32, #tpu.memory_space<hbm>>
      tpu.enqueue_dma source(%dma_start3A_468 : memref<16x128xf32, #tpu.memory_space<hbm>>) target(%dma_start3A_466 : memref<16x128xf32, #tpu.memory_space<vmem>>) target_semaphore(%arg23 : memref<!tpu.dma_semaphore, #tpu.memory_space<semaphore_mem>>)
      %slice3A_469 = vector.extract_strided_slice %sub3A {offsets = [14], sizes = [1], strides = [1]} : vector<16xi32> to vector<1xi32>
      %squeeze3A_470 = vector.extract %slice3A_469[0] : i32 from vector<1xi32>
      %multiple_of3A_471 = tpu.assume_multiple %squeeze3A_470, 128 : i32
      %dma_start3A_472 = arith.constant 28 : i32
      %dma_start3A_473 = arith.constant 0 : i32
      %dma_start3A_474 = arith.constant 0 : i32
      %dma_start3A_475 = tpu.memref_slice %arg18[%dma_start3A_472, %dma_start3A_473, %dma_start3A_474] : memref<32x16x128xf32, #tpu.memory_space<vmem>> -> memref<1x16x128xf32, #tpu.memory_space<vmem>>
      %dma_start3A_476 = tpu.memref_squeeze %dma_start3A_475 : memref<1x16x128xf32, #tpu.memory_space<vmem>> -> memref<16x128xf32, #tpu.memory_space<vmem>>
      %dma_start3A_477 = arith.constant 0 : i32
      %dma_start3A_478 = tpu.memref_slice %arg6[%dma_start3A_477, %multiple_of3A_471] : memref<16x1000000xf32, #tpu.memory_space<hbm>> -> memref<16x128xf32, #tpu.memory_space<hbm>>
      %dma_start3A_479 = arith.constant 0 : i32
      %dma_start3A_480 = arith.constant 0 : i32
      %dma_start3A_481 = tpu.memref_slice %arg18[%dma_start3A_472, %dma_start3A_479, %dma_start3A_480] : memref<32x16x128xf32, #tpu.memory_space<vmem>> -> memref<1x16x128xf32, #tpu.memory_space<vmem>>
      %dma_start3A_482 = tpu.memref_squeeze %dma_start3A_481 : memref<1x16x128xf32, #tpu.memory_space<vmem>> -> memref<16x128xf32, #tpu.memory_space<vmem>>
      %dma_start3A_483 = arith.constant 0 : i32
      %dma_start3A_484 = tpu.memref_slice %arg6[%dma_start3A_483, %multiple_of3A_471] : memref<16x1000000xf32, #tpu.memory_space<hbm>> -> memref<16x128xf32, #tpu.memory_space<hbm>>
      tpu.enqueue_dma source(%dma_start3A_484 : memref<16x128xf32, #tpu.memory_space<hbm>>) target(%dma_start3A_482 : memref<16x128xf32, #tpu.memory_space<vmem>>) target_semaphore(%arg23 : memref<!tpu.dma_semaphore, #tpu.memory_space<semaphore_mem>>)
      %dma_start3A_485 = arith.constant 29 : i32
      %dma_start3A_486 = arith.constant 0 : i32
      %dma_start3A_487 = arith.constant 0 : i32
      %dma_start3A_488 = tpu.memref_slice %arg18[%dma_start3A_485, %dma_start3A_486, %dma_start3A_487] : memref<32x16x128xf32, #tpu.memory_space<vmem>> -> memref<1x16x128xf32, #tpu.memory_space<vmem>>
      %dma_start3A_489 = tpu.memref_squeeze %dma_start3A_488 : memref<1x16x128xf32, #tpu.memory_space<vmem>> -> memref<16x128xf32, #tpu.memory_space<vmem>>
      %dma_start3A_490 = arith.constant 0 : i32
      %dma_start3A_491 = tpu.memref_slice %arg7[%dma_start3A_490, %multiple_of3A_471] : memref<16x1000000xf32, #tpu.memory_space<hbm>> -> memref<16x128xf32, #tpu.memory_space<hbm>>
      %dma_start3A_492 = arith.constant 0 : i32
      %dma_start3A_493 = arith.constant 0 : i32
      %dma_start3A_494 = tpu.memref_slice %arg18[%dma_start3A_485, %dma_start3A_492, %dma_start3A_493] : memref<32x16x128xf32, #tpu.memory_space<vmem>> -> memref<1x16x128xf32, #tpu.memory_space<vmem>>
      %dma_start3A_495 = tpu.memref_squeeze %dma_start3A_494 : memref<1x16x128xf32, #tpu.memory_space<vmem>> -> memref<16x128xf32, #tpu.memory_space<vmem>>
      %dma_start3A_496 = arith.constant 0 : i32
      %dma_start3A_497 = tpu.memref_slice %arg7[%dma_start3A_496, %multiple_of3A_471] : memref<16x1000000xf32, #tpu.memory_space<hbm>> -> memref<16x128xf32, #tpu.memory_space<hbm>>
      tpu.enqueue_dma source(%dma_start3A_497 : memref<16x128xf32, #tpu.memory_space<hbm>>) target(%dma_start3A_495 : memref<16x128xf32, #tpu.memory_space<vmem>>) target_semaphore(%arg23 : memref<!tpu.dma_semaphore, #tpu.memory_space<semaphore_mem>>)
      %slice3A_498 = vector.extract_strided_slice %sub3A {offsets = [15], sizes = [1], strides = [1]} : vector<16xi32> to vector<1xi32>
      %squeeze3A_499 = vector.extract %slice3A_498[0] : i32 from vector<1xi32>
      %multiple_of3A_500 = tpu.assume_multiple %squeeze3A_499, 128 : i32
      %dma_start3A_501 = arith.constant 30 : i32
      %dma_start3A_502 = arith.constant 0 : i32
      %dma_start3A_503 = arith.constant 0 : i32
      %dma_start3A_504 = tpu.memref_slice %arg18[%dma_start3A_501, %dma_start3A_502, %dma_start3A_503] : memref<32x16x128xf32, #tpu.memory_space<vmem>> -> memref<1x16x128xf32, #tpu.memory_space<vmem>>
      %dma_start3A_505 = tpu.memref_squeeze %dma_start3A_504 : memref<1x16x128xf32, #tpu.memory_space<vmem>> -> memref<16x128xf32, #tpu.memory_space<vmem>>
      %dma_start3A_506 = arith.constant 0 : i32
      %dma_start3A_507 = tpu.memref_slice %arg6[%dma_start3A_506, %multiple_of3A_500] : memref<16x1000000xf32, #tpu.memory_space<hbm>> -> memref<16x128xf32, #tpu.memory_space<hbm>>
      %dma_start3A_508 = arith.constant 0 : i32
      %dma_start3A_509 = arith.constant 0 : i32
      %dma_start3A_510 = tpu.memref_slice %arg18[%dma_start3A_501, %dma_start3A_508, %dma_start3A_509] : memref<32x16x128xf32, #tpu.memory_space<vmem>> -> memref<1x16x128xf32, #tpu.memory_space<vmem>>
      %dma_start3A_511 = tpu.memref_squeeze %dma_start3A_510 : memref<1x16x128xf32, #tpu.memory_space<vmem>> -> memref<16x128xf32, #tpu.memory_space<vmem>>
      %dma_start3A_512 = arith.constant 0 : i32
      %dma_start3A_513 = tpu.memref_slice %arg6[%dma_start3A_512, %multiple_of3A_500] : memref<16x1000000xf32, #tpu.memory_space<hbm>> -> memref<16x128xf32, #tpu.memory_space<hbm>>
      tpu.enqueue_dma source(%dma_start3A_513 : memref<16x128xf32, #tpu.memory_space<hbm>>) target(%dma_start3A_511 : memref<16x128xf32, #tpu.memory_space<vmem>>) target_semaphore(%arg23 : memref<!tpu.dma_semaphore, #tpu.memory_space<semaphore_mem>>)
      %dma_start3A_514 = arith.constant 31 : i32
      %dma_start3A_515 = arith.constant 0 : i32
      %dma_start3A_516 = arith.constant 0 : i32
      %dma_start3A_517 = tpu.memref_slice %arg18[%dma_start3A_514, %dma_start3A_515, %dma_start3A_516] : memref<32x16x128xf32, #tpu.memory_space<vmem>> -> memref<1x16x128xf32, #tpu.memory_space<vmem>>
      %dma_start3A_518 = tpu.memref_squeeze %dma_start3A_517 : memref<1x16x128xf32, #tpu.memory_space<vmem>> -> memref<16x128xf32, #tpu.memory_space<vmem>>
      %dma_start3A_519 = arith.constant 0 : i32
      %dma_start3A_520 = tpu.memref_slice %arg7[%dma_start3A_519, %multiple_of3A_500] : memref<16x1000000xf32, #tpu.memory_space<hbm>> -> memref<16x128xf32, #tpu.memory_space<hbm>>
      %dma_start3A_521 = arith.constant 0 : i32
      %dma_start3A_522 = arith.constant 0 : i32
      %dma_start3A_523 = tpu.memref_slice %arg18[%dma_start3A_514, %dma_start3A_521, %dma_start3A_522] : memref<32x16x128xf32, #tpu.memory_space<vmem>> -> memref<1x16x128xf32, #tpu.memory_space<vmem>>
      %dma_start3A_524 = tpu.memref_squeeze %dma_start3A_523 : memref<1x16x128xf32, #tpu.memory_space<vmem>> -> memref<16x128xf32, #tpu.memory_space<vmem>>
      %dma_start3A_525 = arith.constant 0 : i32
      %dma_start3A_526 = tpu.memref_slice %arg7[%dma_start3A_525, %multiple_of3A_500] : memref<16x1000000xf32, #tpu.memory_space<hbm>> -> memref<16x128xf32, #tpu.memory_space<hbm>>
      tpu.enqueue_dma source(%dma_start3A_526 : memref<16x128xf32, #tpu.memory_space<hbm>>) target(%dma_start3A_524 : memref<16x128xf32, #tpu.memory_space<vmem>>) target_semaphore(%arg23 : memref<!tpu.dma_semaphore, #tpu.memory_space<semaphore_mem>>)
      %dma_wait3A_527 = arith.constant 0 : i32
      %dma_wait3A_528 = arith.constant 0 : i32
      %dma_wait3A_529 = arith.constant 0 : i32
      %dma_wait3A_530 = tpu.memref_slice %arg18[%dma_wait3A_527, %dma_wait3A_528, %dma_wait3A_529] : memref<32x16x128xf32, #tpu.memory_space<vmem>> -> memref<1x16x128xf32, #tpu.memory_space<vmem>>
      %dma_wait3A_531 = tpu.memref_squeeze %dma_wait3A_530 : memref<1x16x128xf32, #tpu.memory_space<vmem>> -> memref<16x128xf32, #tpu.memory_space<vmem>>
      %dma_wait3A_532 = arith.constant 0 : i32
      %dma_wait3A_533 = tpu.memref_slice %arg6[%dma_wait3A_532, %multiple_of3A] : memref<16x1000000xf32, #tpu.memory_space<hbm>> -> memref<16x128xf32, #tpu.memory_space<hbm>>
      %dma_wait3A_534 = arith.constant 0 : i32
      %dma_wait3A_535 = arith.constant 0 : i32
      %dma_wait3A_536 = tpu.memref_slice %arg18[%dma_wait3A_527, %dma_wait3A_534, %dma_wait3A_535] : memref<32x16x128xf32, #tpu.memory_space<vmem>> -> memref<1x16x128xf32, #tpu.memory_space<vmem>>
      %dma_wait3A_537 = tpu.memref_squeeze %dma_wait3A_536 : memref<1x16x128xf32, #tpu.memory_space<vmem>> -> memref<16x128xf32, #tpu.memory_space<vmem>>
      %dma_wait3A_538 = arith.constant 0 : i32
      %dma_wait3A_539 = tpu.memref_slice %arg6[%dma_wait3A_538, %multiple_of3A] : memref<16x1000000xf32, #tpu.memory_space<hbm>> -> memref<16x128xf32, #tpu.memory_space<hbm>>
      tpu.wait_dma2 semaphore(%arg23 : memref<!tpu.dma_semaphore, #tpu.memory_space<semaphore_mem>>) src(%dma_wait3A_539 : memref<16x128xf32, #tpu.memory_space<hbm>>) dst(%dma_wait3A_537 : memref<16x128xf32, #tpu.memory_space<vmem>>)
      %dma_wait3A_540 = arith.constant 1 : i32
      %dma_wait3A_541 = arith.constant 0 : i32
      %dma_wait3A_542 = arith.constant 0 : i32
      %dma_wait3A_543 = tpu.memref_slice %arg18[%dma_wait3A_540, %dma_wait3A_541, %dma_wait3A_542] : memref<32x16x128xf32, #tpu.memory_space<vmem>> -> memref<1x16x128xf32, #tpu.memory_space<vmem>>
      %dma_wait3A_544 = tpu.memref_squeeze %dma_wait3A_543 : memref<1x16x128xf32, #tpu.memory_space<vmem>> -> memref<16x128xf32, #tpu.memory_space<vmem>>
      %dma_wait3A_545 = arith.constant 0 : i32
      %dma_wait3A_546 = tpu.memref_slice %arg7[%dma_wait3A_545, %multiple_of3A] : memref<16x1000000xf32, #tpu.memory_space<hbm>> -> memref<16x128xf32, #tpu.memory_space<hbm>>
      %dma_wait3A_547 = arith.constant 0 : i32
      %dma_wait3A_548 = arith.constant 0 : i32
      %dma_wait3A_549 = tpu.memref_slice %arg18[%dma_wait3A_540, %dma_wait3A_547, %dma_wait3A_548] : memref<32x16x128xf32, #tpu.memory_space<vmem>> -> memref<1x16x128xf32, #tpu.memory_space<vmem>>
      %dma_wait3A_550 = tpu.memref_squeeze %dma_wait3A_549 : memref<1x16x128xf32, #tpu.memory_space<vmem>> -> memref<16x128xf32, #tpu.memory_space<vmem>>
      %dma_wait3A_551 = arith.constant 0 : i32
      %dma_wait3A_552 = tpu.memref_slice %arg7[%dma_wait3A_551, %multiple_of3A] : memref<16x1000000xf32, #tpu.memory_space<hbm>> -> memref<16x128xf32, #tpu.memory_space<hbm>>
      tpu.wait_dma2 semaphore(%arg23 : memref<!tpu.dma_semaphore, #tpu.memory_space<semaphore_mem>>) src(%dma_wait3A_552 : memref<16x128xf32, #tpu.memory_space<hbm>>) dst(%dma_wait3A_550 : memref<16x128xf32, #tpu.memory_space<vmem>>)
      %dma_wait3A_553 = arith.constant 2 : i32
      %dma_wait3A_554 = arith.constant 0 : i32
      %dma_wait3A_555 = arith.constant 0 : i32
      %dma_wait3A_556 = tpu.memref_slice %arg18[%dma_wait3A_553, %dma_wait3A_554, %dma_wait3A_555] : memref<32x16x128xf32, #tpu.memory_space<vmem>> -> memref<1x16x128xf32, #tpu.memory_space<vmem>>
      %dma_wait3A_557 = tpu.memref_squeeze %dma_wait3A_556 : memref<1x16x128xf32, #tpu.memory_space<vmem>> -> memref<16x128xf32, #tpu.memory_space<vmem>>
      %dma_wait3A_558 = arith.constant 0 : i32
      %dma_wait3A_559 = tpu.memref_slice %arg6[%dma_wait3A_558, %multiple_of3A_94] : memref<16x1000000xf32, #tpu.memory_space<hbm>> -> memref<16x128xf32, #tpu.memory_space<hbm>>
      %dma_wait3A_560 = arith.constant 0 : i32
      %dma_wait3A_561 = arith.constant 0 : i32
      %dma_wait3A_562 = tpu.memref_slice %arg18[%dma_wait3A_553, %dma_wait3A_560, %dma_wait3A_561] : memref<32x16x128xf32, #tpu.memory_space<vmem>> -> memref<1x16x128xf32, #tpu.memory_space<vmem>>
      %dma_wait3A_563 = tpu.memref_squeeze %dma_wait3A_562 : memref<1x16x128xf32, #tpu.memory_space<vmem>> -> memref<16x128xf32, #tpu.memory_space<vmem>>
      %dma_wait3A_564 = arith.constant 0 : i32
      %dma_wait3A_565 = tpu.memref_slice %arg6[%dma_wait3A_564, %multiple_of3A_94] : memref<16x1000000xf32, #tpu.memory_space<hbm>> -> memref<16x128xf32, #tpu.memory_space<hbm>>
      tpu.wait_dma2 semaphore(%arg23 : memref<!tpu.dma_semaphore, #tpu.memory_space<semaphore_mem>>) src(%dma_wait3A_565 : memref<16x128xf32, #tpu.memory_space<hbm>>) dst(%dma_wait3A_563 : memref<16x128xf32, #tpu.memory_space<vmem>>)
      %dma_wait3A_566 = arith.constant 3 : i32
      %dma_wait3A_567 = arith.constant 0 : i32
      %dma_wait3A_568 = arith.constant 0 : i32
      %dma_wait3A_569 = tpu.memref_slice %arg18[%dma_wait3A_566, %dma_wait3A_567, %dma_wait3A_568] : memref<32x16x128xf32, #tpu.memory_space<vmem>> -> memref<1x16x128xf32, #tpu.memory_space<vmem>>
      %dma_wait3A_570 = tpu.memref_squeeze %dma_wait3A_569 : memref<1x16x128xf32, #tpu.memory_space<vmem>> -> memref<16x128xf32, #tpu.memory_space<vmem>>
      %dma_wait3A_571 = arith.constant 0 : i32
      %dma_wait3A_572 = tpu.memref_slice %arg7[%dma_wait3A_571, %multiple_of3A_94] : memref<16x1000000xf32, #tpu.memory_space<hbm>> -> memref<16x128xf32, #tpu.memory_space<hbm>>
      %dma_wait3A_573 = arith.constant 0 : i32
      %dma_wait3A_574 = arith.constant 0 : i32
      %dma_wait3A_575 = tpu.memref_slice %arg18[%dma_wait3A_566, %dma_wait3A_573, %dma_wait3A_574] : memref<32x16x128xf32, #tpu.memory_space<vmem>> -> memref<1x16x128xf32, #tpu.memory_space<vmem>>
      %dma_wait3A_576 = tpu.memref_squeeze %dma_wait3A_575 : memref<1x16x128xf32, #tpu.memory_space<vmem>> -> memref<16x128xf32, #tpu.memory_space<vmem>>
      %dma_wait3A_577 = arith.constant 0 : i32
      %dma_wait3A_578 = tpu.memref_slice %arg7[%dma_wait3A_577, %multiple_of3A_94] : memref<16x1000000xf32, #tpu.memory_space<hbm>> -> memref<16x128xf32, #tpu.memory_space<hbm>>
      tpu.wait_dma2 semaphore(%arg23 : memref<!tpu.dma_semaphore, #tpu.memory_space<semaphore_mem>>) src(%dma_wait3A_578 : memref<16x128xf32, #tpu.memory_space<hbm>>) dst(%dma_wait3A_576 : memref<16x128xf32, #tpu.memory_space<vmem>>)
      %dma_wait3A_579 = arith.constant 4 : i32
      %dma_wait3A_580 = arith.constant 0 : i32
      %dma_wait3A_581 = arith.constant 0 : i32
      %dma_wait3A_582 = tpu.memref_slice %arg18[%dma_wait3A_579, %dma_wait3A_580, %dma_wait3A_581] : memref<32x16x128xf32, #tpu.memory_space<vmem>> -> memref<1x16x128xf32, #tpu.memory_space<vmem>>
      %dma_wait3A_583 = tpu.memref_squeeze %dma_wait3A_582 : memref<1x16x128xf32, #tpu.memory_space<vmem>> -> memref<16x128xf32, #tpu.memory_space<vmem>>
      %dma_wait3A_584 = arith.constant 0 : i32
      %dma_wait3A_585 = tpu.memref_slice %arg6[%dma_wait3A_584, %multiple_of3A_123] : memref<16x1000000xf32, #tpu.memory_space<hbm>> -> memref<16x128xf32, #tpu.memory_space<hbm>>
      %dma_wait3A_586 = arith.constant 0 : i32
      %dma_wait3A_587 = arith.constant 0 : i32
      %dma_wait3A_588 = tpu.memref_slice %arg18[%dma_wait3A_579, %dma_wait3A_586, %dma_wait3A_587] : memref<32x16x128xf32, #tpu.memory_space<vmem>> -> memref<1x16x128xf32, #tpu.memory_space<vmem>>
      %dma_wait3A_589 = tpu.memref_squeeze %dma_wait3A_588 : memref<1x16x128xf32, #tpu.memory_space<vmem>> -> memref<16x128xf32, #tpu.memory_space<vmem>>
      %dma_wait3A_590 = arith.constant 0 : i32
      %dma_wait3A_591 = tpu.memref_slice %arg6[%dma_wait3A_590, %multiple_of3A_123] : memref<16x1000000xf32, #tpu.memory_space<hbm>> -> memref<16x128xf32, #tpu.memory_space<hbm>>
      tpu.wait_dma2 semaphore(%arg23 : memref<!tpu.dma_semaphore, #tpu.memory_space<semaphore_mem>>) src(%dma_wait3A_591 : memref<16x128xf32, #tpu.memory_space<hbm>>) dst(%dma_wait3A_589 : memref<16x128xf32, #tpu.memory_space<vmem>>)
      %dma_wait3A_592 = arith.constant 5 : i32
      %dma_wait3A_593 = arith.constant 0 : i32
      %dma_wait3A_594 = arith.constant 0 : i32
      %dma_wait3A_595 = tpu.memref_slice %arg18[%dma_wait3A_592, %dma_wait3A_593, %dma_wait3A_594] : memref<32x16x128xf32, #tpu.memory_space<vmem>> -> memref<1x16x128xf32, #tpu.memory_space<vmem>>
      %dma_wait3A_596 = tpu.memref_squeeze %dma_wait3A_595 : memref<1x16x128xf32, #tpu.memory_space<vmem>> -> memref<16x128xf32, #tpu.memory_space<vmem>>
      %dma_wait3A_597 = arith.constant 0 : i32
      %dma_wait3A_598 = tpu.memref_slice %arg7[%dma_wait3A_597, %multiple_of3A_123] : memref<16x1000000xf32, #tpu.memory_space<hbm>> -> memref<16x128xf32, #tpu.memory_space<hbm>>
      %dma_wait3A_599 = arith.constant 0 : i32
      %dma_wait3A_600 = arith.constant 0 : i32
      %dma_wait3A_601 = tpu.memref_slice %arg18[%dma_wait3A_592, %dma_wait3A_599, %dma_wait3A_600] : memref<32x16x128xf32, #tpu.memory_space<vmem>> -> memref<1x16x128xf32, #tpu.memory_space<vmem>>
      %dma_wait3A_602 = tpu.memref_squeeze %dma_wait3A_601 : memref<1x16x128xf32, #tpu.memory_space<vmem>> -> memref<16x128xf32, #tpu.memory_space<vmem>>
      %dma_wait3A_603 = arith.constant 0 : i32
      %dma_wait3A_604 = tpu.memref_slice %arg7[%dma_wait3A_603, %multiple_of3A_123] : memref<16x1000000xf32, #tpu.memory_space<hbm>> -> memref<16x128xf32, #tpu.memory_space<hbm>>
      tpu.wait_dma2 semaphore(%arg23 : memref<!tpu.dma_semaphore, #tpu.memory_space<semaphore_mem>>) src(%dma_wait3A_604 : memref<16x128xf32, #tpu.memory_space<hbm>>) dst(%dma_wait3A_602 : memref<16x128xf32, #tpu.memory_space<vmem>>)
      %dma_wait3A_605 = arith.constant 6 : i32
      %dma_wait3A_606 = arith.constant 0 : i32
      %dma_wait3A_607 = arith.constant 0 : i32
      %dma_wait3A_608 = tpu.memref_slice %arg18[%dma_wait3A_605, %dma_wait3A_606, %dma_wait3A_607] : memref<32x16x128xf32, #tpu.memory_space<vmem>> -> memref<1x16x128xf32, #tpu.memory_space<vmem>>
      %dma_wait3A_609 = tpu.memref_squeeze %dma_wait3A_608 : memref<1x16x128xf32, #tpu.memory_space<vmem>> -> memref<16x128xf32, #tpu.memory_space<vmem>>
      %dma_wait3A_610 = arith.constant 0 : i32
      %dma_wait3A_611 = tpu.memref_slice %arg6[%dma_wait3A_610, %multiple_of3A_152] : memref<16x1000000xf32, #tpu.memory_space<hbm>> -> memref<16x128xf32, #tpu.memory_space<hbm>>
      %dma_wait3A_612 = arith.constant 0 : i32
      %dma_wait3A_613 = arith.constant 0 : i32
      %dma_wait3A_614 = tpu.memref_slice %arg18[%dma_wait3A_605, %dma_wait3A_612, %dma_wait3A_613] : memref<32x16x128xf32, #tpu.memory_space<vmem>> -> memref<1x16x128xf32, #tpu.memory_space<vmem>>
      %dma_wait3A_615 = tpu.memref_squeeze %dma_wait3A_614 : memref<1x16x128xf32, #tpu.memory_space<vmem>> -> memref<16x128xf32, #tpu.memory_space<vmem>>
      %dma_wait3A_616 = arith.constant 0 : i32
      %dma_wait3A_617 = tpu.memref_slice %arg6[%dma_wait3A_616, %multiple_of3A_152] : memref<16x1000000xf32, #tpu.memory_space<hbm>> -> memref<16x128xf32, #tpu.memory_space<hbm>>
      tpu.wait_dma2 semaphore(%arg23 : memref<!tpu.dma_semaphore, #tpu.memory_space<semaphore_mem>>) src(%dma_wait3A_617 : memref<16x128xf32, #tpu.memory_space<hbm>>) dst(%dma_wait3A_615 : memref<16x128xf32, #tpu.memory_space<vmem>>)
      %dma_wait3A_618 = arith.constant 7 : i32
      %dma_wait3A_619 = arith.constant 0 : i32
      %dma_wait3A_620 = arith.constant 0 : i32
      %dma_wait3A_621 = tpu.memref_slice %arg18[%dma_wait3A_618, %dma_wait3A_619, %dma_wait3A_620] : memref<32x16x128xf32, #tpu.memory_space<vmem>> -> memref<1x16x128xf32, #tpu.memory_space<vmem>>
      %dma_wait3A_622 = tpu.memref_squeeze %dma_wait3A_621 : memref<1x16x128xf32, #tpu.memory_space<vmem>> -> memref<16x128xf32, #tpu.memory_space<vmem>>
      %dma_wait3A_623 = arith.constant 0 : i32
      %dma_wait3A_624 = tpu.memref_slice %arg7[%dma_wait3A_623, %multiple_of3A_152] : memref<16x1000000xf32, #tpu.memory_space<hbm>> -> memref<16x128xf32, #tpu.memory_space<hbm>>
      %dma_wait3A_625 = arith.constant 0 : i32
      %dma_wait3A_626 = arith.constant 0 : i32
      %dma_wait3A_627 = tpu.memref_slice %arg18[%dma_wait3A_618, %dma_wait3A_625, %dma_wait3A_626] : memref<32x16x128xf32, #tpu.memory_space<vmem>> -> memref<1x16x128xf32, #tpu.memory_space<vmem>>
      %dma_wait3A_628 = tpu.memref_squeeze %dma_wait3A_627 : memref<1x16x128xf32, #tpu.memory_space<vmem>> -> memref<16x128xf32, #tpu.memory_space<vmem>>
      %dma_wait3A_629 = arith.constant 0 : i32
      %dma_wait3A_630 = tpu.memref_slice %arg7[%dma_wait3A_629, %multiple_of3A_152] : memref<16x1000000xf32, #tpu.memory_space<hbm>> -> memref<16x128xf32, #tpu.memory_space<hbm>>
      tpu.wait_dma2 semaphore(%arg23 : memref<!tpu.dma_semaphore, #tpu.memory_space<semaphore_mem>>) src(%dma_wait3A_630 : memref<16x128xf32, #tpu.memory_space<hbm>>) dst(%dma_wait3A_628 : memref<16x128xf32, #tpu.memory_space<vmem>>)
      %dma_wait3A_631 = arith.constant 8 : i32
      %dma_wait3A_632 = arith.constant 0 : i32
      %dma_wait3A_633 = arith.constant 0 : i32
      %dma_wait3A_634 = tpu.memref_slice %arg18[%dma_wait3A_631, %dma_wait3A_632, %dma_wait3A_633] : memref<32x16x128xf32, #tpu.memory_space<vmem>> -> memref<1x16x128xf32, #tpu.memory_space<vmem>>
      %dma_wait3A_635 = tpu.memref_squeeze %dma_wait3A_634 : memref<1x16x128xf32, #tpu.memory_space<vmem>> -> memref<16x128xf32, #tpu.memory_space<vmem>>
      %dma_wait3A_636 = arith.constant 0 : i32
      %dma_wait3A_637 = tpu.memref_slice %arg6[%dma_wait3A_636, %multiple_of3A_181] : memref<16x1000000xf32, #tpu.memory_space<hbm>> -> memref<16x128xf32, #tpu.memory_space<hbm>>
      %dma_wait3A_638 = arith.constant 0 : i32
      %dma_wait3A_639 = arith.constant 0 : i32
      %dma_wait3A_640 = tpu.memref_slice %arg18[%dma_wait3A_631, %dma_wait3A_638, %dma_wait3A_639] : memref<32x16x128xf32, #tpu.memory_space<vmem>> -> memref<1x16x128xf32, #tpu.memory_space<vmem>>
      %dma_wait3A_641 = tpu.memref_squeeze %dma_wait3A_640 : memref<1x16x128xf32, #tpu.memory_space<vmem>> -> memref<16x128xf32, #tpu.memory_space<vmem>>
      %dma_wait3A_642 = arith.constant 0 : i32
      %dma_wait3A_643 = tpu.memref_slice %arg6[%dma_wait3A_642, %multiple_of3A_181] : memref<16x1000000xf32, #tpu.memory_space<hbm>> -> memref<16x128xf32, #tpu.memory_space<hbm>>
      tpu.wait_dma2 semaphore(%arg23 : memref<!tpu.dma_semaphore, #tpu.memory_space<semaphore_mem>>) src(%dma_wait3A_643 : memref<16x128xf32, #tpu.memory_space<hbm>>) dst(%dma_wait3A_641 : memref<16x128xf32, #tpu.memory_space<vmem>>)
      %dma_wait3A_644 = arith.constant 9 : i32
      %dma_wait3A_645 = arith.constant 0 : i32
      %dma_wait3A_646 = arith.constant 0 : i32
      %dma_wait3A_647 = tpu.memref_slice %arg18[%dma_wait3A_644, %dma_wait3A_645, %dma_wait3A_646] : memref<32x16x128xf32, #tpu.memory_space<vmem>> -> memref<1x16x128xf32, #tpu.memory_space<vmem>>
      %dma_wait3A_648 = tpu.memref_squeeze %dma_wait3A_647 : memref<1x16x128xf32, #tpu.memory_space<vmem>> -> memref<16x128xf32, #tpu.memory_space<vmem>>
      %dma_wait3A_649 = arith.constant 0 : i32
      %dma_wait3A_650 = tpu.memref_slice %arg7[%dma_wait3A_649, %multiple_of3A_181] : memref<16x1000000xf32, #tpu.memory_space<hbm>> -> memref<16x128xf32, #tpu.memory_space<hbm>>
      %dma_wait3A_651 = arith.constant 0 : i32
      %dma_wait3A_652 = arith.constant 0 : i32
      %dma_wait3A_653 = tpu.memref_slice %arg18[%dma_wait3A_644, %dma_wait3A_651, %dma_wait3A_652] : memref<32x16x128xf32, #tpu.memory_space<vmem>> -> memref<1x16x128xf32, #tpu.memory_space<vmem>>
      %dma_wait3A_654 = tpu.memref_squeeze %dma_wait3A_653 : memref<1x16x128xf32, #tpu.memory_space<vmem>> -> memref<16x128xf32, #tpu.memory_space<vmem>>
      %dma_wait3A_655 = arith.constant 0 : i32
      %dma_wait3A_656 = tpu.memref_slice %arg7[%dma_wait3A_655, %multiple_of3A_181] : memref<16x1000000xf32, #tpu.memory_space<hbm>> -> memref<16x128xf32, #tpu.memory_space<hbm>>
      tpu.wait_dma2 semaphore(%arg23 : memref<!tpu.dma_semaphore, #tpu.memory_space<semaphore_mem>>) src(%dma_wait3A_656 : memref<16x128xf32, #tpu.memory_space<hbm>>) dst(%dma_wait3A_654 : memref<16x128xf32, #tpu.memory_space<vmem>>)
      %dma_wait3A_657 = arith.constant 10 : i32
      %dma_wait3A_658 = arith.constant 0 : i32
      %dma_wait3A_659 = arith.constant 0 : i32
      %dma_wait3A_660 = tpu.memref_slice %arg18[%dma_wait3A_657, %dma_wait3A_658, %dma_wait3A_659] : memref<32x16x128xf32, #tpu.memory_space<vmem>> -> memref<1x16x128xf32, #tpu.memory_space<vmem>>
      %dma_wait3A_661 = tpu.memref_squeeze %dma_wait3A_660 : memref<1x16x128xf32, #tpu.memory_space<vmem>> -> memref<16x128xf32, #tpu.memory_space<vmem>>
      %dma_wait3A_662 = arith.constant 0 : i32
      %dma_wait3A_663 = tpu.memref_slice %arg6[%dma_wait3A_662, %multiple_of3A_210] : memref<16x1000000xf32, #tpu.memory_space<hbm>> -> memref<16x128xf32, #tpu.memory_space<hbm>>
      %dma_wait3A_664 = arith.constant 0 : i32
      %dma_wait3A_665 = arith.constant 0 : i32
      %dma_wait3A_666 = tpu.memref_slice %arg18[%dma_wait3A_657, %dma_wait3A_664, %dma_wait3A_665] : memref<32x16x128xf32, #tpu.memory_space<vmem>> -> memref<1x16x128xf32, #tpu.memory_space<vmem>>
      %dma_wait3A_667 = tpu.memref_squeeze %dma_wait3A_666 : memref<1x16x128xf32, #tpu.memory_space<vmem>> -> memref<16x128xf32, #tpu.memory_space<vmem>>
      %dma_wait3A_668 = arith.constant 0 : i32
      %dma_wait3A_669 = tpu.memref_slice %arg6[%dma_wait3A_668, %multiple_of3A_210] : memref<16x1000000xf32, #tpu.memory_space<hbm>> -> memref<16x128xf32, #tpu.memory_space<hbm>>
      tpu.wait_dma2 semaphore(%arg23 : memref<!tpu.dma_semaphore, #tpu.memory_space<semaphore_mem>>) src(%dma_wait3A_669 : memref<16x128xf32, #tpu.memory_space<hbm>>) dst(%dma_wait3A_667 : memref<16x128xf32, #tpu.memory_space<vmem>>)
      %dma_wait3A_670 = arith.constant 11 : i32
      %dma_wait3A_671 = arith.constant 0 : i32
      %dma_wait3A_672 = arith.constant 0 : i32
      %dma_wait3A_673 = tpu.memref_slice %arg18[%dma_wait3A_670, %dma_wait3A_671, %dma_wait3A_672] : memref<32x16x128xf32, #tpu.memory_space<vmem>> -> memref<1x16x128xf32, #tpu.memory_space<vmem>>
      %dma_wait3A_674 = tpu.memref_squeeze %dma_wait3A_673 : memref<1x16x128xf32, #tpu.memory_space<vmem>> -> memref<16x128xf32, #tpu.memory_space<vmem>>
      %dma_wait3A_675 = arith.constant 0 : i32
      %dma_wait3A_676 = tpu.memref_slice %arg7[%dma_wait3A_675, %multiple_of3A_210] : memref<16x1000000xf32, #tpu.memory_space<hbm>> -> memref<16x128xf32, #tpu.memory_space<hbm>>
      %dma_wait3A_677 = arith.constant 0 : i32
      %dma_wait3A_678 = arith.constant 0 : i32
      %dma_wait3A_679 = tpu.memref_slice %arg18[%dma_wait3A_670, %dma_wait3A_677, %dma_wait3A_678] : memref<32x16x128xf32, #tpu.memory_space<vmem>> -> memref<1x16x128xf32, #tpu.memory_space<vmem>>
      %dma_wait3A_680 = tpu.memref_squeeze %dma_wait3A_679 : memref<1x16x128xf32, #tpu.memory_space<vmem>> -> memref<16x128xf32, #tpu.memory_space<vmem>>
      %dma_wait3A_681 = arith.constant 0 : i32
      %dma_wait3A_682 = tpu.memref_slice %arg7[%dma_wait3A_681, %multiple_of3A_210] : memref<16x1000000xf32, #tpu.memory_space<hbm>> -> memref<16x128xf32, #tpu.memory_space<hbm>>
      tpu.wait_dma2 semaphore(%arg23 : memref<!tpu.dma_semaphore, #tpu.memory_space<semaphore_mem>>) src(%dma_wait3A_682 : memref<16x128xf32, #tpu.memory_space<hbm>>) dst(%dma_wait3A_680 : memref<16x128xf32, #tpu.memory_space<vmem>>)
      %dma_wait3A_683 = arith.constant 12 : i32
      %dma_wait3A_684 = arith.constant 0 : i32
      %dma_wait3A_685 = arith.constant 0 : i32
      %dma_wait3A_686 = tpu.memref_slice %arg18[%dma_wait3A_683, %dma_wait3A_684, %dma_wait3A_685] : memref<32x16x128xf32, #tpu.memory_space<vmem>> -> memref<1x16x128xf32, #tpu.memory_space<vmem>>
      %dma_wait3A_687 = tpu.memref_squeeze %dma_wait3A_686 : memref<1x16x128xf32, #tpu.memory_space<vmem>> -> memref<16x128xf32, #tpu.memory_space<vmem>>
      %dma_wait3A_688 = arith.constant 0 : i32
      %dma_wait3A_689 = tpu.memref_slice %arg6[%dma_wait3A_688, %multiple_of3A_239] : memref<16x1000000xf32, #tpu.memory_space<hbm>> -> memref<16x128xf32, #tpu.memory_space<hbm>>
      %dma_wait3A_690 = arith.constant 0 : i32
      %dma_wait3A_691 = arith.constant 0 : i32
      %dma_wait3A_692 = tpu.memref_slice %arg18[%dma_wait3A_683, %dma_wait3A_690, %dma_wait3A_691] : memref<32x16x128xf32, #tpu.memory_space<vmem>> -> memref<1x16x128xf32, #tpu.memory_space<vmem>>
      %dma_wait3A_693 = tpu.memref_squeeze %dma_wait3A_692 : memref<1x16x128xf32, #tpu.memory_space<vmem>> -> memref<16x128xf32, #tpu.memory_space<vmem>>
      %dma_wait3A_694 = arith.constant 0 : i32
      %dma_wait3A_695 = tpu.memref_slice %arg6[%dma_wait3A_694, %multiple_of3A_239] : memref<16x1000000xf32, #tpu.memory_space<hbm>> -> memref<16x128xf32, #tpu.memory_space<hbm>>
      tpu.wait_dma2 semaphore(%arg23 : memref<!tpu.dma_semaphore, #tpu.memory_space<semaphore_mem>>) src(%dma_wait3A_695 : memref<16x128xf32, #tpu.memory_space<hbm>>) dst(%dma_wait3A_693 : memref<16x128xf32, #tpu.memory_space<vmem>>)
      %dma_wait3A_696 = arith.constant 13 : i32
      %dma_wait3A_697 = arith.constant 0 : i32
      %dma_wait3A_698 = arith.constant 0 : i32
      %dma_wait3A_699 = tpu.memref_slice %arg18[%dma_wait3A_696, %dma_wait3A_697, %dma_wait3A_698] : memref<32x16x128xf32, #tpu.memory_space<vmem>> -> memref<1x16x128xf32, #tpu.memory_space<vmem>>
      %dma_wait3A_700 = tpu.memref_squeeze %dma_wait3A_699 : memref<1x16x128xf32, #tpu.memory_space<vmem>> -> memref<16x128xf32, #tpu.memory_space<vmem>>
      %dma_wait3A_701 = arith.constant 0 : i32
      %dma_wait3A_702 = tpu.memref_slice %arg7[%dma_wait3A_701, %multiple_of3A_239] : memref<16x1000000xf32, #tpu.memory_space<hbm>> -> memref<16x128xf32, #tpu.memory_space<hbm>>
      %dma_wait3A_703 = arith.constant 0 : i32
      %dma_wait3A_704 = arith.constant 0 : i32
      %dma_wait3A_705 = tpu.memref_slice %arg18[%dma_wait3A_696, %dma_wait3A_703, %dma_wait3A_704] : memref<32x16x128xf32, #tpu.memory_space<vmem>> -> memref<1x16x128xf32, #tpu.memory_space<vmem>>
      %dma_wait3A_706 = tpu.memref_squeeze %dma_wait3A_705 : memref<1x16x128xf32, #tpu.memory_space<vmem>> -> memref<16x128xf32, #tpu.memory_space<vmem>>
      %dma_wait3A_707 = arith.constant 0 : i32
      %dma_wait3A_708 = tpu.memref_slice %arg7[%dma_wait3A_707, %multiple_of3A_239] : memref<16x1000000xf32, #tpu.memory_space<hbm>> -> memref<16x128xf32, #tpu.memory_space<hbm>>
      tpu.wait_dma2 semaphore(%arg23 : memref<!tpu.dma_semaphore, #tpu.memory_space<semaphore_mem>>) src(%dma_wait3A_708 : memref<16x128xf32, #tpu.memory_space<hbm>>) dst(%dma_wait3A_706 : memref<16x128xf32, #tpu.memory_space<vmem>>)
      %dma_wait3A_709 = arith.constant 14 : i32
      %dma_wait3A_710 = arith.constant 0 : i32
      %dma_wait3A_711 = arith.constant 0 : i32
      %dma_wait3A_712 = tpu.memref_slice %arg18[%dma_wait3A_709, %dma_wait3A_710, %dma_wait3A_711] : memref<32x16x128xf32, #tpu.memory_space<vmem>> -> memref<1x16x128xf32, #tpu.memory_space<vmem>>
      %dma_wait3A_713 = tpu.memref_squeeze %dma_wait3A_712 : memref<1x16x128xf32, #tpu.memory_space<vmem>> -> memref<16x128xf32, #tpu.memory_space<vmem>>
      %dma_wait3A_714 = arith.constant 0 : i32
      %dma_wait3A_715 = tpu.memref_slice %arg6[%dma_wait3A_714, %multiple_of3A_268] : memref<16x1000000xf32, #tpu.memory_space<hbm>> -> memref<16x128xf32, #tpu.memory_space<hbm>>
      %dma_wait3A_716 = arith.constant 0 : i32
      %dma_wait3A_717 = arith.constant 0 : i32
      %dma_wait3A_718 = tpu.memref_slice %arg18[%dma_wait3A_709, %dma_wait3A_716, %dma_wait3A_717] : memref<32x16x128xf32, #tpu.memory_space<vmem>> -> memref<1x16x128xf32, #tpu.memory_space<vmem>>
      %dma_wait3A_719 = tpu.memref_squeeze %dma_wait3A_718 : memref<1x16x128xf32, #tpu.memory_space<vmem>> -> memref<16x128xf32, #tpu.memory_space<vmem>>
      %dma_wait3A_720 = arith.constant 0 : i32
      %dma_wait3A_721 = tpu.memref_slice %arg6[%dma_wait3A_720, %multiple_of3A_268] : memref<16x1000000xf32, #tpu.memory_space<hbm>> -> memref<16x128xf32, #tpu.memory_space<hbm>>
      tpu.wait_dma2 semaphore(%arg23 : memref<!tpu.dma_semaphore, #tpu.memory_space<semaphore_mem>>) src(%dma_wait3A_721 : memref<16x128xf32, #tpu.memory_space<hbm>>) dst(%dma_wait3A_719 : memref<16x128xf32, #tpu.memory_space<vmem>>)
      %dma_wait3A_722 = arith.constant 15 : i32
      %dma_wait3A_723 = arith.constant 0 : i32
      %dma_wait3A_724 = arith.constant 0 : i32
      %dma_wait3A_725 = tpu.memref_slice %arg18[%dma_wait3A_722, %dma_wait3A_723, %dma_wait3A_724] : memref<32x16x128xf32, #tpu.memory_space<vmem>> -> memref<1x16x128xf32, #tpu.memory_space<vmem>>
      %dma_wait3A_726 = tpu.memref_squeeze %dma_wait3A_725 : memref<1x16x128xf32, #tpu.memory_space<vmem>> -> memref<16x128xf32, #tpu.memory_space<vmem>>
      %dma_wait3A_727 = arith.constant 0 : i32
      %dma_wait3A_728 = tpu.memref_slice %arg7[%dma_wait3A_727, %multiple_of3A_268] : memref<16x1000000xf32, #tpu.memory_space<hbm>> -> memref<16x128xf32, #tpu.memory_space<hbm>>
      %dma_wait3A_729 = arith.constant 0 : i32
      %dma_wait3A_730 = arith.constant 0 : i32
      %dma_wait3A_731 = tpu.memref_slice %arg18[%dma_wait3A_722, %dma_wait3A_729, %dma_wait3A_730] : memref<32x16x128xf32, #tpu.memory_space<vmem>> -> memref<1x16x128xf32, #tpu.memory_space<vmem>>
      %dma_wait3A_732 = tpu.memref_squeeze %dma_wait3A_731 : memref<1x16x128xf32, #tpu.memory_space<vmem>> -> memref<16x128xf32, #tpu.memory_space<vmem>>
      %dma_wait3A_733 = arith.constant 0 : i32
      %dma_wait3A_734 = tpu.memref_slice %arg7[%dma_wait3A_733, %multiple_of3A_268] : memref<16x1000000xf32, #tpu.memory_space<hbm>> -> memref<16x128xf32, #tpu.memory_space<hbm>>
      tpu.wait_dma2 semaphore(%arg23 : memref<!tpu.dma_semaphore, #tpu.memory_space<semaphore_mem>>) src(%dma_wait3A_734 : memref<16x128xf32, #tpu.memory_space<hbm>>) dst(%dma_wait3A_732 : memref<16x128xf32, #tpu.memory_space<vmem>>)
      %dma_wait3A_735 = arith.constant 16 : i32
      %dma_wait3A_736 = arith.constant 0 : i32
      %dma_wait3A_737 = arith.constant 0 : i32
      %dma_wait3A_738 = tpu.memref_slice %arg18[%dma_wait3A_735, %dma_wait3A_736, %dma_wait3A_737] : memref<32x16x128xf32, #tpu.memory_space<vmem>> -> memref<1x16x128xf32, #tpu.memory_space<vmem>>
      %dma_wait3A_739 = tpu.memref_squeeze %dma_wait3A_738 : memref<1x16x128xf32, #tpu.memory_space<vmem>> -> memref<16x128xf32, #tpu.memory_space<vmem>>
      %dma_wait3A_740 = arith.constant 0 : i32
      %dma_wait3A_741 = tpu.memref_slice %arg6[%dma_wait3A_740, %multiple_of3A_297] : memref<16x1000000xf32, #tpu.memory_space<hbm>> -> memref<16x128xf32, #tpu.memory_space<hbm>>
      %dma_wait3A_742 = arith.constant 0 : i32
      %dma_wait3A_743 = arith.constant 0 : i32
      %dma_wait3A_744 = tpu.memref_slice %arg18[%dma_wait3A_735, %dma_wait3A_742, %dma_wait3A_743] : memref<32x16x128xf32, #tpu.memory_space<vmem>> -> memref<1x16x128xf32, #tpu.memory_space<vmem>>
      %dma_wait3A_745 = tpu.memref_squeeze %dma_wait3A_744 : memref<1x16x128xf32, #tpu.memory_space<vmem>> -> memref<16x128xf32, #tpu.memory_space<vmem>>
      %dma_wait3A_746 = arith.constant 0 : i32
      %dma_wait3A_747 = tpu.memref_slice %arg6[%dma_wait3A_746, %multiple_of3A_297] : memref<16x1000000xf32, #tpu.memory_space<hbm>> -> memref<16x128xf32, #tpu.memory_space<hbm>>
      tpu.wait_dma2 semaphore(%arg23 : memref<!tpu.dma_semaphore, #tpu.memory_space<semaphore_mem>>) src(%dma_wait3A_747 : memref<16x128xf32, #tpu.memory_space<hbm>>) dst(%dma_wait3A_745 : memref<16x128xf32, #tpu.memory_space<vmem>>)
      %dma_wait3A_748 = arith.constant 17 : i32
      %dma_wait3A_749 = arith.constant 0 : i32
      %dma_wait3A_750 = arith.constant 0 : i32
      %dma_wait3A_751 = tpu.memref_slice %arg18[%dma_wait3A_748, %dma_wait3A_749, %dma_wait3A_750] : memref<32x16x128xf32, #tpu.memory_space<vmem>> -> memref<1x16x128xf32, #tpu.memory_space<vmem>>
      %dma_wait3A_752 = tpu.memref_squeeze %dma_wait3A_751 : memref<1x16x128xf32, #tpu.memory_space<vmem>> -> memref<16x128xf32, #tpu.memory_space<vmem>>
      %dma_wait3A_753 = arith.constant 0 : i32
      %dma_wait3A_754 = tpu.memref_slice %arg7[%dma_wait3A_753, %multiple_of3A_297] : memref<16x1000000xf32, #tpu.memory_space<hbm>> -> memref<16x128xf32, #tpu.memory_space<hbm>>
      %dma_wait3A_755 = arith.constant 0 : i32
      %dma_wait3A_756 = arith.constant 0 : i32
      %dma_wait3A_757 = tpu.memref_slice %arg18[%dma_wait3A_748, %dma_wait3A_755, %dma_wait3A_756] : memref<32x16x128xf32, #tpu.memory_space<vmem>> -> memref<1x16x128xf32, #tpu.memory_space<vmem>>
      %dma_wait3A_758 = tpu.memref_squeeze %dma_wait3A_757 : memref<1x16x128xf32, #tpu.memory_space<vmem>> -> memref<16x128xf32, #tpu.memory_space<vmem>>
      %dma_wait3A_759 = arith.constant 0 : i32
      %dma_wait3A_760 = tpu.memref_slice %arg7[%dma_wait3A_759, %multiple_of3A_297] : memref<16x1000000xf32, #tpu.memory_space<hbm>> -> memref<16x128xf32, #tpu.memory_space<hbm>>
      tpu.wait_dma2 semaphore(%arg23 : memref<!tpu.dma_semaphore, #tpu.memory_space<semaphore_mem>>) src(%dma_wait3A_760 : memref<16x128xf32, #tpu.memory_space<hbm>>) dst(%dma_wait3A_758 : memref<16x128xf32, #tpu.memory_space<vmem>>)
      %dma_wait3A_761 = arith.constant 18 : i32
      %dma_wait3A_762 = arith.constant 0 : i32
      %dma_wait3A_763 = arith.constant 0 : i32
      %dma_wait3A_764 = tpu.memref_slice %arg18[%dma_wait3A_761, %dma_wait3A_762, %dma_wait3A_763] : memref<32x16x128xf32, #tpu.memory_space<vmem>> -> memref<1x16x128xf32, #tpu.memory_space<vmem>>
      %dma_wait3A_765 = tpu.memref_squeeze %dma_wait3A_764 : memref<1x16x128xf32, #tpu.memory_space<vmem>> -> memref<16x128xf32, #tpu.memory_space<vmem>>
      %dma_wait3A_766 = arith.constant 0 : i32
      %dma_wait3A_767 = tpu.memref_slice %arg6[%dma_wait3A_766, %multiple_of3A_326] : memref<16x1000000xf32, #tpu.memory_space<hbm>> -> memref<16x128xf32, #tpu.memory_space<hbm>>
      %dma_wait3A_768 = arith.constant 0 : i32
      %dma_wait3A_769 = arith.constant 0 : i32
      %dma_wait3A_770 = tpu.memref_slice %arg18[%dma_wait3A_761, %dma_wait3A_768, %dma_wait3A_769] : memref<32x16x128xf32, #tpu.memory_space<vmem>> -> memref<1x16x128xf32, #tpu.memory_space<vmem>>
      %dma_wait3A_771 = tpu.memref_squeeze %dma_wait3A_770 : memref<1x16x128xf32, #tpu.memory_space<vmem>> -> memref<16x128xf32, #tpu.memory_space<vmem>>
      %dma_wait3A_772 = arith.constant 0 : i32
      %dma_wait3A_773 = tpu.memref_slice %arg6[%dma_wait3A_772, %multiple_of3A_326] : memref<16x1000000xf32, #tpu.memory_space<hbm>> -> memref<16x128xf32, #tpu.memory_space<hbm>>
      tpu.wait_dma2 semaphore(%arg23 : memref<!tpu.dma_semaphore, #tpu.memory_space<semaphore_mem>>) src(%dma_wait3A_773 : memref<16x128xf32, #tpu.memory_space<hbm>>) dst(%dma_wait3A_771 : memref<16x128xf32, #tpu.memory_space<vmem>>)
      %dma_wait3A_774 = arith.constant 19 : i32
      %dma_wait3A_775 = arith.constant 0 : i32
      %dma_wait3A_776 = arith.constant 0 : i32
      %dma_wait3A_777 = tpu.memref_slice %arg18[%dma_wait3A_774, %dma_wait3A_775, %dma_wait3A_776] : memref<32x16x128xf32, #tpu.memory_space<vmem>> -> memref<1x16x128xf32, #tpu.memory_space<vmem>>
      %dma_wait3A_778 = tpu.memref_squeeze %dma_wait3A_777 : memref<1x16x128xf32, #tpu.memory_space<vmem>> -> memref<16x128xf32, #tpu.memory_space<vmem>>
      %dma_wait3A_779 = arith.constant 0 : i32
      %dma_wait3A_780 = tpu.memref_slice %arg7[%dma_wait3A_779, %multiple_of3A_326] : memref<16x1000000xf32, #tpu.memory_space<hbm>> -> memref<16x128xf32, #tpu.memory_space<hbm>>
      %dma_wait3A_781 = arith.constant 0 : i32
      %dma_wait3A_782 = arith.constant 0 : i32
      %dma_wait3A_783 = tpu.memref_slice %arg18[%dma_wait3A_774, %dma_wait3A_781, %dma_wait3A_782] : memref<32x16x128xf32, #tpu.memory_space<vmem>> -> memref<1x16x128xf32, #tpu.memory_space<vmem>>
      %dma_wait3A_784 = tpu.memref_squeeze %dma_wait3A_783 : memref<1x16x128xf32, #tpu.memory_space<vmem>> -> memref<16x128xf32, #tpu.memory_space<vmem>>
      %dma_wait3A_785 = arith.constant 0 : i32
      %dma_wait3A_786 = tpu.memref_slice %arg7[%dma_wait3A_785, %multiple_of3A_326] : memref<16x1000000xf32, #tpu.memory_space<hbm>> -> memref<16x128xf32, #tpu.memory_space<hbm>>
      tpu.wait_dma2 semaphore(%arg23 : memref<!tpu.dma_semaphore, #tpu.memory_space<semaphore_mem>>) src(%dma_wait3A_786 : memref<16x128xf32, #tpu.memory_space<hbm>>) dst(%dma_wait3A_784 : memref<16x128xf32, #tpu.memory_space<vmem>>)
      %dma_wait3A_787 = arith.constant 20 : i32
      %dma_wait3A_788 = arith.constant 0 : i32
      %dma_wait3A_789 = arith.constant 0 : i32
      %dma_wait3A_790 = tpu.memref_slice %arg18[%dma_wait3A_787, %dma_wait3A_788, %dma_wait3A_789] : memref<32x16x128xf32, #tpu.memory_space<vmem>> -> memref<1x16x128xf32, #tpu.memory_space<vmem>>
      %dma_wait3A_791 = tpu.memref_squeeze %dma_wait3A_790 : memref<1x16x128xf32, #tpu.memory_space<vmem>> -> memref<16x128xf32, #tpu.memory_space<vmem>>
      %dma_wait3A_792 = arith.constant 0 : i32
      %dma_wait3A_793 = tpu.memref_slice %arg6[%dma_wait3A_792, %multiple_of3A_355] : memref<16x1000000xf32, #tpu.memory_space<hbm>> -> memref<16x128xf32, #tpu.memory_space<hbm>>
      %dma_wait3A_794 = arith.constant 0 : i32
      %dma_wait3A_795 = arith.constant 0 : i32
      %dma_wait3A_796 = tpu.memref_slice %arg18[%dma_wait3A_787, %dma_wait3A_794, %dma_wait3A_795] : memref<32x16x128xf32, #tpu.memory_space<vmem>> -> memref<1x16x128xf32, #tpu.memory_space<vmem>>
      %dma_wait3A_797 = tpu.memref_squeeze %dma_wait3A_796 : memref<1x16x128xf32, #tpu.memory_space<vmem>> -> memref<16x128xf32, #tpu.memory_space<vmem>>
      %dma_wait3A_798 = arith.constant 0 : i32
      %dma_wait3A_799 = tpu.memref_slice %arg6[%dma_wait3A_798, %multiple_of3A_355] : memref<16x1000000xf32, #tpu.memory_space<hbm>> -> memref<16x128xf32, #tpu.memory_space<hbm>>
      tpu.wait_dma2 semaphore(%arg23 : memref<!tpu.dma_semaphore, #tpu.memory_space<semaphore_mem>>) src(%dma_wait3A_799 : memref<16x128xf32, #tpu.memory_space<hbm>>) dst(%dma_wait3A_797 : memref<16x128xf32, #tpu.memory_space<vmem>>)
      %dma_wait3A_800 = arith.constant 21 : i32
      %dma_wait3A_801 = arith.constant 0 : i32
      %dma_wait3A_802 = arith.constant 0 : i32
      %dma_wait3A_803 = tpu.memref_slice %arg18[%dma_wait3A_800, %dma_wait3A_801, %dma_wait3A_802] : memref<32x16x128xf32, #tpu.memory_space<vmem>> -> memref<1x16x128xf32, #tpu.memory_space<vmem>>
      %dma_wait3A_804 = tpu.memref_squeeze %dma_wait3A_803 : memref<1x16x128xf32, #tpu.memory_space<vmem>> -> memref<16x128xf32, #tpu.memory_space<vmem>>
      %dma_wait3A_805 = arith.constant 0 : i32
      %dma_wait3A_806 = tpu.memref_slice %arg7[%dma_wait3A_805, %multiple_of3A_355] : memref<16x1000000xf32, #tpu.memory_space<hbm>> -> memref<16x128xf32, #tpu.memory_space<hbm>>
      %dma_wait3A_807 = arith.constant 0 : i32
      %dma_wait3A_808 = arith.constant 0 : i32
      %dma_wait3A_809 = tpu.memref_slice %arg18[%dma_wait3A_800, %dma_wait3A_807, %dma_wait3A_808] : memref<32x16x128xf32, #tpu.memory_space<vmem>> -> memref<1x16x128xf32, #tpu.memory_space<vmem>>
      %dma_wait3A_810 = tpu.memref_squeeze %dma_wait3A_809 : memref<1x16x128xf32, #tpu.memory_space<vmem>> -> memref<16x128xf32, #tpu.memory_space<vmem>>
      %dma_wait3A_811 = arith.constant 0 : i32
      %dma_wait3A_812 = tpu.memref_slice %arg7[%dma_wait3A_811, %multiple_of3A_355] : memref<16x1000000xf32, #tpu.memory_space<hbm>> -> memref<16x128xf32, #tpu.memory_space<hbm>>
      tpu.wait_dma2 semaphore(%arg23 : memref<!tpu.dma_semaphore, #tpu.memory_space<semaphore_mem>>) src(%dma_wait3A_812 : memref<16x128xf32, #tpu.memory_space<hbm>>) dst(%dma_wait3A_810 : memref<16x128xf32, #tpu.memory_space<vmem>>)
      %dma_wait3A_813 = arith.constant 22 : i32
      %dma_wait3A_814 = arith.constant 0 : i32
      %dma_wait3A_815 = arith.constant 0 : i32
      %dma_wait3A_816 = tpu.memref_slice %arg18[%dma_wait3A_813, %dma_wait3A_814, %dma_wait3A_815] : memref<32x16x128xf32, #tpu.memory_space<vmem>> -> memref<1x16x128xf32, #tpu.memory_space<vmem>>
      %dma_wait3A_817 = tpu.memref_squeeze %dma_wait3A_816 : memref<1x16x128xf32, #tpu.memory_space<vmem>> -> memref<16x128xf32, #tpu.memory_space<vmem>>
      %dma_wait3A_818 = arith.constant 0 : i32
      %dma_wait3A_819 = tpu.memref_slice %arg6[%dma_wait3A_818, %multiple_of3A_384] : memref<16x1000000xf32, #tpu.memory_space<hbm>> -> memref<16x128xf32, #tpu.memory_space<hbm>>
      %dma_wait3A_820 = arith.constant 0 : i32
      %dma_wait3A_821 = arith.constant 0 : i32
      %dma_wait3A_822 = tpu.memref_slice %arg18[%dma_wait3A_813, %dma_wait3A_820, %dma_wait3A_821] : memref<32x16x128xf32, #tpu.memory_space<vmem>> -> memref<1x16x128xf32, #tpu.memory_space<vmem>>
      %dma_wait3A_823 = tpu.memref_squeeze %dma_wait3A_822 : memref<1x16x128xf32, #tpu.memory_space<vmem>> -> memref<16x128xf32, #tpu.memory_space<vmem>>
      %dma_wait3A_824 = arith.constant 0 : i32
      %dma_wait3A_825 = tpu.memref_slice %arg6[%dma_wait3A_824, %multiple_of3A_384] : memref<16x1000000xf32, #tpu.memory_space<hbm>> -> memref<16x128xf32, #tpu.memory_space<hbm>>
      tpu.wait_dma2 semaphore(%arg23 : memref<!tpu.dma_semaphore, #tpu.memory_space<semaphore_mem>>) src(%dma_wait3A_825 : memref<16x128xf32, #tpu.memory_space<hbm>>) dst(%dma_wait3A_823 : memref<16x128xf32, #tpu.memory_space<vmem>>)
      %dma_wait3A_826 = arith.constant 23 : i32
      %dma_wait3A_827 = arith.constant 0 : i32
      %dma_wait3A_828 = arith.constant 0 : i32
      %dma_wait3A_829 = tpu.memref_slice %arg18[%dma_wait3A_826, %dma_wait3A_827, %dma_wait3A_828] : memref<32x16x128xf32, #tpu.memory_space<vmem>> -> memref<1x16x128xf32, #tpu.memory_space<vmem>>
      %dma_wait3A_830 = tpu.memref_squeeze %dma_wait3A_829 : memref<1x16x128xf32, #tpu.memory_space<vmem>> -> memref<16x128xf32, #tpu.memory_space<vmem>>
      %dma_wait3A_831 = arith.constant 0 : i32
      %dma_wait3A_832 = tpu.memref_slice %arg7[%dma_wait3A_831, %multiple_of3A_384] : memref<16x1000000xf32, #tpu.memory_space<hbm>> -> memref<16x128xf32, #tpu.memory_space<hbm>>
      %dma_wait3A_833 = arith.constant 0 : i32
      %dma_wait3A_834 = arith.constant 0 : i32
      %dma_wait3A_835 = tpu.memref_slice %arg18[%dma_wait3A_826, %dma_wait3A_833, %dma_wait3A_834] : memref<32x16x128xf32, #tpu.memory_space<vmem>> -> memref<1x16x128xf32, #tpu.memory_space<vmem>>
      %dma_wait3A_836 = tpu.memref_squeeze %dma_wait3A_835 : memref<1x16x128xf32, #tpu.memory_space<vmem>> -> memref<16x128xf32, #tpu.memory_space<vmem>>
      %dma_wait3A_837 = arith.constant 0 : i32
      %dma_wait3A_838 = tpu.memref_slice %arg7[%dma_wait3A_837, %multiple_of3A_384] : memref<16x1000000xf32, #tpu.memory_space<hbm>> -> memref<16x128xf32, #tpu.memory_space<hbm>>
      tpu.wait_dma2 semaphore(%arg23 : memref<!tpu.dma_semaphore, #tpu.memory_space<semaphore_mem>>) src(%dma_wait3A_838 : memref<16x128xf32, #tpu.memory_space<hbm>>) dst(%dma_wait3A_836 : memref<16x128xf32, #tpu.memory_space<vmem>>)
      %dma_wait3A_839 = arith.constant 24 : i32
      %dma_wait3A_840 = arith.constant 0 : i32
      %dma_wait3A_841 = arith.constant 0 : i32
      %dma_wait3A_842 = tpu.memref_slice %arg18[%dma_wait3A_839, %dma_wait3A_840, %dma_wait3A_841] : memref<32x16x128xf32, #tpu.memory_space<vmem>> -> memref<1x16x128xf32, #tpu.memory_space<vmem>>
      %dma_wait3A_843 = tpu.memref_squeeze %dma_wait3A_842 : memref<1x16x128xf32, #tpu.memory_space<vmem>> -> memref<16x128xf32, #tpu.memory_space<vmem>>
      %dma_wait3A_844 = arith.constant 0 : i32
      %dma_wait3A_845 = tpu.memref_slice %arg6[%dma_wait3A_844, %multiple_of3A_413] : memref<16x1000000xf32, #tpu.memory_space<hbm>> -> memref<16x128xf32, #tpu.memory_space<hbm>>
      %dma_wait3A_846 = arith.constant 0 : i32
      %dma_wait3A_847 = arith.constant 0 : i32
      %dma_wait3A_848 = tpu.memref_slice %arg18[%dma_wait3A_839, %dma_wait3A_846, %dma_wait3A_847] : memref<32x16x128xf32, #tpu.memory_space<vmem>> -> memref<1x16x128xf32, #tpu.memory_space<vmem>>
      %dma_wait3A_849 = tpu.memref_squeeze %dma_wait3A_848 : memref<1x16x128xf32, #tpu.memory_space<vmem>> -> memref<16x128xf32, #tpu.memory_space<vmem>>
      %dma_wait3A_850 = arith.constant 0 : i32
      %dma_wait3A_851 = tpu.memref_slice %arg6[%dma_wait3A_850, %multiple_of3A_413] : memref<16x1000000xf32, #tpu.memory_space<hbm>> -> memref<16x128xf32, #tpu.memory_space<hbm>>
      tpu.wait_dma2 semaphore(%arg23 : memref<!tpu.dma_semaphore, #tpu.memory_space<semaphore_mem>>) src(%dma_wait3A_851 : memref<16x128xf32, #tpu.memory_space<hbm>>) dst(%dma_wait3A_849 : memref<16x128xf32, #tpu.memory_space<vmem>>)
      %dma_wait3A_852 = arith.constant 25 : i32
      %dma_wait3A_853 = arith.constant 0 : i32
      %dma_wait3A_854 = arith.constant 0 : i32
      %dma_wait3A_855 = tpu.memref_slice %arg18[%dma_wait3A_852, %dma_wait3A_853, %dma_wait3A_854] : memref<32x16x128xf32, #tpu.memory_space<vmem>> -> memref<1x16x128xf32, #tpu.memory_space<vmem>>
      %dma_wait3A_856 = tpu.memref_squeeze %dma_wait3A_855 : memref<1x16x128xf32, #tpu.memory_space<vmem>> -> memref<16x128xf32, #tpu.memory_space<vmem>>
      %dma_wait3A_857 = arith.constant 0 : i32
      %dma_wait3A_858 = tpu.memref_slice %arg7[%dma_wait3A_857, %multiple_of3A_413] : memref<16x1000000xf32, #tpu.memory_space<hbm>> -> memref<16x128xf32, #tpu.memory_space<hbm>>
      %dma_wait3A_859 = arith.constant 0 : i32
      %dma_wait3A_860 = arith.constant 0 : i32
      %dma_wait3A_861 = tpu.memref_slice %arg18[%dma_wait3A_852, %dma_wait3A_859, %dma_wait3A_860] : memref<32x16x128xf32, #tpu.memory_space<vmem>> -> memref<1x16x128xf32, #tpu.memory_space<vmem>>
      %dma_wait3A_862 = tpu.memref_squeeze %dma_wait3A_861 : memref<1x16x128xf32, #tpu.memory_space<vmem>> -> memref<16x128xf32, #tpu.memory_space<vmem>>
      %dma_wait3A_863 = arith.constant 0 : i32
      %dma_wait3A_864 = tpu.memref_slice %arg7[%dma_wait3A_863, %multiple_of3A_413] : memref<16x1000000xf32, #tpu.memory_space<hbm>> -> memref<16x128xf32, #tpu.memory_space<hbm>>
      tpu.wait_dma2 semaphore(%arg23 : memref<!tpu.dma_semaphore, #tpu.memory_space<semaphore_mem>>) src(%dma_wait3A_864 : memref<16x128xf32, #tpu.memory_space<hbm>>) dst(%dma_wait3A_862 : memref<16x128xf32, #tpu.memory_space<vmem>>)
      %dma_wait3A_865 = arith.constant 26 : i32
      %dma_wait3A_866 = arith.constant 0 : i32
      %dma_wait3A_867 = arith.constant 0 : i32
      %dma_wait3A_868 = tpu.memref_slice %arg18[%dma_wait3A_865, %dma_wait3A_866, %dma_wait3A_867] : memref<32x16x128xf32, #tpu.memory_space<vmem>> -> memref<1x16x128xf32, #tpu.memory_space<vmem>>
      %dma_wait3A_869 = tpu.memref_squeeze %dma_wait3A_868 : memref<1x16x128xf32, #tpu.memory_space<vmem>> -> memref<16x128xf32, #tpu.memory_space<vmem>>
      %dma_wait3A_870 = arith.constant 0 : i32
      %dma_wait3A_871 = tpu.memref_slice %arg6[%dma_wait3A_870, %multiple_of3A_442] : memref<16x1000000xf32, #tpu.memory_space<hbm>> -> memref<16x128xf32, #tpu.memory_space<hbm>>
      %dma_wait3A_872 = arith.constant 0 : i32
      %dma_wait3A_873 = arith.constant 0 : i32
      %dma_wait3A_874 = tpu.memref_slice %arg18[%dma_wait3A_865, %dma_wait3A_872, %dma_wait3A_873] : memref<32x16x128xf32, #tpu.memory_space<vmem>> -> memref<1x16x128xf32, #tpu.memory_space<vmem>>
      %dma_wait3A_875 = tpu.memref_squeeze %dma_wait3A_874 : memref<1x16x128xf32, #tpu.memory_space<vmem>> -> memref<16x128xf32, #tpu.memory_space<vmem>>
      %dma_wait3A_876 = arith.constant 0 : i32
      %dma_wait3A_877 = tpu.memref_slice %arg6[%dma_wait3A_876, %multiple_of3A_442] : memref<16x1000000xf32, #tpu.memory_space<hbm>> -> memref<16x128xf32, #tpu.memory_space<hbm>>
      tpu.wait_dma2 semaphore(%arg23 : memref<!tpu.dma_semaphore, #tpu.memory_space<semaphore_mem>>) src(%dma_wait3A_877 : memref<16x128xf32, #tpu.memory_space<hbm>>) dst(%dma_wait3A_875 : memref<16x128xf32, #tpu.memory_space<vmem>>)
      %dma_wait3A_878 = arith.constant 27 : i32
      %dma_wait3A_879 = arith.constant 0 : i32
      %dma_wait3A_880 = arith.constant 0 : i32
      %dma_wait3A_881 = tpu.memref_slice %arg18[%dma_wait3A_878, %dma_wait3A_879, %dma_wait3A_880] : memref<32x16x128xf32, #tpu.memory_space<vmem>> -> memref<1x16x128xf32, #tpu.memory_space<vmem>>
      %dma_wait3A_882 = tpu.memref_squeeze %dma_wait3A_881 : memref<1x16x128xf32, #tpu.memory_space<vmem>> -> memref<16x128xf32, #tpu.memory_space<vmem>>
      %dma_wait3A_883 = arith.constant 0 : i32
      %dma_wait3A_884 = tpu.memref_slice %arg7[%dma_wait3A_883, %multiple_of3A_442] : memref<16x1000000xf32, #tpu.memory_space<hbm>> -> memref<16x128xf32, #tpu.memory_space<hbm>>
      %dma_wait3A_885 = arith.constant 0 : i32
      %dma_wait3A_886 = arith.constant 0 : i32
      %dma_wait3A_887 = tpu.memref_slice %arg18[%dma_wait3A_878, %dma_wait3A_885, %dma_wait3A_886] : memref<32x16x128xf32, #tpu.memory_space<vmem>> -> memref<1x16x128xf32, #tpu.memory_space<vmem>>
      %dma_wait3A_888 = tpu.memref_squeeze %dma_wait3A_887 : memref<1x16x128xf32, #tpu.memory_space<vmem>> -> memref<16x128xf32, #tpu.memory_space<vmem>>
      %dma_wait3A_889 = arith.constant 0 : i32
      %dma_wait3A_890 = tpu.memref_slice %arg7[%dma_wait3A_889, %multiple_of3A_442] : memref<16x1000000xf32, #tpu.memory_space<hbm>> -> memref<16x128xf32, #tpu.memory_space<hbm>>
      tpu.wait_dma2 semaphore(%arg23 : memref<!tpu.dma_semaphore, #tpu.memory_space<semaphore_mem>>) src(%dma_wait3A_890 : memref<16x128xf32, #tpu.memory_space<hbm>>) dst(%dma_wait3A_888 : memref<16x128xf32, #tpu.memory_space<vmem>>)
      %dma_wait3A_891 = arith.constant 28 : i32
      %dma_wait3A_892 = arith.constant 0 : i32
      %dma_wait3A_893 = arith.constant 0 : i32
      %dma_wait3A_894 = tpu.memref_slice %arg18[%dma_wait3A_891, %dma_wait3A_892, %dma_wait3A_893] : memref<32x16x128xf32, #tpu.memory_space<vmem>> -> memref<1x16x128xf32, #tpu.memory_space<vmem>>
      %dma_wait3A_895 = tpu.memref_squeeze %dma_wait3A_894 : memref<1x16x128xf32, #tpu.memory_space<vmem>> -> memref<16x128xf32, #tpu.memory_space<vmem>>
      %dma_wait3A_896 = arith.constant 0 : i32
      %dma_wait3A_897 = tpu.memref_slice %arg6[%dma_wait3A_896, %multiple_of3A_471] : memref<16x1000000xf32, #tpu.memory_space<hbm>> -> memref<16x128xf32, #tpu.memory_space<hbm>>
      %dma_wait3A_898 = arith.constant 0 : i32
      %dma_wait3A_899 = arith.constant 0 : i32
      %dma_wait3A_900 = tpu.memref_slice %arg18[%dma_wait3A_891, %dma_wait3A_898, %dma_wait3A_899] : memref<32x16x128xf32, #tpu.memory_space<vmem>> -> memref<1x16x128xf32, #tpu.memory_space<vmem>>
      %dma_wait3A_901 = tpu.memref_squeeze %dma_wait3A_900 : memref<1x16x128xf32, #tpu.memory_space<vmem>> -> memref<16x128xf32, #tpu.memory_space<vmem>>
      %dma_wait3A_902 = arith.constant 0 : i32
      %dma_wait3A_903 = tpu.memref_slice %arg6[%dma_wait3A_902, %multiple_of3A_471] : memref<16x1000000xf32, #tpu.memory_space<hbm>> -> memref<16x128xf32, #tpu.memory_space<hbm>>
      tpu.wait_dma2 semaphore(%arg23 : memref<!tpu.dma_semaphore, #tpu.memory_space<semaphore_mem>>) src(%dma_wait3A_903 : memref<16x128xf32, #tpu.memory_space<hbm>>) dst(%dma_wait3A_901 : memref<16x128xf32, #tpu.memory_space<vmem>>)
      %dma_wait3A_904 = arith.constant 29 : i32
      %dma_wait3A_905 = arith.constant 0 : i32
      %dma_wait3A_906 = arith.constant 0 : i32
      %dma_wait3A_907 = tpu.memref_slice %arg18[%dma_wait3A_904, %dma_wait3A_905, %dma_wait3A_906] : memref<32x16x128xf32, #tpu.memory_space<vmem>> -> memref<1x16x128xf32, #tpu.memory_space<vmem>>
      %dma_wait3A_908 = tpu.memref_squeeze %dma_wait3A_907 : memref<1x16x128xf32, #tpu.memory_space<vmem>> -> memref<16x128xf32, #tpu.memory_space<vmem>>
      %dma_wait3A_909 = arith.constant 0 : i32
      %dma_wait3A_910 = tpu.memref_slice %arg7[%dma_wait3A_909, %multiple_of3A_471] : memref<16x1000000xf32, #tpu.memory_space<hbm>> -> memref<16x128xf32, #tpu.memory_space<hbm>>
      %dma_wait3A_911 = arith.constant 0 : i32
      %dma_wait3A_912 = arith.constant 0 : i32
      %dma_wait3A_913 = tpu.memref_slice %arg18[%dma_wait3A_904, %dma_wait3A_911, %dma_wait3A_912] : memref<32x16x128xf32, #tpu.memory_space<vmem>> -> memref<1x16x128xf32, #tpu.memory_space<vmem>>
      %dma_wait3A_914 = tpu.memref_squeeze %dma_wait3A_913 : memref<1x16x128xf32, #tpu.memory_space<vmem>> -> memref<16x128xf32, #tpu.memory_space<vmem>>
      %dma_wait3A_915 = arith.constant 0 : i32
      %dma_wait3A_916 = tpu.memref_slice %arg7[%dma_wait3A_915, %multiple_of3A_471] : memref<16x1000000xf32, #tpu.memory_space<hbm>> -> memref<16x128xf32, #tpu.memory_space<hbm>>
      tpu.wait_dma2 semaphore(%arg23 : memref<!tpu.dma_semaphore, #tpu.memory_space<semaphore_mem>>) src(%dma_wait3A_916 : memref<16x128xf32, #tpu.memory_space<hbm>>) dst(%dma_wait3A_914 : memref<16x128xf32, #tpu.memory_space<vmem>>)
      %dma_wait3A_917 = arith.constant 30 : i32
      %dma_wait3A_918 = arith.constant 0 : i32
      %dma_wait3A_919 = arith.constant 0 : i32
      %dma_wait3A_920 = tpu.memref_slice %arg18[%dma_wait3A_917, %dma_wait3A_918, %dma_wait3A_919] : memref<32x16x128xf32, #tpu.memory_space<vmem>> -> memref<1x16x128xf32, #tpu.memory_space<vmem>>
      %dma_wait3A_921 = tpu.memref_squeeze %dma_wait3A_920 : memref<1x16x128xf32, #tpu.memory_space<vmem>> -> memref<16x128xf32, #tpu.memory_space<vmem>>
      %dma_wait3A_922 = arith.constant 0 : i32
      %dma_wait3A_923 = tpu.memref_slice %arg6[%dma_wait3A_922, %multiple_of3A_500] : memref<16x1000000xf32, #tpu.memory_space<hbm>> -> memref<16x128xf32, #tpu.memory_space<hbm>>
      %dma_wait3A_924 = arith.constant 0 : i32
      %dma_wait3A_925 = arith.constant 0 : i32
      %dma_wait3A_926 = tpu.memref_slice %arg18[%dma_wait3A_917, %dma_wait3A_924, %dma_wait3A_925] : memref<32x16x128xf32, #tpu.memory_space<vmem>> -> memref<1x16x128xf32, #tpu.memory_space<vmem>>
      %dma_wait3A_927 = tpu.memref_squeeze %dma_wait3A_926 : memref<1x16x128xf32, #tpu.memory_space<vmem>> -> memref<16x128xf32, #tpu.memory_space<vmem>>
      %dma_wait3A_928 = arith.constant 0 : i32
      %dma_wait3A_929 = tpu.memref_slice %arg6[%dma_wait3A_928, %multiple_of3A_500] : memref<16x1000000xf32, #tpu.memory_space<hbm>> -> memref<16x128xf32, #tpu.memory_space<hbm>>
      tpu.wait_dma2 semaphore(%arg23 : memref<!tpu.dma_semaphore, #tpu.memory_space<semaphore_mem>>) src(%dma_wait3A_929 : memref<16x128xf32, #tpu.memory_space<hbm>>) dst(%dma_wait3A_927 : memref<16x128xf32, #tpu.memory_space<vmem>>)
      %dma_wait3A_930 = arith.constant 31 : i32
      %dma_wait3A_931 = arith.constant 0 : i32
      %dma_wait3A_932 = arith.constant 0 : i32
      %dma_wait3A_933 = tpu.memref_slice %arg18[%dma_wait3A_930, %dma_wait3A_931, %dma_wait3A_932] : memref<32x16x128xf32, #tpu.memory_space<vmem>> -> memref<1x16x128xf32, #tpu.memory_space<vmem>>
      %dma_wait3A_934 = tpu.memref_squeeze %dma_wait3A_933 : memref<1x16x128xf32, #tpu.memory_space<vmem>> -> memref<16x128xf32, #tpu.memory_space<vmem>>
      %dma_wait3A_935 = arith.constant 0 : i32
      %dma_wait3A_936 = tpu.memref_slice %arg7[%dma_wait3A_935, %multiple_of3A_500] : memref<16x1000000xf32, #tpu.memory_space<hbm>> -> memref<16x128xf32, #tpu.memory_space<hbm>>
      %dma_wait3A_937 = arith.constant 0 : i32
      %dma_wait3A_938 = arith.constant 0 : i32
      %dma_wait3A_939 = tpu.memref_slice %arg18[%dma_wait3A_930, %dma_wait3A_937, %dma_wait3A_938] : memref<32x16x128xf32, #tpu.memory_space<vmem>> -> memref<1x16x128xf32, #tpu.memory_space<vmem>>
      %dma_wait3A_940 = tpu.memref_squeeze %dma_wait3A_939 : memref<1x16x128xf32, #tpu.memory_space<vmem>> -> memref<16x128xf32, #tpu.memory_space<vmem>>
      %dma_wait3A_941 = arith.constant 0 : i32
      %dma_wait3A_942 = tpu.memref_slice %arg7[%dma_wait3A_941, %multiple_of3A_500] : memref<16x1000000xf32, #tpu.memory_space<hbm>> -> memref<16x128xf32, #tpu.memory_space<hbm>>
      tpu.wait_dma2 semaphore(%arg23 : memref<!tpu.dma_semaphore, #tpu.memory_space<semaphore_mem>>) src(%dma_wait3A_942 : memref<16x128xf32, #tpu.memory_space<hbm>>) dst(%dma_wait3A_940 : memref<16x128xf32, #tpu.memory_space<vmem>>)
      %slice3A_943 = vector.extract_strided_slice %and3A_62 {offsets = [0], sizes = [1], strides = [1]} : vector<16xi32> to vector<1xi32>
      %squeeze3A_944 = vector.extract %slice3A_943[0] : i32 from vector<1xi32>
      %broadcast_in_dim3A = vector.broadcast %squeeze3A_944 : i32 to vector<16xi32>
      %gather3A = arith.constant 0 : i32
      %gather3A_945 = arith.constant 0 : i32
      %gather3A_946 = arith.constant 0 : i32
      %gather3A_947 = tpu.memref_slice %arg18[%gather3A, %gather3A_945, %gather3A_946] : memref<32x16x128xf32, #tpu.memory_space<vmem>> -> memref<1x16x128xf32, #tpu.memory_space<vmem>>
      %gather3A_948 = tpu.memref_squeeze %gather3A_947 : memref<1x16x128xf32, #tpu.memory_space<vmem>> -> memref<16x128xf32, #tpu.memory_space<vmem>>
      %gather3A_949 = tpu.vector_load_idx %gather3A_948[%iota3A, %broadcast_in_dim3A] : memref<16x128xf32, #tpu.memory_space<vmem>>[vector<16xi32>, vector<16xi32>], vector<16xf32>,
      %gather3A_950 = arith.constant 1 : i32
      %gather3A_951 = arith.constant 0 : i32
      %gather3A_952 = arith.constant 0 : i32
      %gather3A_953 = tpu.memref_slice %arg18[%gather3A_950, %gather3A_951, %gather3A_952] : memref<32x16x128xf32, #tpu.memory_space<vmem>> -> memref<1x16x128xf32, #tpu.memory_space<vmem>>
      %gather3A_954 = tpu.memref_squeeze %gather3A_953 : memref<1x16x128xf32, #tpu.memory_space<vmem>> -> memref<16x128xf32, #tpu.memory_space<vmem>>
      %gather3A_955 = tpu.vector_load_idx %gather3A_954[%iota3A, %broadcast_in_dim3A] : memref<16x128xf32, #tpu.memory_space<vmem>>[vector<16xi32>, vector<16xi32>], vector<16xf32>,
      %add3A_956 = arith.constant 0 : i32
      %add3A_957 = arith.addi %mul3A_49, %add3A_956 : i32
      %broadcast_in_dim3A_958 = vector.broadcast %add3A_957 : i32 to vector<16xi32>
      %gather3A_959 = tpu.vector_load_idx %arg28[%iota3A, %broadcast_in_dim3A_958] : memref<16x512xf32, #tpu.memory_space<vmem>>[vector<16xi32>, vector<16xi32>], vector<16xf32>,
      %mul3A_960 = arith.constant 5.000000e-01 : f32
      %mul3A_961 = vector.broadcast %mul3A_960 : f32 to vector<16xf32>
      %mul3A_962 = arith.mulf %mul3A_961, %gather3A_955 : vector<16xf32>
      %exp3A = math.exp %mul3A_962 : vector<16xf32>
      %mul3A_963 = arith.mulf %exp3A, %gather3A_959 : vector<16xf32>
      %add3A_964 = arith.addf %gather3A_949, %mul3A_963 : vector<16xf32>
      %swap3A = arith.constant 0 : index
      %swap3A_965 = tpu.vector_load %arg34[%swap3A] {strides = array<i32>} : memref<256xf32, #tpu.memory_space<vmem>>, vector<16xf32>,
      tpu.vector_store %arg34[%swap3A], %add3A_964 {strides = array<i32>} : memref<256xf32, #tpu.memory_space<vmem>>, vector<16xf32>,
      %slice3A_966 = vector.extract_strided_slice %and3A_62 {offsets = [1], sizes = [1], strides = [1]} : vector<16xi32> to vector<1xi32>
      %squeeze3A_967 = vector.extract %slice3A_966[0] : i32 from vector<1xi32>
      %broadcast_in_dim3A_968 = vector.broadcast %squeeze3A_967 : i32 to vector<16xi32>
      %gather3A_969 = arith.constant 2 : i32
      %gather3A_970 = arith.constant 0 : i32
      %gather3A_971 = arith.constant 0 : i32
      %gather3A_972 = tpu.memref_slice %arg18[%gather3A_969, %gather3A_970, %gather3A_971] : memref<32x16x128xf32, #tpu.memory_space<vmem>> -> memref<1x16x128xf32, #tpu.memory_space<vmem>>
      %gather3A_973 = tpu.memref_squeeze %gather3A_972 : memref<1x16x128xf32, #tpu.memory_space<vmem>> -> memref<16x128xf32, #tpu.memory_space<vmem>>
      %gather3A_974 = tpu.vector_load_idx %gather3A_973[%iota3A, %broadcast_in_dim3A_968] : memref<16x128xf32, #tpu.memory_space<vmem>>[vector<16xi32>, vector<16xi32>], vector<16xf32>,
      %gather3A_975 = arith.constant 3 : i32
      %gather3A_976 = arith.constant 0 : i32
      %gather3A_977 = arith.constant 0 : i32
      %gather3A_978 = tpu.memref_slice %arg18[%gather3A_975, %gather3A_976, %gather3A_977] : memref<32x16x128xf32, #tpu.memory_space<vmem>> -> memref<1x16x128xf32, #tpu.memory_space<vmem>>
      %gather3A_979 = tpu.memref_squeeze %gather3A_978 : memref<1x16x128xf32, #tpu.memory_space<vmem>> -> memref<16x128xf32, #tpu.memory_space<vmem>>
      %gather3A_980 = tpu.vector_load_idx %gather3A_979[%iota3A, %broadcast_in_dim3A_968] : memref<16x128xf32, #tpu.memory_space<vmem>>[vector<16xi32>, vector<16xi32>], vector<16xf32>,
      %add3A_981 = arith.constant 1 : i32
      %add3A_982 = arith.addi %mul3A_49, %add3A_981 : i32
      %broadcast_in_dim3A_983 = vector.broadcast %add3A_982 : i32 to vector<16xi32>
      %gather3A_984 = tpu.vector_load_idx %arg28[%iota3A, %broadcast_in_dim3A_983] : memref<16x512xf32, #tpu.memory_space<vmem>>[vector<16xi32>, vector<16xi32>], vector<16xf32>,
      %mul3A_985 = arith.constant 5.000000e-01 : f32
      %mul3A_986 = vector.broadcast %mul3A_985 : f32 to vector<16xf32>
      %mul3A_987 = arith.mulf %mul3A_986, %gather3A_980 : vector<16xf32>
      %exp3A_988 = math.exp %mul3A_987 : vector<16xf32>
      %mul3A_989 = arith.mulf %exp3A_988, %gather3A_984 : vector<16xf32>
      %add3A_990 = arith.addf %gather3A_974, %mul3A_989 : vector<16xf32>
      %swap3A_991 = arith.constant 16 : index
      %swap3A_992 = tpu.vector_load %arg34[%swap3A_991] {strides = array<i32>} : memref<256xf32, #tpu.memory_space<vmem>>, vector<16xf32>,
      tpu.vector_store %arg34[%swap3A_991], %add3A_990 {strides = array<i32>} : memref<256xf32, #tpu.memory_space<vmem>>, vector<16xf32>,
      %slice3A_993 = vector.extract_strided_slice %and3A_62 {offsets = [2], sizes = [1], strides = [1]} : vector<16xi32> to vector<1xi32>
      %squeeze3A_994 = vector.extract %slice3A_993[0] : i32 from vector<1xi32>
      %broadcast_in_dim3A_995 = vector.broadcast %squeeze3A_994 : i32 to vector<16xi32>
      %gather3A_996 = arith.constant 4 : i32
      %gather3A_997 = arith.constant 0 : i32
      %gather3A_998 = arith.constant 0 : i32
      %gather3A_999 = tpu.memref_slice %arg18[%gather3A_996, %gather3A_997, %gather3A_998] : memref<32x16x128xf32, #tpu.memory_space<vmem>> -> memref<1x16x128xf32, #tpu.memory_space<vmem>>
      %gather3A_1000 = tpu.memref_squeeze %gather3A_999 : memref<1x16x128xf32, #tpu.memory_space<vmem>> -> memref<16x128xf32, #tpu.memory_space<vmem>>
      %gather3A_1001 = tpu.vector_load_idx %gather3A_1000[%iota3A, %broadcast_in_dim3A_995] : memref<16x128xf32, #tpu.memory_space<vmem>>[vector<16xi32>, vector<16xi32>], vector<16xf32>,
      %gather3A_1002 = arith.constant 5 : i32
      %gather3A_1003 = arith.constant 0 : i32
      %gather3A_1004 = arith.constant 0 : i32
      %gather3A_1005 = tpu.memref_slice %arg18[%gather3A_1002, %gather3A_1003, %gather3A_1004] : memref<32x16x128xf32, #tpu.memory_space<vmem>> -> memref<1x16x128xf32, #tpu.memory_space<vmem>>
      %gather3A_1006 = tpu.memref_squeeze %gather3A_1005 : memref<1x16x128xf32, #tpu.memory_space<vmem>> -> memref<16x128xf32, #tpu.memory_space<vmem>>
      %gather3A_1007 = tpu.vector_load_idx %gather3A_1006[%iota3A, %broadcast_in_dim3A_995] : memref<16x128xf32, #tpu.memory_space<vmem>>[vector<16xi32>, vector<16xi32>], vector<16xf32>,
      %add3A_1008 = arith.constant 2 : i32
      %add3A_1009 = arith.addi %mul3A_49, %add3A_1008 : i32
      %broadcast_in_dim3A_1010 = vector.broadcast %add3A_1009 : i32 to vector<16xi32>
      %gather3A_1011 = tpu.vector_load_idx %arg28[%iota3A, %broadcast_in_dim3A_1010] : memref<16x512xf32, #tpu.memory_space<vmem>>[vector<16xi32>, vector<16xi32>], vector<16xf32>,
      %mul3A_1012 = arith.constant 5.000000e-01 : f32
      %mul3A_1013 = vector.broadcast %mul3A_1012 : f32 to vector<16xf32>
      %mul3A_1014 = arith.mulf %mul3A_1013, %gather3A_1007 : vector<16xf32>
      %exp3A_1015 = math.exp %mul3A_1014 : vector<16xf32>
      %mul3A_1016 = arith.mulf %exp3A_1015, %gather3A_1011 : vector<16xf32>
      %add3A_1017 = arith.addf %gather3A_1001, %mul3A_1016 : vector<16xf32>
      %swap3A_1018 = arith.constant 32 : index
      %swap3A_1019 = tpu.vector_load %arg34[%swap3A_1018] {strides = array<i32>} : memref<256xf32, #tpu.memory_space<vmem>>, vector<16xf32>,
      tpu.vector_store %arg34[%swap3A_1018], %add3A_1017 {strides = array<i32>} : memref<256xf32, #tpu.memory_space<vmem>>, vector<16xf32>,
      %slice3A_1020 = vector.extract_strided_slice %and3A_62 {offsets = [3], sizes = [1], strides = [1]} : vector<16xi32> to vector<1xi32>
      %squeeze3A_1021 = vector.extract %slice3A_1020[0] : i32 from vector<1xi32>
      %broadcast_in_dim3A_1022 = vector.broadcast %squeeze3A_1021 : i32 to vector<16xi32>
      %gather3A_1023 = arith.constant 6 : i32
      %gather3A_1024 = arith.constant 0 : i32
      %gather3A_1025 = arith.constant 0 : i32
      %gather3A_1026 = tpu.memref_slice %arg18[%gather3A_1023, %gather3A_1024, %gather3A_1025] : memref<32x16x128xf32, #tpu.memory_space<vmem>> -> memref<1x16x128xf32, #tpu.memory_space<vmem>>
      %gather3A_1027 = tpu.memref_squeeze %gather3A_1026 : memref<1x16x128xf32, #tpu.memory_space<vmem>> -> memref<16x128xf32, #tpu.memory_space<vmem>>
      %gather3A_1028 = tpu.vector_load_idx %gather3A_1027[%iota3A, %broadcast_in_dim3A_1022] : memref<16x128xf32, #tpu.memory_space<vmem>>[vector<16xi32>, vector<16xi32>], vector<16xf32>,
      %gather3A_1029 = arith.constant 7 : i32
      %gather3A_1030 = arith.constant 0 : i32
      %gather3A_1031 = arith.constant 0 : i32
      %gather3A_1032 = tpu.memref_slice %arg18[%gather3A_1029, %gather3A_1030, %gather3A_1031] : memref<32x16x128xf32, #tpu.memory_space<vmem>> -> memref<1x16x128xf32, #tpu.memory_space<vmem>>
      %gather3A_1033 = tpu.memref_squeeze %gather3A_1032 : memref<1x16x128xf32, #tpu.memory_space<vmem>> -> memref<16x128xf32, #tpu.memory_space<vmem>>
      %gather3A_1034 = tpu.vector_load_idx %gather3A_1033[%iota3A, %broadcast_in_dim3A_1022] : memref<16x128xf32, #tpu.memory_space<vmem>>[vector<16xi32>, vector<16xi32>], vector<16xf32>,
      %add3A_1035 = arith.constant 3 : i32
      %add3A_1036 = arith.addi %mul3A_49, %add3A_1035 : i32
      %broadcast_in_dim3A_1037 = vector.broadcast %add3A_1036 : i32 to vector<16xi32>
      %gather3A_1038 = tpu.vector_load_idx %arg28[%iota3A, %broadcast_in_dim3A_1037] : memref<16x512xf32, #tpu.memory_space<vmem>>[vector<16xi32>, vector<16xi32>], vector<16xf32>,
      %mul3A_1039 = arith.constant 5.000000e-01 : f32
      %mul3A_1040 = vector.broadcast %mul3A_1039 : f32 to vector<16xf32>
      %mul3A_1041 = arith.mulf %mul3A_1040, %gather3A_1034 : vector<16xf32>
      %exp3A_1042 = math.exp %mul3A_1041 : vector<16xf32>
      %mul3A_1043 = arith.mulf %exp3A_1042, %gather3A_1038 : vector<16xf32>
      %add3A_1044 = arith.addf %gather3A_1028, %mul3A_1043 : vector<16xf32>
      %swap3A_1045 = arith.constant 48 : index
      %swap3A_1046 = tpu.vector_load %arg34[%swap3A_1045] {strides = array<i32>} : memref<256xf32, #tpu.memory_space<vmem>>, vector<16xf32>,
      tpu.vector_store %arg34[%swap3A_1045], %add3A_1044 {strides = array<i32>} : memref<256xf32, #tpu.memory_space<vmem>>, vector<16xf32>,
      %slice3A_1047 = vector.extract_strided_slice %and3A_62 {offsets = [4], sizes = [1], strides = [1]} : vector<16xi32> to vector<1xi32>
      %squeeze3A_1048 = vector.extract %slice3A_1047[0] : i32 from vector<1xi32>
      %broadcast_in_dim3A_1049 = vector.broadcast %squeeze3A_1048 : i32 to vector<16xi32>
      %gather3A_1050 = arith.constant 8 : i32
      %gather3A_1051 = arith.constant 0 : i32
      %gather3A_1052 = arith.constant 0 : i32
      %gather3A_1053 = tpu.memref_slice %arg18[%gather3A_1050, %gather3A_1051, %gather3A_1052] : memref<32x16x128xf32, #tpu.memory_space<vmem>> -> memref<1x16x128xf32, #tpu.memory_space<vmem>>
      %gather3A_1054 = tpu.memref_squeeze %gather3A_1053 : memref<1x16x128xf32, #tpu.memory_space<vmem>> -> memref<16x128xf32, #tpu.memory_space<vmem>>
      %gather3A_1055 = tpu.vector_load_idx %gather3A_1054[%iota3A, %broadcast_in_dim3A_1049] : memref<16x128xf32, #tpu.memory_space<vmem>>[vector<16xi32>, vector<16xi32>], vector<16xf32>,
      %gather3A_1056 = arith.constant 9 : i32
      %gather3A_1057 = arith.constant 0 : i32
      %gather3A_1058 = arith.constant 0 : i32
      %gather3A_1059 = tpu.memref_slice %arg18[%gather3A_1056, %gather3A_1057, %gather3A_1058] : memref<32x16x128xf32, #tpu.memory_space<vmem>> -> memref<1x16x128xf32, #tpu.memory_space<vmem>>
      %gather3A_1060 = tpu.memref_squeeze %gather3A_1059 : memref<1x16x128xf32, #tpu.memory_space<vmem>> -> memref<16x128xf32, #tpu.memory_space<vmem>>
      %gather3A_1061 = tpu.vector_load_idx %gather3A_1060[%iota3A, %broadcast_in_dim3A_1049] : memref<16x128xf32, #tpu.memory_space<vmem>>[vector<16xi32>, vector<16xi32>], vector<16xf32>,
      %add3A_1062 = arith.constant 4 : i32
      %add3A_1063 = arith.addi %mul3A_49, %add3A_1062 : i32
      %broadcast_in_dim3A_1064 = vector.broadcast %add3A_1063 : i32 to vector<16xi32>
      %gather3A_1065 = tpu.vector_load_idx %arg28[%iota3A, %broadcast_in_dim3A_1064] : memref<16x512xf32, #tpu.memory_space<vmem>>[vector<16xi32>, vector<16xi32>], vector<16xf32>,
      %mul3A_1066 = arith.constant 5.000000e-01 : f32
      %mul3A_1067 = vector.broadcast %mul3A_1066 : f32 to vector<16xf32>
      %mul3A_1068 = arith.mulf %mul3A_1067, %gather3A_1061 : vector<16xf32>
      %exp3A_1069 = math.exp %mul3A_1068 : vector<16xf32>
      %mul3A_1070 = arith.mulf %exp3A_1069, %gather3A_1065 : vector<16xf32>
      %add3A_1071 = arith.addf %gather3A_1055, %mul3A_1070 : vector<16xf32>
      %swap3A_1072 = arith.constant 64 : index
      %swap3A_1073 = tpu.vector_load %arg34[%swap3A_1072] {strides = array<i32>} : memref<256xf32, #tpu.memory_space<vmem>>, vector<16xf32>,
      tpu.vector_store %arg34[%swap3A_1072], %add3A_1071 {strides = array<i32>} : memref<256xf32, #tpu.memory_space<vmem>>, vector<16xf32>,
      %slice3A_1074 = vector.extract_strided_slice %and3A_62 {offsets = [5], sizes = [1], strides = [1]} : vector<16xi32> to vector<1xi32>
      %squeeze3A_1075 = vector.extract %slice3A_1074[0] : i32 from vector<1xi32>
      %broadcast_in_dim3A_1076 = vector.broadcast %squeeze3A_1075 : i32 to vector<16xi32>
      %gather3A_1077 = arith.constant 10 : i32
      %gather3A_1078 = arith.constant 0 : i32
      %gather3A_1079 = arith.constant 0 : i32
      %gather3A_1080 = tpu.memref_slice %arg18[%gather3A_1077, %gather3A_1078, %gather3A_1079] : memref<32x16x128xf32, #tpu.memory_space<vmem>> -> memref<1x16x128xf32, #tpu.memory_space<vmem>>
      %gather3A_1081 = tpu.memref_squeeze %gather3A_1080 : memref<1x16x128xf32, #tpu.memory_space<vmem>> -> memref<16x128xf32, #tpu.memory_space<vmem>>
      %gather3A_1082 = tpu.vector_load_idx %gather3A_1081[%iota3A, %broadcast_in_dim3A_1076] : memref<16x128xf32, #tpu.memory_space<vmem>>[vector<16xi32>, vector<16xi32>], vector<16xf32>,
      %gather3A_1083 = arith.constant 11 : i32
      %gather3A_1084 = arith.constant 0 : i32
      %gather3A_1085 = arith.constant 0 : i32
      %gather3A_1086 = tpu.memref_slice %arg18[%gather3A_1083, %gather3A_1084, %gather3A_1085] : memref<32x16x128xf32, #tpu.memory_space<vmem>> -> memref<1x16x128xf32, #tpu.memory_space<vmem>>
      %gather3A_1087 = tpu.memref_squeeze %gather3A_1086 : memref<1x16x128xf32, #tpu.memory_space<vmem>> -> memref<16x128xf32, #tpu.memory_space<vmem>>
      %gather3A_1088 = tpu.vector_load_idx %gather3A_1087[%iota3A, %broadcast_in_dim3A_1076] : memref<16x128xf32, #tpu.memory_space<vmem>>[vector<16xi32>, vector<16xi32>], vector<16xf32>,
      %add3A_1089 = arith.constant 5 : i32
      %add3A_1090 = arith.addi %mul3A_49, %add3A_1089 : i32
      %broadcast_in_dim3A_1091 = vector.broadcast %add3A_1090 : i32 to vector<16xi32>
      %gather3A_1092 = tpu.vector_load_idx %arg28[%iota3A, %broadcast_in_dim3A_1091] : memref<16x512xf32, #tpu.memory_space<vmem>>[vector<16xi32>, vector<16xi32>], vector<16xf32>,
      %mul3A_1093 = arith.constant 5.000000e-01 : f32
      %mul3A_1094 = vector.broadcast %mul3A_1093 : f32 to vector<16xf32>
      %mul3A_1095 = arith.mulf %mul3A_1094, %gather3A_1088 : vector<16xf32>
      %exp3A_1096 = math.exp %mul3A_1095 : vector<16xf32>
      %mul3A_1097 = arith.mulf %exp3A_1096, %gather3A_1092 : vector<16xf32>
      %add3A_1098 = arith.addf %gather3A_1082, %mul3A_1097 : vector<16xf32>
      %swap3A_1099 = arith.constant 80 : index
      %swap3A_1100 = tpu.vector_load %arg34[%swap3A_1099] {strides = array<i32>} : memref<256xf32, #tpu.memory_space<vmem>>, vector<16xf32>,
      tpu.vector_store %arg34[%swap3A_1099], %add3A_1098 {strides = array<i32>} : memref<256xf32, #tpu.memory_space<vmem>>, vector<16xf32>,
      %slice3A_1101 = vector.extract_strided_slice %and3A_62 {offsets = [6], sizes = [1], strides = [1]} : vector<16xi32> to vector<1xi32>
      %squeeze3A_1102 = vector.extract %slice3A_1101[0] : i32 from vector<1xi32>
      %broadcast_in_dim3A_1103 = vector.broadcast %squeeze3A_1102 : i32 to vector<16xi32>
      %gather3A_1104 = arith.constant 12 : i32
      %gather3A_1105 = arith.constant 0 : i32
      %gather3A_1106 = arith.constant 0 : i32
      %gather3A_1107 = tpu.memref_slice %arg18[%gather3A_1104, %gather3A_1105, %gather3A_1106] : memref<32x16x128xf32, #tpu.memory_space<vmem>> -> memref<1x16x128xf32, #tpu.memory_space<vmem>>
      %gather3A_1108 = tpu.memref_squeeze %gather3A_1107 : memref<1x16x128xf32, #tpu.memory_space<vmem>> -> memref<16x128xf32, #tpu.memory_space<vmem>>
      %gather3A_1109 = tpu.vector_load_idx %gather3A_1108[%iota3A, %broadcast_in_dim3A_1103] : memref<16x128xf32, #tpu.memory_space<vmem>>[vector<16xi32>, vector<16xi32>], vector<16xf32>,
      %gather3A_1110 = arith.constant 13 : i32
      %gather3A_1111 = arith.constant 0 : i32
      %gather3A_1112 = arith.constant 0 : i32
      %gather3A_1113 = tpu.memref_slice %arg18[%gather3A_1110, %gather3A_1111, %gather3A_1112] : memref<32x16x128xf32, #tpu.memory_space<vmem>> -> memref<1x16x128xf32, #tpu.memory_space<vmem>>
      %gather3A_1114 = tpu.memref_squeeze %gather3A_1113 : memref<1x16x128xf32, #tpu.memory_space<vmem>> -> memref<16x128xf32, #tpu.memory_space<vmem>>
      %gather3A_1115 = tpu.vector_load_idx %gather3A_1114[%iota3A, %broadcast_in_dim3A_1103] : memref<16x128xf32, #tpu.memory_space<vmem>>[vector<16xi32>, vector<16xi32>], vector<16xf32>,
      %add3A_1116 = arith.constant 6 : i32
      %add3A_1117 = arith.addi %mul3A_49, %add3A_1116 : i32
      %broadcast_in_dim3A_1118 = vector.broadcast %add3A_1117 : i32 to vector<16xi32>
      %gather3A_1119 = tpu.vector_load_idx %arg28[%iota3A, %broadcast_in_dim3A_1118] : memref<16x512xf32, #tpu.memory_space<vmem>>[vector<16xi32>, vector<16xi32>], vector<16xf32>,
      %mul3A_1120 = arith.constant 5.000000e-01 : f32
      %mul3A_1121 = vector.broadcast %mul3A_1120 : f32 to vector<16xf32>
      %mul3A_1122 = arith.mulf %mul3A_1121, %gather3A_1115 : vector<16xf32>
      %exp3A_1123 = math.exp %mul3A_1122 : vector<16xf32>
      %mul3A_1124 = arith.mulf %exp3A_1123, %gather3A_1119 : vector<16xf32>
      %add3A_1125 = arith.addf %gather3A_1109, %mul3A_1124 : vector<16xf32>
      %swap3A_1126 = arith.constant 96 : index
      %swap3A_1127 = tpu.vector_load %arg34[%swap3A_1126] {strides = array<i32>} : memref<256xf32, #tpu.memory_space<vmem>>, vector<16xf32>,
      tpu.vector_store %arg34[%swap3A_1126], %add3A_1125 {strides = array<i32>} : memref<256xf32, #tpu.memory_space<vmem>>, vector<16xf32>,
      %slice3A_1128 = vector.extract_strided_slice %and3A_62 {offsets = [7], sizes = [1], strides = [1]} : vector<16xi32> to vector<1xi32>
      %squeeze3A_1129 = vector.extract %slice3A_1128[0] : i32 from vector<1xi32>
      %broadcast_in_dim3A_1130 = vector.broadcast %squeeze3A_1129 : i32 to vector<16xi32>
      %gather3A_1131 = arith.constant 14 : i32
      %gather3A_1132 = arith.constant 0 : i32
      %gather3A_1133 = arith.constant 0 : i32
      %gather3A_1134 = tpu.memref_slice %arg18[%gather3A_1131, %gather3A_1132, %gather3A_1133] : memref<32x16x128xf32, #tpu.memory_space<vmem>> -> memref<1x16x128xf32, #tpu.memory_space<vmem>>
      %gather3A_1135 = tpu.memref_squeeze %gather3A_1134 : memref<1x16x128xf32, #tpu.memory_space<vmem>> -> memref<16x128xf32, #tpu.memory_space<vmem>>
      %gather3A_1136 = tpu.vector_load_idx %gather3A_1135[%iota3A, %broadcast_in_dim3A_1130] : memref<16x128xf32, #tpu.memory_space<vmem>>[vector<16xi32>, vector<16xi32>], vector<16xf32>,
      %gather3A_1137 = arith.constant 15 : i32
      %gather3A_1138 = arith.constant 0 : i32
      %gather3A_1139 = arith.constant 0 : i32
      %gather3A_1140 = tpu.memref_slice %arg18[%gather3A_1137, %gather3A_1138, %gather3A_1139] : memref<32x16x128xf32, #tpu.memory_space<vmem>> -> memref<1x16x128xf32, #tpu.memory_space<vmem>>
      %gather3A_1141 = tpu.memref_squeeze %gather3A_1140 : memref<1x16x128xf32, #tpu.memory_space<vmem>> -> memref<16x128xf32, #tpu.memory_space<vmem>>
      %gather3A_1142 = tpu.vector_load_idx %gather3A_1141[%iota3A, %broadcast_in_dim3A_1130] : memref<16x128xf32, #tpu.memory_space<vmem>>[vector<16xi32>, vector<16xi32>], vector<16xf32>,
      %add3A_1143 = arith.constant 7 : i32
      %add3A_1144 = arith.addi %mul3A_49, %add3A_1143 : i32
      %broadcast_in_dim3A_1145 = vector.broadcast %add3A_1144 : i32 to vector<16xi32>
      %gather3A_1146 = tpu.vector_load_idx %arg28[%iota3A, %broadcast_in_dim3A_1145] : memref<16x512xf32, #tpu.memory_space<vmem>>[vector<16xi32>, vector<16xi32>], vector<16xf32>,
      %mul3A_1147 = arith.constant 5.000000e-01 : f32
      %mul3A_1148 = vector.broadcast %mul3A_1147 : f32 to vector<16xf32>
      %mul3A_1149 = arith.mulf %mul3A_1148, %gather3A_1142 : vector<16xf32>
      %exp3A_1150 = math.exp %mul3A_1149 : vector<16xf32>
      %mul3A_1151 = arith.mulf %exp3A_1150, %gather3A_1146 : vector<16xf32>
      %add3A_1152 = arith.addf %gather3A_1136, %mul3A_1151 : vector<16xf32>
      %swap3A_1153 = arith.constant 112 : index
      %swap3A_1154 = tpu.vector_load %arg34[%swap3A_1153] {strides = array<i32>} : memref<256xf32, #tpu.memory_space<vmem>>, vector<16xf32>,
      tpu.vector_store %arg34[%swap3A_1153], %add3A_1152 {strides = array<i32>} : memref<256xf32, #tpu.memory_space<vmem>>, vector<16xf32>,
      %slice3A_1155 = vector.extract_strided_slice %and3A_62 {offsets = [8], sizes = [1], strides = [1]} : vector<16xi32> to vector<1xi32>
      %squeeze3A_1156 = vector.extract %slice3A_1155[0] : i32 from vector<1xi32>
      %broadcast_in_dim3A_1157 = vector.broadcast %squeeze3A_1156 : i32 to vector<16xi32>
      %gather3A_1158 = arith.constant 16 : i32
      %gather3A_1159 = arith.constant 0 : i32
      %gather3A_1160 = arith.constant 0 : i32
      %gather3A_1161 = tpu.memref_slice %arg18[%gather3A_1158, %gather3A_1159, %gather3A_1160] : memref<32x16x128xf32, #tpu.memory_space<vmem>> -> memref<1x16x128xf32, #tpu.memory_space<vmem>>
      %gather3A_1162 = tpu.memref_squeeze %gather3A_1161 : memref<1x16x128xf32, #tpu.memory_space<vmem>> -> memref<16x128xf32, #tpu.memory_space<vmem>>
      %gather3A_1163 = tpu.vector_load_idx %gather3A_1162[%iota3A, %broadcast_in_dim3A_1157] : memref<16x128xf32, #tpu.memory_space<vmem>>[vector<16xi32>, vector<16xi32>], vector<16xf32>,
      %gather3A_1164 = arith.constant 17 : i32
      %gather3A_1165 = arith.constant 0 : i32
      %gather3A_1166 = arith.constant 0 : i32
      %gather3A_1167 = tpu.memref_slice %arg18[%gather3A_1164, %gather3A_1165, %gather3A_1166] : memref<32x16x128xf32, #tpu.memory_space<vmem>> -> memref<1x16x128xf32, #tpu.memory_space<vmem>>
      %gather3A_1168 = tpu.memref_squeeze %gather3A_1167 : memref<1x16x128xf32, #tpu.memory_space<vmem>> -> memref<16x128xf32, #tpu.memory_space<vmem>>
      %gather3A_1169 = tpu.vector_load_idx %gather3A_1168[%iota3A, %broadcast_in_dim3A_1157] : memref<16x128xf32, #tpu.memory_space<vmem>>[vector<16xi32>, vector<16xi32>], vector<16xf32>,
      %add3A_1170 = arith.constant 8 : i32
      %add3A_1171 = arith.addi %mul3A_49, %add3A_1170 : i32
      %broadcast_in_dim3A_1172 = vector.broadcast %add3A_1171 : i32 to vector<16xi32>
      %gather3A_1173 = tpu.vector_load_idx %arg28[%iota3A, %broadcast_in_dim3A_1172] : memref<16x512xf32, #tpu.memory_space<vmem>>[vector<16xi32>, vector<16xi32>], vector<16xf32>,
      %mul3A_1174 = arith.constant 5.000000e-01 : f32
      %mul3A_1175 = vector.broadcast %mul3A_1174 : f32 to vector<16xf32>
      %mul3A_1176 = arith.mulf %mul3A_1175, %gather3A_1169 : vector<16xf32>
      %exp3A_1177 = math.exp %mul3A_1176 : vector<16xf32>
      %mul3A_1178 = arith.mulf %exp3A_1177, %gather3A_1173 : vector<16xf32>
      %add3A_1179 = arith.addf %gather3A_1163, %mul3A_1178 : vector<16xf32>
      %swap3A_1180 = arith.constant 128 : index
      %swap3A_1181 = tpu.vector_load %arg34[%swap3A_1180] {strides = array<i32>} : memref<256xf32, #tpu.memory_space<vmem>>, vector<16xf32>,
      tpu.vector_store %arg34[%swap3A_1180], %add3A_1179 {strides = array<i32>} : memref<256xf32, #tpu.memory_space<vmem>>, vector<16xf32>,
      %slice3A_1182 = vector.extract_strided_slice %and3A_62 {offsets = [9], sizes = [1], strides = [1]} : vector<16xi32> to vector<1xi32>
      %squeeze3A_1183 = vector.extract %slice3A_1182[0] : i32 from vector<1xi32>
      %broadcast_in_dim3A_1184 = vector.broadcast %squeeze3A_1183 : i32 to vector<16xi32>
      %gather3A_1185 = arith.constant 18 : i32
      %gather3A_1186 = arith.constant 0 : i32
      %gather3A_1187 = arith.constant 0 : i32
      %gather3A_1188 = tpu.memref_slice %arg18[%gather3A_1185, %gather3A_1186, %gather3A_1187] : memref<32x16x128xf32, #tpu.memory_space<vmem>> -> memref<1x16x128xf32, #tpu.memory_space<vmem>>
      %gather3A_1189 = tpu.memref_squeeze %gather3A_1188 : memref<1x16x128xf32, #tpu.memory_space<vmem>> -> memref<16x128xf32, #tpu.memory_space<vmem>>
      %gather3A_1190 = tpu.vector_load_idx %gather3A_1189[%iota3A, %broadcast_in_dim3A_1184] : memref<16x128xf32, #tpu.memory_space<vmem>>[vector<16xi32>, vector<16xi32>], vector<16xf32>,
      %gather3A_1191 = arith.constant 19 : i32
      %gather3A_1192 = arith.constant 0 : i32
      %gather3A_1193 = arith.constant 0 : i32
      %gather3A_1194 = tpu.memref_slice %arg18[%gather3A_1191, %gather3A_1192, %gather3A_1193] : memref<32x16x128xf32, #tpu.memory_space<vmem>> -> memref<1x16x128xf32, #tpu.memory_space<vmem>>
      %gather3A_1195 = tpu.memref_squeeze %gather3A_1194 : memref<1x16x128xf32, #tpu.memory_space<vmem>> -> memref<16x128xf32, #tpu.memory_space<vmem>>
      %gather3A_1196 = tpu.vector_load_idx %gather3A_1195[%iota3A, %broadcast_in_dim3A_1184] : memref<16x128xf32, #tpu.memory_space<vmem>>[vector<16xi32>, vector<16xi32>], vector<16xf32>,
      %add3A_1197 = arith.constant 9 : i32
      %add3A_1198 = arith.addi %mul3A_49, %add3A_1197 : i32
      %broadcast_in_dim3A_1199 = vector.broadcast %add3A_1198 : i32 to vector<16xi32>
      %gather3A_1200 = tpu.vector_load_idx %arg28[%iota3A, %broadcast_in_dim3A_1199] : memref<16x512xf32, #tpu.memory_space<vmem>>[vector<16xi32>, vector<16xi32>], vector<16xf32>,
      %mul3A_1201 = arith.constant 5.000000e-01 : f32
      %mul3A_1202 = vector.broadcast %mul3A_1201 : f32 to vector<16xf32>
      %mul3A_1203 = arith.mulf %mul3A_1202, %gather3A_1196 : vector<16xf32>
      %exp3A_1204 = math.exp %mul3A_1203 : vector<16xf32>
      %mul3A_1205 = arith.mulf %exp3A_1204, %gather3A_1200 : vector<16xf32>
      %add3A_1206 = arith.addf %gather3A_1190, %mul3A_1205 : vector<16xf32>
      %swap3A_1207 = arith.constant 144 : index
      %swap3A_1208 = tpu.vector_load %arg34[%swap3A_1207] {strides = array<i32>} : memref<256xf32, #tpu.memory_space<vmem>>, vector<16xf32>,
      tpu.vector_store %arg34[%swap3A_1207], %add3A_1206 {strides = array<i32>} : memref<256xf32, #tpu.memory_space<vmem>>, vector<16xf32>,
      %slice3A_1209 = vector.extract_strided_slice %and3A_62 {offsets = [10], sizes = [1], strides = [1]} : vector<16xi32> to vector<1xi32>
      %squeeze3A_1210 = vector.extract %slice3A_1209[0] : i32 from vector<1xi32>
      %broadcast_in_dim3A_1211 = vector.broadcast %squeeze3A_1210 : i32 to vector<16xi32>
      %gather3A_1212 = arith.constant 20 : i32
      %gather3A_1213 = arith.constant 0 : i32
      %gather3A_1214 = arith.constant 0 : i32
      %gather3A_1215 = tpu.memref_slice %arg18[%gather3A_1212, %gather3A_1213, %gather3A_1214] : memref<32x16x128xf32, #tpu.memory_space<vmem>> -> memref<1x16x128xf32, #tpu.memory_space<vmem>>
      %gather3A_1216 = tpu.memref_squeeze %gather3A_1215 : memref<1x16x128xf32, #tpu.memory_space<vmem>> -> memref<16x128xf32, #tpu.memory_space<vmem>>
      %gather3A_1217 = tpu.vector_load_idx %gather3A_1216[%iota3A, %broadcast_in_dim3A_1211] : memref<16x128xf32, #tpu.memory_space<vmem>>[vector<16xi32>, vector<16xi32>], vector<16xf32>,
      %gather3A_1218 = arith.constant 21 : i32
      %gather3A_1219 = arith.constant 0 : i32
      %gather3A_1220 = arith.constant 0 : i32
      %gather3A_1221 = tpu.memref_slice %arg18[%gather3A_1218, %gather3A_1219, %gather3A_1220] : memref<32x16x128xf32, #tpu.memory_space<vmem>> -> memref<1x16x128xf32, #tpu.memory_space<vmem>>
      %gather3A_1222 = tpu.memref_squeeze %gather3A_1221 : memref<1x16x128xf32, #tpu.memory_space<vmem>> -> memref<16x128xf32, #tpu.memory_space<vmem>>
      %gather3A_1223 = tpu.vector_load_idx %gather3A_1222[%iota3A, %broadcast_in_dim3A_1211] : memref<16x128xf32, #tpu.memory_space<vmem>>[vector<16xi32>, vector<16xi32>], vector<16xf32>,
      %add3A_1224 = arith.constant 10 : i32
      %add3A_1225 = arith.addi %mul3A_49, %add3A_1224 : i32
      %broadcast_in_dim3A_1226 = vector.broadcast %add3A_1225 : i32 to vector<16xi32>
      %gather3A_1227 = tpu.vector_load_idx %arg28[%iota3A, %broadcast_in_dim3A_1226] : memref<16x512xf32, #tpu.memory_space<vmem>>[vector<16xi32>, vector<16xi32>], vector<16xf32>,
      %mul3A_1228 = arith.constant 5.000000e-01 : f32
      %mul3A_1229 = vector.broadcast %mul3A_1228 : f32 to vector<16xf32>
      %mul3A_1230 = arith.mulf %mul3A_1229, %gather3A_1223 : vector<16xf32>
      %exp3A_1231 = math.exp %mul3A_1230 : vector<16xf32>
      %mul3A_1232 = arith.mulf %exp3A_1231, %gather3A_1227 : vector<16xf32>
      %add3A_1233 = arith.addf %gather3A_1217, %mul3A_1232 : vector<16xf32>
      %swap3A_1234 = arith.constant 160 : index
      %swap3A_1235 = tpu.vector_load %arg34[%swap3A_1234] {strides = array<i32>} : memref<256xf32, #tpu.memory_space<vmem>>, vector<16xf32>,
      tpu.vector_store %arg34[%swap3A_1234], %add3A_1233 {strides = array<i32>} : memref<256xf32, #tpu.memory_space<vmem>>, vector<16xf32>,
      %slice3A_1236 = vector.extract_strided_slice %and3A_62 {offsets = [11], sizes = [1], strides = [1]} : vector<16xi32> to vector<1xi32>
      %squeeze3A_1237 = vector.extract %slice3A_1236[0] : i32 from vector<1xi32>
      %broadcast_in_dim3A_1238 = vector.broadcast %squeeze3A_1237 : i32 to vector<16xi32>
      %gather3A_1239 = arith.constant 22 : i32
      %gather3A_1240 = arith.constant 0 : i32
      %gather3A_1241 = arith.constant 0 : i32
      %gather3A_1242 = tpu.memref_slice %arg18[%gather3A_1239, %gather3A_1240, %gather3A_1241] : memref<32x16x128xf32, #tpu.memory_space<vmem>> -> memref<1x16x128xf32, #tpu.memory_space<vmem>>
      %gather3A_1243 = tpu.memref_squeeze %gather3A_1242 : memref<1x16x128xf32, #tpu.memory_space<vmem>> -> memref<16x128xf32, #tpu.memory_space<vmem>>
      %gather3A_1244 = tpu.vector_load_idx %gather3A_1243[%iota3A, %broadcast_in_dim3A_1238] : memref<16x128xf32, #tpu.memory_space<vmem>>[vector<16xi32>, vector<16xi32>], vector<16xf32>,
      %gather3A_1245 = arith.constant 23 : i32
      %gather3A_1246 = arith.constant 0 : i32
      %gather3A_1247 = arith.constant 0 : i32
      %gather3A_1248 = tpu.memref_slice %arg18[%gather3A_1245, %gather3A_1246, %gather3A_1247] : memref<32x16x128xf32, #tpu.memory_space<vmem>> -> memref<1x16x128xf32, #tpu.memory_space<vmem>>
      %gather3A_1249 = tpu.memref_squeeze %gather3A_1248 : memref<1x16x128xf32, #tpu.memory_space<vmem>> -> memref<16x128xf32, #tpu.memory_space<vmem>>
      %gather3A_1250 = tpu.vector_load_idx %gather3A_1249[%iota3A, %broadcast_in_dim3A_1238] : memref<16x128xf32, #tpu.memory_space<vmem>>[vector<16xi32>, vector<16xi32>], vector<16xf32>,
      %add3A_1251 = arith.constant 11 : i32
      %add3A_1252 = arith.addi %mul3A_49, %add3A_1251 : i32
      %broadcast_in_dim3A_1253 = vector.broadcast %add3A_1252 : i32 to vector<16xi32>
      %gather3A_1254 = tpu.vector_load_idx %arg28[%iota3A, %broadcast_in_dim3A_1253] : memref<16x512xf32, #tpu.memory_space<vmem>>[vector<16xi32>, vector<16xi32>], vector<16xf32>,
      %mul3A_1255 = arith.constant 5.000000e-01 : f32
      %mul3A_1256 = vector.broadcast %mul3A_1255 : f32 to vector<16xf32>
      %mul3A_1257 = arith.mulf %mul3A_1256, %gather3A_1250 : vector<16xf32>
      %exp3A_1258 = math.exp %mul3A_1257 : vector<16xf32>
      %mul3A_1259 = arith.mulf %exp3A_1258, %gather3A_1254 : vector<16xf32>
      %add3A_1260 = arith.addf %gather3A_1244, %mul3A_1259 : vector<16xf32>
      %swap3A_1261 = arith.constant 176 : index
      %swap3A_1262 = tpu.vector_load %arg34[%swap3A_1261] {strides = array<i32>} : memref<256xf32, #tpu.memory_space<vmem>>, vector<16xf32>,
      tpu.vector_store %arg34[%swap3A_1261], %add3A_1260 {strides = array<i32>} : memref<256xf32, #tpu.memory_space<vmem>>, vector<16xf32>,
      %slice3A_1263 = vector.extract_strided_slice %and3A_62 {offsets = [12], sizes = [1], strides = [1]} : vector<16xi32> to vector<1xi32>
      %squeeze3A_1264 = vector.extract %slice3A_1263[0] : i32 from vector<1xi32>
      %broadcast_in_dim3A_1265 = vector.broadcast %squeeze3A_1264 : i32 to vector<16xi32>
      %gather3A_1266 = arith.constant 24 : i32
      %gather3A_1267 = arith.constant 0 : i32
      %gather3A_1268 = arith.constant 0 : i32
      %gather3A_1269 = tpu.memref_slice %arg18[%gather3A_1266, %gather3A_1267, %gather3A_1268] : memref<32x16x128xf32, #tpu.memory_space<vmem>> -> memref<1x16x128xf32, #tpu.memory_space<vmem>>
      %gather3A_1270 = tpu.memref_squeeze %gather3A_1269 : memref<1x16x128xf32, #tpu.memory_space<vmem>> -> memref<16x128xf32, #tpu.memory_space<vmem>>
      %gather3A_1271 = tpu.vector_load_idx %gather3A_1270[%iota3A, %broadcast_in_dim3A_1265] : memref<16x128xf32, #tpu.memory_space<vmem>>[vector<16xi32>, vector<16xi32>], vector<16xf32>,
      %gather3A_1272 = arith.constant 25 : i32
      %gather3A_1273 = arith.constant 0 : i32
      %gather3A_1274 = arith.constant 0 : i32
      %gather3A_1275 = tpu.memref_slice %arg18[%gather3A_1272, %gather3A_1273, %gather3A_1274] : memref<32x16x128xf32, #tpu.memory_space<vmem>> -> memref<1x16x128xf32, #tpu.memory_space<vmem>>
      %gather3A_1276 = tpu.memref_squeeze %gather3A_1275 : memref<1x16x128xf32, #tpu.memory_space<vmem>> -> memref<16x128xf32, #tpu.memory_space<vmem>>
      %gather3A_1277 = tpu.vector_load_idx %gather3A_1276[%iota3A, %broadcast_in_dim3A_1265] : memref<16x128xf32, #tpu.memory_space<vmem>>[vector<16xi32>, vector<16xi32>], vector<16xf32>,
      %add3A_1278 = arith.constant 12 : i32
      %add3A_1279 = arith.addi %mul3A_49, %add3A_1278 : i32
      %broadcast_in_dim3A_1280 = vector.broadcast %add3A_1279 : i32 to vector<16xi32>
      %gather3A_1281 = tpu.vector_load_idx %arg28[%iota3A, %broadcast_in_dim3A_1280] : memref<16x512xf32, #tpu.memory_space<vmem>>[vector<16xi32>, vector<16xi32>], vector<16xf32>,
      %mul3A_1282 = arith.constant 5.000000e-01 : f32
      %mul3A_1283 = vector.broadcast %mul3A_1282 : f32 to vector<16xf32>
      %mul3A_1284 = arith.mulf %mul3A_1283, %gather3A_1277 : vector<16xf32>
      %exp3A_1285 = math.exp %mul3A_1284 : vector<16xf32>
      %mul3A_1286 = arith.mulf %exp3A_1285, %gather3A_1281 : vector<16xf32>
      %add3A_1287 = arith.addf %gather3A_1271, %mul3A_1286 : vector<16xf32>
      %swap3A_1288 = arith.constant 192 : index
      %swap3A_1289 = tpu.vector_load %arg34[%swap3A_1288] {strides = array<i32>} : memref<256xf32, #tpu.memory_space<vmem>>, vector<16xf32>,
      tpu.vector_store %arg34[%swap3A_1288], %add3A_1287 {strides = array<i32>} : memref<256xf32, #tpu.memory_space<vmem>>, vector<16xf32>,
      %slice3A_1290 = vector.extract_strided_slice %and3A_62 {offsets = [13], sizes = [1], strides = [1]} : vector<16xi32> to vector<1xi32>
      %squeeze3A_1291 = vector.extract %slice3A_1290[0] : i32 from vector<1xi32>
      %broadcast_in_dim3A_1292 = vector.broadcast %squeeze3A_1291 : i32 to vector<16xi32>
      %gather3A_1293 = arith.constant 26 : i32
      %gather3A_1294 = arith.constant 0 : i32
      %gather3A_1295 = arith.constant 0 : i32
      %gather3A_1296 = tpu.memref_slice %arg18[%gather3A_1293, %gather3A_1294, %gather3A_1295] : memref<32x16x128xf32, #tpu.memory_space<vmem>> -> memref<1x16x128xf32, #tpu.memory_space<vmem>>
      %gather3A_1297 = tpu.memref_squeeze %gather3A_1296 : memref<1x16x128xf32, #tpu.memory_space<vmem>> -> memref<16x128xf32, #tpu.memory_space<vmem>>
      %gather3A_1298 = tpu.vector_load_idx %gather3A_1297[%iota3A, %broadcast_in_dim3A_1292] : memref<16x128xf32, #tpu.memory_space<vmem>>[vector<16xi32>, vector<16xi32>], vector<16xf32>,
      %gather3A_1299 = arith.constant 27 : i32
      %gather3A_1300 = arith.constant 0 : i32
      %gather3A_1301 = arith.constant 0 : i32
      %gather3A_1302 = tpu.memref_slice %arg18[%gather3A_1299, %gather3A_1300, %gather3A_1301] : memref<32x16x128xf32, #tpu.memory_space<vmem>> -> memref<1x16x128xf32, #tpu.memory_space<vmem>>
      %gather3A_1303 = tpu.memref_squeeze %gather3A_1302 : memref<1x16x128xf32, #tpu.memory_space<vmem>> -> memref<16x128xf32, #tpu.memory_space<vmem>>
      %gather3A_1304 = tpu.vector_load_idx %gather3A_1303[%iota3A, %broadcast_in_dim3A_1292] : memref<16x128xf32, #tpu.memory_space<vmem>>[vector<16xi32>, vector<16xi32>], vector<16xf32>,
      %add3A_1305 = arith.constant 13 : i32
      %add3A_1306 = arith.addi %mul3A_49, %add3A_1305 : i32
      %broadcast_in_dim3A_1307 = vector.broadcast %add3A_1306 : i32 to vector<16xi32>
      %gather3A_1308 = tpu.vector_load_idx %arg28[%iota3A, %broadcast_in_dim3A_1307] : memref<16x512xf32, #tpu.memory_space<vmem>>[vector<16xi32>, vector<16xi32>], vector<16xf32>,
      %mul3A_1309 = arith.constant 5.000000e-01 : f32
      %mul3A_1310 = vector.broadcast %mul3A_1309 : f32 to vector<16xf32>
      %mul3A_1311 = arith.mulf %mul3A_1310, %gather3A_1304 : vector<16xf32>
      %exp3A_1312 = math.exp %mul3A_1311 : vector<16xf32>
      %mul3A_1313 = arith.mulf %exp3A_1312, %gather3A_1308 : vector<16xf32>
      %add3A_1314 = arith.addf %gather3A_1298, %mul3A_1313 : vector<16xf32>
      %swap3A_1315 = arith.constant 208 : index
      %swap3A_1316 = tpu.vector_load %arg34[%swap3A_1315] {strides = array<i32>} : memref<256xf32, #tpu.memory_space<vmem>>, vector<16xf32>,
      tpu.vector_store %arg34[%swap3A_1315], %add3A_1314 {strides = array<i32>} : memref<256xf32, #tpu.memory_space<vmem>>, vector<16xf32>,
      %slice3A_1317 = vector.extract_strided_slice %and3A_62 {offsets = [14], sizes = [1], strides = [1]} : vector<16xi32> to vector<1xi32>
      %squeeze3A_1318 = vector.extract %slice3A_1317[0] : i32 from vector<1xi32>
      %broadcast_in_dim3A_1319 = vector.broadcast %squeeze3A_1318 : i32 to vector<16xi32>
      %gather3A_1320 = arith.constant 28 : i32
      %gather3A_1321 = arith.constant 0 : i32
      %gather3A_1322 = arith.constant 0 : i32
      %gather3A_1323 = tpu.memref_slice %arg18[%gather3A_1320, %gather3A_1321, %gather3A_1322] : memref<32x16x128xf32, #tpu.memory_space<vmem>> -> memref<1x16x128xf32, #tpu.memory_space<vmem>>
      %gather3A_1324 = tpu.memref_squeeze %gather3A_1323 : memref<1x16x128xf32, #tpu.memory_space<vmem>> -> memref<16x128xf32, #tpu.memory_space<vmem>>
      %gather3A_1325 = tpu.vector_load_idx %gather3A_1324[%iota3A, %broadcast_in_dim3A_1319] : memref<16x128xf32, #tpu.memory_space<vmem>>[vector<16xi32>, vector<16xi32>], vector<16xf32>,
      %gather3A_1326 = arith.constant 29 : i32
      %gather3A_1327 = arith.constant 0 : i32
      %gather3A_1328 = arith.constant 0 : i32
      %gather3A_1329 = tpu.memref_slice %arg18[%gather3A_1326, %gather3A_1327, %gather3A_1328] : memref<32x16x128xf32, #tpu.memory_space<vmem>> -> memref<1x16x128xf32, #tpu.memory_space<vmem>>
      %gather3A_1330 = tpu.memref_squeeze %gather3A_1329 : memref<1x16x128xf32, #tpu.memory_space<vmem>> -> memref<16x128xf32, #tpu.memory_space<vmem>>
      %gather3A_1331 = tpu.vector_load_idx %gather3A_1330[%iota3A, %broadcast_in_dim3A_1319] : memref<16x128xf32, #tpu.memory_space<vmem>>[vector<16xi32>, vector<16xi32>], vector<16xf32>,
      %add3A_1332 = arith.constant 14 : i32
      %add3A_1333 = arith.addi %mul3A_49, %add3A_1332 : i32
      %broadcast_in_dim3A_1334 = vector.broadcast %add3A_1333 : i32 to vector<16xi32>
      %gather3A_1335 = tpu.vector_load_idx %arg28[%iota3A, %broadcast_in_dim3A_1334] : memref<16x512xf32, #tpu.memory_space<vmem>>[vector<16xi32>, vector<16xi32>], vector<16xf32>,
      %mul3A_1336 = arith.constant 5.000000e-01 : f32
      %mul3A_1337 = vector.broadcast %mul3A_1336 : f32 to vector<16xf32>
      %mul3A_1338 = arith.mulf %mul3A_1337, %gather3A_1331 : vector<16xf32>
      %exp3A_1339 = math.exp %mul3A_1338 : vector<16xf32>
      %mul3A_1340 = arith.mulf %exp3A_1339, %gather3A_1335 : vector<16xf32>
      %add3A_1341 = arith.addf %gather3A_1325, %mul3A_1340 : vector<16xf32>
      %swap3A_1342 = arith.constant 224 : index
      %swap3A_1343 = tpu.vector_load %arg34[%swap3A_1342] {strides = array<i32>} : memref<256xf32, #tpu.memory_space<vmem>>, vector<16xf32>,
      tpu.vector_store %arg34[%swap3A_1342], %add3A_1341 {strides = array<i32>} : memref<256xf32, #tpu.memory_space<vmem>>, vector<16xf32>,
      %slice3A_1344 = vector.extract_strided_slice %and3A_62 {offsets = [15], sizes = [1], strides = [1]} : vector<16xi32> to vector<1xi32>
      %squeeze3A_1345 = vector.extract %slice3A_1344[0] : i32 from vector<1xi32>
      %broadcast_in_dim3A_1346 = vector.broadcast %squeeze3A_1345 : i32 to vector<16xi32>
      %gather3A_1347 = arith.constant 30 : i32
      %gather3A_1348 = arith.constant 0 : i32
      %gather3A_1349 = arith.constant 0 : i32
      %gather3A_1350 = tpu.memref_slice %arg18[%gather3A_1347, %gather3A_1348, %gather3A_1349] : memref<32x16x128xf32, #tpu.memory_space<vmem>> -> memref<1x16x128xf32, #tpu.memory_space<vmem>>
      %gather3A_1351 = tpu.memref_squeeze %gather3A_1350 : memref<1x16x128xf32, #tpu.memory_space<vmem>> -> memref<16x128xf32, #tpu.memory_space<vmem>>
      %gather3A_1352 = tpu.vector_load_idx %gather3A_1351[%iota3A, %broadcast_in_dim3A_1346] : memref<16x128xf32, #tpu.memory_space<vmem>>[vector<16xi32>, vector<16xi32>], vector<16xf32>,
      %gather3A_1353 = arith.constant 31 : i32
      %gather3A_1354 = arith.constant 0 : i32
      %gather3A_1355 = arith.constant 0 : i32
      %gather3A_1356 = tpu.memref_slice %arg18[%gather3A_1353, %gather3A_1354, %gather3A_1355] : memref<32x16x128xf32, #tpu.memory_space<vmem>> -> memref<1x16x128xf32, #tpu.memory_space<vmem>>
      %gather3A_1357 = tpu.memref_squeeze %gather3A_1356 : memref<1x16x128xf32, #tpu.memory_space<vmem>> -> memref<16x128xf32, #tpu.memory_space<vmem>>
      %gather3A_1358 = tpu.vector_load_idx %gather3A_1357[%iota3A, %broadcast_in_dim3A_1346] : memref<16x128xf32, #tpu.memory_space<vmem>>[vector<16xi32>, vector<16xi32>], vector<16xf32>,
      %add3A_1359 = arith.constant 15 : i32
      %add3A_1360 = arith.addi %mul3A_49, %add3A_1359 : i32
      %broadcast_in_dim3A_1361 = vector.broadcast %add3A_1360 : i32 to vector<16xi32>
      %gather3A_1362 = tpu.vector_load_idx %arg28[%iota3A, %broadcast_in_dim3A_1361] : memref<16x512xf32, #tpu.memory_space<vmem>>[vector<16xi32>, vector<16xi32>], vector<16xf32>,
      %mul3A_1363 = arith.constant 5.000000e-01 : f32
      %mul3A_1364 = vector.broadcast %mul3A_1363 : f32 to vector<16xf32>
      %mul3A_1365 = arith.mulf %mul3A_1364, %gather3A_1358 : vector<16xf32>
      %exp3A_1366 = math.exp %mul3A_1365 : vector<16xf32>
      %mul3A_1367 = arith.mulf %exp3A_1366, %gather3A_1362 : vector<16xf32>
      %add3A_1368 = arith.addf %gather3A_1352, %mul3A_1367 : vector<16xf32>
      %swap3A_1369 = arith.constant 240 : index
      %swap3A_1370 = tpu.vector_load %arg34[%swap3A_1369] {strides = array<i32>} : memref<256xf32, #tpu.memory_space<vmem>>, vector<16xf32>,
      tpu.vector_store %arg34[%swap3A_1369], %add3A_1368 {strides = array<i32>} : memref<256xf32, #tpu.memory_space<vmem>>, vector<16xf32>,
      %slice3A_1371 = vector.extract_strided_slice %sub3A_59 {offsets = [0], sizes = [1], strides = [1]} : vector<16xi32> to vector<1xi32>
      %squeeze3A_1372 = vector.extract %slice3A_1371[0] : i32 from vector<1xi32>
      %multiple_of3A_1373 = tpu.assume_multiple %squeeze3A_1372, 128 : i32
      %dma_start3A_1374 = arith.constant 0 : i32
      %dma_start3A_1375 = arith.constant 0 : i32
      %dma_start3A_1376 = arith.constant 0 : i32
      %dma_start3A_1377 = tpu.memref_slice %arg18[%dma_start3A_1374, %dma_start3A_1375, %dma_start3A_1376] : memref<32x16x128xf32, #tpu.memory_space<vmem>> -> memref<1x16x128xf32, #tpu.memory_space<vmem>>
      %dma_start3A_1378 = tpu.memref_squeeze %dma_start3A_1377 : memref<1x16x128xf32, #tpu.memory_space<vmem>> -> memref<16x128xf32, #tpu.memory_space<vmem>>
      %dma_start3A_1379 = arith.constant 0 : i32
      %dma_start3A_1380 = tpu.memref_slice %arg10[%dma_start3A_1379, %multiple_of3A_1373] : memref<16x1000000xf32, #tpu.memory_space<hbm>> -> memref<16x128xf32, #tpu.memory_space<hbm>>
      %dma_start3A_1381 = arith.constant 0 : i32
      %dma_start3A_1382 = arith.constant 0 : i32
      %dma_start3A_1383 = tpu.memref_slice %arg18[%dma_start3A_1374, %dma_start3A_1381, %dma_start3A_1382] : memref<32x16x128xf32, #tpu.memory_space<vmem>> -> memref<1x16x128xf32, #tpu.memory_space<vmem>>
      %dma_start3A_1384 = tpu.memref_squeeze %dma_start3A_1383 : memref<1x16x128xf32, #tpu.memory_space<vmem>> -> memref<16x128xf32, #tpu.memory_space<vmem>>
      %dma_start3A_1385 = arith.constant 0 : i32
      %dma_start3A_1386 = tpu.memref_slice %arg10[%dma_start3A_1385, %multiple_of3A_1373] : memref<16x1000000xf32, #tpu.memory_space<hbm>> -> memref<16x128xf32, #tpu.memory_space<hbm>>
      tpu.enqueue_dma source(%dma_start3A_1386 : memref<16x128xf32, #tpu.memory_space<hbm>>) target(%dma_start3A_1384 : memref<16x128xf32, #tpu.memory_space<vmem>>) target_semaphore(%arg23 : memref<!tpu.dma_semaphore, #tpu.memory_space<semaphore_mem>>)
      %dma_start3A_1387 = arith.constant 1 : i32
      %dma_start3A_1388 = arith.constant 0 : i32
      %dma_start3A_1389 = arith.constant 0 : i32
      %dma_start3A_1390 = tpu.memref_slice %arg18[%dma_start3A_1387, %dma_start3A_1388, %dma_start3A_1389] : memref<32x16x128xf32, #tpu.memory_space<vmem>> -> memref<1x16x128xf32, #tpu.memory_space<vmem>>
      %dma_start3A_1391 = tpu.memref_squeeze %dma_start3A_1390 : memref<1x16x128xf32, #tpu.memory_space<vmem>> -> memref<16x128xf32, #tpu.memory_space<vmem>>
      %dma_start3A_1392 = arith.constant 0 : i32
      %dma_start3A_1393 = tpu.memref_slice %arg11[%dma_start3A_1392, %multiple_of3A_1373] : memref<16x1000000xf32, #tpu.memory_space<hbm>> -> memref<16x128xf32, #tpu.memory_space<hbm>>
      %dma_start3A_1394 = arith.constant 0 : i32
      %dma_start3A_1395 = arith.constant 0 : i32
      %dma_start3A_1396 = tpu.memref_slice %arg18[%dma_start3A_1387, %dma_start3A_1394, %dma_start3A_1395] : memref<32x16x128xf32, #tpu.memory_space<vmem>> -> memref<1x16x128xf32, #tpu.memory_space<vmem>>
      %dma_start3A_1397 = tpu.memref_squeeze %dma_start3A_1396 : memref<1x16x128xf32, #tpu.memory_space<vmem>> -> memref<16x128xf32, #tpu.memory_space<vmem>>
      %dma_start3A_1398 = arith.constant 0 : i32
      %dma_start3A_1399 = tpu.memref_slice %arg11[%dma_start3A_1398, %multiple_of3A_1373] : memref<16x1000000xf32, #tpu.memory_space<hbm>> -> memref<16x128xf32, #tpu.memory_space<hbm>>
      tpu.enqueue_dma source(%dma_start3A_1399 : memref<16x128xf32, #tpu.memory_space<hbm>>) target(%dma_start3A_1397 : memref<16x128xf32, #tpu.memory_space<vmem>>) target_semaphore(%arg23 : memref<!tpu.dma_semaphore, #tpu.memory_space<semaphore_mem>>)
      %slice3A_1400 = vector.extract_strided_slice %sub3A_59 {offsets = [1], sizes = [1], strides = [1]} : vector<16xi32> to vector<1xi32>
      %squeeze3A_1401 = vector.extract %slice3A_1400[0] : i32 from vector<1xi32>
      %multiple_of3A_1402 = tpu.assume_multiple %squeeze3A_1401, 128 : i32
      %dma_start3A_1403 = arith.constant 2 : i32
      %dma_start3A_1404 = arith.constant 0 : i32
      %dma_start3A_1405 = arith.constant 0 : i32
      %dma_start3A_1406 = tpu.memref_slice %arg18[%dma_start3A_1403, %dma_start3A_1404, %dma_start3A_1405] : memref<32x16x128xf32, #tpu.memory_space<vmem>> -> memref<1x16x128xf32, #tpu.memory_space<vmem>>
      %dma_start3A_1407 = tpu.memref_squeeze %dma_start3A_1406 : memref<1x16x128xf32, #tpu.memory_space<vmem>> -> memref<16x128xf32, #tpu.memory_space<vmem>>
      %dma_start3A_1408 = arith.constant 0 : i32
      %dma_start3A_1409 = tpu.memref_slice %arg10[%dma_start3A_1408, %multiple_of3A_1402] : memref<16x1000000xf32, #tpu.memory_space<hbm>> -> memref<16x128xf32, #tpu.memory_space<hbm>>
      %dma_start3A_1410 = arith.constant 0 : i32
      %dma_start3A_1411 = arith.constant 0 : i32
      %dma_start3A_1412 = tpu.memref_slice %arg18[%dma_start3A_1403, %dma_start3A_1410, %dma_start3A_1411] : memref<32x16x128xf32, #tpu.memory_space<vmem>> -> memref<1x16x128xf32, #tpu.memory_space<vmem>>
      %dma_start3A_1413 = tpu.memref_squeeze %dma_start3A_1412 : memref<1x16x128xf32, #tpu.memory_space<vmem>> -> memref<16x128xf32, #tpu.memory_space<vmem>>
      %dma_start3A_1414 = arith.constant 0 : i32
      %dma_start3A_1415 = tpu.memref_slice %arg10[%dma_start3A_1414, %multiple_of3A_1402] : memref<16x1000000xf32, #tpu.memory_space<hbm>> -> memref<16x128xf32, #tpu.memory_space<hbm>>
      tpu.enqueue_dma source(%dma_start3A_1415 : memref<16x128xf32, #tpu.memory_space<hbm>>) target(%dma_start3A_1413 : memref<16x128xf32, #tpu.memory_space<vmem>>) target_semaphore(%arg23 : memref<!tpu.dma_semaphore, #tpu.memory_space<semaphore_mem>>)
      %dma_start3A_1416 = arith.constant 3 : i32
      %dma_start3A_1417 = arith.constant 0 : i32
      %dma_start3A_1418 = arith.constant 0 : i32
      %dma_start3A_1419 = tpu.memref_slice %arg18[%dma_start3A_1416, %dma_start3A_1417, %dma_start3A_1418] : memref<32x16x128xf32, #tpu.memory_space<vmem>> -> memref<1x16x128xf32, #tpu.memory_space<vmem>>
      %dma_start3A_1420 = tpu.memref_squeeze %dma_start3A_1419 : memref<1x16x128xf32, #tpu.memory_space<vmem>> -> memref<16x128xf32, #tpu.memory_space<vmem>>
      %dma_start3A_1421 = arith.constant 0 : i32
      %dma_start3A_1422 = tpu.memref_slice %arg11[%dma_start3A_1421, %multiple_of3A_1402] : memref<16x1000000xf32, #tpu.memory_space<hbm>> -> memref<16x128xf32, #tpu.memory_space<hbm>>
      %dma_start3A_1423 = arith.constant 0 : i32
      %dma_start3A_1424 = arith.constant 0 : i32
      %dma_start3A_1425 = tpu.memref_slice %arg18[%dma_start3A_1416, %dma_start3A_1423, %dma_start3A_1424] : memref<32x16x128xf32, #tpu.memory_space<vmem>> -> memref<1x16x128xf32, #tpu.memory_space<vmem>>
      %dma_start3A_1426 = tpu.memref_squeeze %dma_start3A_1425 : memref<1x16x128xf32, #tpu.memory_space<vmem>> -> memref<16x128xf32, #tpu.memory_space<vmem>>
      %dma_start3A_1427 = arith.constant 0 : i32
      %dma_start3A_1428 = tpu.memref_slice %arg11[%dma_start3A_1427, %multiple_of3A_1402] : memref<16x1000000xf32, #tpu.memory_space<hbm>> -> memref<16x128xf32, #tpu.memory_space<hbm>>
      tpu.enqueue_dma source(%dma_start3A_1428 : memref<16x128xf32, #tpu.memory_space<hbm>>) target(%dma_start3A_1426 : memref<16x128xf32, #tpu.memory_space<vmem>>) target_semaphore(%arg23 : memref<!tpu.dma_semaphore, #tpu.memory_space<semaphore_mem>>)
      %slice3A_1429 = vector.extract_strided_slice %sub3A_59 {offsets = [2], sizes = [1], strides = [1]} : vector<16xi32> to vector<1xi32>
      %squeeze3A_1430 = vector.extract %slice3A_1429[0] : i32 from vector<1xi32>
      %multiple_of3A_1431 = tpu.assume_multiple %squeeze3A_1430, 128 : i32
      %dma_start3A_1432 = arith.constant 4 : i32
      %dma_start3A_1433 = arith.constant 0 : i32
      %dma_start3A_1434 = arith.constant 0 : i32
      %dma_start3A_1435 = tpu.memref_slice %arg18[%dma_start3A_1432, %dma_start3A_1433, %dma_start3A_1434] : memref<32x16x128xf32, #tpu.memory_space<vmem>> -> memref<1x16x128xf32, #tpu.memory_space<vmem>>
      %dma_start3A_1436 = tpu.memref_squeeze %dma_start3A_1435 : memref<1x16x128xf32, #tpu.memory_space<vmem>> -> memref<16x128xf32, #tpu.memory_space<vmem>>
      %dma_start3A_1437 = arith.constant 0 : i32
      %dma_start3A_1438 = tpu.memref_slice %arg10[%dma_start3A_1437, %multiple_of3A_1431] : memref<16x1000000xf32, #tpu.memory_space<hbm>> -> memref<16x128xf32, #tpu.memory_space<hbm>>
      %dma_start3A_1439 = arith.constant 0 : i32
      %dma_start3A_1440 = arith.constant 0 : i32
      %dma_start3A_1441 = tpu.memref_slice %arg18[%dma_start3A_1432, %dma_start3A_1439, %dma_start3A_1440] : memref<32x16x128xf32, #tpu.memory_space<vmem>> -> memref<1x16x128xf32, #tpu.memory_space<vmem>>
      %dma_start3A_1442 = tpu.memref_squeeze %dma_start3A_1441 : memref<1x16x128xf32, #tpu.memory_space<vmem>> -> memref<16x128xf32, #tpu.memory_space<vmem>>
      %dma_start3A_1443 = arith.constant 0 : i32
      %dma_start3A_1444 = tpu.memref_slice %arg10[%dma_start3A_1443, %multiple_of3A_1431] : memref<16x1000000xf32, #tpu.memory_space<hbm>> -> memref<16x128xf32, #tpu.memory_space<hbm>>
      tpu.enqueue_dma source(%dma_start3A_1444 : memref<16x128xf32, #tpu.memory_space<hbm>>) target(%dma_start3A_1442 : memref<16x128xf32, #tpu.memory_space<vmem>>) target_semaphore(%arg23 : memref<!tpu.dma_semaphore, #tpu.memory_space<semaphore_mem>>)
      %dma_start3A_1445 = arith.constant 5 : i32
      %dma_start3A_1446 = arith.constant 0 : i32
      %dma_start3A_1447 = arith.constant 0 : i32
      %dma_start3A_1448 = tpu.memref_slice %arg18[%dma_start3A_1445, %dma_start3A_1446, %dma_start3A_1447] : memref<32x16x128xf32, #tpu.memory_space<vmem>> -> memref<1x16x128xf32, #tpu.memory_space<vmem>>
      %dma_start3A_1449 = tpu.memref_squeeze %dma_start3A_1448 : memref<1x16x128xf32, #tpu.memory_space<vmem>> -> memref<16x128xf32, #tpu.memory_space<vmem>>
      %dma_start3A_1450 = arith.constant 0 : i32
      %dma_start3A_1451 = tpu.memref_slice %arg11[%dma_start3A_1450, %multiple_of3A_1431] : memref<16x1000000xf32, #tpu.memory_space<hbm>> -> memref<16x128xf32, #tpu.memory_space<hbm>>
      %dma_start3A_1452 = arith.constant 0 : i32
      %dma_start3A_1453 = arith.constant 0 : i32
      %dma_start3A_1454 = tpu.memref_slice %arg18[%dma_start3A_1445, %dma_start3A_1452, %dma_start3A_1453] : memref<32x16x128xf32, #tpu.memory_space<vmem>> -> memref<1x16x128xf32, #tpu.memory_space<vmem>>
      %dma_start3A_1455 = tpu.memref_squeeze %dma_start3A_1454 : memref<1x16x128xf32, #tpu.memory_space<vmem>> -> memref<16x128xf32, #tpu.memory_space<vmem>>
      %dma_start3A_1456 = arith.constant 0 : i32
      %dma_start3A_1457 = tpu.memref_slice %arg11[%dma_start3A_1456, %multiple_of3A_1431] : memref<16x1000000xf32, #tpu.memory_space<hbm>> -> memref<16x128xf32, #tpu.memory_space<hbm>>
      tpu.enqueue_dma source(%dma_start3A_1457 : memref<16x128xf32, #tpu.memory_space<hbm>>) target(%dma_start3A_1455 : memref<16x128xf32, #tpu.memory_space<vmem>>) target_semaphore(%arg23 : memref<!tpu.dma_semaphore, #tpu.memory_space<semaphore_mem>>)
      %slice3A_1458 = vector.extract_strided_slice %sub3A_59 {offsets = [3], sizes = [1], strides = [1]} : vector<16xi32> to vector<1xi32>
      %squeeze3A_1459 = vector.extract %slice3A_1458[0] : i32 from vector<1xi32>
      %multiple_of3A_1460 = tpu.assume_multiple %squeeze3A_1459, 128 : i32
      %dma_start3A_1461 = arith.constant 6 : i32
      %dma_start3A_1462 = arith.constant 0 : i32
      %dma_start3A_1463 = arith.constant 0 : i32
      %dma_start3A_1464 = tpu.memref_slice %arg18[%dma_start3A_1461, %dma_start3A_1462, %dma_start3A_1463] : memref<32x16x128xf32, #tpu.memory_space<vmem>> -> memref<1x16x128xf32, #tpu.memory_space<vmem>>
      %dma_start3A_1465 = tpu.memref_squeeze %dma_start3A_1464 : memref<1x16x128xf32, #tpu.memory_space<vmem>> -> memref<16x128xf32, #tpu.memory_space<vmem>>
      %dma_start3A_1466 = arith.constant 0 : i32
      %dma_start3A_1467 = tpu.memref_slice %arg10[%dma_start3A_1466, %multiple_of3A_1460] : memref<16x1000000xf32, #tpu.memory_space<hbm>> -> memref<16x128xf32, #tpu.memory_space<hbm>>
      %dma_start3A_1468 = arith.constant 0 : i32
      %dma_start3A_1469 = arith.constant 0 : i32
      %dma_start3A_1470 = tpu.memref_slice %arg18[%dma_start3A_1461, %dma_start3A_1468, %dma_start3A_1469] : memref<32x16x128xf32, #tpu.memory_space<vmem>> -> memref<1x16x128xf32, #tpu.memory_space<vmem>>
      %dma_start3A_1471 = tpu.memref_squeeze %dma_start3A_1470 : memref<1x16x128xf32, #tpu.memory_space<vmem>> -> memref<16x128xf32, #tpu.memory_space<vmem>>
      %dma_start3A_1472 = arith.constant 0 : i32
      %dma_start3A_1473 = tpu.memref_slice %arg10[%dma_start3A_1472, %multiple_of3A_1460] : memref<16x1000000xf32, #tpu.memory_space<hbm>> -> memref<16x128xf32, #tpu.memory_space<hbm>>
      tpu.enqueue_dma source(%dma_start3A_1473 : memref<16x128xf32, #tpu.memory_space<hbm>>) target(%dma_start3A_1471 : memref<16x128xf32, #tpu.memory_space<vmem>>) target_semaphore(%arg23 : memref<!tpu.dma_semaphore, #tpu.memory_space<semaphore_mem>>)
      %dma_start3A_1474 = arith.constant 7 : i32
      %dma_start3A_1475 = arith.constant 0 : i32
      %dma_start3A_1476 = arith.constant 0 : i32
      %dma_start3A_1477 = tpu.memref_slice %arg18[%dma_start3A_1474, %dma_start3A_1475, %dma_start3A_1476] : memref<32x16x128xf32, #tpu.memory_space<vmem>> -> memref<1x16x128xf32, #tpu.memory_space<vmem>>
      %dma_start3A_1478 = tpu.memref_squeeze %dma_start3A_1477 : memref<1x16x128xf32, #tpu.memory_space<vmem>> -> memref<16x128xf32, #tpu.memory_space<vmem>>
      %dma_start3A_1479 = arith.constant 0 : i32
      %dma_start3A_1480 = tpu.memref_slice %arg11[%dma_start3A_1479, %multiple_of3A_1460] : memref<16x1000000xf32, #tpu.memory_space<hbm>> -> memref<16x128xf32, #tpu.memory_space<hbm>>
      %dma_start3A_1481 = arith.constant 0 : i32
      %dma_start3A_1482 = arith.constant 0 : i32
      %dma_start3A_1483 = tpu.memref_slice %arg18[%dma_start3A_1474, %dma_start3A_1481, %dma_start3A_1482] : memref<32x16x128xf32, #tpu.memory_space<vmem>> -> memref<1x16x128xf32, #tpu.memory_space<vmem>>
      %dma_start3A_1484 = tpu.memref_squeeze %dma_start3A_1483 : memref<1x16x128xf32, #tpu.memory_space<vmem>> -> memref<16x128xf32, #tpu.memory_space<vmem>>
      %dma_start3A_1485 = arith.constant 0 : i32
      %dma_start3A_1486 = tpu.memref_slice %arg11[%dma_start3A_1485, %multiple_of3A_1460] : memref<16x1000000xf32, #tpu.memory_space<hbm>> -> memref<16x128xf32, #tpu.memory_space<hbm>>
      tpu.enqueue_dma source(%dma_start3A_1486 : memref<16x128xf32, #tpu.memory_space<hbm>>) target(%dma_start3A_1484 : memref<16x128xf32, #tpu.memory_space<vmem>>) target_semaphore(%arg23 : memref<!tpu.dma_semaphore, #tpu.memory_space<semaphore_mem>>)
      %slice3A_1487 = vector.extract_strided_slice %sub3A_59 {offsets = [4], sizes = [1], strides = [1]} : vector<16xi32> to vector<1xi32>
      %squeeze3A_1488 = vector.extract %slice3A_1487[0] : i32 from vector<1xi32>
      %multiple_of3A_1489 = tpu.assume_multiple %squeeze3A_1488, 128 : i32
      %dma_start3A_1490 = arith.constant 8 : i32
      %dma_start3A_1491 = arith.constant 0 : i32
      %dma_start3A_1492 = arith.constant 0 : i32
      %dma_start3A_1493 = tpu.memref_slice %arg18[%dma_start3A_1490, %dma_start3A_1491, %dma_start3A_1492] : memref<32x16x128xf32, #tpu.memory_space<vmem>> -> memref<1x16x128xf32, #tpu.memory_space<vmem>>
      %dma_start3A_1494 = tpu.memref_squeeze %dma_start3A_1493 : memref<1x16x128xf32, #tpu.memory_space<vmem>> -> memref<16x128xf32, #tpu.memory_space<vmem>>
      %dma_start3A_1495 = arith.constant 0 : i32
      %dma_start3A_1496 = tpu.memref_slice %arg10[%dma_start3A_1495, %multiple_of3A_1489] : memref<16x1000000xf32, #tpu.memory_space<hbm>> -> memref<16x128xf32, #tpu.memory_space<hbm>>
      %dma_start3A_1497 = arith.constant 0 : i32
      %dma_start3A_1498 = arith.constant 0 : i32
      %dma_start3A_1499 = tpu.memref_slice %arg18[%dma_start3A_1490, %dma_start3A_1497, %dma_start3A_1498] : memref<32x16x128xf32, #tpu.memory_space<vmem>> -> memref<1x16x128xf32, #tpu.memory_space<vmem>>
      %dma_start3A_1500 = tpu.memref_squeeze %dma_start3A_1499 : memref<1x16x128xf32, #tpu.memory_space<vmem>> -> memref<16x128xf32, #tpu.memory_space<vmem>>
      %dma_start3A_1501 = arith.constant 0 : i32
      %dma_start3A_1502 = tpu.memref_slice %arg10[%dma_start3A_1501, %multiple_of3A_1489] : memref<16x1000000xf32, #tpu.memory_space<hbm>> -> memref<16x128xf32, #tpu.memory_space<hbm>>
      tpu.enqueue_dma source(%dma_start3A_1502 : memref<16x128xf32, #tpu.memory_space<hbm>>) target(%dma_start3A_1500 : memref<16x128xf32, #tpu.memory_space<vmem>>) target_semaphore(%arg23 : memref<!tpu.dma_semaphore, #tpu.memory_space<semaphore_mem>>)
      %dma_start3A_1503 = arith.constant 9 : i32
      %dma_start3A_1504 = arith.constant 0 : i32
      %dma_start3A_1505 = arith.constant 0 : i32
      %dma_start3A_1506 = tpu.memref_slice %arg18[%dma_start3A_1503, %dma_start3A_1504, %dma_start3A_1505] : memref<32x16x128xf32, #tpu.memory_space<vmem>> -> memref<1x16x128xf32, #tpu.memory_space<vmem>>
      %dma_start3A_1507 = tpu.memref_squeeze %dma_start3A_1506 : memref<1x16x128xf32, #tpu.memory_space<vmem>> -> memref<16x128xf32, #tpu.memory_space<vmem>>
      %dma_start3A_1508 = arith.constant 0 : i32
      %dma_start3A_1509 = tpu.memref_slice %arg11[%dma_start3A_1508, %multiple_of3A_1489] : memref<16x1000000xf32, #tpu.memory_space<hbm>> -> memref<16x128xf32, #tpu.memory_space<hbm>>
      %dma_start3A_1510 = arith.constant 0 : i32
      %dma_start3A_1511 = arith.constant 0 : i32
      %dma_start3A_1512 = tpu.memref_slice %arg18[%dma_start3A_1503, %dma_start3A_1510, %dma_start3A_1511] : memref<32x16x128xf32, #tpu.memory_space<vmem>> -> memref<1x16x128xf32, #tpu.memory_space<vmem>>
      %dma_start3A_1513 = tpu.memref_squeeze %dma_start3A_1512 : memref<1x16x128xf32, #tpu.memory_space<vmem>> -> memref<16x128xf32, #tpu.memory_space<vmem>>
      %dma_start3A_1514 = arith.constant 0 : i32
      %dma_start3A_1515 = tpu.memref_slice %arg11[%dma_start3A_1514, %multiple_of3A_1489] : memref<16x1000000xf32, #tpu.memory_space<hbm>> -> memref<16x128xf32, #tpu.memory_space<hbm>>
      tpu.enqueue_dma source(%dma_start3A_1515 : memref<16x128xf32, #tpu.memory_space<hbm>>) target(%dma_start3A_1513 : memref<16x128xf32, #tpu.memory_space<vmem>>) target_semaphore(%arg23 : memref<!tpu.dma_semaphore, #tpu.memory_space<semaphore_mem>>)
      %slice3A_1516 = vector.extract_strided_slice %sub3A_59 {offsets = [5], sizes = [1], strides = [1]} : vector<16xi32> to vector<1xi32>
      %squeeze3A_1517 = vector.extract %slice3A_1516[0] : i32 from vector<1xi32>
      %multiple_of3A_1518 = tpu.assume_multiple %squeeze3A_1517, 128 : i32
      %dma_start3A_1519 = arith.constant 10 : i32
      %dma_start3A_1520 = arith.constant 0 : i32
      %dma_start3A_1521 = arith.constant 0 : i32
      %dma_start3A_1522 = tpu.memref_slice %arg18[%dma_start3A_1519, %dma_start3A_1520, %dma_start3A_1521] : memref<32x16x128xf32, #tpu.memory_space<vmem>> -> memref<1x16x128xf32, #tpu.memory_space<vmem>>
      %dma_start3A_1523 = tpu.memref_squeeze %dma_start3A_1522 : memref<1x16x128xf32, #tpu.memory_space<vmem>> -> memref<16x128xf32, #tpu.memory_space<vmem>>
      %dma_start3A_1524 = arith.constant 0 : i32
      %dma_start3A_1525 = tpu.memref_slice %arg10[%dma_start3A_1524, %multiple_of3A_1518] : memref<16x1000000xf32, #tpu.memory_space<hbm>> -> memref<16x128xf32, #tpu.memory_space<hbm>>
      %dma_start3A_1526 = arith.constant 0 : i32
      %dma_start3A_1527 = arith.constant 0 : i32
      %dma_start3A_1528 = tpu.memref_slice %arg18[%dma_start3A_1519, %dma_start3A_1526, %dma_start3A_1527] : memref<32x16x128xf32, #tpu.memory_space<vmem>> -> memref<1x16x128xf32, #tpu.memory_space<vmem>>
      %dma_start3A_1529 = tpu.memref_squeeze %dma_start3A_1528 : memref<1x16x128xf32, #tpu.memory_space<vmem>> -> memref<16x128xf32, #tpu.memory_space<vmem>>
      %dma_start3A_1530 = arith.constant 0 : i32
      %dma_start3A_1531 = tpu.memref_slice %arg10[%dma_start3A_1530, %multiple_of3A_1518] : memref<16x1000000xf32, #tpu.memory_space<hbm>> -> memref<16x128xf32, #tpu.memory_space<hbm>>
      tpu.enqueue_dma source(%dma_start3A_1531 : memref<16x128xf32, #tpu.memory_space<hbm>>) target(%dma_start3A_1529 : memref<16x128xf32, #tpu.memory_space<vmem>>) target_semaphore(%arg23 : memref<!tpu.dma_semaphore, #tpu.memory_space<semaphore_mem>>)
      %dma_start3A_1532 = arith.constant 11 : i32
      %dma_start3A_1533 = arith.constant 0 : i32
      %dma_start3A_1534 = arith.constant 0 : i32
      %dma_start3A_1535 = tpu.memref_slice %arg18[%dma_start3A_1532, %dma_start3A_1533, %dma_start3A_1534] : memref<32x16x128xf32, #tpu.memory_space<vmem>> -> memref<1x16x128xf32, #tpu.memory_space<vmem>>
      %dma_start3A_1536 = tpu.memref_squeeze %dma_start3A_1535 : memref<1x16x128xf32, #tpu.memory_space<vmem>> -> memref<16x128xf32, #tpu.memory_space<vmem>>
      %dma_start3A_1537 = arith.constant 0 : i32
      %dma_start3A_1538 = tpu.memref_slice %arg11[%dma_start3A_1537, %multiple_of3A_1518] : memref<16x1000000xf32, #tpu.memory_space<hbm>> -> memref<16x128xf32, #tpu.memory_space<hbm>>
      %dma_start3A_1539 = arith.constant 0 : i32
      %dma_start3A_1540 = arith.constant 0 : i32
      %dma_start3A_1541 = tpu.memref_slice %arg18[%dma_start3A_1532, %dma_start3A_1539, %dma_start3A_1540] : memref<32x16x128xf32, #tpu.memory_space<vmem>> -> memref<1x16x128xf32, #tpu.memory_space<vmem>>
      %dma_start3A_1542 = tpu.memref_squeeze %dma_start3A_1541 : memref<1x16x128xf32, #tpu.memory_space<vmem>> -> memref<16x128xf32, #tpu.memory_space<vmem>>
      %dma_start3A_1543 = arith.constant 0 : i32
      %dma_start3A_1544 = tpu.memref_slice %arg11[%dma_start3A_1543, %multiple_of3A_1518] : memref<16x1000000xf32, #tpu.memory_space<hbm>> -> memref<16x128xf32, #tpu.memory_space<hbm>>
      tpu.enqueue_dma source(%dma_start3A_1544 : memref<16x128xf32, #tpu.memory_space<hbm>>) target(%dma_start3A_1542 : memref<16x128xf32, #tpu.memory_space<vmem>>) target_semaphore(%arg23 : memref<!tpu.dma_semaphore, #tpu.memory_space<semaphore_mem>>)
      %slice3A_1545 = vector.extract_strided_slice %sub3A_59 {offsets = [6], sizes = [1], strides = [1]} : vector<16xi32> to vector<1xi32>
      %squeeze3A_1546 = vector.extract %slice3A_1545[0] : i32 from vector<1xi32>
      %multiple_of3A_1547 = tpu.assume_multiple %squeeze3A_1546, 128 : i32
      %dma_start3A_1548 = arith.constant 12 : i32
      %dma_start3A_1549 = arith.constant 0 : i32
      %dma_start3A_1550 = arith.constant 0 : i32
      %dma_start3A_1551 = tpu.memref_slice %arg18[%dma_start3A_1548, %dma_start3A_1549, %dma_start3A_1550] : memref<32x16x128xf32, #tpu.memory_space<vmem>> -> memref<1x16x128xf32, #tpu.memory_space<vmem>>
      %dma_start3A_1552 = tpu.memref_squeeze %dma_start3A_1551 : memref<1x16x128xf32, #tpu.memory_space<vmem>> -> memref<16x128xf32, #tpu.memory_space<vmem>>
      %dma_start3A_1553 = arith.constant 0 : i32
      %dma_start3A_1554 = tpu.memref_slice %arg10[%dma_start3A_1553, %multiple_of3A_1547] : memref<16x1000000xf32, #tpu.memory_space<hbm>> -> memref<16x128xf32, #tpu.memory_space<hbm>>
      %dma_start3A_1555 = arith.constant 0 : i32
      %dma_start3A_1556 = arith.constant 0 : i32
      %dma_start3A_1557 = tpu.memref_slice %arg18[%dma_start3A_1548, %dma_start3A_1555, %dma_start3A_1556] : memref<32x16x128xf32, #tpu.memory_space<vmem>> -> memref<1x16x128xf32, #tpu.memory_space<vmem>>
      %dma_start3A_1558 = tpu.memref_squeeze %dma_start3A_1557 : memref<1x16x128xf32, #tpu.memory_space<vmem>> -> memref<16x128xf32, #tpu.memory_space<vmem>>
      %dma_start3A_1559 = arith.constant 0 : i32
      %dma_start3A_1560 = tpu.memref_slice %arg10[%dma_start3A_1559, %multiple_of3A_1547] : memref<16x1000000xf32, #tpu.memory_space<hbm>> -> memref<16x128xf32, #tpu.memory_space<hbm>>
      tpu.enqueue_dma source(%dma_start3A_1560 : memref<16x128xf32, #tpu.memory_space<hbm>>) target(%dma_start3A_1558 : memref<16x128xf32, #tpu.memory_space<vmem>>) target_semaphore(%arg23 : memref<!tpu.dma_semaphore, #tpu.memory_space<semaphore_mem>>)
      %dma_start3A_1561 = arith.constant 13 : i32
      %dma_start3A_1562 = arith.constant 0 : i32
      %dma_start3A_1563 = arith.constant 0 : i32
      %dma_start3A_1564 = tpu.memref_slice %arg18[%dma_start3A_1561, %dma_start3A_1562, %dma_start3A_1563] : memref<32x16x128xf32, #tpu.memory_space<vmem>> -> memref<1x16x128xf32, #tpu.memory_space<vmem>>
      %dma_start3A_1565 = tpu.memref_squeeze %dma_start3A_1564 : memref<1x16x128xf32, #tpu.memory_space<vmem>> -> memref<16x128xf32, #tpu.memory_space<vmem>>
      %dma_start3A_1566 = arith.constant 0 : i32
      %dma_start3A_1567 = tpu.memref_slice %arg11[%dma_start3A_1566, %multiple_of3A_1547] : memref<16x1000000xf32, #tpu.memory_space<hbm>> -> memref<16x128xf32, #tpu.memory_space<hbm>>
      %dma_start3A_1568 = arith.constant 0 : i32
      %dma_start3A_1569 = arith.constant 0 : i32
      %dma_start3A_1570 = tpu.memref_slice %arg18[%dma_start3A_1561, %dma_start3A_1568, %dma_start3A_1569] : memref<32x16x128xf32, #tpu.memory_space<vmem>> -> memref<1x16x128xf32, #tpu.memory_space<vmem>>
      %dma_start3A_1571 = tpu.memref_squeeze %dma_start3A_1570 : memref<1x16x128xf32, #tpu.memory_space<vmem>> -> memref<16x128xf32, #tpu.memory_space<vmem>>
      %dma_start3A_1572 = arith.constant 0 : i32
      %dma_start3A_1573 = tpu.memref_slice %arg11[%dma_start3A_1572, %multiple_of3A_1547] : memref<16x1000000xf32, #tpu.memory_space<hbm>> -> memref<16x128xf32, #tpu.memory_space<hbm>>
      tpu.enqueue_dma source(%dma_start3A_1573 : memref<16x128xf32, #tpu.memory_space<hbm>>) target(%dma_start3A_1571 : memref<16x128xf32, #tpu.memory_space<vmem>>) target_semaphore(%arg23 : memref<!tpu.dma_semaphore, #tpu.memory_space<semaphore_mem>>)
      %slice3A_1574 = vector.extract_strided_slice %sub3A_59 {offsets = [7], sizes = [1], strides = [1]} : vector<16xi32> to vector<1xi32>
      %squeeze3A_1575 = vector.extract %slice3A_1574[0] : i32 from vector<1xi32>
      %multiple_of3A_1576 = tpu.assume_multiple %squeeze3A_1575, 128 : i32
      %dma_start3A_1577 = arith.constant 14 : i32
      %dma_start3A_1578 = arith.constant 0 : i32
      %dma_start3A_1579 = arith.constant 0 : i32
      %dma_start3A_1580 = tpu.memref_slice %arg18[%dma_start3A_1577, %dma_start3A_1578, %dma_start3A_1579] : memref<32x16x128xf32, #tpu.memory_space<vmem>> -> memref<1x16x128xf32, #tpu.memory_space<vmem>>
      %dma_start3A_1581 = tpu.memref_squeeze %dma_start3A_1580 : memref<1x16x128xf32, #tpu.memory_space<vmem>> -> memref<16x128xf32, #tpu.memory_space<vmem>>
      %dma_start3A_1582 = arith.constant 0 : i32
      %dma_start3A_1583 = tpu.memref_slice %arg10[%dma_start3A_1582, %multiple_of3A_1576] : memref<16x1000000xf32, #tpu.memory_space<hbm>> -> memref<16x128xf32, #tpu.memory_space<hbm>>
      %dma_start3A_1584 = arith.constant 0 : i32
      %dma_start3A_1585 = arith.constant 0 : i32
      %dma_start3A_1586 = tpu.memref_slice %arg18[%dma_start3A_1577, %dma_start3A_1584, %dma_start3A_1585] : memref<32x16x128xf32, #tpu.memory_space<vmem>> -> memref<1x16x128xf32, #tpu.memory_space<vmem>>
      %dma_start3A_1587 = tpu.memref_squeeze %dma_start3A_1586 : memref<1x16x128xf32, #tpu.memory_space<vmem>> -> memref<16x128xf32, #tpu.memory_space<vmem>>
      %dma_start3A_1588 = arith.constant 0 : i32
      %dma_start3A_1589 = tpu.memref_slice %arg10[%dma_start3A_1588, %multiple_of3A_1576] : memref<16x1000000xf32, #tpu.memory_space<hbm>> -> memref<16x128xf32, #tpu.memory_space<hbm>>
      tpu.enqueue_dma source(%dma_start3A_1589 : memref<16x128xf32, #tpu.memory_space<hbm>>) target(%dma_start3A_1587 : memref<16x128xf32, #tpu.memory_space<vmem>>) target_semaphore(%arg23 : memref<!tpu.dma_semaphore, #tpu.memory_space<semaphore_mem>>)
      %dma_start3A_1590 = arith.constant 15 : i32
      %dma_start3A_1591 = arith.constant 0 : i32
      %dma_start3A_1592 = arith.constant 0 : i32
      %dma_start3A_1593 = tpu.memref_slice %arg18[%dma_start3A_1590, %dma_start3A_1591, %dma_start3A_1592] : memref<32x16x128xf32, #tpu.memory_space<vmem>> -> memref<1x16x128xf32, #tpu.memory_space<vmem>>
      %dma_start3A_1594 = tpu.memref_squeeze %dma_start3A_1593 : memref<1x16x128xf32, #tpu.memory_space<vmem>> -> memref<16x128xf32, #tpu.memory_space<vmem>>
      %dma_start3A_1595 = arith.constant 0 : i32
      %dma_start3A_1596 = tpu.memref_slice %arg11[%dma_start3A_1595, %multiple_of3A_1576] : memref<16x1000000xf32, #tpu.memory_space<hbm>> -> memref<16x128xf32, #tpu.memory_space<hbm>>
      %dma_start3A_1597 = arith.constant 0 : i32
      %dma_start3A_1598 = arith.constant 0 : i32
      %dma_start3A_1599 = tpu.memref_slice %arg18[%dma_start3A_1590, %dma_start3A_1597, %dma_start3A_1598] : memref<32x16x128xf32, #tpu.memory_space<vmem>> -> memref<1x16x128xf32, #tpu.memory_space<vmem>>
      %dma_start3A_1600 = tpu.memref_squeeze %dma_start3A_1599 : memref<1x16x128xf32, #tpu.memory_space<vmem>> -> memref<16x128xf32, #tpu.memory_space<vmem>>
      %dma_start3A_1601 = arith.constant 0 : i32
      %dma_start3A_1602 = tpu.memref_slice %arg11[%dma_start3A_1601, %multiple_of3A_1576] : memref<16x1000000xf32, #tpu.memory_space<hbm>> -> memref<16x128xf32, #tpu.memory_space<hbm>>
      tpu.enqueue_dma source(%dma_start3A_1602 : memref<16x128xf32, #tpu.memory_space<hbm>>) target(%dma_start3A_1600 : memref<16x128xf32, #tpu.memory_space<vmem>>) target_semaphore(%arg23 : memref<!tpu.dma_semaphore, #tpu.memory_space<semaphore_mem>>)
      %slice3A_1603 = vector.extract_strided_slice %sub3A_59 {offsets = [8], sizes = [1], strides = [1]} : vector<16xi32> to vector<1xi32>
      %squeeze3A_1604 = vector.extract %slice3A_1603[0] : i32 from vector<1xi32>
      %multiple_of3A_1605 = tpu.assume_multiple %squeeze3A_1604, 128 : i32
      %dma_start3A_1606 = arith.constant 16 : i32
      %dma_start3A_1607 = arith.constant 0 : i32
      %dma_start3A_1608 = arith.constant 0 : i32
      %dma_start3A_1609 = tpu.memref_slice %arg18[%dma_start3A_1606, %dma_start3A_1607, %dma_start3A_1608] : memref<32x16x128xf32, #tpu.memory_space<vmem>> -> memref<1x16x128xf32, #tpu.memory_space<vmem>>
      %dma_start3A_1610 = tpu.memref_squeeze %dma_start3A_1609 : memref<1x16x128xf32, #tpu.memory_space<vmem>> -> memref<16x128xf32, #tpu.memory_space<vmem>>
      %dma_start3A_1611 = arith.constant 0 : i32
      %dma_start3A_1612 = tpu.memref_slice %arg10[%dma_start3A_1611, %multiple_of3A_1605] : memref<16x1000000xf32, #tpu.memory_space<hbm>> -> memref<16x128xf32, #tpu.memory_space<hbm>>
      %dma_start3A_1613 = arith.constant 0 : i32
      %dma_start3A_1614 = arith.constant 0 : i32
      %dma_start3A_1615 = tpu.memref_slice %arg18[%dma_start3A_1606, %dma_start3A_1613, %dma_start3A_1614] : memref<32x16x128xf32, #tpu.memory_space<vmem>> -> memref<1x16x128xf32, #tpu.memory_space<vmem>>
      %dma_start3A_1616 = tpu.memref_squeeze %dma_start3A_1615 : memref<1x16x128xf32, #tpu.memory_space<vmem>> -> memref<16x128xf32, #tpu.memory_space<vmem>>
      %dma_start3A_1617 = arith.constant 0 : i32
      %dma_start3A_1618 = tpu.memref_slice %arg10[%dma_start3A_1617, %multiple_of3A_1605] : memref<16x1000000xf32, #tpu.memory_space<hbm>> -> memref<16x128xf32, #tpu.memory_space<hbm>>
      tpu.enqueue_dma source(%dma_start3A_1618 : memref<16x128xf32, #tpu.memory_space<hbm>>) target(%dma_start3A_1616 : memref<16x128xf32, #tpu.memory_space<vmem>>) target_semaphore(%arg23 : memref<!tpu.dma_semaphore, #tpu.memory_space<semaphore_mem>>)
      %dma_start3A_1619 = arith.constant 17 : i32
      %dma_start3A_1620 = arith.constant 0 : i32
      %dma_start3A_1621 = arith.constant 0 : i32
      %dma_start3A_1622 = tpu.memref_slice %arg18[%dma_start3A_1619, %dma_start3A_1620, %dma_start3A_1621] : memref<32x16x128xf32, #tpu.memory_space<vmem>> -> memref<1x16x128xf32, #tpu.memory_space<vmem>>
      %dma_start3A_1623 = tpu.memref_squeeze %dma_start3A_1622 : memref<1x16x128xf32, #tpu.memory_space<vmem>> -> memref<16x128xf32, #tpu.memory_space<vmem>>
      %dma_start3A_1624 = arith.constant 0 : i32
      %dma_start3A_1625 = tpu.memref_slice %arg11[%dma_start3A_1624, %multiple_of3A_1605] : memref<16x1000000xf32, #tpu.memory_space<hbm>> -> memref<16x128xf32, #tpu.memory_space<hbm>>
      %dma_start3A_1626 = arith.constant 0 : i32
      %dma_start3A_1627 = arith.constant 0 : i32
      %dma_start3A_1628 = tpu.memref_slice %arg18[%dma_start3A_1619, %dma_start3A_1626, %dma_start3A_1627] : memref<32x16x128xf32, #tpu.memory_space<vmem>> -> memref<1x16x128xf32, #tpu.memory_space<vmem>>
      %dma_start3A_1629 = tpu.memref_squeeze %dma_start3A_1628 : memref<1x16x128xf32, #tpu.memory_space<vmem>> -> memref<16x128xf32, #tpu.memory_space<vmem>>
      %dma_start3A_1630 = arith.constant 0 : i32
      %dma_start3A_1631 = tpu.memref_slice %arg11[%dma_start3A_1630, %multiple_of3A_1605] : memref<16x1000000xf32, #tpu.memory_space<hbm>> -> memref<16x128xf32, #tpu.memory_space<hbm>>
      tpu.enqueue_dma source(%dma_start3A_1631 : memref<16x128xf32, #tpu.memory_space<hbm>>) target(%dma_start3A_1629 : memref<16x128xf32, #tpu.memory_space<vmem>>) target_semaphore(%arg23 : memref<!tpu.dma_semaphore, #tpu.memory_space<semaphore_mem>>)
      %slice3A_1632 = vector.extract_strided_slice %sub3A_59 {offsets = [9], sizes = [1], strides = [1]} : vector<16xi32> to vector<1xi32>
      %squeeze3A_1633 = vector.extract %slice3A_1632[0] : i32 from vector<1xi32>
      %multiple_of3A_1634 = tpu.assume_multiple %squeeze3A_1633, 128 : i32
      %dma_start3A_1635 = arith.constant 18 : i32
      %dma_start3A_1636 = arith.constant 0 : i32
      %dma_start3A_1637 = arith.constant 0 : i32
      %dma_start3A_1638 = tpu.memref_slice %arg18[%dma_start3A_1635, %dma_start3A_1636, %dma_start3A_1637] : memref<32x16x128xf32, #tpu.memory_space<vmem>> -> memref<1x16x128xf32, #tpu.memory_space<vmem>>
      %dma_start3A_1639 = tpu.memref_squeeze %dma_start3A_1638 : memref<1x16x128xf32, #tpu.memory_space<vmem>> -> memref<16x128xf32, #tpu.memory_space<vmem>>
      %dma_start3A_1640 = arith.constant 0 : i32
      %dma_start3A_1641 = tpu.memref_slice %arg10[%dma_start3A_1640, %multiple_of3A_1634] : memref<16x1000000xf32, #tpu.memory_space<hbm>> -> memref<16x128xf32, #tpu.memory_space<hbm>>
      %dma_start3A_1642 = arith.constant 0 : i32
      %dma_start3A_1643 = arith.constant 0 : i32
      %dma_start3A_1644 = tpu.memref_slice %arg18[%dma_start3A_1635, %dma_start3A_1642, %dma_start3A_1643] : memref<32x16x128xf32, #tpu.memory_space<vmem>> -> memref<1x16x128xf32, #tpu.memory_space<vmem>>
      %dma_start3A_1645 = tpu.memref_squeeze %dma_start3A_1644 : memref<1x16x128xf32, #tpu.memory_space<vmem>> -> memref<16x128xf32, #tpu.memory_space<vmem>>
      %dma_start3A_1646 = arith.constant 0 : i32
      %dma_start3A_1647 = tpu.memref_slice %arg10[%dma_start3A_1646, %multiple_of3A_1634] : memref<16x1000000xf32, #tpu.memory_space<hbm>> -> memref<16x128xf32, #tpu.memory_space<hbm>>
      tpu.enqueue_dma source(%dma_start3A_1647 : memref<16x128xf32, #tpu.memory_space<hbm>>) target(%dma_start3A_1645 : memref<16x128xf32, #tpu.memory_space<vmem>>) target_semaphore(%arg23 : memref<!tpu.dma_semaphore, #tpu.memory_space<semaphore_mem>>)
      %dma_start3A_1648 = arith.constant 19 : i32
      %dma_start3A_1649 = arith.constant 0 : i32
      %dma_start3A_1650 = arith.constant 0 : i32
      %dma_start3A_1651 = tpu.memref_slice %arg18[%dma_start3A_1648, %dma_start3A_1649, %dma_start3A_1650] : memref<32x16x128xf32, #tpu.memory_space<vmem>> -> memref<1x16x128xf32, #tpu.memory_space<vmem>>
      %dma_start3A_1652 = tpu.memref_squeeze %dma_start3A_1651 : memref<1x16x128xf32, #tpu.memory_space<vmem>> -> memref<16x128xf32, #tpu.memory_space<vmem>>
      %dma_start3A_1653 = arith.constant 0 : i32
      %dma_start3A_1654 = tpu.memref_slice %arg11[%dma_start3A_1653, %multiple_of3A_1634] : memref<16x1000000xf32, #tpu.memory_space<hbm>> -> memref<16x128xf32, #tpu.memory_space<hbm>>
      %dma_start3A_1655 = arith.constant 0 : i32
      %dma_start3A_1656 = arith.constant 0 : i32
      %dma_start3A_1657 = tpu.memref_slice %arg18[%dma_start3A_1648, %dma_start3A_1655, %dma_start3A_1656] : memref<32x16x128xf32, #tpu.memory_space<vmem>> -> memref<1x16x128xf32, #tpu.memory_space<vmem>>
      %dma_start3A_1658 = tpu.memref_squeeze %dma_start3A_1657 : memref<1x16x128xf32, #tpu.memory_space<vmem>> -> memref<16x128xf32, #tpu.memory_space<vmem>>
      %dma_start3A_1659 = arith.constant 0 : i32
      %dma_start3A_1660 = tpu.memref_slice %arg11[%dma_start3A_1659, %multiple_of3A_1634] : memref<16x1000000xf32, #tpu.memory_space<hbm>> -> memref<16x128xf32, #tpu.memory_space<hbm>>
      tpu.enqueue_dma source(%dma_start3A_1660 : memref<16x128xf32, #tpu.memory_space<hbm>>) target(%dma_start3A_1658 : memref<16x128xf32, #tpu.memory_space<vmem>>) target_semaphore(%arg23 : memref<!tpu.dma_semaphore, #tpu.memory_space<semaphore_mem>>)
      %slice3A_1661 = vector.extract_strided_slice %sub3A_59 {offsets = [10], sizes = [1], strides = [1]} : vector<16xi32> to vector<1xi32>
      %squeeze3A_1662 = vector.extract %slice3A_1661[0] : i32 from vector<1xi32>
      %multiple_of3A_1663 = tpu.assume_multiple %squeeze3A_1662, 128 : i32
      %dma_start3A_1664 = arith.constant 20 : i32
      %dma_start3A_1665 = arith.constant 0 : i32
      %dma_start3A_1666 = arith.constant 0 : i32
      %dma_start3A_1667 = tpu.memref_slice %arg18[%dma_start3A_1664, %dma_start3A_1665, %dma_start3A_1666] : memref<32x16x128xf32, #tpu.memory_space<vmem>> -> memref<1x16x128xf32, #tpu.memory_space<vmem>>
      %dma_start3A_1668 = tpu.memref_squeeze %dma_start3A_1667 : memref<1x16x128xf32, #tpu.memory_space<vmem>> -> memref<16x128xf32, #tpu.memory_space<vmem>>
      %dma_start3A_1669 = arith.constant 0 : i32
      %dma_start3A_1670 = tpu.memref_slice %arg10[%dma_start3A_1669, %multiple_of3A_1663] : memref<16x1000000xf32, #tpu.memory_space<hbm>> -> memref<16x128xf32, #tpu.memory_space<hbm>>
      %dma_start3A_1671 = arith.constant 0 : i32
      %dma_start3A_1672 = arith.constant 0 : i32
      %dma_start3A_1673 = tpu.memref_slice %arg18[%dma_start3A_1664, %dma_start3A_1671, %dma_start3A_1672] : memref<32x16x128xf32, #tpu.memory_space<vmem>> -> memref<1x16x128xf32, #tpu.memory_space<vmem>>
      %dma_start3A_1674 = tpu.memref_squeeze %dma_start3A_1673 : memref<1x16x128xf32, #tpu.memory_space<vmem>> -> memref<16x128xf32, #tpu.memory_space<vmem>>
      %dma_start3A_1675 = arith.constant 0 : i32
      %dma_start3A_1676 = tpu.memref_slice %arg10[%dma_start3A_1675, %multiple_of3A_1663] : memref<16x1000000xf32, #tpu.memory_space<hbm>> -> memref<16x128xf32, #tpu.memory_space<hbm>>
      tpu.enqueue_dma source(%dma_start3A_1676 : memref<16x128xf32, #tpu.memory_space<hbm>>) target(%dma_start3A_1674 : memref<16x128xf32, #tpu.memory_space<vmem>>) target_semaphore(%arg23 : memref<!tpu.dma_semaphore, #tpu.memory_space<semaphore_mem>>)
      %dma_start3A_1677 = arith.constant 21 : i32
      %dma_start3A_1678 = arith.constant 0 : i32
      %dma_start3A_1679 = arith.constant 0 : i32
      %dma_start3A_1680 = tpu.memref_slice %arg18[%dma_start3A_1677, %dma_start3A_1678, %dma_start3A_1679] : memref<32x16x128xf32, #tpu.memory_space<vmem>> -> memref<1x16x128xf32, #tpu.memory_space<vmem>>
      %dma_start3A_1681 = tpu.memref_squeeze %dma_start3A_1680 : memref<1x16x128xf32, #tpu.memory_space<vmem>> -> memref<16x128xf32, #tpu.memory_space<vmem>>
      %dma_start3A_1682 = arith.constant 0 : i32
      %dma_start3A_1683 = tpu.memref_slice %arg11[%dma_start3A_1682, %multiple_of3A_1663] : memref<16x1000000xf32, #tpu.memory_space<hbm>> -> memref<16x128xf32, #tpu.memory_space<hbm>>
      %dma_start3A_1684 = arith.constant 0 : i32
      %dma_start3A_1685 = arith.constant 0 : i32
      %dma_start3A_1686 = tpu.memref_slice %arg18[%dma_start3A_1677, %dma_start3A_1684, %dma_start3A_1685] : memref<32x16x128xf32, #tpu.memory_space<vmem>> -> memref<1x16x128xf32, #tpu.memory_space<vmem>>
      %dma_start3A_1687 = tpu.memref_squeeze %dma_start3A_1686 : memref<1x16x128xf32, #tpu.memory_space<vmem>> -> memref<16x128xf32, #tpu.memory_space<vmem>>
      %dma_start3A_1688 = arith.constant 0 : i32
      %dma_start3A_1689 = tpu.memref_slice %arg11[%dma_start3A_1688, %multiple_of3A_1663] : memref<16x1000000xf32, #tpu.memory_space<hbm>> -> memref<16x128xf32, #tpu.memory_space<hbm>>
      tpu.enqueue_dma source(%dma_start3A_1689 : memref<16x128xf32, #tpu.memory_space<hbm>>) target(%dma_start3A_1687 : memref<16x128xf32, #tpu.memory_space<vmem>>) target_semaphore(%arg23 : memref<!tpu.dma_semaphore, #tpu.memory_space<semaphore_mem>>)
      %slice3A_1690 = vector.extract_strided_slice %sub3A_59 {offsets = [11], sizes = [1], strides = [1]} : vector<16xi32> to vector<1xi32>
      %squeeze3A_1691 = vector.extract %slice3A_1690[0] : i32 from vector<1xi32>
      %multiple_of3A_1692 = tpu.assume_multiple %squeeze3A_1691, 128 : i32
      %dma_start3A_1693 = arith.constant 22 : i32
      %dma_start3A_1694 = arith.constant 0 : i32
      %dma_start3A_1695 = arith.constant 0 : i32
      %dma_start3A_1696 = tpu.memref_slice %arg18[%dma_start3A_1693, %dma_start3A_1694, %dma_start3A_1695] : memref<32x16x128xf32, #tpu.memory_space<vmem>> -> memref<1x16x128xf32, #tpu.memory_space<vmem>>
      %dma_start3A_1697 = tpu.memref_squeeze %dma_start3A_1696 : memref<1x16x128xf32, #tpu.memory_space<vmem>> -> memref<16x128xf32, #tpu.memory_space<vmem>>
      %dma_start3A_1698 = arith.constant 0 : i32
      %dma_start3A_1699 = tpu.memref_slice %arg10[%dma_start3A_1698, %multiple_of3A_1692] : memref<16x1000000xf32, #tpu.memory_space<hbm>> -> memref<16x128xf32, #tpu.memory_space<hbm>>
      %dma_start3A_1700 = arith.constant 0 : i32
      %dma_start3A_1701 = arith.constant 0 : i32
      %dma_start3A_1702 = tpu.memref_slice %arg18[%dma_start3A_1693, %dma_start3A_1700, %dma_start3A_1701] : memref<32x16x128xf32, #tpu.memory_space<vmem>> -> memref<1x16x128xf32, #tpu.memory_space<vmem>>
      %dma_start3A_1703 = tpu.memref_squeeze %dma_start3A_1702 : memref<1x16x128xf32, #tpu.memory_space<vmem>> -> memref<16x128xf32, #tpu.memory_space<vmem>>
      %dma_start3A_1704 = arith.constant 0 : i32
      %dma_start3A_1705 = tpu.memref_slice %arg10[%dma_start3A_1704, %multiple_of3A_1692] : memref<16x1000000xf32, #tpu.memory_space<hbm>> -> memref<16x128xf32, #tpu.memory_space<hbm>>
      tpu.enqueue_dma source(%dma_start3A_1705 : memref<16x128xf32, #tpu.memory_space<hbm>>) target(%dma_start3A_1703 : memref<16x128xf32, #tpu.memory_space<vmem>>) target_semaphore(%arg23 : memref<!tpu.dma_semaphore, #tpu.memory_space<semaphore_mem>>)
      %dma_start3A_1706 = arith.constant 23 : i32
      %dma_start3A_1707 = arith.constant 0 : i32
      %dma_start3A_1708 = arith.constant 0 : i32
      %dma_start3A_1709 = tpu.memref_slice %arg18[%dma_start3A_1706, %dma_start3A_1707, %dma_start3A_1708] : memref<32x16x128xf32, #tpu.memory_space<vmem>> -> memref<1x16x128xf32, #tpu.memory_space<vmem>>
      %dma_start3A_1710 = tpu.memref_squeeze %dma_start3A_1709 : memref<1x16x128xf32, #tpu.memory_space<vmem>> -> memref<16x128xf32, #tpu.memory_space<vmem>>
      %dma_start3A_1711 = arith.constant 0 : i32
      %dma_start3A_1712 = tpu.memref_slice %arg11[%dma_start3A_1711, %multiple_of3A_1692] : memref<16x1000000xf32, #tpu.memory_space<hbm>> -> memref<16x128xf32, #tpu.memory_space<hbm>>
      %dma_start3A_1713 = arith.constant 0 : i32
      %dma_start3A_1714 = arith.constant 0 : i32
      %dma_start3A_1715 = tpu.memref_slice %arg18[%dma_start3A_1706, %dma_start3A_1713, %dma_start3A_1714] : memref<32x16x128xf32, #tpu.memory_space<vmem>> -> memref<1x16x128xf32, #tpu.memory_space<vmem>>
      %dma_start3A_1716 = tpu.memref_squeeze %dma_start3A_1715 : memref<1x16x128xf32, #tpu.memory_space<vmem>> -> memref<16x128xf32, #tpu.memory_space<vmem>>
      %dma_start3A_1717 = arith.constant 0 : i32
      %dma_start3A_1718 = tpu.memref_slice %arg11[%dma_start3A_1717, %multiple_of3A_1692] : memref<16x1000000xf32, #tpu.memory_space<hbm>> -> memref<16x128xf32, #tpu.memory_space<hbm>>
      tpu.enqueue_dma source(%dma_start3A_1718 : memref<16x128xf32, #tpu.memory_space<hbm>>) target(%dma_start3A_1716 : memref<16x128xf32, #tpu.memory_space<vmem>>) target_semaphore(%arg23 : memref<!tpu.dma_semaphore, #tpu.memory_space<semaphore_mem>>)
      %slice3A_1719 = vector.extract_strided_slice %sub3A_59 {offsets = [12], sizes = [1], strides = [1]} : vector<16xi32> to vector<1xi32>
      %squeeze3A_1720 = vector.extract %slice3A_1719[0] : i32 from vector<1xi32>
      %multiple_of3A_1721 = tpu.assume_multiple %squeeze3A_1720, 128 : i32
      %dma_start3A_1722 = arith.constant 24 : i32
      %dma_start3A_1723 = arith.constant 0 : i32
      %dma_start3A_1724 = arith.constant 0 : i32
      %dma_start3A_1725 = tpu.memref_slice %arg18[%dma_start3A_1722, %dma_start3A_1723, %dma_start3A_1724] : memref<32x16x128xf32, #tpu.memory_space<vmem>> -> memref<1x16x128xf32, #tpu.memory_space<vmem>>
      %dma_start3A_1726 = tpu.memref_squeeze %dma_start3A_1725 : memref<1x16x128xf32, #tpu.memory_space<vmem>> -> memref<16x128xf32, #tpu.memory_space<vmem>>
      %dma_start3A_1727 = arith.constant 0 : i32
      %dma_start3A_1728 = tpu.memref_slice %arg10[%dma_start3A_1727, %multiple_of3A_1721] : memref<16x1000000xf32, #tpu.memory_space<hbm>> -> memref<16x128xf32, #tpu.memory_space<hbm>>
      %dma_start3A_1729 = arith.constant 0 : i32
      %dma_start3A_1730 = arith.constant 0 : i32
      %dma_start3A_1731 = tpu.memref_slice %arg18[%dma_start3A_1722, %dma_start3A_1729, %dma_start3A_1730] : memref<32x16x128xf32, #tpu.memory_space<vmem>> -> memref<1x16x128xf32, #tpu.memory_space<vmem>>
      %dma_start3A_1732 = tpu.memref_squeeze %dma_start3A_1731 : memref<1x16x128xf32, #tpu.memory_space<vmem>> -> memref<16x128xf32, #tpu.memory_space<vmem>>
      %dma_start3A_1733 = arith.constant 0 : i32
      %dma_start3A_1734 = tpu.memref_slice %arg10[%dma_start3A_1733, %multiple_of3A_1721] : memref<16x1000000xf32, #tpu.memory_space<hbm>> -> memref<16x128xf32, #tpu.memory_space<hbm>>
      tpu.enqueue_dma source(%dma_start3A_1734 : memref<16x128xf32, #tpu.memory_space<hbm>>) target(%dma_start3A_1732 : memref<16x128xf32, #tpu.memory_space<vmem>>) target_semaphore(%arg23 : memref<!tpu.dma_semaphore, #tpu.memory_space<semaphore_mem>>)
      %dma_start3A_1735 = arith.constant 25 : i32
      %dma_start3A_1736 = arith.constant 0 : i32
      %dma_start3A_1737 = arith.constant 0 : i32
      %dma_start3A_1738 = tpu.memref_slice %arg18[%dma_start3A_1735, %dma_start3A_1736, %dma_start3A_1737] : memref<32x16x128xf32, #tpu.memory_space<vmem>> -> memref<1x16x128xf32, #tpu.memory_space<vmem>>
      %dma_start3A_1739 = tpu.memref_squeeze %dma_start3A_1738 : memref<1x16x128xf32, #tpu.memory_space<vmem>> -> memref<16x128xf32, #tpu.memory_space<vmem>>
      %dma_start3A_1740 = arith.constant 0 : i32
      %dma_start3A_1741 = tpu.memref_slice %arg11[%dma_start3A_1740, %multiple_of3A_1721] : memref<16x1000000xf32, #tpu.memory_space<hbm>> -> memref<16x128xf32, #tpu.memory_space<hbm>>
      %dma_start3A_1742 = arith.constant 0 : i32
      %dma_start3A_1743 = arith.constant 0 : i32
      %dma_start3A_1744 = tpu.memref_slice %arg18[%dma_start3A_1735, %dma_start3A_1742, %dma_start3A_1743] : memref<32x16x128xf32, #tpu.memory_space<vmem>> -> memref<1x16x128xf32, #tpu.memory_space<vmem>>
      %dma_start3A_1745 = tpu.memref_squeeze %dma_start3A_1744 : memref<1x16x128xf32, #tpu.memory_space<vmem>> -> memref<16x128xf32, #tpu.memory_space<vmem>>
      %dma_start3A_1746 = arith.constant 0 : i32
      %dma_start3A_1747 = tpu.memref_slice %arg11[%dma_start3A_1746, %multiple_of3A_1721] : memref<16x1000000xf32, #tpu.memory_space<hbm>> -> memref<16x128xf32, #tpu.memory_space<hbm>>
      tpu.enqueue_dma source(%dma_start3A_1747 : memref<16x128xf32, #tpu.memory_space<hbm>>) target(%dma_start3A_1745 : memref<16x128xf32, #tpu.memory_space<vmem>>) target_semaphore(%arg23 : memref<!tpu.dma_semaphore, #tpu.memory_space<semaphore_mem>>)
      %slice3A_1748 = vector.extract_strided_slice %sub3A_59 {offsets = [13], sizes = [1], strides = [1]} : vector<16xi32> to vector<1xi32>
      %squeeze3A_1749 = vector.extract %slice3A_1748[0] : i32 from vector<1xi32>
      %multiple_of3A_1750 = tpu.assume_multiple %squeeze3A_1749, 128 : i32
      %dma_start3A_1751 = arith.constant 26 : i32
      %dma_start3A_1752 = arith.constant 0 : i32
      %dma_start3A_1753 = arith.constant 0 : i32
      %dma_start3A_1754 = tpu.memref_slice %arg18[%dma_start3A_1751, %dma_start3A_1752, %dma_start3A_1753] : memref<32x16x128xf32, #tpu.memory_space<vmem>> -> memref<1x16x128xf32, #tpu.memory_space<vmem>>
      %dma_start3A_1755 = tpu.memref_squeeze %dma_start3A_1754 : memref<1x16x128xf32, #tpu.memory_space<vmem>> -> memref<16x128xf32, #tpu.memory_space<vmem>>
      %dma_start3A_1756 = arith.constant 0 : i32
      %dma_start3A_1757 = tpu.memref_slice %arg10[%dma_start3A_1756, %multiple_of3A_1750] : memref<16x1000000xf32, #tpu.memory_space<hbm>> -> memref<16x128xf32, #tpu.memory_space<hbm>>
      %dma_start3A_1758 = arith.constant 0 : i32
      %dma_start3A_1759 = arith.constant 0 : i32
      %dma_start3A_1760 = tpu.memref_slice %arg18[%dma_start3A_1751, %dma_start3A_1758, %dma_start3A_1759] : memref<32x16x128xf32, #tpu.memory_space<vmem>> -> memref<1x16x128xf32, #tpu.memory_space<vmem>>
      %dma_start3A_1761 = tpu.memref_squeeze %dma_start3A_1760 : memref<1x16x128xf32, #tpu.memory_space<vmem>> -> memref<16x128xf32, #tpu.memory_space<vmem>>
      %dma_start3A_1762 = arith.constant 0 : i32
      %dma_start3A_1763 = tpu.memref_slice %arg10[%dma_start3A_1762, %multiple_of3A_1750] : memref<16x1000000xf32, #tpu.memory_space<hbm>> -> memref<16x128xf32, #tpu.memory_space<hbm>>
      tpu.enqueue_dma source(%dma_start3A_1763 : memref<16x128xf32, #tpu.memory_space<hbm>>) target(%dma_start3A_1761 : memref<16x128xf32, #tpu.memory_space<vmem>>) target_semaphore(%arg23 : memref<!tpu.dma_semaphore, #tpu.memory_space<semaphore_mem>>)
      %dma_start3A_1764 = arith.constant 27 : i32
      %dma_start3A_1765 = arith.constant 0 : i32
      %dma_start3A_1766 = arith.constant 0 : i32
      %dma_start3A_1767 = tpu.memref_slice %arg18[%dma_start3A_1764, %dma_start3A_1765, %dma_start3A_1766] : memref<32x16x128xf32, #tpu.memory_space<vmem>> -> memref<1x16x128xf32, #tpu.memory_space<vmem>>
      %dma_start3A_1768 = tpu.memref_squeeze %dma_start3A_1767 : memref<1x16x128xf32, #tpu.memory_space<vmem>> -> memref<16x128xf32, #tpu.memory_space<vmem>>
      %dma_start3A_1769 = arith.constant 0 : i32
      %dma_start3A_1770 = tpu.memref_slice %arg11[%dma_start3A_1769, %multiple_of3A_1750] : memref<16x1000000xf32, #tpu.memory_space<hbm>> -> memref<16x128xf32, #tpu.memory_space<hbm>>
      %dma_start3A_1771 = arith.constant 0 : i32
      %dma_start3A_1772 = arith.constant 0 : i32
      %dma_start3A_1773 = tpu.memref_slice %arg18[%dma_start3A_1764, %dma_start3A_1771, %dma_start3A_1772] : memref<32x16x128xf32, #tpu.memory_space<vmem>> -> memref<1x16x128xf32, #tpu.memory_space<vmem>>
      %dma_start3A_1774 = tpu.memref_squeeze %dma_start3A_1773 : memref<1x16x128xf32, #tpu.memory_space<vmem>> -> memref<16x128xf32, #tpu.memory_space<vmem>>
      %dma_start3A_1775 = arith.constant 0 : i32
      %dma_start3A_1776 = tpu.memref_slice %arg11[%dma_start3A_1775, %multiple_of3A_1750] : memref<16x1000000xf32, #tpu.memory_space<hbm>> -> memref<16x128xf32, #tpu.memory_space<hbm>>
      tpu.enqueue_dma source(%dma_start3A_1776 : memref<16x128xf32, #tpu.memory_space<hbm>>) target(%dma_start3A_1774 : memref<16x128xf32, #tpu.memory_space<vmem>>) target_semaphore(%arg23 : memref<!tpu.dma_semaphore, #tpu.memory_space<semaphore_mem>>)
      %slice3A_1777 = vector.extract_strided_slice %sub3A_59 {offsets = [14], sizes = [1], strides = [1]} : vector<16xi32> to vector<1xi32>
      %squeeze3A_1778 = vector.extract %slice3A_1777[0] : i32 from vector<1xi32>
      %multiple_of3A_1779 = tpu.assume_multiple %squeeze3A_1778, 128 : i32
      %dma_start3A_1780 = arith.constant 28 : i32
      %dma_start3A_1781 = arith.constant 0 : i32
      %dma_start3A_1782 = arith.constant 0 : i32
      %dma_start3A_1783 = tpu.memref_slice %arg18[%dma_start3A_1780, %dma_start3A_1781, %dma_start3A_1782] : memref<32x16x128xf32, #tpu.memory_space<vmem>> -> memref<1x16x128xf32, #tpu.memory_space<vmem>>
      %dma_start3A_1784 = tpu.memref_squeeze %dma_start3A_1783 : memref<1x16x128xf32, #tpu.memory_space<vmem>> -> memref<16x128xf32, #tpu.memory_space<vmem>>
      %dma_start3A_1785 = arith.constant 0 : i32
      %dma_start3A_1786 = tpu.memref_slice %arg10[%dma_start3A_1785, %multiple_of3A_1779] : memref<16x1000000xf32, #tpu.memory_space<hbm>> -> memref<16x128xf32, #tpu.memory_space<hbm>>
      %dma_start3A_1787 = arith.constant 0 : i32
      %dma_start3A_1788 = arith.constant 0 : i32
      %dma_start3A_1789 = tpu.memref_slice %arg18[%dma_start3A_1780, %dma_start3A_1787, %dma_start3A_1788] : memref<32x16x128xf32, #tpu.memory_space<vmem>> -> memref<1x16x128xf32, #tpu.memory_space<vmem>>
      %dma_start3A_1790 = tpu.memref_squeeze %dma_start3A_1789 : memref<1x16x128xf32, #tpu.memory_space<vmem>> -> memref<16x128xf32, #tpu.memory_space<vmem>>
      %dma_start3A_1791 = arith.constant 0 : i32
      %dma_start3A_1792 = tpu.memref_slice %arg10[%dma_start3A_1791, %multiple_of3A_1779] : memref<16x1000000xf32, #tpu.memory_space<hbm>> -> memref<16x128xf32, #tpu.memory_space<hbm>>
      tpu.enqueue_dma source(%dma_start3A_1792 : memref<16x128xf32, #tpu.memory_space<hbm>>) target(%dma_start3A_1790 : memref<16x128xf32, #tpu.memory_space<vmem>>) target_semaphore(%arg23 : memref<!tpu.dma_semaphore, #tpu.memory_space<semaphore_mem>>)
      %dma_start3A_1793 = arith.constant 29 : i32
      %dma_start3A_1794 = arith.constant 0 : i32
      %dma_start3A_1795 = arith.constant 0 : i32
      %dma_start3A_1796 = tpu.memref_slice %arg18[%dma_start3A_1793, %dma_start3A_1794, %dma_start3A_1795] : memref<32x16x128xf32, #tpu.memory_space<vmem>> -> memref<1x16x128xf32, #tpu.memory_space<vmem>>
      %dma_start3A_1797 = tpu.memref_squeeze %dma_start3A_1796 : memref<1x16x128xf32, #tpu.memory_space<vmem>> -> memref<16x128xf32, #tpu.memory_space<vmem>>
      %dma_start3A_1798 = arith.constant 0 : i32
      %dma_start3A_1799 = tpu.memref_slice %arg11[%dma_start3A_1798, %multiple_of3A_1779] : memref<16x1000000xf32, #tpu.memory_space<hbm>> -> memref<16x128xf32, #tpu.memory_space<hbm>>
      %dma_start3A_1800 = arith.constant 0 : i32
      %dma_start3A_1801 = arith.constant 0 : i32
      %dma_start3A_1802 = tpu.memref_slice %arg18[%dma_start3A_1793, %dma_start3A_1800, %dma_start3A_1801] : memref<32x16x128xf32, #tpu.memory_space<vmem>> -> memref<1x16x128xf32, #tpu.memory_space<vmem>>
      %dma_start3A_1803 = tpu.memref_squeeze %dma_start3A_1802 : memref<1x16x128xf32, #tpu.memory_space<vmem>> -> memref<16x128xf32, #tpu.memory_space<vmem>>
      %dma_start3A_1804 = arith.constant 0 : i32
      %dma_start3A_1805 = tpu.memref_slice %arg11[%dma_start3A_1804, %multiple_of3A_1779] : memref<16x1000000xf32, #tpu.memory_space<hbm>> -> memref<16x128xf32, #tpu.memory_space<hbm>>
      tpu.enqueue_dma source(%dma_start3A_1805 : memref<16x128xf32, #tpu.memory_space<hbm>>) target(%dma_start3A_1803 : memref<16x128xf32, #tpu.memory_space<vmem>>) target_semaphore(%arg23 : memref<!tpu.dma_semaphore, #tpu.memory_space<semaphore_mem>>)
      %slice3A_1806 = vector.extract_strided_slice %sub3A_59 {offsets = [15], sizes = [1], strides = [1]} : vector<16xi32> to vector<1xi32>
      %squeeze3A_1807 = vector.extract %slice3A_1806[0] : i32 from vector<1xi32>
      %multiple_of3A_1808 = tpu.assume_multiple %squeeze3A_1807, 128 : i32
      %dma_start3A_1809 = arith.constant 30 : i32
      %dma_start3A_1810 = arith.constant 0 : i32
      %dma_start3A_1811 = arith.constant 0 : i32
      %dma_start3A_1812 = tpu.memref_slice %arg18[%dma_start3A_1809, %dma_start3A_1810, %dma_start3A_1811] : memref<32x16x128xf32, #tpu.memory_space<vmem>> -> memref<1x16x128xf32, #tpu.memory_space<vmem>>
      %dma_start3A_1813 = tpu.memref_squeeze %dma_start3A_1812 : memref<1x16x128xf32, #tpu.memory_space<vmem>> -> memref<16x128xf32, #tpu.memory_space<vmem>>
      %dma_start3A_1814 = arith.constant 0 : i32
      %dma_start3A_1815 = tpu.memref_slice %arg10[%dma_start3A_1814, %multiple_of3A_1808] : memref<16x1000000xf32, #tpu.memory_space<hbm>> -> memref<16x128xf32, #tpu.memory_space<hbm>>
      %dma_start3A_1816 = arith.constant 0 : i32
      %dma_start3A_1817 = arith.constant 0 : i32
      %dma_start3A_1818 = tpu.memref_slice %arg18[%dma_start3A_1809, %dma_start3A_1816, %dma_start3A_1817] : memref<32x16x128xf32, #tpu.memory_space<vmem>> -> memref<1x16x128xf32, #tpu.memory_space<vmem>>
      %dma_start3A_1819 = tpu.memref_squeeze %dma_start3A_1818 : memref<1x16x128xf32, #tpu.memory_space<vmem>> -> memref<16x128xf32, #tpu.memory_space<vmem>>
      %dma_start3A_1820 = arith.constant 0 : i32
      %dma_start3A_1821 = tpu.memref_slice %arg10[%dma_start3A_1820, %multiple_of3A_1808] : memref<16x1000000xf32, #tpu.memory_space<hbm>> -> memref<16x128xf32, #tpu.memory_space<hbm>>
      tpu.enqueue_dma source(%dma_start3A_1821 : memref<16x128xf32, #tpu.memory_space<hbm>>) target(%dma_start3A_1819 : memref<16x128xf32, #tpu.memory_space<vmem>>) target_semaphore(%arg23 : memref<!tpu.dma_semaphore, #tpu.memory_space<semaphore_mem>>)
      %dma_start3A_1822 = arith.constant 31 : i32
      %dma_start3A_1823 = arith.constant 0 : i32
      %dma_start3A_1824 = arith.constant 0 : i32
      %dma_start3A_1825 = tpu.memref_slice %arg18[%dma_start3A_1822, %dma_start3A_1823, %dma_start3A_1824] : memref<32x16x128xf32, #tpu.memory_space<vmem>> -> memref<1x16x128xf32, #tpu.memory_space<vmem>>
      %dma_start3A_1826 = tpu.memref_squeeze %dma_start3A_1825 : memref<1x16x128xf32, #tpu.memory_space<vmem>> -> memref<16x128xf32, #tpu.memory_space<vmem>>
      %dma_start3A_1827 = arith.constant 0 : i32
      %dma_start3A_1828 = tpu.memref_slice %arg11[%dma_start3A_1827, %multiple_of3A_1808] : memref<16x1000000xf32, #tpu.memory_space<hbm>> -> memref<16x128xf32, #tpu.memory_space<hbm>>
      %dma_start3A_1829 = arith.constant 0 : i32
      %dma_start3A_1830 = arith.constant 0 : i32
      %dma_start3A_1831 = tpu.memref_slice %arg18[%dma_start3A_1822, %dma_start3A_1829, %dma_start3A_1830] : memref<32x16x128xf32, #tpu.memory_space<vmem>> -> memref<1x16x128xf32, #tpu.memory_space<vmem>>
      %dma_start3A_1832 = tpu.memref_squeeze %dma_start3A_1831 : memref<1x16x128xf32, #tpu.memory_space<vmem>> -> memref<16x128xf32, #tpu.memory_space<vmem>>
      %dma_start3A_1833 = arith.constant 0 : i32
      %dma_start3A_1834 = tpu.memref_slice %arg11[%dma_start3A_1833, %multiple_of3A_1808] : memref<16x1000000xf32, #tpu.memory_space<hbm>> -> memref<16x128xf32, #tpu.memory_space<hbm>>
      tpu.enqueue_dma source(%dma_start3A_1834 : memref<16x128xf32, #tpu.memory_space<hbm>>) target(%dma_start3A_1832 : memref<16x128xf32, #tpu.memory_space<vmem>>) target_semaphore(%arg23 : memref<!tpu.dma_semaphore, #tpu.memory_space<semaphore_mem>>)
      %dma_wait3A_1835 = arith.constant 0 : i32
      %dma_wait3A_1836 = arith.constant 0 : i32
      %dma_wait3A_1837 = arith.constant 0 : i32
      %dma_wait3A_1838 = tpu.memref_slice %arg18[%dma_wait3A_1835, %dma_wait3A_1836, %dma_wait3A_1837] : memref<32x16x128xf32, #tpu.memory_space<vmem>> -> memref<1x16x128xf32, #tpu.memory_space<vmem>>
      %dma_wait3A_1839 = tpu.memref_squeeze %dma_wait3A_1838 : memref<1x16x128xf32, #tpu.memory_space<vmem>> -> memref<16x128xf32, #tpu.memory_space<vmem>>
      %dma_wait3A_1840 = arith.constant 0 : i32
      %dma_wait3A_1841 = tpu.memref_slice %arg10[%dma_wait3A_1840, %multiple_of3A_1373] : memref<16x1000000xf32, #tpu.memory_space<hbm>> -> memref<16x128xf32, #tpu.memory_space<hbm>>
      %dma_wait3A_1842 = arith.constant 0 : i32
      %dma_wait3A_1843 = arith.constant 0 : i32
      %dma_wait3A_1844 = tpu.memref_slice %arg18[%dma_wait3A_1835, %dma_wait3A_1842, %dma_wait3A_1843] : memref<32x16x128xf32, #tpu.memory_space<vmem>> -> memref<1x16x128xf32, #tpu.memory_space<vmem>>
      %dma_wait3A_1845 = tpu.memref_squeeze %dma_wait3A_1844 : memref<1x16x128xf32, #tpu.memory_space<vmem>> -> memref<16x128xf32, #tpu.memory_space<vmem>>
      %dma_wait3A_1846 = arith.constant 0 : i32
      %dma_wait3A_1847 = tpu.memref_slice %arg10[%dma_wait3A_1846, %multiple_of3A_1373] : memref<16x1000000xf32, #tpu.memory_space<hbm>> -> memref<16x128xf32, #tpu.memory_space<hbm>>
      tpu.wait_dma2 semaphore(%arg23 : memref<!tpu.dma_semaphore, #tpu.memory_space<semaphore_mem>>) src(%dma_wait3A_1847 : memref<16x128xf32, #tpu.memory_space<hbm>>) dst(%dma_wait3A_1845 : memref<16x128xf32, #tpu.memory_space<vmem>>)
      %dma_wait3A_1848 = arith.constant 1 : i32
      %dma_wait3A_1849 = arith.constant 0 : i32
      %dma_wait3A_1850 = arith.constant 0 : i32
      %dma_wait3A_1851 = tpu.memref_slice %arg18[%dma_wait3A_1848, %dma_wait3A_1849, %dma_wait3A_1850] : memref<32x16x128xf32, #tpu.memory_space<vmem>> -> memref<1x16x128xf32, #tpu.memory_space<vmem>>
      %dma_wait3A_1852 = tpu.memref_squeeze %dma_wait3A_1851 : memref<1x16x128xf32, #tpu.memory_space<vmem>> -> memref<16x128xf32, #tpu.memory_space<vmem>>
      %dma_wait3A_1853 = arith.constant 0 : i32
      %dma_wait3A_1854 = tpu.memref_slice %arg11[%dma_wait3A_1853, %multiple_of3A_1373] : memref<16x1000000xf32, #tpu.memory_space<hbm>> -> memref<16x128xf32, #tpu.memory_space<hbm>>
      %dma_wait3A_1855 = arith.constant 0 : i32
      %dma_wait3A_1856 = arith.constant 0 : i32
      %dma_wait3A_1857 = tpu.memref_slice %arg18[%dma_wait3A_1848, %dma_wait3A_1855, %dma_wait3A_1856] : memref<32x16x128xf32, #tpu.memory_space<vmem>> -> memref<1x16x128xf32, #tpu.memory_space<vmem>>
      %dma_wait3A_1858 = tpu.memref_squeeze %dma_wait3A_1857 : memref<1x16x128xf32, #tpu.memory_space<vmem>> -> memref<16x128xf32, #tpu.memory_space<vmem>>
      %dma_wait3A_1859 = arith.constant 0 : i32
      %dma_wait3A_1860 = tpu.memref_slice %arg11[%dma_wait3A_1859, %multiple_of3A_1373] : memref<16x1000000xf32, #tpu.memory_space<hbm>> -> memref<16x128xf32, #tpu.memory_space<hbm>>
      tpu.wait_dma2 semaphore(%arg23 : memref<!tpu.dma_semaphore, #tpu.memory_space<semaphore_mem>>) src(%dma_wait3A_1860 : memref<16x128xf32, #tpu.memory_space<hbm>>) dst(%dma_wait3A_1858 : memref<16x128xf32, #tpu.memory_space<vmem>>)
      %dma_wait3A_1861 = arith.constant 2 : i32
      %dma_wait3A_1862 = arith.constant 0 : i32
      %dma_wait3A_1863 = arith.constant 0 : i32
      %dma_wait3A_1864 = tpu.memref_slice %arg18[%dma_wait3A_1861, %dma_wait3A_1862, %dma_wait3A_1863] : memref<32x16x128xf32, #tpu.memory_space<vmem>> -> memref<1x16x128xf32, #tpu.memory_space<vmem>>
      %dma_wait3A_1865 = tpu.memref_squeeze %dma_wait3A_1864 : memref<1x16x128xf32, #tpu.memory_space<vmem>> -> memref<16x128xf32, #tpu.memory_space<vmem>>
      %dma_wait3A_1866 = arith.constant 0 : i32
      %dma_wait3A_1867 = tpu.memref_slice %arg10[%dma_wait3A_1866, %multiple_of3A_1402] : memref<16x1000000xf32, #tpu.memory_space<hbm>> -> memref<16x128xf32, #tpu.memory_space<hbm>>
      %dma_wait3A_1868 = arith.constant 0 : i32
      %dma_wait3A_1869 = arith.constant 0 : i32
      %dma_wait3A_1870 = tpu.memref_slice %arg18[%dma_wait3A_1861, %dma_wait3A_1868, %dma_wait3A_1869] : memref<32x16x128xf32, #tpu.memory_space<vmem>> -> memref<1x16x128xf32, #tpu.memory_space<vmem>>
      %dma_wait3A_1871 = tpu.memref_squeeze %dma_wait3A_1870 : memref<1x16x128xf32, #tpu.memory_space<vmem>> -> memref<16x128xf32, #tpu.memory_space<vmem>>
      %dma_wait3A_1872 = arith.constant 0 : i32
      %dma_wait3A_1873 = tpu.memref_slice %arg10[%dma_wait3A_1872, %multiple_of3A_1402] : memref<16x1000000xf32, #tpu.memory_space<hbm>> -> memref<16x128xf32, #tpu.memory_space<hbm>>
      tpu.wait_dma2 semaphore(%arg23 : memref<!tpu.dma_semaphore, #tpu.memory_space<semaphore_mem>>) src(%dma_wait3A_1873 : memref<16x128xf32, #tpu.memory_space<hbm>>) dst(%dma_wait3A_1871 : memref<16x128xf32, #tpu.memory_space<vmem>>)
      %dma_wait3A_1874 = arith.constant 3 : i32
      %dma_wait3A_1875 = arith.constant 0 : i32
      %dma_wait3A_1876 = arith.constant 0 : i32
      %dma_wait3A_1877 = tpu.memref_slice %arg18[%dma_wait3A_1874, %dma_wait3A_1875, %dma_wait3A_1876] : memref<32x16x128xf32, #tpu.memory_space<vmem>> -> memref<1x16x128xf32, #tpu.memory_space<vmem>>
      %dma_wait3A_1878 = tpu.memref_squeeze %dma_wait3A_1877 : memref<1x16x128xf32, #tpu.memory_space<vmem>> -> memref<16x128xf32, #tpu.memory_space<vmem>>
      %dma_wait3A_1879 = arith.constant 0 : i32
      %dma_wait3A_1880 = tpu.memref_slice %arg11[%dma_wait3A_1879, %multiple_of3A_1402] : memref<16x1000000xf32, #tpu.memory_space<hbm>> -> memref<16x128xf32, #tpu.memory_space<hbm>>
      %dma_wait3A_1881 = arith.constant 0 : i32
      %dma_wait3A_1882 = arith.constant 0 : i32
      %dma_wait3A_1883 = tpu.memref_slice %arg18[%dma_wait3A_1874, %dma_wait3A_1881, %dma_wait3A_1882] : memref<32x16x128xf32, #tpu.memory_space<vmem>> -> memref<1x16x128xf32, #tpu.memory_space<vmem>>
      %dma_wait3A_1884 = tpu.memref_squeeze %dma_wait3A_1883 : memref<1x16x128xf32, #tpu.memory_space<vmem>> -> memref<16x128xf32, #tpu.memory_space<vmem>>
      %dma_wait3A_1885 = arith.constant 0 : i32
      %dma_wait3A_1886 = tpu.memref_slice %arg11[%dma_wait3A_1885, %multiple_of3A_1402] : memref<16x1000000xf32, #tpu.memory_space<hbm>> -> memref<16x128xf32, #tpu.memory_space<hbm>>
      tpu.wait_dma2 semaphore(%arg23 : memref<!tpu.dma_semaphore, #tpu.memory_space<semaphore_mem>>) src(%dma_wait3A_1886 : memref<16x128xf32, #tpu.memory_space<hbm>>) dst(%dma_wait3A_1884 : memref<16x128xf32, #tpu.memory_space<vmem>>)
      %dma_wait3A_1887 = arith.constant 4 : i32
      %dma_wait3A_1888 = arith.constant 0 : i32
      %dma_wait3A_1889 = arith.constant 0 : i32
      %dma_wait3A_1890 = tpu.memref_slice %arg18[%dma_wait3A_1887, %dma_wait3A_1888, %dma_wait3A_1889] : memref<32x16x128xf32, #tpu.memory_space<vmem>> -> memref<1x16x128xf32, #tpu.memory_space<vmem>>
      %dma_wait3A_1891 = tpu.memref_squeeze %dma_wait3A_1890 : memref<1x16x128xf32, #tpu.memory_space<vmem>> -> memref<16x128xf32, #tpu.memory_space<vmem>>
      %dma_wait3A_1892 = arith.constant 0 : i32
      %dma_wait3A_1893 = tpu.memref_slice %arg10[%dma_wait3A_1892, %multiple_of3A_1431] : memref<16x1000000xf32, #tpu.memory_space<hbm>> -> memref<16x128xf32, #tpu.memory_space<hbm>>
      %dma_wait3A_1894 = arith.constant 0 : i32
      %dma_wait3A_1895 = arith.constant 0 : i32
      %dma_wait3A_1896 = tpu.memref_slice %arg18[%dma_wait3A_1887, %dma_wait3A_1894, %dma_wait3A_1895] : memref<32x16x128xf32, #tpu.memory_space<vmem>> -> memref<1x16x128xf32, #tpu.memory_space<vmem>>
      %dma_wait3A_1897 = tpu.memref_squeeze %dma_wait3A_1896 : memref<1x16x128xf32, #tpu.memory_space<vmem>> -> memref<16x128xf32, #tpu.memory_space<vmem>>
      %dma_wait3A_1898 = arith.constant 0 : i32
      %dma_wait3A_1899 = tpu.memref_slice %arg10[%dma_wait3A_1898, %multiple_of3A_1431] : memref<16x1000000xf32, #tpu.memory_space<hbm>> -> memref<16x128xf32, #tpu.memory_space<hbm>>
      tpu.wait_dma2 semaphore(%arg23 : memref<!tpu.dma_semaphore, #tpu.memory_space<semaphore_mem>>) src(%dma_wait3A_1899 : memref<16x128xf32, #tpu.memory_space<hbm>>) dst(%dma_wait3A_1897 : memref<16x128xf32, #tpu.memory_space<vmem>>)
      %dma_wait3A_1900 = arith.constant 5 : i32
      %dma_wait3A_1901 = arith.constant 0 : i32
      %dma_wait3A_1902 = arith.constant 0 : i32
      %dma_wait3A_1903 = tpu.memref_slice %arg18[%dma_wait3A_1900, %dma_wait3A_1901, %dma_wait3A_1902] : memref<32x16x128xf32, #tpu.memory_space<vmem>> -> memref<1x16x128xf32, #tpu.memory_space<vmem>>
      %dma_wait3A_1904 = tpu.memref_squeeze %dma_wait3A_1903 : memref<1x16x128xf32, #tpu.memory_space<vmem>> -> memref<16x128xf32, #tpu.memory_space<vmem>>
      %dma_wait3A_1905 = arith.constant 0 : i32
      %dma_wait3A_1906 = tpu.memref_slice %arg11[%dma_wait3A_1905, %multiple_of3A_1431] : memref<16x1000000xf32, #tpu.memory_space<hbm>> -> memref<16x128xf32, #tpu.memory_space<hbm>>
      %dma_wait3A_1907 = arith.constant 0 : i32
      %dma_wait3A_1908 = arith.constant 0 : i32
      %dma_wait3A_1909 = tpu.memref_slice %arg18[%dma_wait3A_1900, %dma_wait3A_1907, %dma_wait3A_1908] : memref<32x16x128xf32, #tpu.memory_space<vmem>> -> memref<1x16x128xf32, #tpu.memory_space<vmem>>
      %dma_wait3A_1910 = tpu.memref_squeeze %dma_wait3A_1909 : memref<1x16x128xf32, #tpu.memory_space<vmem>> -> memref<16x128xf32, #tpu.memory_space<vmem>>
      %dma_wait3A_1911 = arith.constant 0 : i32
      %dma_wait3A_1912 = tpu.memref_slice %arg11[%dma_wait3A_1911, %multiple_of3A_1431] : memref<16x1000000xf32, #tpu.memory_space<hbm>> -> memref<16x128xf32, #tpu.memory_space<hbm>>
      tpu.wait_dma2 semaphore(%arg23 : memref<!tpu.dma_semaphore, #tpu.memory_space<semaphore_mem>>) src(%dma_wait3A_1912 : memref<16x128xf32, #tpu.memory_space<hbm>>) dst(%dma_wait3A_1910 : memref<16x128xf32, #tpu.memory_space<vmem>>)
      %dma_wait3A_1913 = arith.constant 6 : i32
      %dma_wait3A_1914 = arith.constant 0 : i32
      %dma_wait3A_1915 = arith.constant 0 : i32
      %dma_wait3A_1916 = tpu.memref_slice %arg18[%dma_wait3A_1913, %dma_wait3A_1914, %dma_wait3A_1915] : memref<32x16x128xf32, #tpu.memory_space<vmem>> -> memref<1x16x128xf32, #tpu.memory_space<vmem>>
      %dma_wait3A_1917 = tpu.memref_squeeze %dma_wait3A_1916 : memref<1x16x128xf32, #tpu.memory_space<vmem>> -> memref<16x128xf32, #tpu.memory_space<vmem>>
      %dma_wait3A_1918 = arith.constant 0 : i32
      %dma_wait3A_1919 = tpu.memref_slice %arg10[%dma_wait3A_1918, %multiple_of3A_1460] : memref<16x1000000xf32, #tpu.memory_space<hbm>> -> memref<16x128xf32, #tpu.memory_space<hbm>>
      %dma_wait3A_1920 = arith.constant 0 : i32
      %dma_wait3A_1921 = arith.constant 0 : i32
      %dma_wait3A_1922 = tpu.memref_slice %arg18[%dma_wait3A_1913, %dma_wait3A_1920, %dma_wait3A_1921] : memref<32x16x128xf32, #tpu.memory_space<vmem>> -> memref<1x16x128xf32, #tpu.memory_space<vmem>>
      %dma_wait3A_1923 = tpu.memref_squeeze %dma_wait3A_1922 : memref<1x16x128xf32, #tpu.memory_space<vmem>> -> memref<16x128xf32, #tpu.memory_space<vmem>>
      %dma_wait3A_1924 = arith.constant 0 : i32
      %dma_wait3A_1925 = tpu.memref_slice %arg10[%dma_wait3A_1924, %multiple_of3A_1460] : memref<16x1000000xf32, #tpu.memory_space<hbm>> -> memref<16x128xf32, #tpu.memory_space<hbm>>
      tpu.wait_dma2 semaphore(%arg23 : memref<!tpu.dma_semaphore, #tpu.memory_space<semaphore_mem>>) src(%dma_wait3A_1925 : memref<16x128xf32, #tpu.memory_space<hbm>>) dst(%dma_wait3A_1923 : memref<16x128xf32, #tpu.memory_space<vmem>>)
      %dma_wait3A_1926 = arith.constant 7 : i32
      %dma_wait3A_1927 = arith.constant 0 : i32
      %dma_wait3A_1928 = arith.constant 0 : i32
      %dma_wait3A_1929 = tpu.memref_slice %arg18[%dma_wait3A_1926, %dma_wait3A_1927, %dma_wait3A_1928] : memref<32x16x128xf32, #tpu.memory_space<vmem>> -> memref<1x16x128xf32, #tpu.memory_space<vmem>>
      %dma_wait3A_1930 = tpu.memref_squeeze %dma_wait3A_1929 : memref<1x16x128xf32, #tpu.memory_space<vmem>> -> memref<16x128xf32, #tpu.memory_space<vmem>>
      %dma_wait3A_1931 = arith.constant 0 : i32
      %dma_wait3A_1932 = tpu.memref_slice %arg11[%dma_wait3A_1931, %multiple_of3A_1460] : memref<16x1000000xf32, #tpu.memory_space<hbm>> -> memref<16x128xf32, #tpu.memory_space<hbm>>
      %dma_wait3A_1933 = arith.constant 0 : i32
      %dma_wait3A_1934 = arith.constant 0 : i32
      %dma_wait3A_1935 = tpu.memref_slice %arg18[%dma_wait3A_1926, %dma_wait3A_1933, %dma_wait3A_1934] : memref<32x16x128xf32, #tpu.memory_space<vmem>> -> memref<1x16x128xf32, #tpu.memory_space<vmem>>
      %dma_wait3A_1936 = tpu.memref_squeeze %dma_wait3A_1935 : memref<1x16x128xf32, #tpu.memory_space<vmem>> -> memref<16x128xf32, #tpu.memory_space<vmem>>
      %dma_wait3A_1937 = arith.constant 0 : i32
      %dma_wait3A_1938 = tpu.memref_slice %arg11[%dma_wait3A_1937, %multiple_of3A_1460] : memref<16x1000000xf32, #tpu.memory_space<hbm>> -> memref<16x128xf32, #tpu.memory_space<hbm>>
      tpu.wait_dma2 semaphore(%arg23 : memref<!tpu.dma_semaphore, #tpu.memory_space<semaphore_mem>>) src(%dma_wait3A_1938 : memref<16x128xf32, #tpu.memory_space<hbm>>) dst(%dma_wait3A_1936 : memref<16x128xf32, #tpu.memory_space<vmem>>)
      %dma_wait3A_1939 = arith.constant 8 : i32
      %dma_wait3A_1940 = arith.constant 0 : i32
      %dma_wait3A_1941 = arith.constant 0 : i32
      %dma_wait3A_1942 = tpu.memref_slice %arg18[%dma_wait3A_1939, %dma_wait3A_1940, %dma_wait3A_1941] : memref<32x16x128xf32, #tpu.memory_space<vmem>> -> memref<1x16x128xf32, #tpu.memory_space<vmem>>
      %dma_wait3A_1943 = tpu.memref_squeeze %dma_wait3A_1942 : memref<1x16x128xf32, #tpu.memory_space<vmem>> -> memref<16x128xf32, #tpu.memory_space<vmem>>
      %dma_wait3A_1944 = arith.constant 0 : i32
      %dma_wait3A_1945 = tpu.memref_slice %arg10[%dma_wait3A_1944, %multiple_of3A_1489] : memref<16x1000000xf32, #tpu.memory_space<hbm>> -> memref<16x128xf32, #tpu.memory_space<hbm>>
      %dma_wait3A_1946 = arith.constant 0 : i32
      %dma_wait3A_1947 = arith.constant 0 : i32
      %dma_wait3A_1948 = tpu.memref_slice %arg18[%dma_wait3A_1939, %dma_wait3A_1946, %dma_wait3A_1947] : memref<32x16x128xf32, #tpu.memory_space<vmem>> -> memref<1x16x128xf32, #tpu.memory_space<vmem>>
      %dma_wait3A_1949 = tpu.memref_squeeze %dma_wait3A_1948 : memref<1x16x128xf32, #tpu.memory_space<vmem>> -> memref<16x128xf32, #tpu.memory_space<vmem>>
      %dma_wait3A_1950 = arith.constant 0 : i32
      %dma_wait3A_1951 = tpu.memref_slice %arg10[%dma_wait3A_1950, %multiple_of3A_1489] : memref<16x1000000xf32, #tpu.memory_space<hbm>> -> memref<16x128xf32, #tpu.memory_space<hbm>>
      tpu.wait_dma2 semaphore(%arg23 : memref<!tpu.dma_semaphore, #tpu.memory_space<semaphore_mem>>) src(%dma_wait3A_1951 : memref<16x128xf32, #tpu.memory_space<hbm>>) dst(%dma_wait3A_1949 : memref<16x128xf32, #tpu.memory_space<vmem>>)
      %dma_wait3A_1952 = arith.constant 9 : i32
      %dma_wait3A_1953 = arith.constant 0 : i32
      %dma_wait3A_1954 = arith.constant 0 : i32
      %dma_wait3A_1955 = tpu.memref_slice %arg18[%dma_wait3A_1952, %dma_wait3A_1953, %dma_wait3A_1954] : memref<32x16x128xf32, #tpu.memory_space<vmem>> -> memref<1x16x128xf32, #tpu.memory_space<vmem>>
      %dma_wait3A_1956 = tpu.memref_squeeze %dma_wait3A_1955 : memref<1x16x128xf32, #tpu.memory_space<vmem>> -> memref<16x128xf32, #tpu.memory_space<vmem>>
      %dma_wait3A_1957 = arith.constant 0 : i32
      %dma_wait3A_1958 = tpu.memref_slice %arg11[%dma_wait3A_1957, %multiple_of3A_1489] : memref<16x1000000xf32, #tpu.memory_space<hbm>> -> memref<16x128xf32, #tpu.memory_space<hbm>>
      %dma_wait3A_1959 = arith.constant 0 : i32
      %dma_wait3A_1960 = arith.constant 0 : i32
      %dma_wait3A_1961 = tpu.memref_slice %arg18[%dma_wait3A_1952, %dma_wait3A_1959, %dma_wait3A_1960] : memref<32x16x128xf32, #tpu.memory_space<vmem>> -> memref<1x16x128xf32, #tpu.memory_space<vmem>>
      %dma_wait3A_1962 = tpu.memref_squeeze %dma_wait3A_1961 : memref<1x16x128xf32, #tpu.memory_space<vmem>> -> memref<16x128xf32, #tpu.memory_space<vmem>>
      %dma_wait3A_1963 = arith.constant 0 : i32
      %dma_wait3A_1964 = tpu.memref_slice %arg11[%dma_wait3A_1963, %multiple_of3A_1489] : memref<16x1000000xf32, #tpu.memory_space<hbm>> -> memref<16x128xf32, #tpu.memory_space<hbm>>
      tpu.wait_dma2 semaphore(%arg23 : memref<!tpu.dma_semaphore, #tpu.memory_space<semaphore_mem>>) src(%dma_wait3A_1964 : memref<16x128xf32, #tpu.memory_space<hbm>>) dst(%dma_wait3A_1962 : memref<16x128xf32, #tpu.memory_space<vmem>>)
      %dma_wait3A_1965 = arith.constant 10 : i32
      %dma_wait3A_1966 = arith.constant 0 : i32
      %dma_wait3A_1967 = arith.constant 0 : i32
      %dma_wait3A_1968 = tpu.memref_slice %arg18[%dma_wait3A_1965, %dma_wait3A_1966, %dma_wait3A_1967] : memref<32x16x128xf32, #tpu.memory_space<vmem>> -> memref<1x16x128xf32, #tpu.memory_space<vmem>>
      %dma_wait3A_1969 = tpu.memref_squeeze %dma_wait3A_1968 : memref<1x16x128xf32, #tpu.memory_space<vmem>> -> memref<16x128xf32, #tpu.memory_space<vmem>>
      %dma_wait3A_1970 = arith.constant 0 : i32
      %dma_wait3A_1971 = tpu.memref_slice %arg10[%dma_wait3A_1970, %multiple_of3A_1518] : memref<16x1000000xf32, #tpu.memory_space<hbm>> -> memref<16x128xf32, #tpu.memory_space<hbm>>
      %dma_wait3A_1972 = arith.constant 0 : i32
      %dma_wait3A_1973 = arith.constant 0 : i32
      %dma_wait3A_1974 = tpu.memref_slice %arg18[%dma_wait3A_1965, %dma_wait3A_1972, %dma_wait3A_1973] : memref<32x16x128xf32, #tpu.memory_space<vmem>> -> memref<1x16x128xf32, #tpu.memory_space<vmem>>
      %dma_wait3A_1975 = tpu.memref_squeeze %dma_wait3A_1974 : memref<1x16x128xf32, #tpu.memory_space<vmem>> -> memref<16x128xf32, #tpu.memory_space<vmem>>
      %dma_wait3A_1976 = arith.constant 0 : i32
      %dma_wait3A_1977 = tpu.memref_slice %arg10[%dma_wait3A_1976, %multiple_of3A_1518] : memref<16x1000000xf32, #tpu.memory_space<hbm>> -> memref<16x128xf32, #tpu.memory_space<hbm>>
      tpu.wait_dma2 semaphore(%arg23 : memref<!tpu.dma_semaphore, #tpu.memory_space<semaphore_mem>>) src(%dma_wait3A_1977 : memref<16x128xf32, #tpu.memory_space<hbm>>) dst(%dma_wait3A_1975 : memref<16x128xf32, #tpu.memory_space<vmem>>)
      %dma_wait3A_1978 = arith.constant 11 : i32
      %dma_wait3A_1979 = arith.constant 0 : i32
      %dma_wait3A_1980 = arith.constant 0 : i32
      %dma_wait3A_1981 = tpu.memref_slice %arg18[%dma_wait3A_1978, %dma_wait3A_1979, %dma_wait3A_1980] : memref<32x16x128xf32, #tpu.memory_space<vmem>> -> memref<1x16x128xf32, #tpu.memory_space<vmem>>
      %dma_wait3A_1982 = tpu.memref_squeeze %dma_wait3A_1981 : memref<1x16x128xf32, #tpu.memory_space<vmem>> -> memref<16x128xf32, #tpu.memory_space<vmem>>
      %dma_wait3A_1983 = arith.constant 0 : i32
      %dma_wait3A_1984 = tpu.memref_slice %arg11[%dma_wait3A_1983, %multiple_of3A_1518] : memref<16x1000000xf32, #tpu.memory_space<hbm>> -> memref<16x128xf32, #tpu.memory_space<hbm>>
      %dma_wait3A_1985 = arith.constant 0 : i32
      %dma_wait3A_1986 = arith.constant 0 : i32
      %dma_wait3A_1987 = tpu.memref_slice %arg18[%dma_wait3A_1978, %dma_wait3A_1985, %dma_wait3A_1986] : memref<32x16x128xf32, #tpu.memory_space<vmem>> -> memref<1x16x128xf32, #tpu.memory_space<vmem>>
      %dma_wait3A_1988 = tpu.memref_squeeze %dma_wait3A_1987 : memref<1x16x128xf32, #tpu.memory_space<vmem>> -> memref<16x128xf32, #tpu.memory_space<vmem>>
      %dma_wait3A_1989 = arith.constant 0 : i32
      %dma_wait3A_1990 = tpu.memref_slice %arg11[%dma_wait3A_1989, %multiple_of3A_1518] : memref<16x1000000xf32, #tpu.memory_space<hbm>> -> memref<16x128xf32, #tpu.memory_space<hbm>>
      tpu.wait_dma2 semaphore(%arg23 : memref<!tpu.dma_semaphore, #tpu.memory_space<semaphore_mem>>) src(%dma_wait3A_1990 : memref<16x128xf32, #tpu.memory_space<hbm>>) dst(%dma_wait3A_1988 : memref<16x128xf32, #tpu.memory_space<vmem>>)
      %dma_wait3A_1991 = arith.constant 12 : i32
      %dma_wait3A_1992 = arith.constant 0 : i32
      %dma_wait3A_1993 = arith.constant 0 : i32
      %dma_wait3A_1994 = tpu.memref_slice %arg18[%dma_wait3A_1991, %dma_wait3A_1992, %dma_wait3A_1993] : memref<32x16x128xf32, #tpu.memory_space<vmem>> -> memref<1x16x128xf32, #tpu.memory_space<vmem>>
      %dma_wait3A_1995 = tpu.memref_squeeze %dma_wait3A_1994 : memref<1x16x128xf32, #tpu.memory_space<vmem>> -> memref<16x128xf32, #tpu.memory_space<vmem>>
      %dma_wait3A_1996 = arith.constant 0 : i32
      %dma_wait3A_1997 = tpu.memref_slice %arg10[%dma_wait3A_1996, %multiple_of3A_1547] : memref<16x1000000xf32, #tpu.memory_space<hbm>> -> memref<16x128xf32, #tpu.memory_space<hbm>>
      %dma_wait3A_1998 = arith.constant 0 : i32
      %dma_wait3A_1999 = arith.constant 0 : i32
      %dma_wait3A_2000 = tpu.memref_slice %arg18[%dma_wait3A_1991, %dma_wait3A_1998, %dma_wait3A_1999] : memref<32x16x128xf32, #tpu.memory_space<vmem>> -> memref<1x16x128xf32, #tpu.memory_space<vmem>>
      %dma_wait3A_2001 = tpu.memref_squeeze %dma_wait3A_2000 : memref<1x16x128xf32, #tpu.memory_space<vmem>> -> memref<16x128xf32, #tpu.memory_space<vmem>>
      %dma_wait3A_2002 = arith.constant 0 : i32
      %dma_wait3A_2003 = tpu.memref_slice %arg10[%dma_wait3A_2002, %multiple_of3A_1547] : memref<16x1000000xf32, #tpu.memory_space<hbm>> -> memref<16x128xf32, #tpu.memory_space<hbm>>
      tpu.wait_dma2 semaphore(%arg23 : memref<!tpu.dma_semaphore, #tpu.memory_space<semaphore_mem>>) src(%dma_wait3A_2003 : memref<16x128xf32, #tpu.memory_space<hbm>>) dst(%dma_wait3A_2001 : memref<16x128xf32, #tpu.memory_space<vmem>>)
      %dma_wait3A_2004 = arith.constant 13 : i32
      %dma_wait3A_2005 = arith.constant 0 : i32
      %dma_wait3A_2006 = arith.constant 0 : i32
      %dma_wait3A_2007 = tpu.memref_slice %arg18[%dma_wait3A_2004, %dma_wait3A_2005, %dma_wait3A_2006] : memref<32x16x128xf32, #tpu.memory_space<vmem>> -> memref<1x16x128xf32, #tpu.memory_space<vmem>>
      %dma_wait3A_2008 = tpu.memref_squeeze %dma_wait3A_2007 : memref<1x16x128xf32, #tpu.memory_space<vmem>> -> memref<16x128xf32, #tpu.memory_space<vmem>>
      %dma_wait3A_2009 = arith.constant 0 : i32
      %dma_wait3A_2010 = tpu.memref_slice %arg11[%dma_wait3A_2009, %multiple_of3A_1547] : memref<16x1000000xf32, #tpu.memory_space<hbm>> -> memref<16x128xf32, #tpu.memory_space<hbm>>
      %dma_wait3A_2011 = arith.constant 0 : i32
      %dma_wait3A_2012 = arith.constant 0 : i32
      %dma_wait3A_2013 = tpu.memref_slice %arg18[%dma_wait3A_2004, %dma_wait3A_2011, %dma_wait3A_2012] : memref<32x16x128xf32, #tpu.memory_space<vmem>> -> memref<1x16x128xf32, #tpu.memory_space<vmem>>
      %dma_wait3A_2014 = tpu.memref_squeeze %dma_wait3A_2013 : memref<1x16x128xf32, #tpu.memory_space<vmem>> -> memref<16x128xf32, #tpu.memory_space<vmem>>
      %dma_wait3A_2015 = arith.constant 0 : i32
      %dma_wait3A_2016 = tpu.memref_slice %arg11[%dma_wait3A_2015, %multiple_of3A_1547] : memref<16x1000000xf32, #tpu.memory_space<hbm>> -> memref<16x128xf32, #tpu.memory_space<hbm>>
      tpu.wait_dma2 semaphore(%arg23 : memref<!tpu.dma_semaphore, #tpu.memory_space<semaphore_mem>>) src(%dma_wait3A_2016 : memref<16x128xf32, #tpu.memory_space<hbm>>) dst(%dma_wait3A_2014 : memref<16x128xf32, #tpu.memory_space<vmem>>)
      %dma_wait3A_2017 = arith.constant 14 : i32
      %dma_wait3A_2018 = arith.constant 0 : i32
      %dma_wait3A_2019 = arith.constant 0 : i32
      %dma_wait3A_2020 = tpu.memref_slice %arg18[%dma_wait3A_2017, %dma_wait3A_2018, %dma_wait3A_2019] : memref<32x16x128xf32, #tpu.memory_space<vmem>> -> memref<1x16x128xf32, #tpu.memory_space<vmem>>
      %dma_wait3A_2021 = tpu.memref_squeeze %dma_wait3A_2020 : memref<1x16x128xf32, #tpu.memory_space<vmem>> -> memref<16x128xf32, #tpu.memory_space<vmem>>
      %dma_wait3A_2022 = arith.constant 0 : i32
      %dma_wait3A_2023 = tpu.memref_slice %arg10[%dma_wait3A_2022, %multiple_of3A_1576] : memref<16x1000000xf32, #tpu.memory_space<hbm>> -> memref<16x128xf32, #tpu.memory_space<hbm>>
      %dma_wait3A_2024 = arith.constant 0 : i32
      %dma_wait3A_2025 = arith.constant 0 : i32
      %dma_wait3A_2026 = tpu.memref_slice %arg18[%dma_wait3A_2017, %dma_wait3A_2024, %dma_wait3A_2025] : memref<32x16x128xf32, #tpu.memory_space<vmem>> -> memref<1x16x128xf32, #tpu.memory_space<vmem>>
      %dma_wait3A_2027 = tpu.memref_squeeze %dma_wait3A_2026 : memref<1x16x128xf32, #tpu.memory_space<vmem>> -> memref<16x128xf32, #tpu.memory_space<vmem>>
      %dma_wait3A_2028 = arith.constant 0 : i32
      %dma_wait3A_2029 = tpu.memref_slice %arg10[%dma_wait3A_2028, %multiple_of3A_1576] : memref<16x1000000xf32, #tpu.memory_space<hbm>> -> memref<16x128xf32, #tpu.memory_space<hbm>>
      tpu.wait_dma2 semaphore(%arg23 : memref<!tpu.dma_semaphore, #tpu.memory_space<semaphore_mem>>) src(%dma_wait3A_2029 : memref<16x128xf32, #tpu.memory_space<hbm>>) dst(%dma_wait3A_2027 : memref<16x128xf32, #tpu.memory_space<vmem>>)
      %dma_wait3A_2030 = arith.constant 15 : i32
      %dma_wait3A_2031 = arith.constant 0 : i32
      %dma_wait3A_2032 = arith.constant 0 : i32
      %dma_wait3A_2033 = tpu.memref_slice %arg18[%dma_wait3A_2030, %dma_wait3A_2031, %dma_wait3A_2032] : memref<32x16x128xf32, #tpu.memory_space<vmem>> -> memref<1x16x128xf32, #tpu.memory_space<vmem>>
      %dma_wait3A_2034 = tpu.memref_squeeze %dma_wait3A_2033 : memref<1x16x128xf32, #tpu.memory_space<vmem>> -> memref<16x128xf32, #tpu.memory_space<vmem>>
      %dma_wait3A_2035 = arith.constant 0 : i32
      %dma_wait3A_2036 = tpu.memref_slice %arg11[%dma_wait3A_2035, %multiple_of3A_1576] : memref<16x1000000xf32, #tpu.memory_space<hbm>> -> memref<16x128xf32, #tpu.memory_space<hbm>>
      %dma_wait3A_2037 = arith.constant 0 : i32
      %dma_wait3A_2038 = arith.constant 0 : i32
      %dma_wait3A_2039 = tpu.memref_slice %arg18[%dma_wait3A_2030, %dma_wait3A_2037, %dma_wait3A_2038] : memref<32x16x128xf32, #tpu.memory_space<vmem>> -> memref<1x16x128xf32, #tpu.memory_space<vmem>>
      %dma_wait3A_2040 = tpu.memref_squeeze %dma_wait3A_2039 : memref<1x16x128xf32, #tpu.memory_space<vmem>> -> memref<16x128xf32, #tpu.memory_space<vmem>>
      %dma_wait3A_2041 = arith.constant 0 : i32
      %dma_wait3A_2042 = tpu.memref_slice %arg11[%dma_wait3A_2041, %multiple_of3A_1576] : memref<16x1000000xf32, #tpu.memory_space<hbm>> -> memref<16x128xf32, #tpu.memory_space<hbm>>
      tpu.wait_dma2 semaphore(%arg23 : memref<!tpu.dma_semaphore, #tpu.memory_space<semaphore_mem>>) src(%dma_wait3A_2042 : memref<16x128xf32, #tpu.memory_space<hbm>>) dst(%dma_wait3A_2040 : memref<16x128xf32, #tpu.memory_space<vmem>>)
      %dma_wait3A_2043 = arith.constant 16 : i32
      %dma_wait3A_2044 = arith.constant 0 : i32
      %dma_wait3A_2045 = arith.constant 0 : i32
      %dma_wait3A_2046 = tpu.memref_slice %arg18[%dma_wait3A_2043, %dma_wait3A_2044, %dma_wait3A_2045] : memref<32x16x128xf32, #tpu.memory_space<vmem>> -> memref<1x16x128xf32, #tpu.memory_space<vmem>>
      %dma_wait3A_2047 = tpu.memref_squeeze %dma_wait3A_2046 : memref<1x16x128xf32, #tpu.memory_space<vmem>> -> memref<16x128xf32, #tpu.memory_space<vmem>>
      %dma_wait3A_2048 = arith.constant 0 : i32
      %dma_wait3A_2049 = tpu.memref_slice %arg10[%dma_wait3A_2048, %multiple_of3A_1605] : memref<16x1000000xf32, #tpu.memory_space<hbm>> -> memref<16x128xf32, #tpu.memory_space<hbm>>
      %dma_wait3A_2050 = arith.constant 0 : i32
      %dma_wait3A_2051 = arith.constant 0 : i32
      %dma_wait3A_2052 = tpu.memref_slice %arg18[%dma_wait3A_2043, %dma_wait3A_2050, %dma_wait3A_2051] : memref<32x16x128xf32, #tpu.memory_space<vmem>> -> memref<1x16x128xf32, #tpu.memory_space<vmem>>
      %dma_wait3A_2053 = tpu.memref_squeeze %dma_wait3A_2052 : memref<1x16x128xf32, #tpu.memory_space<vmem>> -> memref<16x128xf32, #tpu.memory_space<vmem>>
      %dma_wait3A_2054 = arith.constant 0 : i32
      %dma_wait3A_2055 = tpu.memref_slice %arg10[%dma_wait3A_2054, %multiple_of3A_1605] : memref<16x1000000xf32, #tpu.memory_space<hbm>> -> memref<16x128xf32, #tpu.memory_space<hbm>>
      tpu.wait_dma2 semaphore(%arg23 : memref<!tpu.dma_semaphore, #tpu.memory_space<semaphore_mem>>) src(%dma_wait3A_2055 : memref<16x128xf32, #tpu.memory_space<hbm>>) dst(%dma_wait3A_2053 : memref<16x128xf32, #tpu.memory_space<vmem>>)
      %dma_wait3A_2056 = arith.constant 17 : i32
      %dma_wait3A_2057 = arith.constant 0 : i32
      %dma_wait3A_2058 = arith.constant 0 : i32
      %dma_wait3A_2059 = tpu.memref_slice %arg18[%dma_wait3A_2056, %dma_wait3A_2057, %dma_wait3A_2058] : memref<32x16x128xf32, #tpu.memory_space<vmem>> -> memref<1x16x128xf32, #tpu.memory_space<vmem>>
      %dma_wait3A_2060 = tpu.memref_squeeze %dma_wait3A_2059 : memref<1x16x128xf32, #tpu.memory_space<vmem>> -> memref<16x128xf32, #tpu.memory_space<vmem>>
      %dma_wait3A_2061 = arith.constant 0 : i32
      %dma_wait3A_2062 = tpu.memref_slice %arg11[%dma_wait3A_2061, %multiple_of3A_1605] : memref<16x1000000xf32, #tpu.memory_space<hbm>> -> memref<16x128xf32, #tpu.memory_space<hbm>>
      %dma_wait3A_2063 = arith.constant 0 : i32
      %dma_wait3A_2064 = arith.constant 0 : i32
      %dma_wait3A_2065 = tpu.memref_slice %arg18[%dma_wait3A_2056, %dma_wait3A_2063, %dma_wait3A_2064] : memref<32x16x128xf32, #tpu.memory_space<vmem>> -> memref<1x16x128xf32, #tpu.memory_space<vmem>>
      %dma_wait3A_2066 = tpu.memref_squeeze %dma_wait3A_2065 : memref<1x16x128xf32, #tpu.memory_space<vmem>> -> memref<16x128xf32, #tpu.memory_space<vmem>>
      %dma_wait3A_2067 = arith.constant 0 : i32
      %dma_wait3A_2068 = tpu.memref_slice %arg11[%dma_wait3A_2067, %multiple_of3A_1605] : memref<16x1000000xf32, #tpu.memory_space<hbm>> -> memref<16x128xf32, #tpu.memory_space<hbm>>
      tpu.wait_dma2 semaphore(%arg23 : memref<!tpu.dma_semaphore, #tpu.memory_space<semaphore_mem>>) src(%dma_wait3A_2068 : memref<16x128xf32, #tpu.memory_space<hbm>>) dst(%dma_wait3A_2066 : memref<16x128xf32, #tpu.memory_space<vmem>>)
      %dma_wait3A_2069 = arith.constant 18 : i32
      %dma_wait3A_2070 = arith.constant 0 : i32
      %dma_wait3A_2071 = arith.constant 0 : i32
      %dma_wait3A_2072 = tpu.memref_slice %arg18[%dma_wait3A_2069, %dma_wait3A_2070, %dma_wait3A_2071] : memref<32x16x128xf32, #tpu.memory_space<vmem>> -> memref<1x16x128xf32, #tpu.memory_space<vmem>>
      %dma_wait3A_2073 = tpu.memref_squeeze %dma_wait3A_2072 : memref<1x16x128xf32, #tpu.memory_space<vmem>> -> memref<16x128xf32, #tpu.memory_space<vmem>>
      %dma_wait3A_2074 = arith.constant 0 : i32
      %dma_wait3A_2075 = tpu.memref_slice %arg10[%dma_wait3A_2074, %multiple_of3A_1634] : memref<16x1000000xf32, #tpu.memory_space<hbm>> -> memref<16x128xf32, #tpu.memory_space<hbm>>
      %dma_wait3A_2076 = arith.constant 0 : i32
      %dma_wait3A_2077 = arith.constant 0 : i32
      %dma_wait3A_2078 = tpu.memref_slice %arg18[%dma_wait3A_2069, %dma_wait3A_2076, %dma_wait3A_2077] : memref<32x16x128xf32, #tpu.memory_space<vmem>> -> memref<1x16x128xf32, #tpu.memory_space<vmem>>
      %dma_wait3A_2079 = tpu.memref_squeeze %dma_wait3A_2078 : memref<1x16x128xf32, #tpu.memory_space<vmem>> -> memref<16x128xf32, #tpu.memory_space<vmem>>
      %dma_wait3A_2080 = arith.constant 0 : i32
      %dma_wait3A_2081 = tpu.memref_slice %arg10[%dma_wait3A_2080, %multiple_of3A_1634] : memref<16x1000000xf32, #tpu.memory_space<hbm>> -> memref<16x128xf32, #tpu.memory_space<hbm>>
      tpu.wait_dma2 semaphore(%arg23 : memref<!tpu.dma_semaphore, #tpu.memory_space<semaphore_mem>>) src(%dma_wait3A_2081 : memref<16x128xf32, #tpu.memory_space<hbm>>) dst(%dma_wait3A_2079 : memref<16x128xf32, #tpu.memory_space<vmem>>)
      %dma_wait3A_2082 = arith.constant 19 : i32
      %dma_wait3A_2083 = arith.constant 0 : i32
      %dma_wait3A_2084 = arith.constant 0 : i32
      %dma_wait3A_2085 = tpu.memref_slice %arg18[%dma_wait3A_2082, %dma_wait3A_2083, %dma_wait3A_2084] : memref<32x16x128xf32, #tpu.memory_space<vmem>> -> memref<1x16x128xf32, #tpu.memory_space<vmem>>
      %dma_wait3A_2086 = tpu.memref_squeeze %dma_wait3A_2085 : memref<1x16x128xf32, #tpu.memory_space<vmem>> -> memref<16x128xf32, #tpu.memory_space<vmem>>
      %dma_wait3A_2087 = arith.constant 0 : i32
      %dma_wait3A_2088 = tpu.memref_slice %arg11[%dma_wait3A_2087, %multiple_of3A_1634] : memref<16x1000000xf32, #tpu.memory_space<hbm>> -> memref<16x128xf32, #tpu.memory_space<hbm>>
      %dma_wait3A_2089 = arith.constant 0 : i32
      %dma_wait3A_2090 = arith.constant 0 : i32
      %dma_wait3A_2091 = tpu.memref_slice %arg18[%dma_wait3A_2082, %dma_wait3A_2089, %dma_wait3A_2090] : memref<32x16x128xf32, #tpu.memory_space<vmem>> -> memref<1x16x128xf32, #tpu.memory_space<vmem>>
      %dma_wait3A_2092 = tpu.memref_squeeze %dma_wait3A_2091 : memref<1x16x128xf32, #tpu.memory_space<vmem>> -> memref<16x128xf32, #tpu.memory_space<vmem>>
      %dma_wait3A_2093 = arith.constant 0 : i32
      %dma_wait3A_2094 = tpu.memref_slice %arg11[%dma_wait3A_2093, %multiple_of3A_1634] : memref<16x1000000xf32, #tpu.memory_space<hbm>> -> memref<16x128xf32, #tpu.memory_space<hbm>>
      tpu.wait_dma2 semaphore(%arg23 : memref<!tpu.dma_semaphore, #tpu.memory_space<semaphore_mem>>) src(%dma_wait3A_2094 : memref<16x128xf32, #tpu.memory_space<hbm>>) dst(%dma_wait3A_2092 : memref<16x128xf32, #tpu.memory_space<vmem>>)
      %dma_wait3A_2095 = arith.constant 20 : i32
      %dma_wait3A_2096 = arith.constant 0 : i32
      %dma_wait3A_2097 = arith.constant 0 : i32
      %dma_wait3A_2098 = tpu.memref_slice %arg18[%dma_wait3A_2095, %dma_wait3A_2096, %dma_wait3A_2097] : memref<32x16x128xf32, #tpu.memory_space<vmem>> -> memref<1x16x128xf32, #tpu.memory_space<vmem>>
      %dma_wait3A_2099 = tpu.memref_squeeze %dma_wait3A_2098 : memref<1x16x128xf32, #tpu.memory_space<vmem>> -> memref<16x128xf32, #tpu.memory_space<vmem>>
      %dma_wait3A_2100 = arith.constant 0 : i32
      %dma_wait3A_2101 = tpu.memref_slice %arg10[%dma_wait3A_2100, %multiple_of3A_1663] : memref<16x1000000xf32, #tpu.memory_space<hbm>> -> memref<16x128xf32, #tpu.memory_space<hbm>>
      %dma_wait3A_2102 = arith.constant 0 : i32
      %dma_wait3A_2103 = arith.constant 0 : i32
      %dma_wait3A_2104 = tpu.memref_slice %arg18[%dma_wait3A_2095, %dma_wait3A_2102, %dma_wait3A_2103] : memref<32x16x128xf32, #tpu.memory_space<vmem>> -> memref<1x16x128xf32, #tpu.memory_space<vmem>>
      %dma_wait3A_2105 = tpu.memref_squeeze %dma_wait3A_2104 : memref<1x16x128xf32, #tpu.memory_space<vmem>> -> memref<16x128xf32, #tpu.memory_space<vmem>>
      %dma_wait3A_2106 = arith.constant 0 : i32
      %dma_wait3A_2107 = tpu.memref_slice %arg10[%dma_wait3A_2106, %multiple_of3A_1663] : memref<16x1000000xf32, #tpu.memory_space<hbm>> -> memref<16x128xf32, #tpu.memory_space<hbm>>
      tpu.wait_dma2 semaphore(%arg23 : memref<!tpu.dma_semaphore, #tpu.memory_space<semaphore_mem>>) src(%dma_wait3A_2107 : memref<16x128xf32, #tpu.memory_space<hbm>>) dst(%dma_wait3A_2105 : memref<16x128xf32, #tpu.memory_space<vmem>>)
      %dma_wait3A_2108 = arith.constant 21 : i32
      %dma_wait3A_2109 = arith.constant 0 : i32
      %dma_wait3A_2110 = arith.constant 0 : i32
      %dma_wait3A_2111 = tpu.memref_slice %arg18[%dma_wait3A_2108, %dma_wait3A_2109, %dma_wait3A_2110] : memref<32x16x128xf32, #tpu.memory_space<vmem>> -> memref<1x16x128xf32, #tpu.memory_space<vmem>>
      %dma_wait3A_2112 = tpu.memref_squeeze %dma_wait3A_2111 : memref<1x16x128xf32, #tpu.memory_space<vmem>> -> memref<16x128xf32, #tpu.memory_space<vmem>>
      %dma_wait3A_2113 = arith.constant 0 : i32
      %dma_wait3A_2114 = tpu.memref_slice %arg11[%dma_wait3A_2113, %multiple_of3A_1663] : memref<16x1000000xf32, #tpu.memory_space<hbm>> -> memref<16x128xf32, #tpu.memory_space<hbm>>
      %dma_wait3A_2115 = arith.constant 0 : i32
      %dma_wait3A_2116 = arith.constant 0 : i32
      %dma_wait3A_2117 = tpu.memref_slice %arg18[%dma_wait3A_2108, %dma_wait3A_2115, %dma_wait3A_2116] : memref<32x16x128xf32, #tpu.memory_space<vmem>> -> memref<1x16x128xf32, #tpu.memory_space<vmem>>
      %dma_wait3A_2118 = tpu.memref_squeeze %dma_wait3A_2117 : memref<1x16x128xf32, #tpu.memory_space<vmem>> -> memref<16x128xf32, #tpu.memory_space<vmem>>
      %dma_wait3A_2119 = arith.constant 0 : i32
      %dma_wait3A_2120 = tpu.memref_slice %arg11[%dma_wait3A_2119, %multiple_of3A_1663] : memref<16x1000000xf32, #tpu.memory_space<hbm>> -> memref<16x128xf32, #tpu.memory_space<hbm>>
      tpu.wait_dma2 semaphore(%arg23 : memref<!tpu.dma_semaphore, #tpu.memory_space<semaphore_mem>>) src(%dma_wait3A_2120 : memref<16x128xf32, #tpu.memory_space<hbm>>) dst(%dma_wait3A_2118 : memref<16x128xf32, #tpu.memory_space<vmem>>)
      %dma_wait3A_2121 = arith.constant 22 : i32
      %dma_wait3A_2122 = arith.constant 0 : i32
      %dma_wait3A_2123 = arith.constant 0 : i32
      %dma_wait3A_2124 = tpu.memref_slice %arg18[%dma_wait3A_2121, %dma_wait3A_2122, %dma_wait3A_2123] : memref<32x16x128xf32, #tpu.memory_space<vmem>> -> memref<1x16x128xf32, #tpu.memory_space<vmem>>
      %dma_wait3A_2125 = tpu.memref_squeeze %dma_wait3A_2124 : memref<1x16x128xf32, #tpu.memory_space<vmem>> -> memref<16x128xf32, #tpu.memory_space<vmem>>
      %dma_wait3A_2126 = arith.constant 0 : i32
      %dma_wait3A_2127 = tpu.memref_slice %arg10[%dma_wait3A_2126, %multiple_of3A_1692] : memref<16x1000000xf32, #tpu.memory_space<hbm>> -> memref<16x128xf32, #tpu.memory_space<hbm>>
      %dma_wait3A_2128 = arith.constant 0 : i32
      %dma_wait3A_2129 = arith.constant 0 : i32
      %dma_wait3A_2130 = tpu.memref_slice %arg18[%dma_wait3A_2121, %dma_wait3A_2128, %dma_wait3A_2129] : memref<32x16x128xf32, #tpu.memory_space<vmem>> -> memref<1x16x128xf32, #tpu.memory_space<vmem>>
      %dma_wait3A_2131 = tpu.memref_squeeze %dma_wait3A_2130 : memref<1x16x128xf32, #tpu.memory_space<vmem>> -> memref<16x128xf32, #tpu.memory_space<vmem>>
      %dma_wait3A_2132 = arith.constant 0 : i32
      %dma_wait3A_2133 = tpu.memref_slice %arg10[%dma_wait3A_2132, %multiple_of3A_1692] : memref<16x1000000xf32, #tpu.memory_space<hbm>> -> memref<16x128xf32, #tpu.memory_space<hbm>>
      tpu.wait_dma2 semaphore(%arg23 : memref<!tpu.dma_semaphore, #tpu.memory_space<semaphore_mem>>) src(%dma_wait3A_2133 : memref<16x128xf32, #tpu.memory_space<hbm>>) dst(%dma_wait3A_2131 : memref<16x128xf32, #tpu.memory_space<vmem>>)
      %dma_wait3A_2134 = arith.constant 23 : i32
      %dma_wait3A_2135 = arith.constant 0 : i32
      %dma_wait3A_2136 = arith.constant 0 : i32
      %dma_wait3A_2137 = tpu.memref_slice %arg18[%dma_wait3A_2134, %dma_wait3A_2135, %dma_wait3A_2136] : memref<32x16x128xf32, #tpu.memory_space<vmem>> -> memref<1x16x128xf32, #tpu.memory_space<vmem>>
      %dma_wait3A_2138 = tpu.memref_squeeze %dma_wait3A_2137 : memref<1x16x128xf32, #tpu.memory_space<vmem>> -> memref<16x128xf32, #tpu.memory_space<vmem>>
      %dma_wait3A_2139 = arith.constant 0 : i32
      %dma_wait3A_2140 = tpu.memref_slice %arg11[%dma_wait3A_2139, %multiple_of3A_1692] : memref<16x1000000xf32, #tpu.memory_space<hbm>> -> memref<16x128xf32, #tpu.memory_space<hbm>>
      %dma_wait3A_2141 = arith.constant 0 : i32
      %dma_wait3A_2142 = arith.constant 0 : i32
      %dma_wait3A_2143 = tpu.memref_slice %arg18[%dma_wait3A_2134, %dma_wait3A_2141, %dma_wait3A_2142] : memref<32x16x128xf32, #tpu.memory_space<vmem>> -> memref<1x16x128xf32, #tpu.memory_space<vmem>>
      %dma_wait3A_2144 = tpu.memref_squeeze %dma_wait3A_2143 : memref<1x16x128xf32, #tpu.memory_space<vmem>> -> memref<16x128xf32, #tpu.memory_space<vmem>>
      %dma_wait3A_2145 = arith.constant 0 : i32
      %dma_wait3A_2146 = tpu.memref_slice %arg11[%dma_wait3A_2145, %multiple_of3A_1692] : memref<16x1000000xf32, #tpu.memory_space<hbm>> -> memref<16x128xf32, #tpu.memory_space<hbm>>
      tpu.wait_dma2 semaphore(%arg23 : memref<!tpu.dma_semaphore, #tpu.memory_space<semaphore_mem>>) src(%dma_wait3A_2146 : memref<16x128xf32, #tpu.memory_space<hbm>>) dst(%dma_wait3A_2144 : memref<16x128xf32, #tpu.memory_space<vmem>>)
      %dma_wait3A_2147 = arith.constant 24 : i32
      %dma_wait3A_2148 = arith.constant 0 : i32
      %dma_wait3A_2149 = arith.constant 0 : i32
      %dma_wait3A_2150 = tpu.memref_slice %arg18[%dma_wait3A_2147, %dma_wait3A_2148, %dma_wait3A_2149] : memref<32x16x128xf32, #tpu.memory_space<vmem>> -> memref<1x16x128xf32, #tpu.memory_space<vmem>>
      %dma_wait3A_2151 = tpu.memref_squeeze %dma_wait3A_2150 : memref<1x16x128xf32, #tpu.memory_space<vmem>> -> memref<16x128xf32, #tpu.memory_space<vmem>>
      %dma_wait3A_2152 = arith.constant 0 : i32
      %dma_wait3A_2153 = tpu.memref_slice %arg10[%dma_wait3A_2152, %multiple_of3A_1721] : memref<16x1000000xf32, #tpu.memory_space<hbm>> -> memref<16x128xf32, #tpu.memory_space<hbm>>
      %dma_wait3A_2154 = arith.constant 0 : i32
      %dma_wait3A_2155 = arith.constant 0 : i32
      %dma_wait3A_2156 = tpu.memref_slice %arg18[%dma_wait3A_2147, %dma_wait3A_2154, %dma_wait3A_2155] : memref<32x16x128xf32, #tpu.memory_space<vmem>> -> memref<1x16x128xf32, #tpu.memory_space<vmem>>
      %dma_wait3A_2157 = tpu.memref_squeeze %dma_wait3A_2156 : memref<1x16x128xf32, #tpu.memory_space<vmem>> -> memref<16x128xf32, #tpu.memory_space<vmem>>
      %dma_wait3A_2158 = arith.constant 0 : i32
      %dma_wait3A_2159 = tpu.memref_slice %arg10[%dma_wait3A_2158, %multiple_of3A_1721] : memref<16x1000000xf32, #tpu.memory_space<hbm>> -> memref<16x128xf32, #tpu.memory_space<hbm>>
      tpu.wait_dma2 semaphore(%arg23 : memref<!tpu.dma_semaphore, #tpu.memory_space<semaphore_mem>>) src(%dma_wait3A_2159 : memref<16x128xf32, #tpu.memory_space<hbm>>) dst(%dma_wait3A_2157 : memref<16x128xf32, #tpu.memory_space<vmem>>)
      %dma_wait3A_2160 = arith.constant 25 : i32
      %dma_wait3A_2161 = arith.constant 0 : i32
      %dma_wait3A_2162 = arith.constant 0 : i32
      %dma_wait3A_2163 = tpu.memref_slice %arg18[%dma_wait3A_2160, %dma_wait3A_2161, %dma_wait3A_2162] : memref<32x16x128xf32, #tpu.memory_space<vmem>> -> memref<1x16x128xf32, #tpu.memory_space<vmem>>
      %dma_wait3A_2164 = tpu.memref_squeeze %dma_wait3A_2163 : memref<1x16x128xf32, #tpu.memory_space<vmem>> -> memref<16x128xf32, #tpu.memory_space<vmem>>
      %dma_wait3A_2165 = arith.constant 0 : i32
      %dma_wait3A_2166 = tpu.memref_slice %arg11[%dma_wait3A_2165, %multiple_of3A_1721] : memref<16x1000000xf32, #tpu.memory_space<hbm>> -> memref<16x128xf32, #tpu.memory_space<hbm>>
      %dma_wait3A_2167 = arith.constant 0 : i32
      %dma_wait3A_2168 = arith.constant 0 : i32
      %dma_wait3A_2169 = tpu.memref_slice %arg18[%dma_wait3A_2160, %dma_wait3A_2167, %dma_wait3A_2168] : memref<32x16x128xf32, #tpu.memory_space<vmem>> -> memref<1x16x128xf32, #tpu.memory_space<vmem>>
      %dma_wait3A_2170 = tpu.memref_squeeze %dma_wait3A_2169 : memref<1x16x128xf32, #tpu.memory_space<vmem>> -> memref<16x128xf32, #tpu.memory_space<vmem>>
      %dma_wait3A_2171 = arith.constant 0 : i32
      %dma_wait3A_2172 = tpu.memref_slice %arg11[%dma_wait3A_2171, %multiple_of3A_1721] : memref<16x1000000xf32, #tpu.memory_space<hbm>> -> memref<16x128xf32, #tpu.memory_space<hbm>>
      tpu.wait_dma2 semaphore(%arg23 : memref<!tpu.dma_semaphore, #tpu.memory_space<semaphore_mem>>) src(%dma_wait3A_2172 : memref<16x128xf32, #tpu.memory_space<hbm>>) dst(%dma_wait3A_2170 : memref<16x128xf32, #tpu.memory_space<vmem>>)
      %dma_wait3A_2173 = arith.constant 26 : i32
      %dma_wait3A_2174 = arith.constant 0 : i32
      %dma_wait3A_2175 = arith.constant 0 : i32
      %dma_wait3A_2176 = tpu.memref_slice %arg18[%dma_wait3A_2173, %dma_wait3A_2174, %dma_wait3A_2175] : memref<32x16x128xf32, #tpu.memory_space<vmem>> -> memref<1x16x128xf32, #tpu.memory_space<vmem>>
      %dma_wait3A_2177 = tpu.memref_squeeze %dma_wait3A_2176 : memref<1x16x128xf32, #tpu.memory_space<vmem>> -> memref<16x128xf32, #tpu.memory_space<vmem>>
      %dma_wait3A_2178 = arith.constant 0 : i32
      %dma_wait3A_2179 = tpu.memref_slice %arg10[%dma_wait3A_2178, %multiple_of3A_1750] : memref<16x1000000xf32, #tpu.memory_space<hbm>> -> memref<16x128xf32, #tpu.memory_space<hbm>>
      %dma_wait3A_2180 = arith.constant 0 : i32
      %dma_wait3A_2181 = arith.constant 0 : i32
      %dma_wait3A_2182 = tpu.memref_slice %arg18[%dma_wait3A_2173, %dma_wait3A_2180, %dma_wait3A_2181] : memref<32x16x128xf32, #tpu.memory_space<vmem>> -> memref<1x16x128xf32, #tpu.memory_space<vmem>>
      %dma_wait3A_2183 = tpu.memref_squeeze %dma_wait3A_2182 : memref<1x16x128xf32, #tpu.memory_space<vmem>> -> memref<16x128xf32, #tpu.memory_space<vmem>>
      %dma_wait3A_2184 = arith.constant 0 : i32
      %dma_wait3A_2185 = tpu.memref_slice %arg10[%dma_wait3A_2184, %multiple_of3A_1750] : memref<16x1000000xf32, #tpu.memory_space<hbm>> -> memref<16x128xf32, #tpu.memory_space<hbm>>
      tpu.wait_dma2 semaphore(%arg23 : memref<!tpu.dma_semaphore, #tpu.memory_space<semaphore_mem>>) src(%dma_wait3A_2185 : memref<16x128xf32, #tpu.memory_space<hbm>>) dst(%dma_wait3A_2183 : memref<16x128xf32, #tpu.memory_space<vmem>>)
      %dma_wait3A_2186 = arith.constant 27 : i32
      %dma_wait3A_2187 = arith.constant 0 : i32
      %dma_wait3A_2188 = arith.constant 0 : i32
      %dma_wait3A_2189 = tpu.memref_slice %arg18[%dma_wait3A_2186, %dma_wait3A_2187, %dma_wait3A_2188] : memref<32x16x128xf32, #tpu.memory_space<vmem>> -> memref<1x16x128xf32, #tpu.memory_space<vmem>>
      %dma_wait3A_2190 = tpu.memref_squeeze %dma_wait3A_2189 : memref<1x16x128xf32, #tpu.memory_space<vmem>> -> memref<16x128xf32, #tpu.memory_space<vmem>>
      %dma_wait3A_2191 = arith.constant 0 : i32
      %dma_wait3A_2192 = tpu.memref_slice %arg11[%dma_wait3A_2191, %multiple_of3A_1750] : memref<16x1000000xf32, #tpu.memory_space<hbm>> -> memref<16x128xf32, #tpu.memory_space<hbm>>
      %dma_wait3A_2193 = arith.constant 0 : i32
      %dma_wait3A_2194 = arith.constant 0 : i32
      %dma_wait3A_2195 = tpu.memref_slice %arg18[%dma_wait3A_2186, %dma_wait3A_2193, %dma_wait3A_2194] : memref<32x16x128xf32, #tpu.memory_space<vmem>> -> memref<1x16x128xf32, #tpu.memory_space<vmem>>
      %dma_wait3A_2196 = tpu.memref_squeeze %dma_wait3A_2195 : memref<1x16x128xf32, #tpu.memory_space<vmem>> -> memref<16x128xf32, #tpu.memory_space<vmem>>
      %dma_wait3A_2197 = arith.constant 0 : i32
      %dma_wait3A_2198 = tpu.memref_slice %arg11[%dma_wait3A_2197, %multiple_of3A_1750] : memref<16x1000000xf32, #tpu.memory_space<hbm>> -> memref<16x128xf32, #tpu.memory_space<hbm>>
      tpu.wait_dma2 semaphore(%arg23 : memref<!tpu.dma_semaphore, #tpu.memory_space<semaphore_mem>>) src(%dma_wait3A_2198 : memref<16x128xf32, #tpu.memory_space<hbm>>) dst(%dma_wait3A_2196 : memref<16x128xf32, #tpu.memory_space<vmem>>)
      %dma_wait3A_2199 = arith.constant 28 : i32
      %dma_wait3A_2200 = arith.constant 0 : i32
      %dma_wait3A_2201 = arith.constant 0 : i32
      %dma_wait3A_2202 = tpu.memref_slice %arg18[%dma_wait3A_2199, %dma_wait3A_2200, %dma_wait3A_2201] : memref<32x16x128xf32, #tpu.memory_space<vmem>> -> memref<1x16x128xf32, #tpu.memory_space<vmem>>
      %dma_wait3A_2203 = tpu.memref_squeeze %dma_wait3A_2202 : memref<1x16x128xf32, #tpu.memory_space<vmem>> -> memref<16x128xf32, #tpu.memory_space<vmem>>
      %dma_wait3A_2204 = arith.constant 0 : i32
      %dma_wait3A_2205 = tpu.memref_slice %arg10[%dma_wait3A_2204, %multiple_of3A_1779] : memref<16x1000000xf32, #tpu.memory_space<hbm>> -> memref<16x128xf32, #tpu.memory_space<hbm>>
      %dma_wait3A_2206 = arith.constant 0 : i32
      %dma_wait3A_2207 = arith.constant 0 : i32
      %dma_wait3A_2208 = tpu.memref_slice %arg18[%dma_wait3A_2199, %dma_wait3A_2206, %dma_wait3A_2207] : memref<32x16x128xf32, #tpu.memory_space<vmem>> -> memref<1x16x128xf32, #tpu.memory_space<vmem>>
      %dma_wait3A_2209 = tpu.memref_squeeze %dma_wait3A_2208 : memref<1x16x128xf32, #tpu.memory_space<vmem>> -> memref<16x128xf32, #tpu.memory_space<vmem>>
      %dma_wait3A_2210 = arith.constant 0 : i32
      %dma_wait3A_2211 = tpu.memref_slice %arg10[%dma_wait3A_2210, %multiple_of3A_1779] : memref<16x1000000xf32, #tpu.memory_space<hbm>> -> memref<16x128xf32, #tpu.memory_space<hbm>>
      tpu.wait_dma2 semaphore(%arg23 : memref<!tpu.dma_semaphore, #tpu.memory_space<semaphore_mem>>) src(%dma_wait3A_2211 : memref<16x128xf32, #tpu.memory_space<hbm>>) dst(%dma_wait3A_2209 : memref<16x128xf32, #tpu.memory_space<vmem>>)
      %dma_wait3A_2212 = arith.constant 29 : i32
      %dma_wait3A_2213 = arith.constant 0 : i32
      %dma_wait3A_2214 = arith.constant 0 : i32
      %dma_wait3A_2215 = tpu.memref_slice %arg18[%dma_wait3A_2212, %dma_wait3A_2213, %dma_wait3A_2214] : memref<32x16x128xf32, #tpu.memory_space<vmem>> -> memref<1x16x128xf32, #tpu.memory_space<vmem>>
      %dma_wait3A_2216 = tpu.memref_squeeze %dma_wait3A_2215 : memref<1x16x128xf32, #tpu.memory_space<vmem>> -> memref<16x128xf32, #tpu.memory_space<vmem>>
      %dma_wait3A_2217 = arith.constant 0 : i32
      %dma_wait3A_2218 = tpu.memref_slice %arg11[%dma_wait3A_2217, %multiple_of3A_1779] : memref<16x1000000xf32, #tpu.memory_space<hbm>> -> memref<16x128xf32, #tpu.memory_space<hbm>>
      %dma_wait3A_2219 = arith.constant 0 : i32
      %dma_wait3A_2220 = arith.constant 0 : i32
      %dma_wait3A_2221 = tpu.memref_slice %arg18[%dma_wait3A_2212, %dma_wait3A_2219, %dma_wait3A_2220] : memref<32x16x128xf32, #tpu.memory_space<vmem>> -> memref<1x16x128xf32, #tpu.memory_space<vmem>>
      %dma_wait3A_2222 = tpu.memref_squeeze %dma_wait3A_2221 : memref<1x16x128xf32, #tpu.memory_space<vmem>> -> memref<16x128xf32, #tpu.memory_space<vmem>>
      %dma_wait3A_2223 = arith.constant 0 : i32
      %dma_wait3A_2224 = tpu.memref_slice %arg11[%dma_wait3A_2223, %multiple_of3A_1779] : memref<16x1000000xf32, #tpu.memory_space<hbm>> -> memref<16x128xf32, #tpu.memory_space<hbm>>
      tpu.wait_dma2 semaphore(%arg23 : memref<!tpu.dma_semaphore, #tpu.memory_space<semaphore_mem>>) src(%dma_wait3A_2224 : memref<16x128xf32, #tpu.memory_space<hbm>>) dst(%dma_wait3A_2222 : memref<16x128xf32, #tpu.memory_space<vmem>>)
      %dma_wait3A_2225 = arith.constant 30 : i32
      %dma_wait3A_2226 = arith.constant 0 : i32
      %dma_wait3A_2227 = arith.constant 0 : i32
      %dma_wait3A_2228 = tpu.memref_slice %arg18[%dma_wait3A_2225, %dma_wait3A_2226, %dma_wait3A_2227] : memref<32x16x128xf32, #tpu.memory_space<vmem>> -> memref<1x16x128xf32, #tpu.memory_space<vmem>>
      %dma_wait3A_2229 = tpu.memref_squeeze %dma_wait3A_2228 : memref<1x16x128xf32, #tpu.memory_space<vmem>> -> memref<16x128xf32, #tpu.memory_space<vmem>>
      %dma_wait3A_2230 = arith.constant 0 : i32
      %dma_wait3A_2231 = tpu.memref_slice %arg10[%dma_wait3A_2230, %multiple_of3A_1808] : memref<16x1000000xf32, #tpu.memory_space<hbm>> -> memref<16x128xf32, #tpu.memory_space<hbm>>
      %dma_wait3A_2232 = arith.constant 0 : i32
      %dma_wait3A_2233 = arith.constant 0 : i32
      %dma_wait3A_2234 = tpu.memref_slice %arg18[%dma_wait3A_2225, %dma_wait3A_2232, %dma_wait3A_2233] : memref<32x16x128xf32, #tpu.memory_space<vmem>> -> memref<1x16x128xf32, #tpu.memory_space<vmem>>
      %dma_wait3A_2235 = tpu.memref_squeeze %dma_wait3A_2234 : memref<1x16x128xf32, #tpu.memory_space<vmem>> -> memref<16x128xf32, #tpu.memory_space<vmem>>
      %dma_wait3A_2236 = arith.constant 0 : i32
      %dma_wait3A_2237 = tpu.memref_slice %arg10[%dma_wait3A_2236, %multiple_of3A_1808] : memref<16x1000000xf32, #tpu.memory_space<hbm>> -> memref<16x128xf32, #tpu.memory_space<hbm>>
      tpu.wait_dma2 semaphore(%arg23 : memref<!tpu.dma_semaphore, #tpu.memory_space<semaphore_mem>>) src(%dma_wait3A_2237 : memref<16x128xf32, #tpu.memory_space<hbm>>) dst(%dma_wait3A_2235 : memref<16x128xf32, #tpu.memory_space<vmem>>)
      %dma_wait3A_2238 = arith.constant 31 : i32
      %dma_wait3A_2239 = arith.constant 0 : i32
      %dma_wait3A_2240 = arith.constant 0 : i32
      %dma_wait3A_2241 = tpu.memref_slice %arg18[%dma_wait3A_2238, %dma_wait3A_2239, %dma_wait3A_2240] : memref<32x16x128xf32, #tpu.memory_space<vmem>> -> memref<1x16x128xf32, #tpu.memory_space<vmem>>
      %dma_wait3A_2242 = tpu.memref_squeeze %dma_wait3A_2241 : memref<1x16x128xf32, #tpu.memory_space<vmem>> -> memref<16x128xf32, #tpu.memory_space<vmem>>
      %dma_wait3A_2243 = arith.constant 0 : i32
      %dma_wait3A_2244 = tpu.memref_slice %arg11[%dma_wait3A_2243, %multiple_of3A_1808] : memref<16x1000000xf32, #tpu.memory_space<hbm>> -> memref<16x128xf32, #tpu.memory_space<hbm>>
      %dma_wait3A_2245 = arith.constant 0 : i32
      %dma_wait3A_2246 = arith.constant 0 : i32
      %dma_wait3A_2247 = tpu.memref_slice %arg18[%dma_wait3A_2238, %dma_wait3A_2245, %dma_wait3A_2246] : memref<32x16x128xf32, #tpu.memory_space<vmem>> -> memref<1x16x128xf32, #tpu.memory_space<vmem>>
      %dma_wait3A_2248 = tpu.memref_squeeze %dma_wait3A_2247 : memref<1x16x128xf32, #tpu.memory_space<vmem>> -> memref<16x128xf32, #tpu.memory_space<vmem>>
      %dma_wait3A_2249 = arith.constant 0 : i32
      %dma_wait3A_2250 = tpu.memref_slice %arg11[%dma_wait3A_2249, %multiple_of3A_1808] : memref<16x1000000xf32, #tpu.memory_space<hbm>> -> memref<16x128xf32, #tpu.memory_space<hbm>>
      tpu.wait_dma2 semaphore(%arg23 : memref<!tpu.dma_semaphore, #tpu.memory_space<semaphore_mem>>) src(%dma_wait3A_2250 : memref<16x128xf32, #tpu.memory_space<hbm>>) dst(%dma_wait3A_2248 : memref<16x128xf32, #tpu.memory_space<vmem>>)
      %slice3A_2251 = vector.extract_strided_slice %and3A_65 {offsets = [0], sizes = [1], strides = [1]} : vector<16xi32> to vector<1xi32>
      %squeeze3A_2252 = vector.extract %slice3A_2251[0] : i32 from vector<1xi32>
      %broadcast_in_dim3A_2253 = vector.broadcast %squeeze3A_2252 : i32 to vector<16xi32>
      %gather3A_2254 = arith.constant 0 : i32
      %gather3A_2255 = arith.constant 0 : i32
      %gather3A_2256 = arith.constant 0 : i32
      %gather3A_2257 = tpu.memref_slice %arg18[%gather3A_2254, %gather3A_2255, %gather3A_2256] : memref<32x16x128xf32, #tpu.memory_space<vmem>> -> memref<1x16x128xf32, #tpu.memory_space<vmem>>
      %gather3A_2258 = tpu.memref_squeeze %gather3A_2257 : memref<1x16x128xf32, #tpu.memory_space<vmem>> -> memref<16x128xf32, #tpu.memory_space<vmem>>
      %gather3A_2259 = tpu.vector_load_idx %gather3A_2258[%iota3A, %broadcast_in_dim3A_2253] : memref<16x128xf32, #tpu.memory_space<vmem>>[vector<16xi32>, vector<16xi32>], vector<16xf32>,
      %gather3A_2260 = arith.constant 1 : i32
      %gather3A_2261 = arith.constant 0 : i32
      %gather3A_2262 = arith.constant 0 : i32
      %gather3A_2263 = tpu.memref_slice %arg18[%gather3A_2260, %gather3A_2261, %gather3A_2262] : memref<32x16x128xf32, #tpu.memory_space<vmem>> -> memref<1x16x128xf32, #tpu.memory_space<vmem>>
      %gather3A_2264 = tpu.memref_squeeze %gather3A_2263 : memref<1x16x128xf32, #tpu.memory_space<vmem>> -> memref<16x128xf32, #tpu.memory_space<vmem>>
      %gather3A_2265 = tpu.vector_load_idx %gather3A_2264[%iota3A, %broadcast_in_dim3A_2253] : memref<16x128xf32, #tpu.memory_space<vmem>>[vector<16xi32>, vector<16xi32>], vector<16xf32>,
      %add3A_2266 = arith.constant 0 : i32
      %add3A_2267 = arith.addi %mul3A_49, %add3A_2266 : i32
      %broadcast_in_dim3A_2268 = vector.broadcast %add3A_2267 : i32 to vector<16xi32>
      %gather3A_2269 = tpu.vector_load_idx %arg27[%iota3A, %broadcast_in_dim3A_2268] : memref<16x512xf32, #tpu.memory_space<vmem>>[vector<16xi32>, vector<16xi32>], vector<16xf32>,
      %mul3A_2270 = arith.constant 5.000000e-01 : f32
      %mul3A_2271 = vector.broadcast %mul3A_2270 : f32 to vector<16xf32>
      %mul3A_2272 = arith.mulf %mul3A_2271, %gather3A_2265 : vector<16xf32>
      %exp3A_2273 = math.exp %mul3A_2272 : vector<16xf32>
      %mul3A_2274 = arith.mulf %exp3A_2273, %gather3A_2269 : vector<16xf32>
      %add3A_2275 = arith.addf %gather3A_2259, %mul3A_2274 : vector<16xf32>
      %get3A_2276 = arith.constant 0 : index
      %get3A_2277 = tpu.vector_load %arg34[%get3A_2276] {strides = array<i32>} : memref<256xf32, #tpu.memory_space<vmem>>, vector<16xf32>,
      %mul3A_2278 = arith.mulf %get3A_2277, %add3A_2275 : vector<16xf32>
      %mul3A_2279 = arith.constant 16 : i32
      %mul3A_2280 = vector.broadcast %mul3A_2279 : i32 to vector<16xi32>
      %mul3A_2281 = arith.muli %iota3A, %mul3A_2280 : vector<16xi32>
      %add3A_2282 = arith.constant 0 : i32
      %add3A_2283 = vector.broadcast %add3A_2282 : i32 to vector<16xi32>
      %add3A_2284 = arith.addi %mul3A_2281, %add3A_2283 : vector<16xi32>
      tpu.vector_store_idx %arg31[%add3A_2284], %mul3A_2278 : memref<256xf32, #tpu.memory_space<vmem>>[vector<16xi32>], vector<16xf32>,
      %slice3A_2285 = vector.extract_strided_slice %and3A_65 {offsets = [1], sizes = [1], strides = [1]} : vector<16xi32> to vector<1xi32>
      %squeeze3A_2286 = vector.extract %slice3A_2285[0] : i32 from vector<1xi32>
      %broadcast_in_dim3A_2287 = vector.broadcast %squeeze3A_2286 : i32 to vector<16xi32>
      %gather3A_2288 = arith.constant 2 : i32
      %gather3A_2289 = arith.constant 0 : i32
      %gather3A_2290 = arith.constant 0 : i32
      %gather3A_2291 = tpu.memref_slice %arg18[%gather3A_2288, %gather3A_2289, %gather3A_2290] : memref<32x16x128xf32, #tpu.memory_space<vmem>> -> memref<1x16x128xf32, #tpu.memory_space<vmem>>
      %gather3A_2292 = tpu.memref_squeeze %gather3A_2291 : memref<1x16x128xf32, #tpu.memory_space<vmem>> -> memref<16x128xf32, #tpu.memory_space<vmem>>
      %gather3A_2293 = tpu.vector_load_idx %gather3A_2292[%iota3A, %broadcast_in_dim3A_2287] : memref<16x128xf32, #tpu.memory_space<vmem>>[vector<16xi32>, vector<16xi32>], vector<16xf32>,
      %gather3A_2294 = arith.constant 3 : i32
      %gather3A_2295 = arith.constant 0 : i32
      %gather3A_2296 = arith.constant 0 : i32
      %gather3A_2297 = tpu.memref_slice %arg18[%gather3A_2294, %gather3A_2295, %gather3A_2296] : memref<32x16x128xf32, #tpu.memory_space<vmem>> -> memref<1x16x128xf32, #tpu.memory_space<vmem>>
      %gather3A_2298 = tpu.memref_squeeze %gather3A_2297 : memref<1x16x128xf32, #tpu.memory_space<vmem>> -> memref<16x128xf32, #tpu.memory_space<vmem>>
      %gather3A_2299 = tpu.vector_load_idx %gather3A_2298[%iota3A, %broadcast_in_dim3A_2287] : memref<16x128xf32, #tpu.memory_space<vmem>>[vector<16xi32>, vector<16xi32>], vector<16xf32>,
      %add3A_2300 = arith.constant 1 : i32
      %add3A_2301 = arith.addi %mul3A_49, %add3A_2300 : i32
      %broadcast_in_dim3A_2302 = vector.broadcast %add3A_2301 : i32 to vector<16xi32>
      %gather3A_2303 = tpu.vector_load_idx %arg27[%iota3A, %broadcast_in_dim3A_2302] : memref<16x512xf32, #tpu.memory_space<vmem>>[vector<16xi32>, vector<16xi32>], vector<16xf32>,
      %mul3A_2304 = arith.constant 5.000000e-01 : f32
      %mul3A_2305 = vector.broadcast %mul3A_2304 : f32 to vector<16xf32>
      %mul3A_2306 = arith.mulf %mul3A_2305, %gather3A_2299 : vector<16xf32>
      %exp3A_2307 = math.exp %mul3A_2306 : vector<16xf32>
      %mul3A_2308 = arith.mulf %exp3A_2307, %gather3A_2303 : vector<16xf32>
      %add3A_2309 = arith.addf %gather3A_2293, %mul3A_2308 : vector<16xf32>
      %get3A_2310 = arith.constant 16 : index
      %get3A_2311 = tpu.vector_load %arg34[%get3A_2310] {strides = array<i32>} : memref<256xf32, #tpu.memory_space<vmem>>, vector<16xf32>,
      %mul3A_2312 = arith.mulf %get3A_2311, %add3A_2309 : vector<16xf32>
      %mul3A_2313 = arith.constant 16 : i32
      %mul3A_2314 = vector.broadcast %mul3A_2313 : i32 to vector<16xi32>
      %mul3A_2315 = arith.muli %iota3A, %mul3A_2314 : vector<16xi32>
      %add3A_2316 = arith.constant 1 : i32
      %add3A_2317 = vector.broadcast %add3A_2316 : i32 to vector<16xi32>
      %add3A_2318 = arith.addi %mul3A_2315, %add3A_2317 : vector<16xi32>
      tpu.vector_store_idx %arg31[%add3A_2318], %mul3A_2312 : memref<256xf32, #tpu.memory_space<vmem>>[vector<16xi32>], vector<16xf32>,
      %slice3A_2319 = vector.extract_strided_slice %and3A_65 {offsets = [2], sizes = [1], strides = [1]} : vector<16xi32> to vector<1xi32>
      %squeeze3A_2320 = vector.extract %slice3A_2319[0] : i32 from vector<1xi32>
      %broadcast_in_dim3A_2321 = vector.broadcast %squeeze3A_2320 : i32 to vector<16xi32>
      %gather3A_2322 = arith.constant 4 : i32
      %gather3A_2323 = arith.constant 0 : i32
      %gather3A_2324 = arith.constant 0 : i32
      %gather3A_2325 = tpu.memref_slice %arg18[%gather3A_2322, %gather3A_2323, %gather3A_2324] : memref<32x16x128xf32, #tpu.memory_space<vmem>> -> memref<1x16x128xf32, #tpu.memory_space<vmem>>
      %gather3A_2326 = tpu.memref_squeeze %gather3A_2325 : memref<1x16x128xf32, #tpu.memory_space<vmem>> -> memref<16x128xf32, #tpu.memory_space<vmem>>
      %gather3A_2327 = tpu.vector_load_idx %gather3A_2326[%iota3A, %broadcast_in_dim3A_2321] : memref<16x128xf32, #tpu.memory_space<vmem>>[vector<16xi32>, vector<16xi32>], vector<16xf32>,
      %gather3A_2328 = arith.constant 5 : i32
      %gather3A_2329 = arith.constant 0 : i32
      %gather3A_2330 = arith.constant 0 : i32
      %gather3A_2331 = tpu.memref_slice %arg18[%gather3A_2328, %gather3A_2329, %gather3A_2330] : memref<32x16x128xf32, #tpu.memory_space<vmem>> -> memref<1x16x128xf32, #tpu.memory_space<vmem>>
      %gather3A_2332 = tpu.memref_squeeze %gather3A_2331 : memref<1x16x128xf32, #tpu.memory_space<vmem>> -> memref<16x128xf32, #tpu.memory_space<vmem>>
      %gather3A_2333 = tpu.vector_load_idx %gather3A_2332[%iota3A, %broadcast_in_dim3A_2321] : memref<16x128xf32, #tpu.memory_space<vmem>>[vector<16xi32>, vector<16xi32>], vector<16xf32>,
      %add3A_2334 = arith.constant 2 : i32
      %add3A_2335 = arith.addi %mul3A_49, %add3A_2334 : i32
      %broadcast_in_dim3A_2336 = vector.broadcast %add3A_2335 : i32 to vector<16xi32>
      %gather3A_2337 = tpu.vector_load_idx %arg27[%iota3A, %broadcast_in_dim3A_2336] : memref<16x512xf32, #tpu.memory_space<vmem>>[vector<16xi32>, vector<16xi32>], vector<16xf32>,
      %mul3A_2338 = arith.constant 5.000000e-01 : f32
      %mul3A_2339 = vector.broadcast %mul3A_2338 : f32 to vector<16xf32>
      %mul3A_2340 = arith.mulf %mul3A_2339, %gather3A_2333 : vector<16xf32>
      %exp3A_2341 = math.exp %mul3A_2340 : vector<16xf32>
      %mul3A_2342 = arith.mulf %exp3A_2341, %gather3A_2337 : vector<16xf32>
      %add3A_2343 = arith.addf %gather3A_2327, %mul3A_2342 : vector<16xf32>
      %get3A_2344 = arith.constant 32 : index
      %get3A_2345 = tpu.vector_load %arg34[%get3A_2344] {strides = array<i32>} : memref<256xf32, #tpu.memory_space<vmem>>, vector<16xf32>,
      %mul3A_2346 = arith.mulf %get3A_2345, %add3A_2343 : vector<16xf32>
      %mul3A_2347 = arith.constant 16 : i32
      %mul3A_2348 = vector.broadcast %mul3A_2347 : i32 to vector<16xi32>
      %mul3A_2349 = arith.muli %iota3A, %mul3A_2348 : vector<16xi32>
      %add3A_2350 = arith.constant 2 : i32
      %add3A_2351 = vector.broadcast %add3A_2350 : i32 to vector<16xi32>
      %add3A_2352 = arith.addi %mul3A_2349, %add3A_2351 : vector<16xi32>
      tpu.vector_store_idx %arg31[%add3A_2352], %mul3A_2346 : memref<256xf32, #tpu.memory_space<vmem>>[vector<16xi32>], vector<16xf32>,
      %slice3A_2353 = vector.extract_strided_slice %and3A_65 {offsets = [3], sizes = [1], strides = [1]} : vector<16xi32> to vector<1xi32>
      %squeeze3A_2354 = vector.extract %slice3A_2353[0] : i32 from vector<1xi32>
      %broadcast_in_dim3A_2355 = vector.broadcast %squeeze3A_2354 : i32 to vector<16xi32>
      %gather3A_2356 = arith.constant 6 : i32
      %gather3A_2357 = arith.constant 0 : i32
      %gather3A_2358 = arith.constant 0 : i32
      %gather3A_2359 = tpu.memref_slice %arg18[%gather3A_2356, %gather3A_2357, %gather3A_2358] : memref<32x16x128xf32, #tpu.memory_space<vmem>> -> memref<1x16x128xf32, #tpu.memory_space<vmem>>
      %gather3A_2360 = tpu.memref_squeeze %gather3A_2359 : memref<1x16x128xf32, #tpu.memory_space<vmem>> -> memref<16x128xf32, #tpu.memory_space<vmem>>
      %gather3A_2361 = tpu.vector_load_idx %gather3A_2360[%iota3A, %broadcast_in_dim3A_2355] : memref<16x128xf32, #tpu.memory_space<vmem>>[vector<16xi32>, vector<16xi32>], vector<16xf32>,
      %gather3A_2362 = arith.constant 7 : i32
      %gather3A_2363 = arith.constant 0 : i32
      %gather3A_2364 = arith.constant 0 : i32
      %gather3A_2365 = tpu.memref_slice %arg18[%gather3A_2362, %gather3A_2363, %gather3A_2364] : memref<32x16x128xf32, #tpu.memory_space<vmem>> -> memref<1x16x128xf32, #tpu.memory_space<vmem>>
      %gather3A_2366 = tpu.memref_squeeze %gather3A_2365 : memref<1x16x128xf32, #tpu.memory_space<vmem>> -> memref<16x128xf32, #tpu.memory_space<vmem>>
      %gather3A_2367 = tpu.vector_load_idx %gather3A_2366[%iota3A, %broadcast_in_dim3A_2355] : memref<16x128xf32, #tpu.memory_space<vmem>>[vector<16xi32>, vector<16xi32>], vector<16xf32>,
      %add3A_2368 = arith.constant 3 : i32
      %add3A_2369 = arith.addi %mul3A_49, %add3A_2368 : i32
      %broadcast_in_dim3A_2370 = vector.broadcast %add3A_2369 : i32 to vector<16xi32>
      %gather3A_2371 = tpu.vector_load_idx %arg27[%iota3A, %broadcast_in_dim3A_2370] : memref<16x512xf32, #tpu.memory_space<vmem>>[vector<16xi32>, vector<16xi32>], vector<16xf32>,
      %mul3A_2372 = arith.constant 5.000000e-01 : f32
      %mul3A_2373 = vector.broadcast %mul3A_2372 : f32 to vector<16xf32>
      %mul3A_2374 = arith.mulf %mul3A_2373, %gather3A_2367 : vector<16xf32>
      %exp3A_2375 = math.exp %mul3A_2374 : vector<16xf32>
      %mul3A_2376 = arith.mulf %exp3A_2375, %gather3A_2371 : vector<16xf32>
      %add3A_2377 = arith.addf %gather3A_2361, %mul3A_2376 : vector<16xf32>
      %get3A_2378 = arith.constant 48 : index
      %get3A_2379 = tpu.vector_load %arg34[%get3A_2378] {strides = array<i32>} : memref<256xf32, #tpu.memory_space<vmem>>, vector<16xf32>,
      %mul3A_2380 = arith.mulf %get3A_2379, %add3A_2377 : vector<16xf32>
      %mul3A_2381 = arith.constant 16 : i32
      %mul3A_2382 = vector.broadcast %mul3A_2381 : i32 to vector<16xi32>
      %mul3A_2383 = arith.muli %iota3A, %mul3A_2382 : vector<16xi32>
      %add3A_2384 = arith.constant 3 : i32
      %add3A_2385 = vector.broadcast %add3A_2384 : i32 to vector<16xi32>
      %add3A_2386 = arith.addi %mul3A_2383, %add3A_2385 : vector<16xi32>
      tpu.vector_store_idx %arg31[%add3A_2386], %mul3A_2380 : memref<256xf32, #tpu.memory_space<vmem>>[vector<16xi32>], vector<16xf32>,
      %slice3A_2387 = vector.extract_strided_slice %and3A_65 {offsets = [4], sizes = [1], strides = [1]} : vector<16xi32> to vector<1xi32>
      %squeeze3A_2388 = vector.extract %slice3A_2387[0] : i32 from vector<1xi32>
      %broadcast_in_dim3A_2389 = vector.broadcast %squeeze3A_2388 : i32 to vector<16xi32>
      %gather3A_2390 = arith.constant 8 : i32
      %gather3A_2391 = arith.constant 0 : i32
      %gather3A_2392 = arith.constant 0 : i32
      %gather3A_2393 = tpu.memref_slice %arg18[%gather3A_2390, %gather3A_2391, %gather3A_2392] : memref<32x16x128xf32, #tpu.memory_space<vmem>> -> memref<1x16x128xf32, #tpu.memory_space<vmem>>
      %gather3A_2394 = tpu.memref_squeeze %gather3A_2393 : memref<1x16x128xf32, #tpu.memory_space<vmem>> -> memref<16x128xf32, #tpu.memory_space<vmem>>
      %gather3A_2395 = tpu.vector_load_idx %gather3A_2394[%iota3A, %broadcast_in_dim3A_2389] : memref<16x128xf32, #tpu.memory_space<vmem>>[vector<16xi32>, vector<16xi32>], vector<16xf32>,
      %gather3A_2396 = arith.constant 9 : i32
      %gather3A_2397 = arith.constant 0 : i32
      %gather3A_2398 = arith.constant 0 : i32
      %gather3A_2399 = tpu.memref_slice %arg18[%gather3A_2396, %gather3A_2397, %gather3A_2398] : memref<32x16x128xf32, #tpu.memory_space<vmem>> -> memref<1x16x128xf32, #tpu.memory_space<vmem>>
      %gather3A_2400 = tpu.memref_squeeze %gather3A_2399 : memref<1x16x128xf32, #tpu.memory_space<vmem>> -> memref<16x128xf32, #tpu.memory_space<vmem>>
      %gather3A_2401 = tpu.vector_load_idx %gather3A_2400[%iota3A, %broadcast_in_dim3A_2389] : memref<16x128xf32, #tpu.memory_space<vmem>>[vector<16xi32>, vector<16xi32>], vector<16xf32>,
      %add3A_2402 = arith.constant 4 : i32
      %add3A_2403 = arith.addi %mul3A_49, %add3A_2402 : i32
      %broadcast_in_dim3A_2404 = vector.broadcast %add3A_2403 : i32 to vector<16xi32>
      %gather3A_2405 = tpu.vector_load_idx %arg27[%iota3A, %broadcast_in_dim3A_2404] : memref<16x512xf32, #tpu.memory_space<vmem>>[vector<16xi32>, vector<16xi32>], vector<16xf32>,
      %mul3A_2406 = arith.constant 5.000000e-01 : f32
      %mul3A_2407 = vector.broadcast %mul3A_2406 : f32 to vector<16xf32>
      %mul3A_2408 = arith.mulf %mul3A_2407, %gather3A_2401 : vector<16xf32>
      %exp3A_2409 = math.exp %mul3A_2408 : vector<16xf32>
      %mul3A_2410 = arith.mulf %exp3A_2409, %gather3A_2405 : vector<16xf32>
      %add3A_2411 = arith.addf %gather3A_2395, %mul3A_2410 : vector<16xf32>
      %get3A_2412 = arith.constant 64 : index
      %get3A_2413 = tpu.vector_load %arg34[%get3A_2412] {strides = array<i32>} : memref<256xf32, #tpu.memory_space<vmem>>, vector<16xf32>,
      %mul3A_2414 = arith.mulf %get3A_2413, %add3A_2411 : vector<16xf32>
      %mul3A_2415 = arith.constant 16 : i32
      %mul3A_2416 = vector.broadcast %mul3A_2415 : i32 to vector<16xi32>
      %mul3A_2417 = arith.muli %iota3A, %mul3A_2416 : vector<16xi32>
      %add3A_2418 = arith.constant 4 : i32
      %add3A_2419 = vector.broadcast %add3A_2418 : i32 to vector<16xi32>
      %add3A_2420 = arith.addi %mul3A_2417, %add3A_2419 : vector<16xi32>
      tpu.vector_store_idx %arg31[%add3A_2420], %mul3A_2414 : memref<256xf32, #tpu.memory_space<vmem>>[vector<16xi32>], vector<16xf32>,
      %slice3A_2421 = vector.extract_strided_slice %and3A_65 {offsets = [5], sizes = [1], strides = [1]} : vector<16xi32> to vector<1xi32>
      %squeeze3A_2422 = vector.extract %slice3A_2421[0] : i32 from vector<1xi32>
      %broadcast_in_dim3A_2423 = vector.broadcast %squeeze3A_2422 : i32 to vector<16xi32>
      %gather3A_2424 = arith.constant 10 : i32
      %gather3A_2425 = arith.constant 0 : i32
      %gather3A_2426 = arith.constant 0 : i32
      %gather3A_2427 = tpu.memref_slice %arg18[%gather3A_2424, %gather3A_2425, %gather3A_2426] : memref<32x16x128xf32, #tpu.memory_space<vmem>> -> memref<1x16x128xf32, #tpu.memory_space<vmem>>
      %gather3A_2428 = tpu.memref_squeeze %gather3A_2427 : memref<1x16x128xf32, #tpu.memory_space<vmem>> -> memref<16x128xf32, #tpu.memory_space<vmem>>
      %gather3A_2429 = tpu.vector_load_idx %gather3A_2428[%iota3A, %broadcast_in_dim3A_2423] : memref<16x128xf32, #tpu.memory_space<vmem>>[vector<16xi32>, vector<16xi32>], vector<16xf32>,
      %gather3A_2430 = arith.constant 11 : i32
      %gather3A_2431 = arith.constant 0 : i32
      %gather3A_2432 = arith.constant 0 : i32
      %gather3A_2433 = tpu.memref_slice %arg18[%gather3A_2430, %gather3A_2431, %gather3A_2432] : memref<32x16x128xf32, #tpu.memory_space<vmem>> -> memref<1x16x128xf32, #tpu.memory_space<vmem>>
      %gather3A_2434 = tpu.memref_squeeze %gather3A_2433 : memref<1x16x128xf32, #tpu.memory_space<vmem>> -> memref<16x128xf32, #tpu.memory_space<vmem>>
      %gather3A_2435 = tpu.vector_load_idx %gather3A_2434[%iota3A, %broadcast_in_dim3A_2423] : memref<16x128xf32, #tpu.memory_space<vmem>>[vector<16xi32>, vector<16xi32>], vector<16xf32>,
      %add3A_2436 = arith.constant 5 : i32
      %add3A_2437 = arith.addi %mul3A_49, %add3A_2436 : i32
      %broadcast_in_dim3A_2438 = vector.broadcast %add3A_2437 : i32 to vector<16xi32>
      %gather3A_2439 = tpu.vector_load_idx %arg27[%iota3A, %broadcast_in_dim3A_2438] : memref<16x512xf32, #tpu.memory_space<vmem>>[vector<16xi32>, vector<16xi32>], vector<16xf32>,
      %mul3A_2440 = arith.constant 5.000000e-01 : f32
      %mul3A_2441 = vector.broadcast %mul3A_2440 : f32 to vector<16xf32>
      %mul3A_2442 = arith.mulf %mul3A_2441, %gather3A_2435 : vector<16xf32>
      %exp3A_2443 = math.exp %mul3A_2442 : vector<16xf32>
      %mul3A_2444 = arith.mulf %exp3A_2443, %gather3A_2439 : vector<16xf32>
      %add3A_2445 = arith.addf %gather3A_2429, %mul3A_2444 : vector<16xf32>
      %get3A_2446 = arith.constant 80 : index
      %get3A_2447 = tpu.vector_load %arg34[%get3A_2446] {strides = array<i32>} : memref<256xf32, #tpu.memory_space<vmem>>, vector<16xf32>,
      %mul3A_2448 = arith.mulf %get3A_2447, %add3A_2445 : vector<16xf32>
      %mul3A_2449 = arith.constant 16 : i32
      %mul3A_2450 = vector.broadcast %mul3A_2449 : i32 to vector<16xi32>
      %mul3A_2451 = arith.muli %iota3A, %mul3A_2450 : vector<16xi32>
      %add3A_2452 = arith.constant 5 : i32
      %add3A_2453 = vector.broadcast %add3A_2452 : i32 to vector<16xi32>
      %add3A_2454 = arith.addi %mul3A_2451, %add3A_2453 : vector<16xi32>
      tpu.vector_store_idx %arg31[%add3A_2454], %mul3A_2448 : memref<256xf32, #tpu.memory_space<vmem>>[vector<16xi32>], vector<16xf32>,
      %slice3A_2455 = vector.extract_strided_slice %and3A_65 {offsets = [6], sizes = [1], strides = [1]} : vector<16xi32> to vector<1xi32>
      %squeeze3A_2456 = vector.extract %slice3A_2455[0] : i32 from vector<1xi32>
      %broadcast_in_dim3A_2457 = vector.broadcast %squeeze3A_2456 : i32 to vector<16xi32>
      %gather3A_2458 = arith.constant 12 : i32
      %gather3A_2459 = arith.constant 0 : i32
      %gather3A_2460 = arith.constant 0 : i32
      %gather3A_2461 = tpu.memref_slice %arg18[%gather3A_2458, %gather3A_2459, %gather3A_2460] : memref<32x16x128xf32, #tpu.memory_space<vmem>> -> memref<1x16x128xf32, #tpu.memory_space<vmem>>
      %gather3A_2462 = tpu.memref_squeeze %gather3A_2461 : memref<1x16x128xf32, #tpu.memory_space<vmem>> -> memref<16x128xf32, #tpu.memory_space<vmem>>
      %gather3A_2463 = tpu.vector_load_idx %gather3A_2462[%iota3A, %broadcast_in_dim3A_2457] : memref<16x128xf32, #tpu.memory_space<vmem>>[vector<16xi32>, vector<16xi32>], vector<16xf32>,
      %gather3A_2464 = arith.constant 13 : i32
      %gather3A_2465 = arith.constant 0 : i32
      %gather3A_2466 = arith.constant 0 : i32
      %gather3A_2467 = tpu.memref_slice %arg18[%gather3A_2464, %gather3A_2465, %gather3A_2466] : memref<32x16x128xf32, #tpu.memory_space<vmem>> -> memref<1x16x128xf32, #tpu.memory_space<vmem>>
      %gather3A_2468 = tpu.memref_squeeze %gather3A_2467 : memref<1x16x128xf32, #tpu.memory_space<vmem>> -> memref<16x128xf32, #tpu.memory_space<vmem>>
      %gather3A_2469 = tpu.vector_load_idx %gather3A_2468[%iota3A, %broadcast_in_dim3A_2457] : memref<16x128xf32, #tpu.memory_space<vmem>>[vector<16xi32>, vector<16xi32>], vector<16xf32>,
      %add3A_2470 = arith.constant 6 : i32
      %add3A_2471 = arith.addi %mul3A_49, %add3A_2470 : i32
      %broadcast_in_dim3A_2472 = vector.broadcast %add3A_2471 : i32 to vector<16xi32>
      %gather3A_2473 = tpu.vector_load_idx %arg27[%iota3A, %broadcast_in_dim3A_2472] : memref<16x512xf32, #tpu.memory_space<vmem>>[vector<16xi32>, vector<16xi32>], vector<16xf32>,
      %mul3A_2474 = arith.constant 5.000000e-01 : f32
      %mul3A_2475 = vector.broadcast %mul3A_2474 : f32 to vector<16xf32>
      %mul3A_2476 = arith.mulf %mul3A_2475, %gather3A_2469 : vector<16xf32>
      %exp3A_2477 = math.exp %mul3A_2476 : vector<16xf32>
      %mul3A_2478 = arith.mulf %exp3A_2477, %gather3A_2473 : vector<16xf32>
      %add3A_2479 = arith.addf %gather3A_2463, %mul3A_2478 : vector<16xf32>
      %get3A_2480 = arith.constant 96 : index
      %get3A_2481 = tpu.vector_load %arg34[%get3A_2480] {strides = array<i32>} : memref<256xf32, #tpu.memory_space<vmem>>, vector<16xf32>,
      %mul3A_2482 = arith.mulf %get3A_2481, %add3A_2479 : vector<16xf32>
      %mul3A_2483 = arith.constant 16 : i32
      %mul3A_2484 = vector.broadcast %mul3A_2483 : i32 to vector<16xi32>
      %mul3A_2485 = arith.muli %iota3A, %mul3A_2484 : vector<16xi32>
      %add3A_2486 = arith.constant 6 : i32
      %add3A_2487 = vector.broadcast %add3A_2486 : i32 to vector<16xi32>
      %add3A_2488 = arith.addi %mul3A_2485, %add3A_2487 : vector<16xi32>
      tpu.vector_store_idx %arg31[%add3A_2488], %mul3A_2482 : memref<256xf32, #tpu.memory_space<vmem>>[vector<16xi32>], vector<16xf32>,
      %slice3A_2489 = vector.extract_strided_slice %and3A_65 {offsets = [7], sizes = [1], strides = [1]} : vector<16xi32> to vector<1xi32>
      %squeeze3A_2490 = vector.extract %slice3A_2489[0] : i32 from vector<1xi32>
      %broadcast_in_dim3A_2491 = vector.broadcast %squeeze3A_2490 : i32 to vector<16xi32>
      %gather3A_2492 = arith.constant 14 : i32
      %gather3A_2493 = arith.constant 0 : i32
      %gather3A_2494 = arith.constant 0 : i32
      %gather3A_2495 = tpu.memref_slice %arg18[%gather3A_2492, %gather3A_2493, %gather3A_2494] : memref<32x16x128xf32, #tpu.memory_space<vmem>> -> memref<1x16x128xf32, #tpu.memory_space<vmem>>
      %gather3A_2496 = tpu.memref_squeeze %gather3A_2495 : memref<1x16x128xf32, #tpu.memory_space<vmem>> -> memref<16x128xf32, #tpu.memory_space<vmem>>
      %gather3A_2497 = tpu.vector_load_idx %gather3A_2496[%iota3A, %broadcast_in_dim3A_2491] : memref<16x128xf32, #tpu.memory_space<vmem>>[vector<16xi32>, vector<16xi32>], vector<16xf32>,
      %gather3A_2498 = arith.constant 15 : i32
      %gather3A_2499 = arith.constant 0 : i32
      %gather3A_2500 = arith.constant 0 : i32
      %gather3A_2501 = tpu.memref_slice %arg18[%gather3A_2498, %gather3A_2499, %gather3A_2500] : memref<32x16x128xf32, #tpu.memory_space<vmem>> -> memref<1x16x128xf32, #tpu.memory_space<vmem>>
      %gather3A_2502 = tpu.memref_squeeze %gather3A_2501 : memref<1x16x128xf32, #tpu.memory_space<vmem>> -> memref<16x128xf32, #tpu.memory_space<vmem>>
      %gather3A_2503 = tpu.vector_load_idx %gather3A_2502[%iota3A, %broadcast_in_dim3A_2491] : memref<16x128xf32, #tpu.memory_space<vmem>>[vector<16xi32>, vector<16xi32>], vector<16xf32>,
      %add3A_2504 = arith.constant 7 : i32
      %add3A_2505 = arith.addi %mul3A_49, %add3A_2504 : i32
      %broadcast_in_dim3A_2506 = vector.broadcast %add3A_2505 : i32 to vector<16xi32>
      %gather3A_2507 = tpu.vector_load_idx %arg27[%iota3A, %broadcast_in_dim3A_2506] : memref<16x512xf32, #tpu.memory_space<vmem>>[vector<16xi32>, vector<16xi32>], vector<16xf32>,
      %mul3A_2508 = arith.constant 5.000000e-01 : f32
      %mul3A_2509 = vector.broadcast %mul3A_2508 : f32 to vector<16xf32>
      %mul3A_2510 = arith.mulf %mul3A_2509, %gather3A_2503 : vector<16xf32>
      %exp3A_2511 = math.exp %mul3A_2510 : vector<16xf32>
      %mul3A_2512 = arith.mulf %exp3A_2511, %gather3A_2507 : vector<16xf32>
      %add3A_2513 = arith.addf %gather3A_2497, %mul3A_2512 : vector<16xf32>
      %get3A_2514 = arith.constant 112 : index
      %get3A_2515 = tpu.vector_load %arg34[%get3A_2514] {strides = array<i32>} : memref<256xf32, #tpu.memory_space<vmem>>, vector<16xf32>,
      %mul3A_2516 = arith.mulf %get3A_2515, %add3A_2513 : vector<16xf32>
      %mul3A_2517 = arith.constant 16 : i32
      %mul3A_2518 = vector.broadcast %mul3A_2517 : i32 to vector<16xi32>
      %mul3A_2519 = arith.muli %iota3A, %mul3A_2518 : vector<16xi32>
      %add3A_2520 = arith.constant 7 : i32
      %add3A_2521 = vector.broadcast %add3A_2520 : i32 to vector<16xi32>
      %add3A_2522 = arith.addi %mul3A_2519, %add3A_2521 : vector<16xi32>
      tpu.vector_store_idx %arg31[%add3A_2522], %mul3A_2516 : memref<256xf32, #tpu.memory_space<vmem>>[vector<16xi32>], vector<16xf32>,
      %slice3A_2523 = vector.extract_strided_slice %and3A_65 {offsets = [8], sizes = [1], strides = [1]} : vector<16xi32> to vector<1xi32>
      %squeeze3A_2524 = vector.extract %slice3A_2523[0] : i32 from vector<1xi32>
      %broadcast_in_dim3A_2525 = vector.broadcast %squeeze3A_2524 : i32 to vector<16xi32>
      %gather3A_2526 = arith.constant 16 : i32
      %gather3A_2527 = arith.constant 0 : i32
      %gather3A_2528 = arith.constant 0 : i32
      %gather3A_2529 = tpu.memref_slice %arg18[%gather3A_2526, %gather3A_2527, %gather3A_2528] : memref<32x16x128xf32, #tpu.memory_space<vmem>> -> memref<1x16x128xf32, #tpu.memory_space<vmem>>
      %gather3A_2530 = tpu.memref_squeeze %gather3A_2529 : memref<1x16x128xf32, #tpu.memory_space<vmem>> -> memref<16x128xf32, #tpu.memory_space<vmem>>
      %gather3A_2531 = tpu.vector_load_idx %gather3A_2530[%iota3A, %broadcast_in_dim3A_2525] : memref<16x128xf32, #tpu.memory_space<vmem>>[vector<16xi32>, vector<16xi32>], vector<16xf32>,
      %gather3A_2532 = arith.constant 17 : i32
      %gather3A_2533 = arith.constant 0 : i32
      %gather3A_2534 = arith.constant 0 : i32
      %gather3A_2535 = tpu.memref_slice %arg18[%gather3A_2532, %gather3A_2533, %gather3A_2534] : memref<32x16x128xf32, #tpu.memory_space<vmem>> -> memref<1x16x128xf32, #tpu.memory_space<vmem>>
      %gather3A_2536 = tpu.memref_squeeze %gather3A_2535 : memref<1x16x128xf32, #tpu.memory_space<vmem>> -> memref<16x128xf32, #tpu.memory_space<vmem>>
      %gather3A_2537 = tpu.vector_load_idx %gather3A_2536[%iota3A, %broadcast_in_dim3A_2525] : memref<16x128xf32, #tpu.memory_space<vmem>>[vector<16xi32>, vector<16xi32>], vector<16xf32>,
      %add3A_2538 = arith.constant 8 : i32
      %add3A_2539 = arith.addi %mul3A_49, %add3A_2538 : i32
      %broadcast_in_dim3A_2540 = vector.broadcast %add3A_2539 : i32 to vector<16xi32>
      %gather3A_2541 = tpu.vector_load_idx %arg27[%iota3A, %broadcast_in_dim3A_2540] : memref<16x512xf32, #tpu.memory_space<vmem>>[vector<16xi32>, vector<16xi32>], vector<16xf32>,
      %mul3A_2542 = arith.constant 5.000000e-01 : f32
      %mul3A_2543 = vector.broadcast %mul3A_2542 : f32 to vector<16xf32>
      %mul3A_2544 = arith.mulf %mul3A_2543, %gather3A_2537 : vector<16xf32>
      %exp3A_2545 = math.exp %mul3A_2544 : vector<16xf32>
      %mul3A_2546 = arith.mulf %exp3A_2545, %gather3A_2541 : vector<16xf32>
      %add3A_2547 = arith.addf %gather3A_2531, %mul3A_2546 : vector<16xf32>
      %get3A_2548 = arith.constant 128 : index
      %get3A_2549 = tpu.vector_load %arg34[%get3A_2548] {strides = array<i32>} : memref<256xf32, #tpu.memory_space<vmem>>, vector<16xf32>,
      %mul3A_2550 = arith.mulf %get3A_2549, %add3A_2547 : vector<16xf32>
      %mul3A_2551 = arith.constant 16 : i32
      %mul3A_2552 = vector.broadcast %mul3A_2551 : i32 to vector<16xi32>
      %mul3A_2553 = arith.muli %iota3A, %mul3A_2552 : vector<16xi32>
      %add3A_2554 = arith.constant 8 : i32
      %add3A_2555 = vector.broadcast %add3A_2554 : i32 to vector<16xi32>
      %add3A_2556 = arith.addi %mul3A_2553, %add3A_2555 : vector<16xi32>
      tpu.vector_store_idx %arg31[%add3A_2556], %mul3A_2550 : memref<256xf32, #tpu.memory_space<vmem>>[vector<16xi32>], vector<16xf32>,
      %slice3A_2557 = vector.extract_strided_slice %and3A_65 {offsets = [9], sizes = [1], strides = [1]} : vector<16xi32> to vector<1xi32>
      %squeeze3A_2558 = vector.extract %slice3A_2557[0] : i32 from vector<1xi32>
      %broadcast_in_dim3A_2559 = vector.broadcast %squeeze3A_2558 : i32 to vector<16xi32>
      %gather3A_2560 = arith.constant 18 : i32
      %gather3A_2561 = arith.constant 0 : i32
      %gather3A_2562 = arith.constant 0 : i32
      %gather3A_2563 = tpu.memref_slice %arg18[%gather3A_2560, %gather3A_2561, %gather3A_2562] : memref<32x16x128xf32, #tpu.memory_space<vmem>> -> memref<1x16x128xf32, #tpu.memory_space<vmem>>
      %gather3A_2564 = tpu.memref_squeeze %gather3A_2563 : memref<1x16x128xf32, #tpu.memory_space<vmem>> -> memref<16x128xf32, #tpu.memory_space<vmem>>
      %gather3A_2565 = tpu.vector_load_idx %gather3A_2564[%iota3A, %broadcast_in_dim3A_2559] : memref<16x128xf32, #tpu.memory_space<vmem>>[vector<16xi32>, vector<16xi32>], vector<16xf32>,
      %gather3A_2566 = arith.constant 19 : i32
      %gather3A_2567 = arith.constant 0 : i32
      %gather3A_2568 = arith.constant 0 : i32
      %gather3A_2569 = tpu.memref_slice %arg18[%gather3A_2566, %gather3A_2567, %gather3A_2568] : memref<32x16x128xf32, #tpu.memory_space<vmem>> -> memref<1x16x128xf32, #tpu.memory_space<vmem>>
      %gather3A_2570 = tpu.memref_squeeze %gather3A_2569 : memref<1x16x128xf32, #tpu.memory_space<vmem>> -> memref<16x128xf32, #tpu.memory_space<vmem>>
      %gather3A_2571 = tpu.vector_load_idx %gather3A_2570[%iota3A, %broadcast_in_dim3A_2559] : memref<16x128xf32, #tpu.memory_space<vmem>>[vector<16xi32>, vector<16xi32>], vector<16xf32>,
      %add3A_2572 = arith.constant 9 : i32
      %add3A_2573 = arith.addi %mul3A_49, %add3A_2572 : i32
      %broadcast_in_dim3A_2574 = vector.broadcast %add3A_2573 : i32 to vector<16xi32>
      %gather3A_2575 = tpu.vector_load_idx %arg27[%iota3A, %broadcast_in_dim3A_2574] : memref<16x512xf32, #tpu.memory_space<vmem>>[vector<16xi32>, vector<16xi32>], vector<16xf32>,
      %mul3A_2576 = arith.constant 5.000000e-01 : f32
      %mul3A_2577 = vector.broadcast %mul3A_2576 : f32 to vector<16xf32>
      %mul3A_2578 = arith.mulf %mul3A_2577, %gather3A_2571 : vector<16xf32>
      %exp3A_2579 = math.exp %mul3A_2578 : vector<16xf32>
      %mul3A_2580 = arith.mulf %exp3A_2579, %gather3A_2575 : vector<16xf32>
      %add3A_2581 = arith.addf %gather3A_2565, %mul3A_2580 : vector<16xf32>
      %get3A_2582 = arith.constant 144 : index
      %get3A_2583 = tpu.vector_load %arg34[%get3A_2582] {strides = array<i32>} : memref<256xf32, #tpu.memory_space<vmem>>, vector<16xf32>,
      %mul3A_2584 = arith.mulf %get3A_2583, %add3A_2581 : vector<16xf32>
      %mul3A_2585 = arith.constant 16 : i32
      %mul3A_2586 = vector.broadcast %mul3A_2585 : i32 to vector<16xi32>
      %mul3A_2587 = arith.muli %iota3A, %mul3A_2586 : vector<16xi32>
      %add3A_2588 = arith.constant 9 : i32
      %add3A_2589 = vector.broadcast %add3A_2588 : i32 to vector<16xi32>
      %add3A_2590 = arith.addi %mul3A_2587, %add3A_2589 : vector<16xi32>
      tpu.vector_store_idx %arg31[%add3A_2590], %mul3A_2584 : memref<256xf32, #tpu.memory_space<vmem>>[vector<16xi32>], vector<16xf32>,
      %slice3A_2591 = vector.extract_strided_slice %and3A_65 {offsets = [10], sizes = [1], strides = [1]} : vector<16xi32> to vector<1xi32>
      %squeeze3A_2592 = vector.extract %slice3A_2591[0] : i32 from vector<1xi32>
      %broadcast_in_dim3A_2593 = vector.broadcast %squeeze3A_2592 : i32 to vector<16xi32>
      %gather3A_2594 = arith.constant 20 : i32
      %gather3A_2595 = arith.constant 0 : i32
      %gather3A_2596 = arith.constant 0 : i32
      %gather3A_2597 = tpu.memref_slice %arg18[%gather3A_2594, %gather3A_2595, %gather3A_2596] : memref<32x16x128xf32, #tpu.memory_space<vmem>> -> memref<1x16x128xf32, #tpu.memory_space<vmem>>
      %gather3A_2598 = tpu.memref_squeeze %gather3A_2597 : memref<1x16x128xf32, #tpu.memory_space<vmem>> -> memref<16x128xf32, #tpu.memory_space<vmem>>
      %gather3A_2599 = tpu.vector_load_idx %gather3A_2598[%iota3A, %broadcast_in_dim3A_2593] : memref<16x128xf32, #tpu.memory_space<vmem>>[vector<16xi32>, vector<16xi32>], vector<16xf32>,
      %gather3A_2600 = arith.constant 21 : i32
      %gather3A_2601 = arith.constant 0 : i32
      %gather3A_2602 = arith.constant 0 : i32
      %gather3A_2603 = tpu.memref_slice %arg18[%gather3A_2600, %gather3A_2601, %gather3A_2602] : memref<32x16x128xf32, #tpu.memory_space<vmem>> -> memref<1x16x128xf32, #tpu.memory_space<vmem>>
      %gather3A_2604 = tpu.memref_squeeze %gather3A_2603 : memref<1x16x128xf32, #tpu.memory_space<vmem>> -> memref<16x128xf32, #tpu.memory_space<vmem>>
      %gather3A_2605 = tpu.vector_load_idx %gather3A_2604[%iota3A, %broadcast_in_dim3A_2593] : memref<16x128xf32, #tpu.memory_space<vmem>>[vector<16xi32>, vector<16xi32>], vector<16xf32>,
      %add3A_2606 = arith.constant 10 : i32
      %add3A_2607 = arith.addi %mul3A_49, %add3A_2606 : i32
      %broadcast_in_dim3A_2608 = vector.broadcast %add3A_2607 : i32 to vector<16xi32>
      %gather3A_2609 = tpu.vector_load_idx %arg27[%iota3A, %broadcast_in_dim3A_2608] : memref<16x512xf32, #tpu.memory_space<vmem>>[vector<16xi32>, vector<16xi32>], vector<16xf32>,
      %mul3A_2610 = arith.constant 5.000000e-01 : f32
      %mul3A_2611 = vector.broadcast %mul3A_2610 : f32 to vector<16xf32>
      %mul3A_2612 = arith.mulf %mul3A_2611, %gather3A_2605 : vector<16xf32>
      %exp3A_2613 = math.exp %mul3A_2612 : vector<16xf32>
      %mul3A_2614 = arith.mulf %exp3A_2613, %gather3A_2609 : vector<16xf32>
      %add3A_2615 = arith.addf %gather3A_2599, %mul3A_2614 : vector<16xf32>
      %get3A_2616 = arith.constant 160 : index
      %get3A_2617 = tpu.vector_load %arg34[%get3A_2616] {strides = array<i32>} : memref<256xf32, #tpu.memory_space<vmem>>, vector<16xf32>,
      %mul3A_2618 = arith.mulf %get3A_2617, %add3A_2615 : vector<16xf32>
      %mul3A_2619 = arith.constant 16 : i32
      %mul3A_2620 = vector.broadcast %mul3A_2619 : i32 to vector<16xi32>
      %mul3A_2621 = arith.muli %iota3A, %mul3A_2620 : vector<16xi32>
      %add3A_2622 = arith.constant 10 : i32
      %add3A_2623 = vector.broadcast %add3A_2622 : i32 to vector<16xi32>
      %add3A_2624 = arith.addi %mul3A_2621, %add3A_2623 : vector<16xi32>
      tpu.vector_store_idx %arg31[%add3A_2624], %mul3A_2618 : memref<256xf32, #tpu.memory_space<vmem>>[vector<16xi32>], vector<16xf32>,
      %slice3A_2625 = vector.extract_strided_slice %and3A_65 {offsets = [11], sizes = [1], strides = [1]} : vector<16xi32> to vector<1xi32>
      %squeeze3A_2626 = vector.extract %slice3A_2625[0] : i32 from vector<1xi32>
      %broadcast_in_dim3A_2627 = vector.broadcast %squeeze3A_2626 : i32 to vector<16xi32>
      %gather3A_2628 = arith.constant 22 : i32
      %gather3A_2629 = arith.constant 0 : i32
      %gather3A_2630 = arith.constant 0 : i32
      %gather3A_2631 = tpu.memref_slice %arg18[%gather3A_2628, %gather3A_2629, %gather3A_2630] : memref<32x16x128xf32, #tpu.memory_space<vmem>> -> memref<1x16x128xf32, #tpu.memory_space<vmem>>
      %gather3A_2632 = tpu.memref_squeeze %gather3A_2631 : memref<1x16x128xf32, #tpu.memory_space<vmem>> -> memref<16x128xf32, #tpu.memory_space<vmem>>
      %gather3A_2633 = tpu.vector_load_idx %gather3A_2632[%iota3A, %broadcast_in_dim3A_2627] : memref<16x128xf32, #tpu.memory_space<vmem>>[vector<16xi32>, vector<16xi32>], vector<16xf32>,
      %gather3A_2634 = arith.constant 23 : i32
      %gather3A_2635 = arith.constant 0 : i32
      %gather3A_2636 = arith.constant 0 : i32
      %gather3A_2637 = tpu.memref_slice %arg18[%gather3A_2634, %gather3A_2635, %gather3A_2636] : memref<32x16x128xf32, #tpu.memory_space<vmem>> -> memref<1x16x128xf32, #tpu.memory_space<vmem>>
      %gather3A_2638 = tpu.memref_squeeze %gather3A_2637 : memref<1x16x128xf32, #tpu.memory_space<vmem>> -> memref<16x128xf32, #tpu.memory_space<vmem>>
      %gather3A_2639 = tpu.vector_load_idx %gather3A_2638[%iota3A, %broadcast_in_dim3A_2627] : memref<16x128xf32, #tpu.memory_space<vmem>>[vector<16xi32>, vector<16xi32>], vector<16xf32>,
      %add3A_2640 = arith.constant 11 : i32
      %add3A_2641 = arith.addi %mul3A_49, %add3A_2640 : i32
      %broadcast_in_dim3A_2642 = vector.broadcast %add3A_2641 : i32 to vector<16xi32>
      %gather3A_2643 = tpu.vector_load_idx %arg27[%iota3A, %broadcast_in_dim3A_2642] : memref<16x512xf32, #tpu.memory_space<vmem>>[vector<16xi32>, vector<16xi32>], vector<16xf32>,
      %mul3A_2644 = arith.constant 5.000000e-01 : f32
      %mul3A_2645 = vector.broadcast %mul3A_2644 : f32 to vector<16xf32>
      %mul3A_2646 = arith.mulf %mul3A_2645, %gather3A_2639 : vector<16xf32>
      %exp3A_2647 = math.exp %mul3A_2646 : vector<16xf32>
      %mul3A_2648 = arith.mulf %exp3A_2647, %gather3A_2643 : vector<16xf32>
      %add3A_2649 = arith.addf %gather3A_2633, %mul3A_2648 : vector<16xf32>
      %get3A_2650 = arith.constant 176 : index
      %get3A_2651 = tpu.vector_load %arg34[%get3A_2650] {strides = array<i32>} : memref<256xf32, #tpu.memory_space<vmem>>, vector<16xf32>,
      %mul3A_2652 = arith.mulf %get3A_2651, %add3A_2649 : vector<16xf32>
      %mul3A_2653 = arith.constant 16 : i32
      %mul3A_2654 = vector.broadcast %mul3A_2653 : i32 to vector<16xi32>
      %mul3A_2655 = arith.muli %iota3A, %mul3A_2654 : vector<16xi32>
      %add3A_2656 = arith.constant 11 : i32
      %add3A_2657 = vector.broadcast %add3A_2656 : i32 to vector<16xi32>
      %add3A_2658 = arith.addi %mul3A_2655, %add3A_2657 : vector<16xi32>
      tpu.vector_store_idx %arg31[%add3A_2658], %mul3A_2652 : memref<256xf32, #tpu.memory_space<vmem>>[vector<16xi32>], vector<16xf32>,
      %slice3A_2659 = vector.extract_strided_slice %and3A_65 {offsets = [12], sizes = [1], strides = [1]} : vector<16xi32> to vector<1xi32>
      %squeeze3A_2660 = vector.extract %slice3A_2659[0] : i32 from vector<1xi32>
      %broadcast_in_dim3A_2661 = vector.broadcast %squeeze3A_2660 : i32 to vector<16xi32>
      %gather3A_2662 = arith.constant 24 : i32
      %gather3A_2663 = arith.constant 0 : i32
      %gather3A_2664 = arith.constant 0 : i32
      %gather3A_2665 = tpu.memref_slice %arg18[%gather3A_2662, %gather3A_2663, %gather3A_2664] : memref<32x16x128xf32, #tpu.memory_space<vmem>> -> memref<1x16x128xf32, #tpu.memory_space<vmem>>
      %gather3A_2666 = tpu.memref_squeeze %gather3A_2665 : memref<1x16x128xf32, #tpu.memory_space<vmem>> -> memref<16x128xf32, #tpu.memory_space<vmem>>
      %gather3A_2667 = tpu.vector_load_idx %gather3A_2666[%iota3A, %broadcast_in_dim3A_2661] : memref<16x128xf32, #tpu.memory_space<vmem>>[vector<16xi32>, vector<16xi32>], vector<16xf32>,
      %gather3A_2668 = arith.constant 25 : i32
      %gather3A_2669 = arith.constant 0 : i32
      %gather3A_2670 = arith.constant 0 : i32
      %gather3A_2671 = tpu.memref_slice %arg18[%gather3A_2668, %gather3A_2669, %gather3A_2670] : memref<32x16x128xf32, #tpu.memory_space<vmem>> -> memref<1x16x128xf32, #tpu.memory_space<vmem>>
      %gather3A_2672 = tpu.memref_squeeze %gather3A_2671 : memref<1x16x128xf32, #tpu.memory_space<vmem>> -> memref<16x128xf32, #tpu.memory_space<vmem>>
      %gather3A_2673 = tpu.vector_load_idx %gather3A_2672[%iota3A, %broadcast_in_dim3A_2661] : memref<16x128xf32, #tpu.memory_space<vmem>>[vector<16xi32>, vector<16xi32>], vector<16xf32>,
      %add3A_2674 = arith.constant 12 : i32
      %add3A_2675 = arith.addi %mul3A_49, %add3A_2674 : i32
      %broadcast_in_dim3A_2676 = vector.broadcast %add3A_2675 : i32 to vector<16xi32>
      %gather3A_2677 = tpu.vector_load_idx %arg27[%iota3A, %broadcast_in_dim3A_2676] : memref<16x512xf32, #tpu.memory_space<vmem>>[vector<16xi32>, vector<16xi32>], vector<16xf32>,
      %mul3A_2678 = arith.constant 5.000000e-01 : f32
      %mul3A_2679 = vector.broadcast %mul3A_2678 : f32 to vector<16xf32>
      %mul3A_2680 = arith.mulf %mul3A_2679, %gather3A_2673 : vector<16xf32>
      %exp3A_2681 = math.exp %mul3A_2680 : vector<16xf32>
      %mul3A_2682 = arith.mulf %exp3A_2681, %gather3A_2677 : vector<16xf32>
      %add3A_2683 = arith.addf %gather3A_2667, %mul3A_2682 : vector<16xf32>
      %get3A_2684 = arith.constant 192 : index
      %get3A_2685 = tpu.vector_load %arg34[%get3A_2684] {strides = array<i32>} : memref<256xf32, #tpu.memory_space<vmem>>, vector<16xf32>,
      %mul3A_2686 = arith.mulf %get3A_2685, %add3A_2683 : vector<16xf32>
      %mul3A_2687 = arith.constant 16 : i32
      %mul3A_2688 = vector.broadcast %mul3A_2687 : i32 to vector<16xi32>
      %mul3A_2689 = arith.muli %iota3A, %mul3A_2688 : vector<16xi32>
      %add3A_2690 = arith.constant 12 : i32
      %add3A_2691 = vector.broadcast %add3A_2690 : i32 to vector<16xi32>
      %add3A_2692 = arith.addi %mul3A_2689, %add3A_2691 : vector<16xi32>
      tpu.vector_store_idx %arg31[%add3A_2692], %mul3A_2686 : memref<256xf32, #tpu.memory_space<vmem>>[vector<16xi32>], vector<16xf32>,
      %slice3A_2693 = vector.extract_strided_slice %and3A_65 {offsets = [13], sizes = [1], strides = [1]} : vector<16xi32> to vector<1xi32>
      %squeeze3A_2694 = vector.extract %slice3A_2693[0] : i32 from vector<1xi32>
      %broadcast_in_dim3A_2695 = vector.broadcast %squeeze3A_2694 : i32 to vector<16xi32>
      %gather3A_2696 = arith.constant 26 : i32
      %gather3A_2697 = arith.constant 0 : i32
      %gather3A_2698 = arith.constant 0 : i32
      %gather3A_2699 = tpu.memref_slice %arg18[%gather3A_2696, %gather3A_2697, %gather3A_2698] : memref<32x16x128xf32, #tpu.memory_space<vmem>> -> memref<1x16x128xf32, #tpu.memory_space<vmem>>
      %gather3A_2700 = tpu.memref_squeeze %gather3A_2699 : memref<1x16x128xf32, #tpu.memory_space<vmem>> -> memref<16x128xf32, #tpu.memory_space<vmem>>
      %gather3A_2701 = tpu.vector_load_idx %gather3A_2700[%iota3A, %broadcast_in_dim3A_2695] : memref<16x128xf32, #tpu.memory_space<vmem>>[vector<16xi32>, vector<16xi32>], vector<16xf32>,
      %gather3A_2702 = arith.constant 27 : i32
      %gather3A_2703 = arith.constant 0 : i32
      %gather3A_2704 = arith.constant 0 : i32
      %gather3A_2705 = tpu.memref_slice %arg18[%gather3A_2702, %gather3A_2703, %gather3A_2704] : memref<32x16x128xf32, #tpu.memory_space<vmem>> -> memref<1x16x128xf32, #tpu.memory_space<vmem>>
      %gather3A_2706 = tpu.memref_squeeze %gather3A_2705 : memref<1x16x128xf32, #tpu.memory_space<vmem>> -> memref<16x128xf32, #tpu.memory_space<vmem>>
      %gather3A_2707 = tpu.vector_load_idx %gather3A_2706[%iota3A, %broadcast_in_dim3A_2695] : memref<16x128xf32, #tpu.memory_space<vmem>>[vector<16xi32>, vector<16xi32>], vector<16xf32>,
      %add3A_2708 = arith.constant 13 : i32
      %add3A_2709 = arith.addi %mul3A_49, %add3A_2708 : i32
      %broadcast_in_dim3A_2710 = vector.broadcast %add3A_2709 : i32 to vector<16xi32>
      %gather3A_2711 = tpu.vector_load_idx %arg27[%iota3A, %broadcast_in_dim3A_2710] : memref<16x512xf32, #tpu.memory_space<vmem>>[vector<16xi32>, vector<16xi32>], vector<16xf32>,
      %mul3A_2712 = arith.constant 5.000000e-01 : f32
      %mul3A_2713 = vector.broadcast %mul3A_2712 : f32 to vector<16xf32>
      %mul3A_2714 = arith.mulf %mul3A_2713, %gather3A_2707 : vector<16xf32>
      %exp3A_2715 = math.exp %mul3A_2714 : vector<16xf32>
      %mul3A_2716 = arith.mulf %exp3A_2715, %gather3A_2711 : vector<16xf32>
      %add3A_2717 = arith.addf %gather3A_2701, %mul3A_2716 : vector<16xf32>
      %get3A_2718 = arith.constant 208 : index
      %get3A_2719 = tpu.vector_load %arg34[%get3A_2718] {strides = array<i32>} : memref<256xf32, #tpu.memory_space<vmem>>, vector<16xf32>,
      %mul3A_2720 = arith.mulf %get3A_2719, %add3A_2717 : vector<16xf32>
      %mul3A_2721 = arith.constant 16 : i32
      %mul3A_2722 = vector.broadcast %mul3A_2721 : i32 to vector<16xi32>
      %mul3A_2723 = arith.muli %iota3A, %mul3A_2722 : vector<16xi32>
      %add3A_2724 = arith.constant 13 : i32
      %add3A_2725 = vector.broadcast %add3A_2724 : i32 to vector<16xi32>
      %add3A_2726 = arith.addi %mul3A_2723, %add3A_2725 : vector<16xi32>
      tpu.vector_store_idx %arg31[%add3A_2726], %mul3A_2720 : memref<256xf32, #tpu.memory_space<vmem>>[vector<16xi32>], vector<16xf32>,
      %slice3A_2727 = vector.extract_strided_slice %and3A_65 {offsets = [14], sizes = [1], strides = [1]} : vector<16xi32> to vector<1xi32>
      %squeeze3A_2728 = vector.extract %slice3A_2727[0] : i32 from vector<1xi32>
      %broadcast_in_dim3A_2729 = vector.broadcast %squeeze3A_2728 : i32 to vector<16xi32>
      %gather3A_2730 = arith.constant 28 : i32
      %gather3A_2731 = arith.constant 0 : i32
      %gather3A_2732 = arith.constant 0 : i32
      %gather3A_2733 = tpu.memref_slice %arg18[%gather3A_2730, %gather3A_2731, %gather3A_2732] : memref<32x16x128xf32, #tpu.memory_space<vmem>> -> memref<1x16x128xf32, #tpu.memory_space<vmem>>
      %gather3A_2734 = tpu.memref_squeeze %gather3A_2733 : memref<1x16x128xf32, #tpu.memory_space<vmem>> -> memref<16x128xf32, #tpu.memory_space<vmem>>
      %gather3A_2735 = tpu.vector_load_idx %gather3A_2734[%iota3A, %broadcast_in_dim3A_2729] : memref<16x128xf32, #tpu.memory_space<vmem>>[vector<16xi32>, vector<16xi32>], vector<16xf32>,
      %gather3A_2736 = arith.constant 29 : i32
      %gather3A_2737 = arith.constant 0 : i32
      %gather3A_2738 = arith.constant 0 : i32
      %gather3A_2739 = tpu.memref_slice %arg18[%gather3A_2736, %gather3A_2737, %gather3A_2738] : memref<32x16x128xf32, #tpu.memory_space<vmem>> -> memref<1x16x128xf32, #tpu.memory_space<vmem>>
      %gather3A_2740 = tpu.memref_squeeze %gather3A_2739 : memref<1x16x128xf32, #tpu.memory_space<vmem>> -> memref<16x128xf32, #tpu.memory_space<vmem>>
      %gather3A_2741 = tpu.vector_load_idx %gather3A_2740[%iota3A, %broadcast_in_dim3A_2729] : memref<16x128xf32, #tpu.memory_space<vmem>>[vector<16xi32>, vector<16xi32>], vector<16xf32>,
      %add3A_2742 = arith.constant 14 : i32
      %add3A_2743 = arith.addi %mul3A_49, %add3A_2742 : i32
      %broadcast_in_dim3A_2744 = vector.broadcast %add3A_2743 : i32 to vector<16xi32>
      %gather3A_2745 = tpu.vector_load_idx %arg27[%iota3A, %broadcast_in_dim3A_2744] : memref<16x512xf32, #tpu.memory_space<vmem>>[vector<16xi32>, vector<16xi32>], vector<16xf32>,
      %mul3A_2746 = arith.constant 5.000000e-01 : f32
      %mul3A_2747 = vector.broadcast %mul3A_2746 : f32 to vector<16xf32>
      %mul3A_2748 = arith.mulf %mul3A_2747, %gather3A_2741 : vector<16xf32>
      %exp3A_2749 = math.exp %mul3A_2748 : vector<16xf32>
      %mul3A_2750 = arith.mulf %exp3A_2749, %gather3A_2745 : vector<16xf32>
      %add3A_2751 = arith.addf %gather3A_2735, %mul3A_2750 : vector<16xf32>
      %get3A_2752 = arith.constant 224 : index
      %get3A_2753 = tpu.vector_load %arg34[%get3A_2752] {strides = array<i32>} : memref<256xf32, #tpu.memory_space<vmem>>, vector<16xf32>,
      %mul3A_2754 = arith.mulf %get3A_2753, %add3A_2751 : vector<16xf32>
      %mul3A_2755 = arith.constant 16 : i32
      %mul3A_2756 = vector.broadcast %mul3A_2755 : i32 to vector<16xi32>
      %mul3A_2757 = arith.muli %iota3A, %mul3A_2756 : vector<16xi32>
      %add3A_2758 = arith.constant 14 : i32
      %add3A_2759 = vector.broadcast %add3A_2758 : i32 to vector<16xi32>
      %add3A_2760 = arith.addi %mul3A_2757, %add3A_2759 : vector<16xi32>
      tpu.vector_store_idx %arg31[%add3A_2760], %mul3A_2754 : memref<256xf32, #tpu.memory_space<vmem>>[vector<16xi32>], vector<16xf32>,
      %slice3A_2761 = vector.extract_strided_slice %and3A_65 {offsets = [15], sizes = [1], strides = [1]} : vector<16xi32> to vector<1xi32>
      %squeeze3A_2762 = vector.extract %slice3A_2761[0] : i32 from vector<1xi32>
      %broadcast_in_dim3A_2763 = vector.broadcast %squeeze3A_2762 : i32 to vector<16xi32>
      %gather3A_2764 = arith.constant 30 : i32
      %gather3A_2765 = arith.constant 0 : i32
      %gather3A_2766 = arith.constant 0 : i32
      %gather3A_2767 = tpu.memref_slice %arg18[%gather3A_2764, %gather3A_2765, %gather3A_2766] : memref<32x16x128xf32, #tpu.memory_space<vmem>> -> memref<1x16x128xf32, #tpu.memory_space<vmem>>
      %gather3A_2768 = tpu.memref_squeeze %gather3A_2767 : memref<1x16x128xf32, #tpu.memory_space<vmem>> -> memref<16x128xf32, #tpu.memory_space<vmem>>
      %gather3A_2769 = tpu.vector_load_idx %gather3A_2768[%iota3A, %broadcast_in_dim3A_2763] : memref<16x128xf32, #tpu.memory_space<vmem>>[vector<16xi32>, vector<16xi32>], vector<16xf32>,
      %gather3A_2770 = arith.constant 31 : i32
      %gather3A_2771 = arith.constant 0 : i32
      %gather3A_2772 = arith.constant 0 : i32
      %gather3A_2773 = tpu.memref_slice %arg18[%gather3A_2770, %gather3A_2771, %gather3A_2772] : memref<32x16x128xf32, #tpu.memory_space<vmem>> -> memref<1x16x128xf32, #tpu.memory_space<vmem>>
      %gather3A_2774 = tpu.memref_squeeze %gather3A_2773 : memref<1x16x128xf32, #tpu.memory_space<vmem>> -> memref<16x128xf32, #tpu.memory_space<vmem>>
      %gather3A_2775 = tpu.vector_load_idx %gather3A_2774[%iota3A, %broadcast_in_dim3A_2763] : memref<16x128xf32, #tpu.memory_space<vmem>>[vector<16xi32>, vector<16xi32>], vector<16xf32>,
      %add3A_2776 = arith.constant 15 : i32
      %add3A_2777 = arith.addi %mul3A_49, %add3A_2776 : i32
      %broadcast_in_dim3A_2778 = vector.broadcast %add3A_2777 : i32 to vector<16xi32>
      %gather3A_2779 = tpu.vector_load_idx %arg27[%iota3A, %broadcast_in_dim3A_2778] : memref<16x512xf32, #tpu.memory_space<vmem>>[vector<16xi32>, vector<16xi32>], vector<16xf32>,
      %mul3A_2780 = arith.constant 5.000000e-01 : f32
      %mul3A_2781 = vector.broadcast %mul3A_2780 : f32 to vector<16xf32>
      %mul3A_2782 = arith.mulf %mul3A_2781, %gather3A_2775 : vector<16xf32>
      %exp3A_2783 = math.exp %mul3A_2782 : vector<16xf32>
      %mul3A_2784 = arith.mulf %exp3A_2783, %gather3A_2779 : vector<16xf32>
      %add3A_2785 = arith.addf %gather3A_2769, %mul3A_2784 : vector<16xf32>
      %get3A_2786 = arith.constant 240 : index
      %get3A_2787 = tpu.vector_load %arg34[%get3A_2786] {strides = array<i32>} : memref<256xf32, #tpu.memory_space<vmem>>, vector<16xf32>,
      %mul3A_2788 = arith.mulf %get3A_2787, %add3A_2785 : vector<16xf32>
      %mul3A_2789 = arith.constant 16 : i32
      %mul3A_2790 = vector.broadcast %mul3A_2789 : i32 to vector<16xi32>
      %mul3A_2791 = arith.muli %iota3A, %mul3A_2790 : vector<16xi32>
      %add3A_2792 = arith.constant 15 : i32
      %add3A_2793 = vector.broadcast %add3A_2792 : i32 to vector<16xi32>
      %add3A_2794 = arith.addi %mul3A_2791, %add3A_2793 : vector<16xi32>
      tpu.vector_store_idx %arg31[%add3A_2794], %mul3A_2788 : memref<256xf32, #tpu.memory_space<vmem>>[vector<16xi32>], vector<16xf32>,
      %get3A_2795 = arith.constant 0 : index
      %get3A_2796 = tpu.vector_load %arg31[%get3A_2795] {strides = array<i32>} : memref<256xf32, #tpu.memory_space<vmem>>, vector<16xf32>,
      %get3A_2797 = arith.constant 16 : index
      %get3A_2798 = tpu.vector_load %arg31[%get3A_2797] {strides = array<i32>} : memref<256xf32, #tpu.memory_space<vmem>>, vector<16xf32>,
      %add3A_2799 = arith.addf %get3A_2796, %get3A_2798 : vector<16xf32>
      %get3A_2800 = arith.constant 32 : index
      %get3A_2801 = tpu.vector_load %arg31[%get3A_2800] {strides = array<i32>} : memref<256xf32, #tpu.memory_space<vmem>>, vector<16xf32>,
      %add3A_2802 = arith.addf %add3A_2799, %get3A_2801 : vector<16xf32>
      %get3A_2803 = arith.constant 48 : index
      %get3A_2804 = tpu.vector_load %arg31[%get3A_2803] {strides = array<i32>} : memref<256xf32, #tpu.memory_space<vmem>>, vector<16xf32>,
      %add3A_2805 = arith.addf %add3A_2802, %get3A_2804 : vector<16xf32>
      %get3A_2806 = arith.constant 64 : index
      %get3A_2807 = tpu.vector_load %arg31[%get3A_2806] {strides = array<i32>} : memref<256xf32, #tpu.memory_space<vmem>>, vector<16xf32>,
      %add3A_2808 = arith.addf %add3A_2805, %get3A_2807 : vector<16xf32>
      %get3A_2809 = arith.constant 80 : index
      %get3A_2810 = tpu.vector_load %arg31[%get3A_2809] {strides = array<i32>} : memref<256xf32, #tpu.memory_space<vmem>>, vector<16xf32>,
      %add3A_2811 = arith.addf %add3A_2808, %get3A_2810 : vector<16xf32>
      %get3A_2812 = arith.constant 96 : index
      %get3A_2813 = tpu.vector_load %arg31[%get3A_2812] {strides = array<i32>} : memref<256xf32, #tpu.memory_space<vmem>>, vector<16xf32>,
      %add3A_2814 = arith.addf %add3A_2811, %get3A_2813 : vector<16xf32>
      %get3A_2815 = arith.constant 112 : index
      %get3A_2816 = tpu.vector_load %arg31[%get3A_2815] {strides = array<i32>} : memref<256xf32, #tpu.memory_space<vmem>>, vector<16xf32>,
      %add3A_2817 = arith.addf %add3A_2814, %get3A_2816 : vector<16xf32>
      %get3A_2818 = arith.constant 128 : index
      %get3A_2819 = tpu.vector_load %arg31[%get3A_2818] {strides = array<i32>} : memref<256xf32, #tpu.memory_space<vmem>>, vector<16xf32>,
      %add3A_2820 = arith.addf %add3A_2817, %get3A_2819 : vector<16xf32>
      %get3A_2821 = arith.constant 144 : index
      %get3A_2822 = tpu.vector_load %arg31[%get3A_2821] {strides = array<i32>} : memref<256xf32, #tpu.memory_space<vmem>>, vector<16xf32>,
      %add3A_2823 = arith.addf %add3A_2820, %get3A_2822 : vector<16xf32>
      %get3A_2824 = arith.constant 160 : index
      %get3A_2825 = tpu.vector_load %arg31[%get3A_2824] {strides = array<i32>} : memref<256xf32, #tpu.memory_space<vmem>>, vector<16xf32>,
      %add3A_2826 = arith.addf %add3A_2823, %get3A_2825 : vector<16xf32>
      %get3A_2827 = arith.constant 176 : index
      %get3A_2828 = tpu.vector_load %arg31[%get3A_2827] {strides = array<i32>} : memref<256xf32, #tpu.memory_space<vmem>>, vector<16xf32>,
      %add3A_2829 = arith.addf %add3A_2826, %get3A_2828 : vector<16xf32>
      %get3A_2830 = arith.constant 192 : index
      %get3A_2831 = tpu.vector_load %arg31[%get3A_2830] {strides = array<i32>} : memref<256xf32, #tpu.memory_space<vmem>>, vector<16xf32>,
      %add3A_2832 = arith.addf %add3A_2829, %get3A_2831 : vector<16xf32>
      %get3A_2833 = arith.constant 208 : index
      %get3A_2834 = tpu.vector_load %arg31[%get3A_2833] {strides = array<i32>} : memref<256xf32, #tpu.memory_space<vmem>>, vector<16xf32>,
      %add3A_2835 = arith.addf %add3A_2832, %get3A_2834 : vector<16xf32>
      %get3A_2836 = arith.constant 224 : index
      %get3A_2837 = tpu.vector_load %arg31[%get3A_2836] {strides = array<i32>} : memref<256xf32, #tpu.memory_space<vmem>>, vector<16xf32>,
      %add3A_2838 = arith.addf %add3A_2835, %get3A_2837 : vector<16xf32>
      %get3A_2839 = arith.constant 240 : index
      %get3A_2840 = tpu.vector_load %arg31[%get3A_2839] {strides = array<i32>} : memref<256xf32, #tpu.memory_space<vmem>>, vector<16xf32>,
      %add3A_2841 = arith.addf %add3A_2838, %get3A_2840 : vector<16xf32>
      %get3A_2842 = arith.index_cast %mul3A_49 : i32 to index
      %get3A_2843 = tpu.vector_load %arg22[%get3A_2842] {strides = array<i32>} : memref<512xf32, #tpu.memory_space<vmem>>, vector<16xf32>,
      %get3A_2844 = arith.index_cast %mul3A_49 : i32 to index
      %get3A_2845 = tpu.vector_load %arg21[%get3A_2844] {strides = array<i32>} : memref<512xf32, #tpu.memory_space<vmem>>, vector<16xf32>,
      %mul3A_2846 = arith.constant 5.000000e-01 : f32
      %mul3A_2847 = vector.broadcast %mul3A_2846 : f32 to vector<16xf32>
      %mul3A_2848 = arith.mulf %mul3A_2847, %get3A_2845 : vector<16xf32>
      %exp3A_2849 = math.exp %mul3A_2848 : vector<16xf32>
      %get3A_2850 = arith.index_cast %mul3A_49 : i32 to index
      %get3A_2851 = tpu.vector_load %arg26[%get3A_2850] {strides = array<i32>} : memref<512xf32, #tpu.memory_space<vmem>>, vector<16xf32>,
      %mul3A_2852 = arith.mulf %exp3A_2849, %get3A_2851 : vector<16xf32>
      %add3A_2853 = arith.addf %get3A_2843, %mul3A_2852 : vector<16xf32>
      %get3A_2854 = arith.index_cast %mul3A_49 : i32 to index
      %get3A_2855 = tpu.vector_load %arg20[%get3A_2854] {strides = array<i32>} : memref<512xf32, #tpu.memory_space<vmem>>, vector<16xf32>,
      %get3A_2856 = arith.index_cast %mul3A_49 : i32 to index
      %get3A_2857 = tpu.vector_load %arg19[%get3A_2856] {strides = array<i32>} : memref<512xf32, #tpu.memory_space<vmem>>, vector<16xf32>,
      %mul3A_2858 = arith.constant 5.000000e-01 : f32
      %mul3A_2859 = vector.broadcast %mul3A_2858 : f32 to vector<16xf32>
      %mul3A_2860 = arith.mulf %mul3A_2859, %get3A_2857 : vector<16xf32>
      %exp3A_2861 = math.exp %mul3A_2860 : vector<16xf32>
      %get3A_2862 = arith.index_cast %mul3A_49 : i32 to index
      %get3A_2863 = tpu.vector_load %arg25[%get3A_2862] {strides = array<i32>} : memref<512xf32, #tpu.memory_space<vmem>>, vector<16xf32>,
      %mul3A_2864 = arith.mulf %exp3A_2861, %get3A_2863 : vector<16xf32>
      %add3A_2865 = arith.addf %get3A_2855, %mul3A_2864 : vector<16xf32>
      %add3A_2866 = arith.addf %add3A_2853, %add3A_2865 : vector<16xf32>
      %add3A_2867 = arith.addf %add3A_2866, %get3A_41 : vector<16xf32>
      %add3A_2868 = arith.addf %add3A_2867, %add3A_2841 : vector<16xf32>
      %swap3A_2869 = arith.index_cast %mul3A_49 : i32 to index
      %swap3A_2870 = tpu.vector_load %arg30[%swap3A_2869] {strides = array<i32>} : memref<512xf32, #tpu.memory_space<vmem>>, vector<16xf32>,
      tpu.vector_store %arg30[%swap3A_2869], %add3A_2868 {strides = array<i32>} : memref<512xf32, #tpu.memory_space<vmem>>, vector<16xf32>,
    }
    %scan3A_46 = arith.constant 32 : i32
    "tpu.region"() ({
      %run_scoped3A = tpu.sem_alloc : memref<!tpu.dma_semaphore, #tpu.memory_space<semaphore_mem>>
      %dma_start3A_47 = tpu.memref_slice %arg17[%mul3A_2] : memref<16384xf32, #tpu.memory_space<hbm>> -> memref<512xf32, #tpu.memory_space<hbm>>
      %dma_start3A_48 = tpu.memref_slice %arg17[%mul3A_2] : memref<16384xf32, #tpu.memory_space<hbm>> -> memref<512xf32, #tpu.memory_space<hbm>>
      tpu.enqueue_dma source(%arg30 : memref<512xf32, #tpu.memory_space<vmem>>) target(%dma_start3A_48 : memref<512xf32, #tpu.memory_space<hbm>>) target_semaphore(%run_scoped3A : memref<!tpu.dma_semaphore, #tpu.memory_space<semaphore_mem>>)
      %dma_wait3A_49 = tpu.memref_slice %arg17[%mul3A_2] : memref<16384xf32, #tpu.memory_space<hbm>> -> memref<512xf32, #tpu.memory_space<hbm>>
      %dma_wait3A_50 = tpu.memref_slice %arg17[%mul3A_2] : memref<16384xf32, #tpu.memory_space<hbm>> -> memref<512xf32, #tpu.memory_space<hbm>>
      tpu.wait_dma2 semaphore(%run_scoped3A : memref<!tpu.dma_semaphore, #tpu.memory_space<semaphore_mem>>) src(%arg30 : memref<512xf32, #tpu.memory_space<vmem>>) dst(%dma_wait3A_50 : memref<512xf32, #tpu.memory_space<hbm>>)
      tpu.yield
    }) : () -> ()
    return
  }
}

</mosaic_0001>

<sc_bundles>
// kernel: kernel.3.cloned.1.call-start
scs
__scs_entry_jumppad:
0x0: {  	(pc) =	sbr.rel $0x88, $3  }
0x1: {  	(tag) =	ssettag $0x0;
	lr =	simm.s32 $0x1  }
0x2: {  	[smem:$0x3F92] =	sst lr;
	_ =	strace $0xD0000000  }
0x3: {  	_ = 	snop  }
0x4: {  	_ = 	snop  }
0x5: {  	_ = 	snop  }
0x6: {  	_ = 	snop  }
0x7: {  	_ = 	snop  }
__scs_overlays_trampoline_lowered:
0x8: {  	[smem:$0x3FA1] =	sst s0  }
0x9: {  	[smem:$0x3FA2] =	sst s1  }
0xa: {  	[smem:$0x3FA3] =	sst s2  }
0xb: {  	[smem:$0x3FA4] =	sst s3  }
0xc: {  	[smem:$0x3FA5] =	sst s4  }
0xd: {  	[smem:$0x3FA6] =	sst s5  }
0xe: {  	[smem:$0x3FA7] =	sst s6  }
0xf: {  	[smem:$0x3FA8] =	sst s7  }
0x10: {  	[smem:$0x3FA9] =	sst s8  }
0x11: {  	[smem:$0x3FAA] =	sst s9;
	s0 =	simm.s32 @!p0 $0x0  }
0x12: {  	s1 =	sld [smem:$0x3F90];
	s0 =	simm.s32 @p0 $0x1  }
0x13: {  	[smem:$0x3FAB] =	sst s0;
	s0 =	simm.s32 @!p1 $0x0  }
0x14: {  	s2 =	sld [smem:$0x3F8F];
	s0 =	simm.s32 @p1 $0x1  }
0x15: {  	[smem:$0x3FAC] =	sst s0;
	s0 =	simm.s32 @!p2 $0x0  }
0x16: {  	s3 =	sld [smem:$0x3FDB];
	s0 =	simm.s32 @p2 $0x1  }
0x17: {  	s4 =	simm.s32 $0x1BF5;
	[smem:$0x3FAE] =	sst s0  }
0x18: {  	s0 =	sld [smem:$0x3F91];
	_ =	swait.ge [sflag:s4], $0x0  }
0x19: {  	s7 =	sld [smem:$0x3F92]  }
0x1a: {  	s8 =	sadd.s32 $0xFFFFE003, lr  }
0x1b: {  	s9 =	sadd.s32 $0xFFFFFEF7, lr;
	s5 =	simm.s32 $0xFFFFFFFF;
	p2 =	slt.u32 s8, $0xFFFFF086  }
0x1c: {  	p1 =	slt.u32 s9, $0xF7A;
	s5 =	simm.s32 @!p2 $0x0  }
0x1d: {  	s5 =	simm.s32 @p1 $0x1;
	p0 =	seq.s32 s7, s2  }
0x1e: {  	s7 =	smul.u32 @!p0 $0xF7A, s2;
	p2 =	seq.s32 @!p0 s5, $0x0  }
0x1f: {  	s9 =	smul.u32 $0xF7A, s1;
	s8 =	simm.s32 @!p0 $0x1BF5;
	p2 =	por !p2, p0  }
0x20: {  	[sflag:s8] =	ssyncset.s32 @!p0 $0xFFFFF086;
	s6 =	sadd.s32 @!p0 s3, s7;
	s7 =	simm.s32 @!p0 $0x108  }
0x21: {  	s3 =	sadd.s32 s3, s9;
	s6 =	sadd.s32 @!p0 $0x88, s6;
	s7 =	simm.s32 @p2 $0x1082  }
0x22: {  	[simem:s7], [sflag:s8] =	dma.local @!p0 [hbm:s6], $0xF7A  }
0x23: {  	s9 =	sor.u32 $0xD0000000, s2;
	s6 =	simm.s32 $0x108;
	_ =	swait.ge @!p0 [sflag:s8], $0x0  }
0x24: {  	s3 =	sadd.s32 $0x88, s3;
	s6 =	simm.s32 @!p1 $0x1082;
	[sflag:s4] =	ssyncset.s32 $0xFFFFF086  }
0x25: {  	[simem:s6], [sflag:s4] =	dma.local [hbm:s3], $0xF7A  }
0x26: {  	[smem:$0x3F92] =	sst s1;
	(tag) =	ssettag s2;
	_ =	strace s9  }
0x27: {  	s1 =	sld [smem:$0x3FA2]  }
0x28: {  	s2 =	sld [smem:$0x3FA3]  }
0x29: {  	s4 =	sld [smem:$0x3FA5]  }
0x2a: {  	p0 =	seq.s32 s5, $0x0;
	s5 =	sld [smem:$0x3FA6]  }
0x2b: {  	s6 =	sld [smem:$0x3FA7]  }
0x2c: {  	s7 =	sld [smem:$0x3FA8]  }
0x2d: {  	s3 =	simm.s32 $0x108;
	s8 =	sld [smem:$0x3FA9]  }
0x2e: {  	s3 =	simm.s32 @!p0 $0x1082;
	s9 =	sld [smem:$0x3FAA]  }
0x2f: {  	lr =	sadd.s32 s0, s3;
	s0 =	sld [smem:$0x3FA1]  }
0x30: {  	s3 =	sld [smem:$0x3FA4]  }
0x31: {  	[smem:$0x3FAD] =	sst s10  }
0x32: {  	s10 =	sld [smem:$0x3FAB];
	_ =	sdelay $0x3  }
0x33: {  	p0 =	seq.s32 s10, $0x1;
	s10 =	sld [smem:$0x3FAD];
	_ =	sdelay $0x3  }
0x34: {  	[smem:$0x3FAD] =	sst s10  }
0x35: {  	s10 =	sld [smem:$0x3FAC];
	_ =	sdelay $0x3  }
0x36: {  	p1 =	seq.s32 s10, $0x1;
	s10 =	sld [smem:$0x3FAD];
	_ =	sdelay $0x3  }
0x37: {  	[smem:$0x3FAD] =	sst s10  }
0x38: {  	s10 =	sld [smem:$0x3FAE]  }
0x39: {  	_ = 	snop;
	(pc) =	sbr.ind lr, $3  }
0x3a: {  	_ = 	snop  }
0x3b: {  	_ = 	snop  }
0x3c: {  	p2 =	seq.s32 s10, $0x1;
	s10 =	sld [smem:$0x3FAD]  }
0x3d: {  	_ =	shalt  }
0x3e: {  	_ =	shalt  }
0x3f: {  	_ =	shalt  }
0x40: {  	_ =	shalt  }
0x41: {  	_ =	shalt  }
0x42: {  	_ =	shalt  }
0x43: {  	_ =	shalt  }
0x44: {  	_ =	shalt  }
0x45: {  	_ =	shalt  }
0x46: {  	_ =	shalt  }
0x47: {  	_ =	shalt  }
0x48: {  	_ =	shalt  }
0x49: {  	_ =	shalt  }
0x4a: {  	_ =	shalt  }
0x4b: {  	_ =	shalt  }
0x4c: {  	_ =	shalt  }
0x4d: {  	_ =	shalt  }
0x4e: {  	_ =	shalt  }
0x4f: {  	_ =	shalt  }
0x50: {  	_ =	shalt  }
0x51: {  	_ =	shalt  }
0x52: {  	_ =	shalt  }
0x53: {  	_ =	shalt  }
0x54: {  	_ =	shalt  }
0x55: {  	_ =	shalt  }
0x56: {  	_ =	shalt  }
0x57: {  	_ =	shalt  }
0x58: {  	_ =	shalt  }
0x59: {  	_ =	shalt  }
0x5a: {  	_ =	shalt  }
0x5b: {  	_ =	shalt  }
0x5c: {  	_ =	shalt  }
0x5d: {  	_ =	shalt  }
0x5e: {  	_ =	shalt  }
0x5f: {  	_ =	shalt  }
0x60: {  	_ =	shalt  }
0x61: {  	_ =	shalt  }
0x62: {  	_ =	shalt  }
0x63: {  	_ =	shalt  }
0x64: {  	_ =	shalt  }
0x65: {  	_ =	shalt  }
0x66: {  	_ =	shalt  }
0x67: {  	_ =	shalt  }
0x68: {  	_ =	shalt  }
0x69: {  	_ =	shalt  }
0x6a: {  	_ =	shalt  }
0x6b: {  	_ =	shalt  }
0x6c: {  	_ =	shalt  }
0x6d: {  	_ =	shalt  }
0x6e: {  	_ =	shalt  }
0x6f: {  	_ =	shalt  }
0x70: {  	_ =	shalt  }
0x71: {  	_ =	shalt  }
0x72: {  	_ =	shalt  }
0x73: {  	_ =	shalt  }
0x74: {  	_ =	shalt  }
0x75: {  	_ =	shalt  }
0x76: {  	_ =	shalt  }
0x77: {  	_ =	shalt  }
0x78: {  	_ =	shalt  }
0x79: {  	_ =	shalt  }
0x7a: {  	_ =	shalt  }
0x7b: {  	_ =	shalt  }
0x7c: {  	_ =	shalt  }
0x7d: {  	_ =	shalt  }
0x7e: {  	_ =	shalt  }
0x7f: {  	_ =	shalt  }
0x80: {  	_ =	shalt  }
0x81: {  	_ =	shalt  }
0x82: {  	_ =	shalt  }
0x83: {  	_ =	shalt  }
0x84: {  	_ =	shalt  }
0x85: {  	_ =	shalt  }
0x86: {  	_ =	shalt  }
0x87: {  	_ =	shalt  }
.Lfunc_end0:
.L_simem_size_0:
called_computation_lowered:
.L_overlay_start_0:
0x88: {  	s2 =	sld [smem:$0x3FD9]  }
0x89: {  	s3 =	sld [smem:$0x3FFE];
	_ =	sdelay $0x1  }
0x8a: {  	s1 =	srdreg.scid  }
0x8b: {  	s0 =	sand.u32 $0x1, s1  }
0x8c: {  	s17 =	sshll.u32 s0, $0xA;
	s2 =	sadd.s32 s3, s2  }
0x8d: {  	s2 =	sadd.s32 s2, s17  }
0x8e: {  	[smem:$0x3FB9] =	sst s2  }
0x8f: {  	_ = 	snop  }
0x90: {  	s2 =	sld [smem:$0x3FC9]  }
0x91: {  	s18 =	sld [smem:$0x3FC8]  }
0x92: {  	s4 =	sld [smem:$0x3FC5]  }
0x93: {  	s5 =	sld [smem:$0x3FC4]  }
0x94: {  	s6 =	sld [smem:$0x3FC1]  }
0x95: {  	s7 =	sld [smem:$0x3FC0]  }
0x96: {  	s8 =	sld [smem:$0x3FBE]  }
0x97: {  	s9 =	sld [smem:$0x3FBD]  }
0x98: {  	s10 =	sld [smem:$0x3FBC]  }
0x99: {  	s11 =	sld [smem:$0x3FBB]  }
0x9a: {  	s12 =	sld [smem:$0x3FD0];
	(tm) =	ssettm $0x1  }
0x9b: {  	s13 =	sld [smem:$0x3FFB];
	_ =	sdelay $0x3  }
0x9c: {  	_ =	strace s13  }
0x9d: {  	s13 =	sld [smem:$0x3FFC];
	_ =	sdelay $0x3  }
0x9e: {  	_ =	strace s13  }
0x9f: {  	s13 =	sld [smem:$0x3FFD];
	_ =	sdelay $0x3  }
0xa0: {  	_ =	strace s13  }
0xa1: {  	_ =	strace $0x8FFFFFFF  }
0xa2: {  	s19 =	sld [smem:$0x3FDB];
	_ =	sdelay $0x1  }
0xa3: {  	s14 =	simm.s32 $_scs_section_size  }
0xa4: {  	s15 =	simm.s32 $_size__tile_overlayer_lowered;
	s16 =	simm.s32 $_tile_overlayer_lowered  }
0xa5: {  	s22 =	simm.s32 $0x1BFF;
	s21 =	sshll.u32 s16, $0x1;
	s13 =	sadd.s32 s14, s19  }
0xa6: {  	s20 =	sshll.u32 s15, $0x1;
	s17 =	simm.s32 $0x0;
	s15 =	sadd.s32 s21, s13  }
0xa7: {  	[timem:s17], [sflag:s22] =	dma.local [hbm:s15], s20  }
0xa8: {  	_ =	swait.ge [sflag:s22], s20  }
0xa9: {  	s14 =	ssub.s32 $0x0, s20;
	[sflag:s22] =	ssyncset.done $0x0  }
0xaa: {  	[sflag:s22] =	ssyncadd.s32 s14;
	_ =	sdelay $0x1  }
0xab: {  	s23 =	simm.s32 $0x1B8B  }
0xac: {  	_ =	swait.ge [sflag:s23], $0x1  }
0xad: {  	[sflag:s23] =	ssyncset.done $0x0  }
0xae: {  	s25 =	simm.s32 $0x1B8E;
	s24 =	sld [smem:$0x3FFE];
	[sflag:s23] =	ssyncadd.s32 $0xFFFFFFFF  }
0xaf: {  	s26 =	simm.s32 $execute0_lowered;
	[smem:$0x3FD2] =	sst s25  }
0xb0: {  	s15 =	sshll.u32 s26, $0x1;
	_ =	strace $0x80000046;
	[dreg:$0x1] =	wrdreg $0xFFFFFFFF  }
0xb1: {  	s28 =	simm.s32 $_size_execute0_lowered;
	s13 =	sadd.s32 s13, s15;
	[dreg:$0x0] =	wrdreg $0x0  }
0xb2: {  	s15 =	sshll.u32 s28, $0x1;
	[dreg:$0x2] =	wrdreg s13  }
0xb3: {  	[dreg:$0x3] =	wrdreg s15  }
0xb4: {  	[dreg:$0x4] =	wrdreg $0xC0  }
0xb5: {  	_ =	task [dreg:s17], $0x5FFFF  }
0xb6: {  	[dreg:$0x1] =	wrdreg $0xFFFFFFFF  }
0xb7: {  	[dreg:$0x0] =	wrdreg $0x60  }
0xb8: {  	[dreg:$0x2] =	wrdreg s2  }
0xb9: {  	[dreg:$0x3] =	wrdreg s18  }
0xba: {  	[dreg:$0x4] =	wrdreg s24  }
0xbb: {  	[dreg:$0x5] =	wrdreg s4  }
0xbc: {  	[dreg:$0x6] =	wrdreg s5  }
0xbd: {  	[dreg:$0x7] =	wrdreg s6  }
0xbe: {  	[dreg:$0x8] =	wrdreg s7  }
0xbf: {  	[dreg:$0x9] =	wrdreg s8  }
0xc0: {  	[dreg:$0xa] =	wrdreg s9  }
0xc1: {  	[dreg:$0xb] =	wrdreg s10  }
0xc2: {  	[dreg:$0xc] =	wrdreg s11  }
0xc3: {  	[dreg:$0xd] =	wrdreg s12  }
0xc4: {  	[dreg:$0xe] =	wrdreg $0x9  }
0xc5: {  	_ =	task.clear_ibuf [dreg:s17], $0xFFFFF;
	_ =	strace $0x90000046  }
0xc6: {  	s29 =	simm.s32 $0x9;
	_ =	strace $0x80000048  }
0xc7: {  	_ =	swait.ge [sflag:s29], $0x1  }
0xc8: {  	[sflag:s29] =	ssyncadd.s32 $0xFFFFFFFF  }
0xc9: {  	_ =	strace $0x90000048  }
0xca: {  	_ =	sfence  }
0xcb: {  	s30 =	sld [smem:$0x0];
	_ =	sdelay $0x2  }
0xcc: {  	s31 =	sshll.u32 s1, $0xD;
	s1 =	sshrl.u32 s1, $0x2  }
0xcd: {  	s3 =	sand.u32 $0x4000, s31;
	s1 =	sadd.s32 s1, s30  }
0xce: {  	s0 =	sor.u32 s3, s0;
	s1 =	sshll.u32 s1, $0x11  }
0xcf: {  	s0 =	sor.u32 s1, s0  }
0xd0: {  	s0 =	sadd.s32 $0x8F2B, s0  }
0xd1: {  	[sflag:s0] =	ssyncadd.remote.s32 $0x1  }
0xd2: {  	_ =	sfence.sel $0xFFFF  }
0xd3: {  	[dreg:$0x0] =	wrdreg $0xFFFFFFFF;
	(pc) =	sbr.abs _section_cstart, $3  }
0xd4: {  	[dreg:$0x1] =	wrdreg $0xFFFFFFFF  }
0xd5: {  	_ =	task.clear_ibuf [dreg:s17], $0x2FFFF;
	_ =	strace $0x9FFFFFFF  }
0xd6: {  	(tm) =	ssettm $0x7FFFFFFF  }
0xd7: {  	_ =	shalt  }
tec
execute0_lowered:
.L_overlay_start_1:
0x0: {  	(tag) =	ssettag $0x1  }
0x1: {  	s0 =	rddreg [dreg:$0x0]  }
0x2: {  	s4 =	rddreg [dreg:$0x1]  }
0x3: {  	s15 =	rddreg [dreg:$0x2]  }
0x4: {  	s1 =	rddreg [dreg:$0x3]  }
0x5: {  	s2 =	rddreg [dreg:$0x4]  }
0x6: {  	s3 =	rddreg [dreg:$0x5]  }
0x7: {  	s5 =	rddreg [dreg:$0x6]  }
0x8: {  	s6 =	rddreg [dreg:$0x7];
	v0 =	vimm.s32 $0x1380;
	vm0 =	vcmask $0x300  }
0x9: {  	s7 =	rddreg [dreg:$0x8];
	vm14 =	vcmask $0x704;
	v0 =	vsel vm0, $0x0, v0  }
0xa: {  	s8 =	rddreg [dreg:$0x9];
	vm15 =	vcmask $0xB08;
	v0 =	vsel vm14, $0x80, v0  }
0xb: {  	s9 =	rddreg [dreg:$0xa];
	vm4 =	vcmask $0xF0C;
	v0 =	vsel vm15, $0x100, v0  }
0xc: {  	s10 =	rddreg [dreg:$0xb];
	s11 =	simm.s32 $0x0;
	vm5 =	vcmask $0x1310;
	v0 =	vsel vm4, $0x180, v0  }
0xd: {  	s16 =	srdreg.scid;
	s12 =	stileid.u32;
	vm6 =	vcmask $0x1714;
	s29 =	simm.s32 $0x400;
	v0 =	vsel vm5, $0x200, v0  }
0xe: {  	vm7 =	vcmask $0x1B18;
	s30 =	simm.s32 $0x7A1400;
	s31 =	simm.s32 $0x3800;
	[smem:$0x7FF] =	sst s11;
	v0 =	vsel vm6, $0x280, v0  }
0xf: {  	vm8 =	vcmask $0x1F1C;
	s11 =	sand.u32 $0x1, s16;
	s13 =	sadd.s32 $0x1EA00, s15;
	s12 =	sshll.u32 s12, $0xA;
	v0 =	vsel vm7, $0x300, v0  }
0x10: {  	vm9 =	vcmask $0x2320;
	s14 =	sadd.s32 $0x3D400, s15;
	_ =	strace $0x80000047;
	[dreg:$0xd] =	wrdreg s13;
	v0 =	vsel vm8, $0x380, v0  }
0x11: {  	vm10 =	vcmask $0x2724;
	s18 =	sadd.s32 $0x5BE00, s15;
	s15 =	sadd.s32 $0x7A800, s15;
	[dreg:$0xe] =	wrdreg s14;
	v0 =	vsel vm9, $0x1000, v0  }
0x12: {  	vm11 =	vcmask $0x2B28;
	s16 =	simm.s32 $0x1000;
	s17 =	sshll.u32 s11, $0x9;
	[dreg:$0xf] =	wrdreg s18;
	v0 =	vsel vm10, $0x1080, v0  }
0x13: {  	vm12 =	vcmask $0x2F2C;
	s11 =	ssub.s32 $0x2, s11;
	[dreg:$0x10] =	wrdreg s15;
	s12 =	sor.u32 s17, s12;
	v0 =	vsel vm11, $0x1100, v0  }
0x14: {  	vm13 =	vcmask $0x3330;
	s14 =	simm.s32 $0x3;
	s19 =	sshrl.u32 s11, $0x1;
	s24 =	sadd.s32 s7, s12;
	v0 =	vsel vm12, $0x1180, v0  }
0x15: {  	v1 =	vlaneseq.u32;
	vm14 =	vcmask $0x3734;
	s20 =	sshrl.u32 s12, $0x3;
	s25 =	sadd.s32 s9, s12;
	[dreg:$0x15] =	wrdreg s24;
	v0 =	vsel vm13, $0x1200, v0  }
0x16: {  	vm15 =	vcmask $0x3B38;
	s11 =	ssub.s32 s11, s19;
	s0 =	sadd.s32 s0, s20;
	[dreg:$0x16] =	wrdreg s25;
	v2 =	vsel vm14, $0x1280, v0;
	v0 =	vmul.u32 $0x10, v1  }
0x17: {  	s9 =	simm.s32 $0x3000;
	s21 =	sadd.s32 s4, s20;
	[dreg:$0x11] =	wrdreg s0;
	v1 =	vmul.u32 $0x80, v1;
	v2 =	vsel vm15, $0x1300, v2  }
0x18: {  	s22 =	sadd.s32 s6, s20;
	s23 =	sadd.s32 s8, s20;
	[dreg:$0x12] =	wrdreg s21;
	v3 =	vor.u32 $0x1, v0;
	v4 =	vor.u32 $0x2, v0;
	v5 =	vor.u32 $0x3, v0  }
0x19: {  	s26 =	sadd.s32 s10, s20;
	s28 =	smax.u32 s11, $0x1;
	[dreg:$0x13] =	wrdreg s22;
	v6 =	vor.u32 $0x4, v0;
	v7 =	vor.u32 $0x5, v0;
	v8 =	vor.u32 $0x6, v0  }
0x1a: {  	s24 =	simm.s32 $0x10E00;
	s10 =	simm.s32 $0x1;
	[dreg:$0x14] =	wrdreg s23;
	v9 =	vor.u32 $0x7, v0;
	v10 =	vor.u32 $0x8, v0;
	v11 =	vor.u32 $0x9, v0  }
0x1b: {  	s11 =	simm.s32 $0x15080;
	s8 =	simm.s32 $0x2000;
	[dreg:$0x17] =	wrdreg s26;
	v12 =	vor.u32 $0xA, v0;
	v13 =	vor.u32 $0xB, v0;
	v14 =	vor.u32 $0xC, v0  }
0x1c: {  	[dreg:$0x18] =	wrdreg s28;
	s23 =	simm.s32 $0x12E00;
	s0 =	simm.s32 $0x0;
	v15 =	vor.u32 $0xD, v0;
	v16 =	vor.u32 $0xE, v0;
	v17 =	vor.u32 $0xF, v0  }
.LBB2_1:
0x1d: {  	[dreg:$0x19] =	wrdreg s0  }
0x1e: {  	s12 =	simm.s32 $0x15180;
	s7 =	simm.s32 $0x0;
	s13 =	rddreg [dreg:$0x11]  }
0x1f: {  	[tilespmem:s12], [sflag:$0x3] =	stream.linear.gather [hbm4b:s13+s7], $0x200, $0x38;
	[tilespmem:$0x15480] =	vst v63  }
0x20: {  	_ =	swait.ge [sflag:s14], $0x200  }
0x21: {  	[sflag:s14] =	ssyncset.done $0x0  }
0x22: {  	s22 =	simm.s32 $0x10800;
	s28 =	rddreg [dreg:$0x12];
	[sflag:s14] =	ssyncadd.s32 $0xFFFFFE00  }
0x23: {  	[tilespmem:s22], [sflag:$0x3] =	stream.linear.gather [hbm4b:s28+s7], $0x200, $0x38;
	[tilespmem:$0x15480] =	vst v63  }
0x24: {  	_ =	swait.ge [sflag:s14], $0x200  }
0x25: {  	[sflag:s14] =	ssyncset.done $0x0  }
0x26: {  	s13 =	simm.s32 $0x10C00;
	s0 =	rddreg [dreg:$0x13];
	[sflag:s14] =	ssyncadd.s32 $0xFFFFFE00  }
0x27: {  	[tilespmem:s13], [sflag:$0x2] =	stream.linear.gather [hbm4b:s0+s7], $0x200, $0x38;
	[tilespmem:$0x15480] =	vst v63  }
0x28: {  	s15 =	rddreg [dreg:$0x14];
	s14 =	simm.s32 $0x10A00  }
0x29: {  	[tilespmem:s14], [sflag:$0x2] =	stream.linear.gather [hbm4b:s15+s7], $0x200, $0x38;
	[tilespmem:$0x15480] =	vst v63  }
0x2a: {  	s17 =	simm.s32 $0x20000;
	s4 =	rddreg [dreg:$0x15]  }
0x2b: {  	[tilespmem:s23], [sflag:$0x2] =	stream.strided.gather [hbm4b:s4+s16], $0x2000, s17, s16, $0x38;
	[tilespmem:$0x15480] =	vst v63  }
0x2c: {  	s6 =	rddreg [dreg:$0x16]  }
0x2d: {  	[tilespmem:s24], [sflag:$0x2] =	stream.strided.gather [hbm4b:s6+s16], $0x2000, s17, s16, $0x38;
	[tilespmem:$0x15480] =	vst v63  }
0x2e: {  	s19 =	simm.s32 $0x14E00;
	s18 =	rddreg [dreg:$0x10]  }
0x2f: {  	[tilespmem:s19], [sflag:$0x2] =	stream.linear.gather [hbm4b:s18+s7], $0x80, $0x38;
	[tilespmem:$0x15480] =	vst v63  }
0x30: {  	s20 =	rddreg [dreg:$0x2];
	s15 =	simm.s32 $0x10600;
	s19 =	simm.s32 $0x200  }
0x31: {  	[tilespmem:s15], [sflag:$0x2] =	stream.indirect.gather [hbm4b:s20+s19], $0x1, s12, s19, $0xb8;
	[tilespmem:$0x15480] =	vst v63  }
0x32: {  	s21 =	rddreg [dreg:$0xd];
	s16 =	simm.s32 $0x10400  }
0x33: {  	[tilespmem:s16], [sflag:$0x2] =	stream.indirect.gather [hbm4b:s21+s19], $0x1, s12, s19, $0xb8;
	[tilespmem:$0x15480] =	vst v63  }
0x34: {  	s25 =	rddreg [dreg:$0xe];
	s17 =	simm.s32 $0x10200  }
0x35: {  	[tilespmem:s17], [sflag:$0x2] =	stream.indirect.gather [hbm4b:s25+s19], $0x1, s22, s19, $0xb8;
	[tilespmem:$0x15480] =	vst v63  }
0x36: {  	s28 =	simm.s32 $0x2;
	s26 =	rddreg [dreg:$0xf];
	s18 =	simm.s32 $0x10000  }
0x37: {  	[tilespmem:s18], [sflag:$0x2] =	stream.indirect.gather [hbm4b:s26+s19], $0x1, s22, s19, $0xb8;
	[tilespmem:$0x15480] =	vst v63  }
0x38: {  	_ =	swait.ge [sflag:s28], $0x200  }
0x39: {  	[sflag:s28] =	ssyncset.done $0x0  }
0x3a: {  	[sflag:s28] =	ssyncadd.s32 $0xFFFFFE00  }
0x3b: {  	_ =	swait.ge [sflag:s28], $0x200  }
0x3c: {  	[sflag:s28] =	ssyncset.done $0x0  }
0x3d: {  	[sflag:s28] =	ssyncadd.s32 $0xFFFFFE00  }
0x3e: {  	_ =	swait.ge [sflag:s28], $0x2000  }
0x3f: {  	[sflag:s28] =	ssyncset.done $0x0  }
0x40: {  	[sflag:s28] =	ssyncadd.s32 $0xFFFFE000  }
0x41: {  	_ =	swait.ge [sflag:s28], $0x2000  }
0x42: {  	[sflag:s28] =	ssyncset.done $0x0  }
0x43: {  	[sflag:s28] =	ssyncadd.s32 $0xFFFFE000  }
0x44: {  	_ =	swait.ge [sflag:s28], $0x80  }
0x45: {  	[sflag:s28] =	ssyncset.done $0x0  }
0x46: {  	[sflag:s28] =	ssyncadd.s32 $0xFFFFFF80  }
0x47: {  	_ =	swait.ge [sflag:s28], $0x200  }
0x48: {  	[sflag:s28] =	ssyncset.done $0x0  }
0x49: {  	[sflag:s28] =	ssyncadd.s32 $0xFFFFFE00  }
0x4a: {  	_ =	swait.ge [sflag:s28], $0x200  }
0x4b: {  	[sflag:s28] =	ssyncset.done $0x0  }
0x4c: {  	[sflag:s28] =	ssyncadd.s32 $0xFFFFFE00  }
0x4d: {  	_ =	swait.ge [sflag:s28], $0x200  }
0x4e: {  	[sflag:s28] =	ssyncset.done $0x0  }
0x4f: {  	[sflag:s28] =	ssyncadd.s32 $0xFFFFFE00  }
0x50: {  	_ =	swait.ge [sflag:s28], $0x200  }
0x51: {  	[sflag:s28] =	ssyncset.done $0x0  }
0x52: {  	[sflag:s28] =	ssyncadd.s32 $0xFFFFFE00  }
0x53: {  	s19 =	simm.s32 $0xF;
	s26 =	simm.s32 $0x14E80;
	v18 =	vld [tilespmem:$0x14E00]  }
.LBB2_2:
0x54: {  	v20 =	vld [tilespmem:s12+$0x0];
	_ =	sdelay $0x4  }
0x55: {  	v21 =	vand.u32 $0xFFFFFF80, v20  }
0x56: {  	(v2sf) =	vpush v21, $0x0;
	_ =	sdelay $0x4  }
0x57: {  	(v2sf) =	vpush v21, $0x1;
	_ =	sdelay $0x4  }
0x58: {  	(v2sf) =	vpush v21, $0x2;
	_ =	sdelay $0x4  }
0x59: {  	(v2sf) =	vpush v21, $0x3;
	s20 =	spop (v2sf)  }
0x5a: {  	s7 =	simm.s32 $0x0;
	s28 =	sadd.s32 s1, s20  }
0x5b: {  	v19 =	vld [tilespmem:s22+$0x0];
	[tilespmem:s7], [sflag:$0x1] =	stream.strided.gather [hbm4b:s28+s29], $0x800, s30, s29, $0x38  }
0x5c: {  	s21 =	simm.s32 $0x800;
	s20 =	sadd.s32 s2, s20  }
0x5d: {  	[tilespmem:s21], [sflag:$0x1] =	stream.strided.gather [hbm4b:s20+s29], $0x800, s30, s29, $0x38;
	[tilespmem:$0x15480] =	vst v63  }
0x5e: {  	s20 =	spop (v2sf);
	(v2sf) =	vpush v21, $0x4  }
0x5f: {  	s4 =	simm.s32 $0x1000;
	s7 =	sadd.s32 s1, s20  }
0x60: {  	[tilespmem:s4], [sflag:$0x1] =	stream.strided.gather [hbm4b:s7+s29], $0x800, s30, s29, $0x38;
	[tilespmem:$0x15480] =	vst v63  }
0x61: {  	s6 =	simm.s32 $0x1800;
	s20 =	sadd.s32 s2, s20  }
0x62: {  	[tilespmem:s6], [sflag:$0x1] =	stream.strided.gather [hbm4b:s20+s29], $0x800, s30, s29, $0x38;
	[tilespmem:$0x15480] =	vst v63  }
0x63: {  	s20 =	spop (v2sf);
	(v2sf) =	vpush v21, $0x5  }
0x64: {  	s7 =	sadd.s32 s1, s20  }
0x65: {  	[tilespmem:s8], [sflag:$0x1] =	stream.strided.gather [hbm4b:s7+s29], $0x800, s30, s29, $0x38;
	[tilespmem:$0x15480] =	vst v63  }
0x66: {  	s25 =	simm.s32 $0x2800;
	s20 =	sadd.s32 s2, s20  }
0x67: {  	[tilespmem:s25], [sflag:$0x1] =	stream.strided.gather [hbm4b:s20+s29], $0x800, s30, s29, $0x38;
	[tilespmem:$0x15480] =	vst v63  }
0x68: {  	s20 =	spop (v2sf);
	(v2sf) =	vpush v21, $0x6  }
0x69: {  	s7 =	sadd.s32 s1, s20  }
0x6a: {  	[tilespmem:s9], [sflag:$0x1] =	stream.strided.gather [hbm4b:s7+s29], $0x800, s30, s29, $0x38;
	[tilespmem:$0x15480] =	vst v63  }
0x6b: {  	s20 =	sadd.s32 s2, s20  }
0x6c: {  	[tilespmem:s31], [sflag:$0x1] =	stream.strided.gather [hbm4b:s20+s29], $0x800, s30, s29, $0x38;
	[tilespmem:$0x15480] =	vst v63  }
0x6d: {  	s20 =	spop (v2sf);
	(v2sf) =	vpush v21, $0x7  }
0x6e: {  	s7 =	simm.s32 $0x4000;
	s28 =	sadd.s32 s1, s20  }
0x6f: {  	[tilespmem:s7], [sflag:$0x1] =	stream.strided.gather [hbm4b:s28+s29], $0x800, s30, s29, $0x38;
	[tilespmem:$0x15480] =	vst v63  }
0x70: {  	s20 =	sadd.s32 s2, s20;
	s28 =	simm.s32 $0x4800  }
0x71: {  	[tilespmem:s28], [sflag:$0x1] =	stream.strided.gather [hbm4b:s20+s29], $0x800, s30, s29, $0x38;
	[tilespmem:$0x15480] =	vst v63  }
0x72: {  	s20 =	spop (v2sf);
	(v2sf) =	vpush v21, $0x8  }
0x73: {  	s7 =	simm.s32 $0x5000;
	s28 =	sadd.s32 s1, s20  }
0x74: {  	[tilespmem:s7], [sflag:$0x1] =	stream.strided.gather [hbm4b:s28+s29], $0x800, s30, s29, $0x38;
	[tilespmem:$0x15480] =	vst v63  }
0x75: {  	s20 =	sadd.s32 s2, s20;
	s7 =	simm.s32 $0x5800  }
0x76: {  	[tilespmem:s7], [sflag:$0x1] =	stream.strided.gather [hbm4b:s20+s29], $0x800, s30, s29, $0x38;
	[tilespmem:$0x15480] =	vst v63  }
0x77: {  	s20 =	spop (v2sf);
	(v2sf) =	vpush v21, $0x9  }
0x78: {  	s7 =	simm.s32 $0x6000;
	s28 =	sadd.s32 s1, s20  }
0x79: {  	[tilespmem:s7], [sflag:$0x1] =	stream.strided.gather [hbm4b:s28+s29], $0x800, s30, s29, $0x38;
	[tilespmem:$0x15480] =	vst v63  }
0x7a: {  	s20 =	sadd.s32 s2, s20;
	s28 =	simm.s32 $0x6800  }
0x7b: {  	[tilespmem:s28], [sflag:$0x1] =	stream.strided.gather [hbm4b:s20+s29], $0x800, s30, s29, $0x38;
	[tilespmem:$0x15480] =	vst v63  }
0x7c: {  	s20 =	spop (v2sf);
	(v2sf) =	vpush v21, $0xA  }
0x7d: {  	s7 =	simm.s32 $0x7000;
	s28 =	sadd.s32 s1, s20  }
0x7e: {  	[tilespmem:s7], [sflag:$0x1] =	stream.strided.gather [hbm4b:s28+s29], $0x800, s30, s29, $0x38;
	[tilespmem:$0x15480] =	vst v63  }
0x7f: {  	s20 =	sadd.s32 s2, s20;
	s28 =	simm.s32 $0x7800  }
0x80: {  	[tilespmem:s28], [sflag:$0x1] =	stream.strided.gather [hbm4b:s20+s29], $0x800, s30, s29, $0x38;
	[tilespmem:$0x15480] =	vst v63  }
0x81: {  	s20 =	spop (v2sf);
	(v2sf) =	vpush v21, $0xB  }
0x82: {  	s7 =	simm.s32 $0x8000;
	s28 =	sadd.s32 s1, s20  }
0x83: {  	[tilespmem:s7], [sflag:$0x1] =	stream.strided.gather [hbm4b:s28+s29], $0x800, s30, s29, $0x38;
	[tilespmem:$0x15480] =	vst v63  }
0x84: {  	s20 =	sadd.s32 s2, s20;
	s28 =	simm.s32 $0x8800  }
0x85: {  	[tilespmem:s28], [sflag:$0x1] =	stream.strided.gather [hbm4b:s20+s29], $0x800, s30, s29, $0x38;
	[tilespmem:$0x15480] =	vst v63  }
0x86: {  	s20 =	spop (v2sf);
	(v2sf) =	vpush v21, $0xC  }
0x87: {  	s7 =	simm.s32 $0x9000;
	s28 =	sadd.s32 s1, s20  }
0x88: {  	[tilespmem:s7], [sflag:$0x1] =	stream.strided.gather [hbm4b:s28+s29], $0x800, s30, s29, $0x38;
	[tilespmem:$0x15480] =	vst v63  }
0x89: {  	s20 =	sadd.s32 s2, s20;
	s28 =	simm.s32 $0x9800  }
0x8a: {  	[tilespmem:s28], [sflag:$0x1] =	stream.strided.gather [hbm4b:s20+s29], $0x800, s30, s29, $0x38;
	[tilespmem:$0x15480] =	vst v63  }
0x8b: {  	s20 =	spop (v2sf);
	(v2sf) =	vpush v21, $0xD  }
0x8c: {  	s7 =	simm.s32 $0xA000;
	s28 =	sadd.s32 s1, s20  }
0x8d: {  	[tilespmem:s7], [sflag:$0x1] =	stream.strided.gather [hbm4b:s28+s29], $0x800, s30, s29, $0x38;
	[tilespmem:$0x15480] =	vst v63  }
0x8e: {  	s20 =	sadd.s32 s2, s20;
	s28 =	simm.s32 $0xA800  }
0x8f: {  	[tilespmem:s28], [sflag:$0x1] =	stream.strided.gather [hbm4b:s20+s29], $0x800, s30, s29, $0x38;
	[tilespmem:$0x15480] =	vst v63  }
0x90: {  	s20 =	spop (v2sf);
	(v2sf) =	vpush v21, $0xE  }
0x91: {  	s7 =	simm.s32 $0xB000;
	s28 =	sadd.s32 s1, s20  }
0x92: {  	[tilespmem:s7], [sflag:$0x1] =	stream.strided.gather [hbm4b:s28+s29], $0x800, s30, s29, $0x38;
	[tilespmem:$0x15480] =	vst v63  }
0x93: {  	s20 =	sadd.s32 s2, s20;
	s28 =	simm.s32 $0xB800  }
0x94: {  	[tilespmem:s28], [sflag:$0x1] =	stream.strided.gather [hbm4b:s20+s29], $0x800, s30, s29, $0x38;
	[tilespmem:$0x15480] =	vst v63  }
0x95: {  	s20 =	spop (v2sf);
	(v2sf) =	vpush v21, $0xF  }
0x96: {  	s7 =	simm.s32 $0xC000;
	s28 =	sadd.s32 s1, s20  }
0x97: {  	[tilespmem:s7], [sflag:$0x1] =	stream.strided.gather [hbm4b:s28+s29], $0x800, s30, s29, $0x38;
	[tilespmem:$0x15480] =	vst v63  }
0x98: {  	s20 =	sadd.s32 s2, s20;
	s28 =	simm.s32 $0xC800  }
0x99: {  	[tilespmem:s28], [sflag:$0x1] =	stream.strided.gather [hbm4b:s20+s29], $0x800, s30, s29, $0x38;
	[tilespmem:$0x15480] =	vst v63  }
0x9a: {  	s20 =	spop (v2sf)  }
0x9b: {  	s7 =	simm.s32 $0xD000;
	s28 =	sadd.s32 s1, s20  }
0x9c: {  	[tilespmem:s7], [sflag:$0x1] =	stream.strided.gather [hbm4b:s28+s29], $0x800, s30, s29, $0x38;
	[tilespmem:$0x15480] =	vst v63  }
0x9d: {  	s20 =	sadd.s32 s2, s20;
	s28 =	simm.s32 $0xD800  }
0x9e: {  	[tilespmem:s28], [sflag:$0x1] =	stream.strided.gather [hbm4b:s20+s29], $0x800, s30, s29, $0x38;
	[tilespmem:$0x15480] =	vst v63  }
0x9f: {  	s20 =	spop (v2sf)  }
0xa0: {  	s7 =	simm.s32 $0xE000;
	s28 =	sadd.s32 s1, s20  }
0xa1: {  	[tilespmem:s7], [sflag:$0x1] =	stream.strided.gather [hbm4b:s28+s29], $0x800, s30, s29, $0x38;
	[tilespmem:$0x15480] =	vst v63  }
0xa2: {  	s20 =	sadd.s32 s2, s20;
	s28 =	simm.s32 $0xE800  }
0xa3: {  	[tilespmem:s28], [sflag:$0x1] =	stream.strided.gather [hbm4b:s20+s29], $0x800, s30, s29, $0x38;
	[tilespmem:$0x15480] =	vst v63  }
0xa4: {  	s20 =	spop (v2sf)  }
0xa5: {  	s7 =	simm.s32 $0xF000;
	s28 =	sadd.s32 s1, s20  }
0xa6: {  	[tilespmem:s7], [sflag:$0x1] =	stream.strided.gather [hbm4b:s28+s29], $0x800, s30, s29, $0x38;
	[tilespmem:$0x15480] =	vst v63  }
0xa7: {  	s20 =	sadd.s32 s2, s20;
	s28 =	simm.s32 $0xF800  }
0xa8: {  	[tilespmem:s28], [sflag:$0x1] =	stream.strided.gather [hbm4b:s20+s29], $0x800, s30, s29, $0x38;
	[tilespmem:$0x15480] =	vst v63  }
0xa9: {  	_ =	swait.ge [sflag:s10], $0x800  }
0xaa: {  	[sflag:s10] =	ssyncset.done $0x0  }
0xab: {  	[sflag:s10] =	ssyncadd.s32 $0xFFFFF800  }
0xac: {  	_ =	swait.ge [sflag:s10], $0x800  }
0xad: {  	[sflag:s10] =	ssyncset.done $0x0  }
0xae: {  	[sflag:s10] =	ssyncadd.s32 $0xFFFFF800  }
0xaf: {  	_ =	swait.ge [sflag:s10], $0x800  }
0xb0: {  	[sflag:s10] =	ssyncset.done $0x0  }
0xb1: {  	[sflag:s10] =	ssyncadd.s32 $0xFFFFF800  }
0xb2: {  	_ =	swait.ge [sflag:s10], $0x800  }
0xb3: {  	[sflag:s10] =	ssyncset.done $0x0  }
0xb4: {  	[sflag:s10] =	ssyncadd.s32 $0xFFFFF800  }
0xb5: {  	_ =	swait.ge [sflag:s10], $0x800  }
0xb6: {  	[sflag:s10] =	ssyncset.done $0x0  }
0xb7: {  	[sflag:s10] =	ssyncadd.s32 $0xFFFFF800  }
0xb8: {  	_ =	swait.ge [sflag:s10], $0x800  }
0xb9: {  	[sflag:s10] =	ssyncset.done $0x0  }
0xba: {  	[sflag:s10] =	ssyncadd.s32 $0xFFFFF800  }
0xbb: {  	_ =	swait.ge [sflag:s10], $0x800  }
0xbc: {  	[sflag:s10] =	ssyncset.done $0x0  }
0xbd: {  	[sflag:s10] =	ssyncadd.s32 $0xFFFFF800  }
0xbe: {  	_ =	swait.ge [sflag:s10], $0x800  }
0xbf: {  	[sflag:s10] =	ssyncset.done $0x0  }
0xc0: {  	[sflag:s10] =	ssyncadd.s32 $0xFFFFF800  }
0xc1: {  	_ =	swait.ge [sflag:s10], $0x800  }
0xc2: {  	[sflag:s10] =	ssyncset.done $0x0  }
0xc3: {  	[sflag:s10] =	ssyncadd.s32 $0xFFFFF800  }
0xc4: {  	_ =	swait.ge [sflag:s10], $0x800  }
0xc5: {  	[sflag:s10] =	ssyncset.done $0x0  }
0xc6: {  	[sflag:s10] =	ssyncadd.s32 $0xFFFFF800  }
0xc7: {  	_ =	swait.ge [sflag:s10], $0x800  }
0xc8: {  	[sflag:s10] =	ssyncset.done $0x0  }
0xc9: {  	[sflag:s10] =	ssyncadd.s32 $0xFFFFF800  }
0xca: {  	_ =	swait.ge [sflag:s10], $0x800  }
0xcb: {  	[sflag:s10] =	ssyncset.done $0x0  }
0xcc: {  	[sflag:s10] =	ssyncadd.s32 $0xFFFFF800  }
0xcd: {  	_ =	swait.ge [sflag:s10], $0x800  }
0xce: {  	[sflag:s10] =	ssyncset.done $0x0  }
0xcf: {  	[sflag:s10] =	ssyncadd.s32 $0xFFFFF800  }
0xd0: {  	_ =	swait.ge [sflag:s10], $0x800  }
0xd1: {  	[sflag:s10] =	ssyncset.done $0x0  }
0xd2: {  	[sflag:s10] =	ssyncadd.s32 $0xFFFFF800  }
0xd3: {  	_ =	swait.ge [sflag:s10], $0x800  }
0xd4: {  	[sflag:s10] =	ssyncset.done $0x0  }
0xd5: {  	[sflag:s10] =	ssyncadd.s32 $0xFFFFF800  }
0xd6: {  	_ =	swait.ge [sflag:s10], $0x800  }
0xd7: {  	[sflag:s10] =	ssyncset.done $0x0  }
0xd8: {  	[sflag:s10] =	ssyncadd.s32 $0xFFFFF800  }
0xd9: {  	_ =	swait.ge [sflag:s10], $0x800  }
0xda: {  	[sflag:s10] =	ssyncset.done $0x0  }
0xdb: {  	[sflag:s10] =	ssyncadd.s32 $0xFFFFF800  }
0xdc: {  	_ =	swait.ge [sflag:s10], $0x800  }
0xdd: {  	[sflag:s10] =	ssyncset.done $0x0  }
0xde: {  	[sflag:s10] =	ssyncadd.s32 $0xFFFFF800  }
0xdf: {  	_ =	swait.ge [sflag:s10], $0x800  }
0xe0: {  	[sflag:s10] =	ssyncset.done $0x0  }
0xe1: {  	[sflag:s10] =	ssyncadd.s32 $0xFFFFF800  }
0xe2: {  	_ =	swait.ge [sflag:s10], $0x800  }
0xe3: {  	[sflag:s10] =	ssyncset.done $0x0  }
0xe4: {  	[sflag:s10] =	ssyncadd.s32 $0xFFFFF800  }
0xe5: {  	_ =	swait.ge [sflag:s10], $0x800  }
0xe6: {  	[sflag:s10] =	ssyncset.done $0x0  }
0xe7: {  	[sflag:s10] =	ssyncadd.s32 $0xFFFFF800  }
0xe8: {  	_ =	swait.ge [sflag:s10], $0x800  }
0xe9: {  	[sflag:s10] =	ssyncset.done $0x0  }
0xea: {  	[sflag:s10] =	ssyncadd.s32 $0xFFFFF800  }
0xeb: {  	_ =	swait.ge [sflag:s10], $0x800  }
0xec: {  	[sflag:s10] =	ssyncset.done $0x0  }
0xed: {  	[sflag:s10] =	ssyncadd.s32 $0xFFFFF800  }
0xee: {  	_ =	swait.ge [sflag:s10], $0x800  }
0xef: {  	[sflag:s10] =	ssyncset.done $0x0  }
0xf0: {  	[sflag:s10] =	ssyncadd.s32 $0xFFFFF800  }
0xf1: {  	_ =	swait.ge [sflag:s10], $0x800  }
0xf2: {  	[sflag:s10] =	ssyncset.done $0x0  }
0xf3: {  	[sflag:s10] =	ssyncadd.s32 $0xFFFFF800  }
0xf4: {  	_ =	swait.ge [sflag:s10], $0x800  }
0xf5: {  	[sflag:s10] =	ssyncset.done $0x0  }
0xf6: {  	[sflag:s10] =	ssyncadd.s32 $0xFFFFF800  }
0xf7: {  	_ =	swait.ge [sflag:s10], $0x800  }
0xf8: {  	[sflag:s10] =	ssyncset.done $0x0  }
0xf9: {  	[sflag:s10] =	ssyncadd.s32 $0xFFFFF800  }
0xfa: {  	_ =	swait.ge [sflag:s10], $0x800  }
0xfb: {  	[sflag:s10] =	ssyncset.done $0x0  }
0xfc: {  	[sflag:s10] =	ssyncadd.s32 $0xFFFFF800  }
0xfd: {  	_ =	swait.ge [sflag:s10], $0x800  }
0xfe: {  	[sflag:s10] =	ssyncset.done $0x0  }
0xff: {  	[sflag:s10] =	ssyncadd.s32 $0xFFFFF800  }
0x100: {  	_ =	swait.ge [sflag:s10], $0x800  }
0x101: {  	v35 =	vand.u32 $0x7F, v20;
	[sflag:s10] =	ssyncset.done $0x0  }
0x102: {  	v20 =	vbroadcast v35, $0x0;
	[sflag:s10] =	ssyncadd.s32 $0xFFFFF800  }
0x103: {  	_ =	swait.ge [sflag:s10], $0x800  }
0x104: {  	v50 =	vor.u32 v1, v20;
	[sflag:s10] =	ssyncset.done $0x0  }
0x105: {  	[sflag:s10] =	ssyncadd.s32 $0xFFFFF800  }
0x106: {  	_ =	swait.ge [sflag:s10], $0x800  }
0x107: {  	[sflag:s10] =	ssyncset.done $0x0  }
0x108: {  	[sflag:s10] =	ssyncadd.s32 $0xFFFFF800  }
0x109: {  	v20 =	vld.idx.msk [tilespmem:v50+s21+$0x0], $0xffff;
	_ =	sdelay $0x3  }
0x10a: {  	s28 =	sadd.s32 $0xFFFFFFF1, s19  }
0x10b: {  	v22 =	vmov s28;
	v20 =	vmul.f32 $5.000000000e-01, v20  }
0x10c: {  	v23 =	vshll.u32 v22, $0x3  }
0x10d: {  	v22 =	vand.u32 $0x70, v22;
	v23 =	vand.u32 $0xC00, v23;
	v24 =	vmul.f32 $1.442695020e+00, v20  }
0x10e: {  	v20 =	vor.u32 v23, v22  }
0x10f: {  	v20 =	vor.u32 v2, v20;
	(erf) = vpow2.f32 v24;
	_ =	sdelay $0x4  }
0x110: {  	v51 =	vld.idx.msk [tilespmem:v20+s23+$0x0], $0xffff  }
0x111: {  	s0 =	simm.s32 $0x0  }
0x112: {  	v21 =	vld.idx.msk [tilespmem:v50+s0+$0x0], $0xffff  }
0x113: {  	v52 =	vbroadcast v35, $0x1  }
0x114: {  	v24 =	vpop (erf)  }
0x115: {  	v23 =	vor.u32 v1, v52;
	v22 =	vmul.f32 v24, v51;
	_ =	sdelay $0x1  }
0x116: {  	v21 =	vadd.f32 v22, v21;
	_ =	sdelay $0x1  }
0x117: {  	[tilespmem:$0x15380] =	vst v21  }
0x118: {  	v21 =	vld.idx.msk [tilespmem:v23+s6+$0x0], $0xffff;
	_ =	sdelay $0x3  }
0x119: {  	s7 =	sadd.s32 $0xFFFFFFF2, s19  }
0x11a: {  	v53 =	vmov s7;
	v21 =	vmul.f32 $5.000000000e-01, v21  }
0x11b: {  	v54 =	vshll.u32 v53, $0x3  }
0x11c: {  	v24 =	vand.u32 $0xC00, v54;
	v22 =	vand.u32 $0x71, v53;
	v25 =	vmul.f32 $1.442695020e+00, v21  }
0x11d: {  	v55 =	vor.u32 v24, v22  }
0x11e: {  	v21 =	vor.u32 v2, v55;
	(erf) = vpow2.f32 v25;
	_ =	sdelay $0x4  }
0x11f: {  	v56 =	vld.idx.msk [tilespmem:v21+s23+$0x0], $0xffff  }
0x120: {  	s4 =	simm.s32 $0x1000  }
0x121: {  	v23 =	vld.idx.msk [tilespmem:v23+s4+$0x0], $0xffff  }
0x122: {  	v57 =	vbroadcast v35, $0x2  }
0x123: {  	v25 =	vpop (erf)  }
0x124: {  	v24 =	vor.u32 v1, v57;
	v22 =	vmul.f32 v25, v56;
	_ =	sdelay $0x1  }
0x125: {  	v22 =	vadd.f32 v22, v23;
	_ =	sdelay $0x1  }
0x126: {  	[tilespmem:$0x15390] =	vst v22  }
0x127: {  	v22 =	vld.idx.msk [tilespmem:v24+s25+$0x0], $0xffff;
	_ =	sdelay $0x3  }
0x128: {  	s28 =	sadd.s32 $0xFFFFFFF3, s19  }
0x129: {  	v58 =	vmov s28;
	v22 =	vmul.f32 $5.000000000e-01, v22  }
0x12a: {  	v59 =	vshll.u32 v58, $0x3  }
0x12b: {  	v25 =	vand.u32 $0xC00, v59;
	v23 =	vand.u32 $0x72, v58;
	v26 =	vmul.f32 $1.442695020e+00, v22  }
0x12c: {  	v60 =	vor.u32 v25, v23  }
0x12d: {  	v22 =	vor.u32 v2, v60;
	(erf) = vpow2.f32 v26;
	_ =	sdelay $0x4  }
0x12e: {  	v61 =	vld.idx.msk [tilespmem:v22+s23+$0x0], $0xffff;
	_ =	sdelay $0x1  }
0x12f: {  	v24 =	vld.idx.msk [tilespmem:v24+s8+$0x0], $0xffff  }
0x130: {  	v62 =	vbroadcast v35, $0x3  }
0x131: {  	v26 =	vpop (erf)  }
0x132: {  	v25 =	vor.u32 v1, v62;
	v23 =	vmul.f32 v26, v61;
	_ =	sdelay $0x1  }
0x133: {  	v23 =	vadd.f32 v23, v24;
	_ =	sdelay $0x1  }
0x134: {  	[tilespmem:$0x153A0] =	vst v23  }
0x135: {  	v23 =	vld.idx.msk [tilespmem:v25+s31+$0x0], $0xffff;
	_ =	sdelay $0x3  }
0x136: {  	s0 =	sadd.s32 $0xFFFFFFF4, s19  }
0x137: {  	v63 =	vmov s0;
	v23 =	vmul.f32 $5.000000000e-01, v23  }
0x138: {  	v28 =	vshll.u32 v63, $0x3  }
0x139: {  	v26 =	vand.u32 $0xC00, v28;
	v24 =	vand.u32 $0x73, v63;
	v27 =	vmul.f32 $1.442695020e+00, v23  }
0x13a: {  	v29 =	vor.u32 v26, v24  }
0x13b: {  	v23 =	vor.u32 v2, v29;
	(erf) = vpow2.f32 v27;
	_ =	sdelay $0x4  }
0x13c: {  	v30 =	vld.idx.msk [tilespmem:v23+s23+$0x0], $0xffff;
	_ =	sdelay $0x1  }
0x13d: {  	v25 =	vld.idx.msk [tilespmem:v25+s9+$0x0], $0xffff  }
0x13e: {  	v31 =	vbroadcast v35, $0x4  }
0x13f: {  	v27 =	vpop (erf)  }
0x140: {  	v26 =	vor.u32 v1, v31;
	v24 =	vmul.f32 v27, v30;
	_ =	sdelay $0x1  }
0x141: {  	v24 =	vadd.f32 v24, v25;
	_ =	sdelay $0x1  }
0x142: {  	s4 =	simm.s32 $0x4800;
	[tilespmem:$0x153B0] =	vst v24  }
0x143: {  	v24 =	vld.idx.msk [tilespmem:v26+s4+$0x0], $0xffff;
	_ =	sdelay $0x3  }
0x144: {  	s7 =	sadd.s32 $0xFFFFFFF5, s19  }
0x145: {  	v32 =	vmov s7;
	v24 =	vmul.f32 $5.000000000e-01, v24  }
0x146: {  	v33 =	vshll.u32 v32, $0x3  }
0x147: {  	v27 =	vand.u32 $0xC00, v33;
	v25 =	vand.u32 $0x74, v32;
	v28 =	vmul.f32 $1.442695020e+00, v24  }
0x148: {  	v34 =	vor.u32 v27, v25  }
0x149: {  	v24 =	vor.u32 v2, v34;
	(erf) = vpow2.f32 v28;
	_ =	sdelay $0x4  }
0x14a: {  	v36 =	vld.idx.msk [tilespmem:v24+s23+$0x0], $0xffff  }
0x14b: {  	s20 =	simm.s32 $0x4000  }
0x14c: {  	v26 =	vld.idx.msk [tilespmem:v26+s20+$0x0], $0xffff  }
0x14d: {  	v37 =	vbroadcast v35, $0x5  }
0x14e: {  	v28 =	vpop (erf)  }
0x14f: {  	v27 =	vor.u32 v1, v37;
	v25 =	vmul.f32 v28, v36;
	_ =	sdelay $0x1  }
0x150: {  	v25 =	vadd.f32 v25, v26;
	_ =	sdelay $0x1  }
0x151: {  	s25 =	simm.s32 $0x5800;
	[tilespmem:$0x153C0] =	vst v25  }
0x152: {  	v25 =	vld.idx.msk [tilespmem:v27+s25+$0x0], $0xffff;
	_ =	sdelay $0x3  }
0x153: {  	s28 =	sadd.s32 $0xFFFFFFF6, s19  }
0x154: {  	v38 =	vmov s28;
	v25 =	vmul.f32 $5.000000000e-01, v25  }
0x155: {  	v39 =	vshll.u32 v38, $0x3  }
0x156: {  	v28 =	vand.u32 $0xC00, v39;
	v26 =	vand.u32 $0x75, v38;
	v29 =	vmul.f32 $1.442695020e+00, v25  }
0x157: {  	v40 =	vor.u32 v28, v26  }
0x158: {  	v25 =	vor.u32 v2, v40;
	(erf) = vpow2.f32 v29;
	_ =	sdelay $0x4  }
0x159: {  	v41 =	vld.idx.msk [tilespmem:v25+s23+$0x0], $0xffff  }
0x15a: {  	s0 =	simm.s32 $0x5000  }
0x15b: {  	v27 =	vld.idx.msk [tilespmem:v27+s0+$0x0], $0xffff  }
0x15c: {  	v42 =	vbroadcast v35, $0x6  }
0x15d: {  	v29 =	vpop (erf)  }
0x15e: {  	v28 =	vor.u32 v1, v42;
	v26 =	vmul.f32 v29, v41;
	_ =	sdelay $0x1  }
0x15f: {  	v26 =	vadd.f32 v26, v27;
	_ =	sdelay $0x1  }
0x160: {  	s4 =	simm.s32 $0x6800;
	[tilespmem:$0x153D0] =	vst v26  }
0x161: {  	v26 =	vld.idx.msk [tilespmem:v28+s4+$0x0], $0xffff;
	_ =	sdelay $0x3  }
0x162: {  	s7 =	sadd.s32 $0xFFFFFFF7, s19  }
0x163: {  	v43 =	vmov s7;
	v26 =	vmul.f32 $5.000000000e-01, v26  }
0x164: {  	v44 =	vshll.u32 v43, $0x3  }
0x165: {  	v29 =	vand.u32 $0xC00, v44;
	v27 =	vand.u32 $0x76, v43;
	v30 =	vmul.f32 $1.442695020e+00, v26  }
0x166: {  	v45 =	vor.u32 v29, v27  }
0x167: {  	v26 =	vor.u32 v2, v45;
	(erf) = vpow2.f32 v30;
	_ =	sdelay $0x4  }
0x168: {  	v46 =	vld.idx.msk [tilespmem:v26+s23+$0x0], $0xffff  }
0x169: {  	s20 =	simm.s32 $0x6000  }
0x16a: {  	v28 =	vld.idx.msk [tilespmem:v28+s20+$0x0], $0xffff  }
0x16b: {  	v47 =	vbroadcast v35, $0x7  }
0x16c: {  	v30 =	vpop (erf)  }
0x16d: {  	v29 =	vor.u32 v1, v47;
	v27 =	vmul.f32 v30, v46;
	_ =	sdelay $0x1  }
0x16e: {  	v27 =	vadd.f32 v27, v28;
	_ =	sdelay $0x1  }
0x16f: {  	s25 =	simm.s32 $0x7800;
	[tilespmem:$0x153E0] =	vst v27  }
0x170: {  	v27 =	vld.idx.msk [tilespmem:v29+s25+$0x0], $0xffff;
	_ =	sdelay $0x3  }
0x171: {  	s28 =	sadd.s32 $0xFFFFFFF8, s19  }
0x172: {  	v48 =	vmov s28;
	v27 =	vmul.f32 $5.000000000e-01, v27  }
0x173: {  	v49 =	vshll.u32 v48, $0x3  }
0x174: {  	v30 =	vand.u32 $0xC00, v49;
	v28 =	vand.u32 $0x77, v48;
	v31 =	vmul.f32 $1.442695020e+00, v27  }
0x175: {  	v50 =	vor.u32 v30, v28  }
0x176: {  	v27 =	vor.u32 v2, v50;
	(erf) = vpow2.f32 v31;
	_ =	sdelay $0x4  }
0x177: {  	v51 =	vld.idx.msk [tilespmem:v27+s23+$0x0], $0xffff  }
0x178: {  	s0 =	simm.s32 $0x7000  }
0x179: {  	v29 =	vld.idx.msk [tilespmem:v29+s0+$0x0], $0xffff  }
0x17a: {  	v52 =	vbroadcast v35, $0x8  }
0x17b: {  	v31 =	vpop (erf)  }
0x17c: {  	v30 =	vor.u32 v1, v52;
	v28 =	vmul.f32 v31, v51;
	_ =	sdelay $0x1  }
0x17d: {  	v28 =	vadd.f32 v28, v29;
	_ =	sdelay $0x1  }
0x17e: {  	s4 =	simm.s32 $0x8800;
	[tilespmem:$0x153F0] =	vst v28  }
0x17f: {  	v28 =	vld.idx.msk [tilespmem:v30+s4+$0x0], $0xffff;
	_ =	sdelay $0x3  }
0x180: {  	s7 =	sadd.s32 $0xFFFFFFF9, s19  }
0x181: {  	v53 =	vmov s7;
	v28 =	vmul.f32 $5.000000000e-01, v28  }
0x182: {  	v54 =	vshll.u32 v53, $0x3  }
0x183: {  	v31 =	vand.u32 $0xC00, v54;
	v29 =	vand.u32 $0x78, v53;
	v32 =	vmul.f32 $1.442695020e+00, v28  }
0x184: {  	v55 =	vor.u32 v31, v29  }
0x185: {  	v28 =	vor.u32 v2, v55;
	(erf) = vpow2.f32 v32;
	_ =	sdelay $0x4  }
0x186: {  	v56 =	vld.idx.msk [tilespmem:v28+s23+$0x0], $0xffff  }
0x187: {  	s20 =	simm.s32 $0x8000  }
0x188: {  	v30 =	vld.idx.msk [tilespmem:v30+s20+$0x0], $0xffff  }
0x189: {  	v57 =	vbroadcast v35, $0x9  }
0x18a: {  	v32 =	vpop (erf)  }
0x18b: {  	v31 =	vor.u32 v1, v57;
	v29 =	vmul.f32 v32, v56;
	_ =	sdelay $0x1  }
0x18c: {  	v29 =	vadd.f32 v29, v30;
	_ =	sdelay $0x1  }
0x18d: {  	s25 =	simm.s32 $0x9800;
	[tilespmem:$0x15400] =	vst v29  }
0x18e: {  	v29 =	vld.idx.msk [tilespmem:v31+s25+$0x0], $0xffff;
	_ =	sdelay $0x3  }
0x18f: {  	s28 =	sadd.s32 $0xFFFFFFFA, s19  }
0x190: {  	v58 =	vmov s28;
	v29 =	vmul.f32 $5.000000000e-01, v29  }
0x191: {  	v59 =	vshll.u32 v58, $0x3  }
0x192: {  	v32 =	vand.u32 $0xC00, v59;
	v30 =	vand.u32 $0x79, v58;
	v33 =	vmul.f32 $1.442695020e+00, v29  }
0x193: {  	v60 =	vor.u32 v32, v30  }
0x194: {  	v29 =	vor.u32 v2, v60;
	(erf) = vpow2.f32 v33;
	_ =	sdelay $0x4  }
0x195: {  	v61 =	vld.idx.msk [tilespmem:v29+s23+$0x0], $0xffff  }
0x196: {  	s0 =	simm.s32 $0x9000  }
0x197: {  	v31 =	vld.idx.msk [tilespmem:v31+s0+$0x0], $0xffff  }
0x198: {  	v62 =	vbroadcast v35, $0xA  }
0x199: {  	v33 =	vpop (erf)  }
0x19a: {  	v32 =	vor.u32 v1, v62;
	v30 =	vmul.f32 v33, v61;
	_ =	sdelay $0x1  }
0x19b: {  	v30 =	vadd.f32 v30, v31;
	_ =	sdelay $0x1  }
0x19c: {  	s4 =	simm.s32 $0xA800;
	[tilespmem:$0x15410] =	vst v30  }
0x19d: {  	v30 =	vld.idx.msk [tilespmem:v32+s4+$0x0], $0xffff;
	_ =	sdelay $0x3  }
0x19e: {  	s7 =	sadd.s32 $0xFFFFFFFB, s19  }
0x19f: {  	v63 =	vmov s7;
	v30 =	vmul.f32 $5.000000000e-01, v30  }
0x1a0: {  	v36 =	vshll.u32 v63, $0x3  }
0x1a1: {  	v33 =	vand.u32 $0xC00, v36;
	v31 =	vand.u32 $0x7A, v63;
	v34 =	vmul.f32 $1.442695020e+00, v30  }
0x1a2: {  	v37 =	vor.u32 v33, v31  }
0x1a3: {  	v30 =	vor.u32 v2, v37;
	(erf) = vpow2.f32 v34;
	_ =	sdelay $0x4  }
0x1a4: {  	v38 =	vld.idx.msk [tilespmem:v30+s23+$0x0], $0xffff  }
0x1a5: {  	s20 =	simm.s32 $0xA000  }
0x1a6: {  	v32 =	vld.idx.msk [tilespmem:v32+s20+$0x0], $0xffff  }
0x1a7: {  	v39 =	vbroadcast v35, $0xB  }
0x1a8: {  	v34 =	vpop (erf)  }
0x1a9: {  	v33 =	vor.u32 v1, v39;
	v31 =	vmul.f32 v34, v38;
	_ =	sdelay $0x1  }
0x1aa: {  	v31 =	vadd.f32 v31, v32;
	_ =	sdelay $0x1  }
0x1ab: {  	s25 =	simm.s32 $0xB800;
	[tilespmem:$0x15420] =	vst v31  }
0x1ac: {  	v31 =	vld.idx.msk [tilespmem:v33+s25+$0x0], $0xffff;
	_ =	sdelay $0x3  }
0x1ad: {  	s28 =	sadd.s32 $0xFFFFFFFC, s19  }
0x1ae: {  	v40 =	vmov s28;
	v31 =	vmul.f32 $5.000000000e-01, v31  }
0x1af: {  	v41 =	vshll.u32 v40, $0x3  }
0x1b0: {  	v34 =	vand.u32 $0xC00, v41;
	v32 =	vand.u32 $0x7B, v40;
	v36 =	vmul.f32 $1.442695020e+00, v31  }
0x1b1: {  	v42 =	vor.u32 v34, v32  }
0x1b2: {  	v31 =	vor.u32 v2, v42;
	(erf) = vpow2.f32 v36;
	_ =	sdelay $0x4  }
0x1b3: {  	v43 =	vld.idx.msk [tilespmem:v31+s23+$0x0], $0xffff  }
0x1b4: {  	s0 =	simm.s32 $0xB000  }
0x1b5: {  	v33 =	vld.idx.msk [tilespmem:v33+s0+$0x0], $0xffff  }
0x1b6: {  	v44 =	vbroadcast v35, $0xC  }
0x1b7: {  	v36 =	vpop (erf)  }
0x1b8: {  	v34 =	vor.u32 v1, v44;
	v32 =	vmul.f32 v36, v43;
	_ =	sdelay $0x1  }
0x1b9: {  	v32 =	vadd.f32 v32, v33;
	_ =	sdelay $0x1  }
0x1ba: {  	s4 =	simm.s32 $0xC800;
	[tilespmem:$0x15430] =	vst v32  }
0x1bb: {  	v32 =	vld.idx.msk [tilespmem:v34+s4+$0x0], $0xffff;
	_ =	sdelay $0x3  }
0x1bc: {  	s7 =	sadd.s32 $0xFFFFFFFD, s19  }
0x1bd: {  	v45 =	vmov s7;
	v32 =	vmul.f32 $5.000000000e-01, v32  }
0x1be: {  	v46 =	vshll.u32 v45, $0x3  }
0x1bf: {  	v36 =	vand.u32 $0xC00, v46;
	v33 =	vand.u32 $0x7C, v45;
	v37 =	vmul.f32 $1.442695020e+00, v32  }
0x1c0: {  	v47 =	vor.u32 v36, v33  }
0x1c1: {  	v32 =	vor.u32 v2, v47;
	(erf) = vpow2.f32 v37;
	_ =	sdelay $0x4  }
0x1c2: {  	v48 =	vld.idx.msk [tilespmem:v32+s23+$0x0], $0xffff  }
0x1c3: {  	s20 =	simm.s32 $0xC000  }
0x1c4: {  	v34 =	vld.idx.msk [tilespmem:v34+s20+$0x0], $0xffff  }
0x1c5: {  	v49 =	vbroadcast v35, $0xD  }
0x1c6: {  	v37 =	vpop (erf)  }
0x1c7: {  	v36 =	vor.u32 v1, v49;
	v33 =	vmul.f32 v37, v48;
	_ =	sdelay $0x1  }
0x1c8: {  	v33 =	vadd.f32 v33, v34;
	_ =	sdelay $0x1  }
0x1c9: {  	s25 =	simm.s32 $0xD800;
	[tilespmem:$0x15440] =	vst v33  }
0x1ca: {  	v33 =	vld.idx.msk [tilespmem:v36+s25+$0x0], $0xffff;
	_ =	sdelay $0x3  }
0x1cb: {  	s28 =	sadd.s32 $0xFFFFFFFE, s19  }
0x1cc: {  	v50 =	vmov s28;
	v33 =	vmul.f32 $5.000000000e-01, v33  }
0x1cd: {  	v51 =	vshll.u32 v50, $0x3  }
0x1ce: {  	v37 =	vand.u32 $0xC00, v51;
	v34 =	vand.u32 $0x7D, v50;
	v38 =	vmul.f32 $1.442695020e+00, v33  }
0x1cf: {  	v52 =	vor.u32 v37, v34  }
0x1d0: {  	v33 =	vor.u32 v2, v52;
	(erf) = vpow2.f32 v38;
	_ =	sdelay $0x4  }
0x1d1: {  	v53 =	vld.idx.msk [tilespmem:v33+s23+$0x0], $0xffff  }
0x1d2: {  	s0 =	simm.s32 $0xD000  }
0x1d3: {  	v36 =	vld.idx.msk [tilespmem:v36+s0+$0x0], $0xffff  }
0x1d4: {  	v54 =	vbroadcast v35, $0xE  }
0x1d5: {  	v38 =	vpop (erf)  }
0x1d6: {  	v37 =	vor.u32 v1, v54;
	v34 =	vmul.f32 v38, v53;
	_ =	sdelay $0x1  }
0x1d7: {  	v34 =	vadd.f32 v34, v36;
	_ =	sdelay $0x1  }
0x1d8: {  	s4 =	simm.s32 $0xE800;
	[tilespmem:$0x15450] =	vst v34  }
0x1d9: {  	v34 =	vld.idx.msk [tilespmem:v37+s4+$0x0], $0xffff;
	_ =	sdelay $0x3  }
0x1da: {  	s7 =	sadd.s32 $0xFFFFFFFF, s19  }
0x1db: {  	v55 =	vmov s7;
	v34 =	vmul.f32 $5.000000000e-01, v34  }
0x1dc: {  	v56 =	vshll.u32 v55, $0x3  }
0x1dd: {  	v38 =	vand.u32 $0xC00, v56;
	v36 =	vand.u32 $0x7E, v55;
	v39 =	vmul.f32 $1.442695020e+00, v34  }
0x1de: {  	v57 =	vor.u32 v38, v36  }
0x1df: {  	v34 =	vor.u32 v2, v57;
	(erf) = vpow2.f32 v39;
	_ =	sdelay $0x4  }
0x1e0: {  	v58 =	vld.idx.msk [tilespmem:v34+s23+$0x0], $0xffff  }
0x1e1: {  	s25 =	simm.s32 $0xE000  }
0x1e2: {  	v37 =	vld.idx.msk [tilespmem:v37+s25+$0x0], $0xffff  }
0x1e3: {  	v35 =	vbroadcast v35, $0xF  }
0x1e4: {  	v59 =	vpop (erf)  }
0x1e5: {  	v60 =	vor.u32 v1, v35;
	v36 =	vmul.f32 v59, v58;
	_ =	sdelay $0x1  }
0x1e6: {  	v61 =	vadd.f32 v36, v37;
	_ =	sdelay $0x1  }
0x1e7: {  	s28 =	simm.s32 $0xF800;
	[tilespmem:$0x15460] =	vst v61  }
0x1e8: {  	v35 =	vld.idx.msk [tilespmem:v60+s28+$0x0], $0xffff;
	_ =	sdelay $0x4  }
0x1e9: {  	v62 =	vmov s19;
	v63 =	vand.u32 $0xFFFFFF80, v19;
	v35 =	vmul.f32 $5.000000000e-01, v35  }
0x1ea: {  	(v2sf) =	vpush v63, $0x0;
	v36 =	vshll.u32 v62, $0x3  }
0x1eb: {  	v44 =	vand.u32 $0x7F, v62;
	v36 =	vand.u32 $0xC00, v36;
	v40 =	vmul.f32 $1.442695020e+00, v35  }
0x1ec: {  	v45 =	vor.u32 v36, v44  }
0x1ed: {  	v35 =	vor.u32 v2, v45;
	(erf) = vpow2.f32 v40;
	_ =	sdelay $0x2  }
0x1ee: {  	(v2sf) =	vpush v63, $0x1;
	_ =	sdelay $0x1  }
0x1ef: {  	v46 =	vld.idx.msk [tilespmem:v35+s23+$0x0], $0xffff  }
0x1f0: {  	(v2sf) =	vpush v63, $0x2;
	s0 =	simm.s32 $0xF000  }
0x1f1: {  	v38 =	vld.idx.msk [tilespmem:v60+s0+$0x0], $0xffff;
	_ =	sdelay $0x1  }
0x1f2: {  	v47 =	vpop (erf)  }
0x1f3: {  	(v2sf) =	vpush v63, $0x3;
	v36 =	vmul.f32 v47, v46;
	_ =	sdelay $0x1  }
0x1f4: {  	v36 =	vadd.f32 v36, v38  }
0x1f5: {  	s4 =	spop (v2sf)  }
0x1f6: {  	s25 =	simm.s32 $0x0;
	s7 =	sadd.s32 s3, s4;
	[tilespmem:$0x15470] =	vst v36  }
0x1f7: {  	[tilespmem:s25], [sflag:$0x1] =	stream.strided.gather [hbm4b:s7+s29], $0x800, s30, s29, $0x38;
	[tilespmem:$0x15480] =	vst v63  }
0x1f8: {  	(v2sf) =	vpush v63, $0x4;
	s20 =	sadd.s32 s5, s4  }
0x1f9: {  	[tilespmem:s21], [sflag:$0x1] =	stream.strided.gather [hbm4b:s20+s29], $0x800, s30, s29, $0x38;
	[tilespmem:$0x15480] =	vst v63  }
0x1fa: {  	s21 =	spop (v2sf)  }
0x1fb: {  	s7 =	simm.s32 $0x1000;
	s0 =	sadd.s32 s3, s21  }
0x1fc: {  	[tilespmem:s7], [sflag:$0x1] =	stream.strided.gather [hbm4b:s0+s29], $0x800, s30, s29, $0x38;
	[tilespmem:$0x15480] =	vst v63  }
0x1fd: {  	s20 =	sadd.s32 s5, s21;
	s4 =	spop (v2sf);
	(v2sf) =	vpush v63, $0x5  }
0x1fe: {  	[tilespmem:s6], [sflag:$0x1] =	stream.strided.gather [hbm4b:s20+s29], $0x800, s30, s29, $0x38;
	[tilespmem:$0x15480] =	vst v63  }
0x1ff: {  	s6 =	sadd.s32 s3, s4  }
0x200: {  	[tilespmem:s8], [sflag:$0x1] =	stream.strided.gather [hbm4b:s6+s29], $0x800, s30, s29, $0x38;
	[tilespmem:$0x15480] =	vst v63  }
0x201: {  	s21 =	spop (v2sf);
	s20 =	sadd.s32 s5, s4;
	s6 =	simm.s32 $0x2800  }
0x202: {  	(v2sf) =	vpush v63, $0x6;
	[tilespmem:s6], [sflag:$0x1] =	stream.strided.gather [hbm4b:s20+s29], $0x800, s30, s29, $0x38;
	[tilespmem:$0x15480] =	vst v63  }
0x203: {  	s0 =	sadd.s32 s3, s21  }
0x204: {  	[tilespmem:s9], [sflag:$0x1] =	stream.strided.gather [hbm4b:s0+s29], $0x800, s30, s29, $0x38;
	[tilespmem:$0x15480] =	vst v63  }
0x205: {  	s20 =	sadd.s32 s5, s21  }
0x206: {  	[tilespmem:s31], [sflag:$0x1] =	stream.strided.gather [hbm4b:s20+s29], $0x800, s30, s29, $0x38;
	[tilespmem:$0x15480] =	vst v63  }
0x207: {  	s20 =	spop (v2sf);
	(v2sf) =	vpush v63, $0x7  }
0x208: {  	s21 =	simm.s32 $0x4000;
	s4 =	sadd.s32 s3, s20  }
0x209: {  	[tilespmem:s21], [sflag:$0x1] =	stream.strided.gather [hbm4b:s4+s29], $0x800, s30, s29, $0x38;
	[tilespmem:$0x15480] =	vst v63  }
0x20a: {  	s28 =	simm.s32 $0x4800;
	s20 =	sadd.s32 s5, s20  }
0x20b: {  	[tilespmem:s28], [sflag:$0x1] =	stream.strided.gather [hbm4b:s20+s29], $0x800, s30, s29, $0x38;
	[tilespmem:$0x15480] =	vst v63  }
0x20c: {  	s20 =	spop (v2sf);
	(v2sf) =	vpush v63, $0x8  }
0x20d: {  	s21 =	simm.s32 $0x5000;
	s4 =	sadd.s32 s3, s20  }
0x20e: {  	[tilespmem:s21], [sflag:$0x1] =	stream.strided.gather [hbm4b:s4+s29], $0x800, s30, s29, $0x38;
	[tilespmem:$0x15480] =	vst v63  }
0x20f: {  	s28 =	simm.s32 $0x5800;
	s20 =	sadd.s32 s5, s20  }
0x210: {  	[tilespmem:s28], [sflag:$0x1] =	stream.strided.gather [hbm4b:s20+s29], $0x800, s30, s29, $0x38;
	[tilespmem:$0x15480] =	vst v63  }
0x211: {  	s20 =	spop (v2sf);
	(v2sf) =	vpush v63, $0x9  }
0x212: {  	s21 =	simm.s32 $0x6000;
	s4 =	sadd.s32 s3, s20  }
0x213: {  	[tilespmem:s21], [sflag:$0x1] =	stream.strided.gather [hbm4b:s4+s29], $0x800, s30, s29, $0x38;
	[tilespmem:$0x15480] =	vst v63  }
0x214: {  	s28 =	simm.s32 $0x6800;
	s20 =	sadd.s32 s5, s20  }
0x215: {  	[tilespmem:s28], [sflag:$0x1] =	stream.strided.gather [hbm4b:s20+s29], $0x800, s30, s29, $0x38;
	[tilespmem:$0x15480] =	vst v63  }
0x216: {  	s20 =	spop (v2sf);
	(v2sf) =	vpush v63, $0xA  }
0x217: {  	s21 =	simm.s32 $0x7000;
	s4 =	sadd.s32 s3, s20  }
0x218: {  	[tilespmem:s21], [sflag:$0x1] =	stream.strided.gather [hbm4b:s4+s29], $0x800, s30, s29, $0x38;
	[tilespmem:$0x15480] =	vst v63  }
0x219: {  	s28 =	simm.s32 $0x7800;
	s20 =	sadd.s32 s5, s20;
	(v2sf) =	vpush v63, $0xB  }
0x21a: {  	[tilespmem:s28], [sflag:$0x1] =	stream.strided.gather [hbm4b:s20+s29], $0x800, s30, s29, $0x38;
	[tilespmem:$0x15480] =	vst v63  }
0x21b: {  	s20 =	spop (v2sf)  }
0x21c: {  	s21 =	simm.s32 $0x8000;
	s4 =	sadd.s32 s3, s20  }
0x21d: {  	(v2sf) =	vpush v63, $0xC;
	[tilespmem:s21], [sflag:$0x1] =	stream.strided.gather [hbm4b:s4+s29], $0x800, s30, s29, $0x38;
	[tilespmem:$0x15480] =	vst v63  }
0x21e: {  	s28 =	simm.s32 $0x8800;
	s20 =	sadd.s32 s5, s20  }
0x21f: {  	[tilespmem:s28], [sflag:$0x1] =	stream.strided.gather [hbm4b:s20+s29], $0x800, s30, s29, $0x38;
	[tilespmem:$0x15480] =	vst v63  }
0x220: {  	s20 =	spop (v2sf)  }
0x221: {  	s21 =	simm.s32 $0x9000;
	(v2sf) =	vpush v63, $0xD;
	s4 =	sadd.s32 s3, s20  }
0x222: {  	[tilespmem:s21], [sflag:$0x1] =	stream.strided.gather [hbm4b:s4+s29], $0x800, s30, s29, $0x38;
	[tilespmem:$0x15480] =	vst v63  }
0x223: {  	s28 =	simm.s32 $0x9800;
	s20 =	sadd.s32 s5, s20  }
0x224: {  	[tilespmem:s28], [sflag:$0x1] =	stream.strided.gather [hbm4b:s20+s29], $0x800, s30, s29, $0x38;
	[tilespmem:$0x15480] =	vst v63  }
0x225: {  	s20 =	spop (v2sf);
	(v2sf) =	vpush v63, $0xE  }
0x226: {  	s21 =	simm.s32 $0xA000;
	s4 =	sadd.s32 s3, s20  }
0x227: {  	[tilespmem:s21], [sflag:$0x1] =	stream.strided.gather [hbm4b:s4+s29], $0x800, s30, s29, $0x38;
	[tilespmem:$0x15480] =	vst v63  }
0x228: {  	s20 =	sadd.s32 s5, s20;
	s4 =	simm.s32 $0xA800;
	s21 =	spop (v2sf)  }
0x229: {  	(v2sf) =	vpush v63, $0xF;
	[tilespmem:s4], [sflag:$0x1] =	stream.strided.gather [hbm4b:s20+s29], $0x800, s30, s29, $0x38;
	[tilespmem:$0x15480] =	vst v63  }
0x22a: {  	s0 =	sadd.s32 s3, s21;
	s4 =	simm.s32 $0xB000  }
0x22b: {  	[tilespmem:s4], [sflag:$0x1] =	stream.strided.gather [hbm4b:s0+s29], $0x800, s30, s29, $0x38;
	[tilespmem:$0x15480] =	vst v63  }
0x22c: {  	s28 =	spop (v2sf);
	s20 =	sadd.s32 s5, s21;
	s21 =	simm.s32 $0xB800  }
0x22d: {  	[tilespmem:s21], [sflag:$0x1] =	stream.strided.gather [hbm4b:s20+s29], $0x800, s30, s29, $0x38;
	[tilespmem:$0x15480] =	vst v63  }
0x22e: {  	s0 =	sadd.s32 s3, s28;
	s4 =	simm.s32 $0xC000  }
0x22f: {  	[tilespmem:s4], [sflag:$0x1] =	stream.strided.gather [hbm4b:s0+s29], $0x800, s30, s29, $0x38;
	[tilespmem:$0x15480] =	vst v63  }
0x230: {  	s28 =	sadd.s32 s5, s28;
	s20 =	spop (v2sf);
	s21 =	simm.s32 $0xC800  }
0x231: {  	[tilespmem:s21], [sflag:$0x1] =	stream.strided.gather [hbm4b:s28+s29], $0x800, s30, s29, $0x38;
	[tilespmem:$0x15480] =	vst v63  }
0x232: {  	s0 =	sadd.s32 s3, s20;
	s4 =	simm.s32 $0xD000  }
0x233: {  	[tilespmem:s4], [sflag:$0x1] =	stream.strided.gather [hbm4b:s0+s29], $0x800, s30, s29, $0x38;
	[tilespmem:$0x15480] =	vst v63  }
0x234: {  	s20 =	sadd.s32 s5, s20;
	s21 =	simm.s32 $0xD800;
	s28 =	spop (v2sf)  }
0x235: {  	[tilespmem:s21], [sflag:$0x1] =	stream.strided.gather [hbm4b:s20+s29], $0x800, s30, s29, $0x38;
	[tilespmem:$0x15480] =	vst v63  }
0x236: {  	s4 =	simm.s32 $0xE000;
	s0 =	sadd.s32 s3, s28  }
0x237: {  	[tilespmem:s4], [sflag:$0x1] =	stream.strided.gather [hbm4b:s0+s29], $0x800, s30, s29, $0x38;
	[tilespmem:$0x15480] =	vst v63  }
0x238: {  	s21 =	sadd.s32 s5, s28;
	s28 =	simm.s32 $0xE800;
	s20 =	spop (v2sf)  }
0x239: {  	[tilespmem:s28], [sflag:$0x1] =	stream.strided.gather [hbm4b:s21+s29], $0x800, s30, s29, $0x38;
	[tilespmem:$0x15480] =	vst v63  }
0x23a: {  	s4 =	sadd.s32 s3, s20;
	s21 =	simm.s32 $0xF000  }
0x23b: {  	[tilespmem:s21], [sflag:$0x1] =	stream.strided.gather [hbm4b:s4+s29], $0x800, s30, s29, $0x38;
	[tilespmem:$0x15480] =	vst v63  }
0x23c: {  	s20 =	sadd.s32 s5, s20;
	s4 =	simm.s32 $0xF800  }
0x23d: {  	[tilespmem:s4], [sflag:$0x1] =	stream.strided.gather [hbm4b:s20+s29], $0x800, s30, s29, $0x38;
	[tilespmem:$0x15480] =	vst v63  }
0x23e: {  	_ =	swait.ge [sflag:s10], $0x800  }
0x23f: {  	[sflag:s10] =	ssyncset.done $0x0  }
0x240: {  	[sflag:s10] =	ssyncadd.s32 $0xFFFFF800  }
0x241: {  	_ =	swait.ge [sflag:s10], $0x800  }
0x242: {  	[sflag:s10] =	ssyncset.done $0x0  }
0x243: {  	[sflag:s10] =	ssyncadd.s32 $0xFFFFF800  }
0x244: {  	_ =	swait.ge [sflag:s10], $0x800  }
0x245: {  	[sflag:s10] =	ssyncset.done $0x0  }
0x246: {  	[sflag:s10] =	ssyncadd.s32 $0xFFFFF800  }
0x247: {  	_ =	swait.ge [sflag:s10], $0x800  }
0x248: {  	[sflag:s10] =	ssyncset.done $0x0  }
0x249: {  	[sflag:s10] =	ssyncadd.s32 $0xFFFFF800  }
0x24a: {  	_ =	swait.ge [sflag:s10], $0x800  }
0x24b: {  	[sflag:s10] =	ssyncset.done $0x0  }
0x24c: {  	[sflag:s10] =	ssyncadd.s32 $0xFFFFF800  }
0x24d: {  	_ =	swait.ge [sflag:s10], $0x800  }
0x24e: {  	[sflag:s10] =	ssyncset.done $0x0  }
0x24f: {  	[sflag:s10] =	ssyncadd.s32 $0xFFFFF800  }
0x250: {  	_ =	swait.ge [sflag:s10], $0x800  }
0x251: {  	[sflag:s10] =	ssyncset.done $0x0  }
0x252: {  	[sflag:s10] =	ssyncadd.s32 $0xFFFFF800  }
0x253: {  	_ =	swait.ge [sflag:s10], $0x800  }
0x254: {  	[sflag:s10] =	ssyncset.done $0x0  }
0x255: {  	[sflag:s10] =	ssyncadd.s32 $0xFFFFF800  }
0x256: {  	_ =	swait.ge [sflag:s10], $0x800  }
0x257: {  	[sflag:s10] =	ssyncset.done $0x0  }
0x258: {  	[sflag:s10] =	ssyncadd.s32 $0xFFFFF800  }
0x259: {  	_ =	swait.ge [sflag:s10], $0x800  }
0x25a: {  	[sflag:s10] =	ssyncset.done $0x0  }
0x25b: {  	[sflag:s10] =	ssyncadd.s32 $0xFFFFF800  }
0x25c: {  	_ =	swait.ge [sflag:s10], $0x800  }
0x25d: {  	[sflag:s10] =	ssyncset.done $0x0  }
0x25e: {  	[sflag:s10] =	ssyncadd.s32 $0xFFFFF800  }
0x25f: {  	_ =	swait.ge [sflag:s10], $0x800  }
0x260: {  	[sflag:s10] =	ssyncset.done $0x0  }
0x261: {  	[sflag:s10] =	ssyncadd.s32 $0xFFFFF800  }
0x262: {  	_ =	swait.ge [sflag:s10], $0x800  }
0x263: {  	[sflag:s10] =	ssyncset.done $0x0  }
0x264: {  	[sflag:s10] =	ssyncadd.s32 $0xFFFFF800  }
0x265: {  	_ =	swait.ge [sflag:s10], $0x800  }
0x266: {  	[sflag:s10] =	ssyncset.done $0x0  }
0x267: {  	[sflag:s10] =	ssyncadd.s32 $0xFFFFF800  }
0x268: {  	_ =	swait.ge [sflag:s10], $0x800  }
0x269: {  	[sflag:s10] =	ssyncset.done $0x0  }
0x26a: {  	[sflag:s10] =	ssyncadd.s32 $0xFFFFF800  }
0x26b: {  	_ =	swait.ge [sflag:s10], $0x800  }
0x26c: {  	[sflag:s10] =	ssyncset.done $0x0  }
0x26d: {  	[sflag:s10] =	ssyncadd.s32 $0xFFFFF800  }
0x26e: {  	_ =	swait.ge [sflag:s10], $0x800  }
0x26f: {  	[sflag:s10] =	ssyncset.done $0x0  }
0x270: {  	[sflag:s10] =	ssyncadd.s32 $0xFFFFF800  }
0x271: {  	_ =	swait.ge [sflag:s10], $0x800  }
0x272: {  	[sflag:s10] =	ssyncset.done $0x0  }
0x273: {  	[sflag:s10] =	ssyncadd.s32 $0xFFFFF800  }
0x274: {  	_ =	swait.ge [sflag:s10], $0x800  }
0x275: {  	[sflag:s10] =	ssyncset.done $0x0  }
0x276: {  	[sflag:s10] =	ssyncadd.s32 $0xFFFFF800  }
0x277: {  	_ =	swait.ge [sflag:s10], $0x800  }
0x278: {  	[sflag:s10] =	ssyncset.done $0x0  }
0x279: {  	[sflag:s10] =	ssyncadd.s32 $0xFFFFF800  }
0x27a: {  	_ =	swait.ge [sflag:s10], $0x800  }
0x27b: {  	[sflag:s10] =	ssyncset.done $0x0  }
0x27c: {  	[sflag:s10] =	ssyncadd.s32 $0xFFFFF800  }
0x27d: {  	_ =	swait.ge [sflag:s10], $0x800  }
0x27e: {  	[sflag:s10] =	ssyncset.done $0x0  }
0x27f: {  	[sflag:s10] =	ssyncadd.s32 $0xFFFFF800  }
0x280: {  	_ =	swait.ge [sflag:s10], $0x800  }
0x281: {  	[sflag:s10] =	ssyncset.done $0x0  }
0x282: {  	[sflag:s10] =	ssyncadd.s32 $0xFFFFF800  }
0x283: {  	_ =	swait.ge [sflag:s10], $0x800  }
0x284: {  	[sflag:s10] =	ssyncset.done $0x0  }
0x285: {  	[sflag:s10] =	ssyncadd.s32 $0xFFFFF800  }
0x286: {  	_ =	swait.ge [sflag:s10], $0x800  }
0x287: {  	[sflag:s10] =	ssyncset.done $0x0  }
0x288: {  	[sflag:s10] =	ssyncadd.s32 $0xFFFFF800  }
0x289: {  	_ =	swait.ge [sflag:s10], $0x800  }
0x28a: {  	[sflag:s10] =	ssyncset.done $0x0  }
0x28b: {  	[sflag:s10] =	ssyncadd.s32 $0xFFFFF800  }
0x28c: {  	_ =	swait.ge [sflag:s10], $0x800  }
0x28d: {  	[sflag:s10] =	ssyncset.done $0x0  }
0x28e: {  	[sflag:s10] =	ssyncadd.s32 $0xFFFFF800  }
0x28f: {  	_ =	swait.ge [sflag:s10], $0x800  }
0x290: {  	[sflag:s10] =	ssyncset.done $0x0  }
0x291: {  	[sflag:s10] =	ssyncadd.s32 $0xFFFFF800  }
0x292: {  	_ =	swait.ge [sflag:s10], $0x800  }
0x293: {  	[sflag:s10] =	ssyncset.done $0x0  }
0x294: {  	[sflag:s10] =	ssyncadd.s32 $0xFFFFF800  }
0x295: {  	_ =	swait.ge [sflag:s10], $0x800  }
0x296: {  	v19 =	vand.u32 $0x7F, v19;
	[sflag:s10] =	ssyncset.done $0x0  }
0x297: {  	v48 =	vbroadcast v19, $0x0;
	[sflag:s10] =	ssyncadd.s32 $0xFFFFF800  }
0x298: {  	_ =	swait.ge [sflag:s10], $0x800  }
0x299: {  	v36 =	vor.u32 v1, v48;
	[sflag:s10] =	ssyncset.done $0x0  }
0x29a: {  	[sflag:s10] =	ssyncadd.s32 $0xFFFFF800  }
0x29b: {  	_ =	swait.ge [sflag:s10], $0x800  }
0x29c: {  	[sflag:s10] =	ssyncset.done $0x0  }
0x29d: {  	s28 =	simm.s32 $0x800;
	[sflag:s10] =	ssyncadd.s32 $0xFFFFF800  }
0x29e: {  	v49 =	vld.idx.msk [tilespmem:v36+s28+$0x0], $0xffff;
	_ =	sdelay $0x4  }
0x29f: {  	v37 =	vmul.f32 $5.000000000e-01, v49;
	_ =	sdelay $0x1  }
0x2a0: {  	v37 =	vmul.f32 $1.442695020e+00, v37;
	_ =	sdelay $0x1  }
0x2a1: {  	(erf) = vpow2.f32 v37;
	_ =	sdelay $0x4  }
0x2a2: {  	v20 =	vld.idx.msk [tilespmem:v20+s24+$0x0], $0xffff;
	_ =	sdelay $0x1  }
0x2a3: {  	v36 =	vld.idx.msk [tilespmem:v36+s25+$0x0], $0xffff;
	_ =	sdelay $0x1  }
0x2a4: {  	v50 =	vld [tilespmem:$0x15380];
	v37 =	vpop (erf)  }
0x2a5: {  	v51 =	vbroadcast v19, $0x1;
	v20 =	vmul.f32 v37, v20;
	_ =	sdelay $0x1  }
0x2a6: {  	v52 =	vor.u32 v1, v51;
	v20 =	vadd.f32 v20, v36;
	_ =	sdelay $0x1  }
0x2a7: {  	v20 =	vmul.f32 v20, v50;
	_ =	sdelay $0x1  }
0x2a8: {  	s21 =	simm.s32 $0x1800;
	[tilespmem:v0+s11+$0x0] =	vst.idx.msk $0xffff, v20  }
0x2a9: {  	v20 =	vld.idx.msk [tilespmem:v52+s21+$0x0], $0xffff;
	_ =	sdelay $0x4  }
0x2aa: {  	v20 =	vmul.f32 $5.000000000e-01, v20;
	_ =	sdelay $0x1  }
0x2ab: {  	v20 =	vmul.f32 $1.442695020e+00, v20;
	_ =	sdelay $0x1  }
0x2ac: {  	(erf) = vpow2.f32 v20;
	_ =	sdelay $0x4  }
0x2ad: {  	v20 =	vld.idx.msk [tilespmem:v21+s24+$0x0], $0xffff;
	_ =	sdelay $0x1  }
0x2ae: {  	v53 =	vld.idx.msk [tilespmem:v52+s7+$0x0], $0xffff;
	_ =	sdelay $0x1  }
0x2af: {  	v55 =	vld [tilespmem:$0x15390];
	v54 =	vpop (erf)  }
0x2b0: {  	v56 =	vbroadcast v19, $0x2;
	v20 =	vmul.f32 v54, v20;
	_ =	sdelay $0x1  }
0x2b1: {  	v57 =	vor.u32 v1, v56;
	v20 =	vadd.f32 v20, v53;
	_ =	sdelay $0x1  }
0x2b2: {  	v20 =	vmul.f32 v20, v55;
	_ =	sdelay $0x1  }
0x2b3: {  	[tilespmem:v3+s11+$0x0] =	vst.idx.msk $0xffff, v20  }
0x2b4: {  	v20 =	vld.idx.msk [tilespmem:v57+s6+$0x0], $0xffff;
	_ =	sdelay $0x4  }
0x2b5: {  	v20 =	vmul.f32 $5.000000000e-01, v20;
	_ =	sdelay $0x1  }
0x2b6: {  	v20 =	vmul.f32 $1.442695020e+00, v20;
	_ =	sdelay $0x1  }
0x2b7: {  	(erf) = vpow2.f32 v20;
	_ =	sdelay $0x4  }
0x2b8: {  	v20 =	vld.idx.msk [tilespmem:v22+s24+$0x0], $0xffff  }
0x2b9: {  	s28 =	simm.s32 $0x2000  }
0x2ba: {  	v21 =	vld.idx.msk [tilespmem:v57+s28+$0x0], $0xffff;
	_ =	sdelay $0x1  }
0x2bb: {  	v59 =	vld [tilespmem:$0x153A0];
	v58 =	vpop (erf)  }
0x2bc: {  	v60 =	vbroadcast v19, $0x3;
	v20 =	vmul.f32 v58, v20;
	_ =	sdelay $0x1  }
0x2bd: {  	v61 =	vor.u32 v1, v60;
	v20 =	vadd.f32 v20, v21;
	_ =	sdelay $0x1  }
0x2be: {  	v20 =	vmul.f32 v20, v59;
	_ =	sdelay $0x1  }
0x2bf: {  	s0 =	simm.s32 $0x3800;
	[tilespmem:v4+s11+$0x0] =	vst.idx.msk $0xffff, v20  }
0x2c0: {  	v20 =	vld.idx.msk [tilespmem:v61+s0+$0x0], $0xffff;
	_ =	sdelay $0x4  }
0x2c1: {  	v20 =	vmul.f32 $5.000000000e-01, v20;
	_ =	sdelay $0x1  }
0x2c2: {  	v20 =	vmul.f32 $1.442695020e+00, v20;
	_ =	sdelay $0x1  }
0x2c3: {  	(erf) = vpow2.f32 v20;
	_ =	sdelay $0x4  }
0x2c4: {  	v20 =	vld.idx.msk [tilespmem:v23+s24+$0x0], $0xffff  }
0x2c5: {  	s6 =	simm.s32 $0x3000  }
0x2c6: {  	v21 =	vld.idx.msk [tilespmem:v61+s6+$0x0], $0xffff;
	_ =	sdelay $0x1  }
0x2c7: {  	v63 =	vld [tilespmem:$0x153B0];
	v62 =	vpop (erf)  }
0x2c8: {  	v36 =	vbroadcast v19, $0x4;
	v20 =	vmul.f32 v62, v20;
	_ =	sdelay $0x1  }
0x2c9: {  	v37 =	vor.u32 v1, v36;
	v20 =	vadd.f32 v20, v21;
	_ =	sdelay $0x1  }
0x2ca: {  	v20 =	vmul.f32 v20, v63;
	_ =	sdelay $0x1  }
0x2cb: {  	s7 =	simm.s32 $0x4800;
	[tilespmem:v5+s11+$0x0] =	vst.idx.msk $0xffff, v20  }
0x2cc: {  	v20 =	vld.idx.msk [tilespmem:v37+s7+$0x0], $0xffff;
	_ =	sdelay $0x4  }
0x2cd: {  	v20 =	vmul.f32 $5.000000000e-01, v20;
	_ =	sdelay $0x1  }
0x2ce: {  	v20 =	vmul.f32 $1.442695020e+00, v20;
	_ =	sdelay $0x1  }
0x2cf: {  	(erf) = vpow2.f32 v20;
	_ =	sdelay $0x4  }
0x2d0: {  	v20 =	vld.idx.msk [tilespmem:v24+s24+$0x0], $0xffff  }
0x2d1: {  	s21 =	simm.s32 $0x4000  }
0x2d2: {  	v21 =	vld.idx.msk [tilespmem:v37+s21+$0x0], $0xffff;
	_ =	sdelay $0x1  }
0x2d3: {  	v39 =	vld [tilespmem:$0x153C0];
	v38 =	vpop (erf)  }
0x2d4: {  	v40 =	vbroadcast v19, $0x5;
	v20 =	vmul.f32 v38, v20;
	_ =	sdelay $0x1  }
0x2d5: {  	v41 =	vor.u32 v1, v40;
	v20 =	vadd.f32 v20, v21;
	_ =	sdelay $0x1  }
0x2d6: {  	v20 =	vmul.f32 v20, v39;
	_ =	sdelay $0x1  }
0x2d7: {  	s25 =	simm.s32 $0x5800;
	[tilespmem:v6+s11+$0x0] =	vst.idx.msk $0xffff, v20  }
0x2d8: {  	v20 =	vld.idx.msk [tilespmem:v41+s25+$0x0], $0xffff;
	_ =	sdelay $0x4  }
0x2d9: {  	v20 =	vmul.f32 $5.000000000e-01, v20;
	_ =	sdelay $0x1  }
0x2da: {  	v20 =	vmul.f32 $1.442695020e+00, v20;
	_ =	sdelay $0x1  }
0x2db: {  	(erf) = vpow2.f32 v20;
	_ =	sdelay $0x4  }
0x2dc: {  	v20 =	vld.idx.msk [tilespmem:v25+s24+$0x0], $0xffff  }
0x2dd: {  	s28 =	simm.s32 $0x5000  }
0x2de: {  	v21 =	vld.idx.msk [tilespmem:v41+s28+$0x0], $0xffff;
	_ =	sdelay $0x1  }
0x2df: {  	v43 =	vld [tilespmem:$0x153D0];
	v42 =	vpop (erf)  }
0x2e0: {  	v44 =	vbroadcast v19, $0x6;
	v20 =	vmul.f32 v42, v20;
	_ =	sdelay $0x1  }
0x2e1: {  	v45 =	vor.u32 v1, v44;
	v20 =	vadd.f32 v20, v21;
	_ =	sdelay $0x1  }
0x2e2: {  	v20 =	vmul.f32 v20, v43;
	_ =	sdelay $0x1  }
0x2e3: {  	s6 =	simm.s32 $0x6800;
	[tilespmem:v7+s11+$0x0] =	vst.idx.msk $0xffff, v20  }
0x2e4: {  	v20 =	vld.idx.msk [tilespmem:v45+s6+$0x0], $0xffff;
	_ =	sdelay $0x4  }
0x2e5: {  	v20 =	vmul.f32 $5.000000000e-01, v20;
	_ =	sdelay $0x1  }
0x2e6: {  	v20 =	vmul.f32 $1.442695020e+00, v20;
	_ =	sdelay $0x1  }
0x2e7: {  	(erf) = vpow2.f32 v20;
	_ =	sdelay $0x4  }
0x2e8: {  	v20 =	vld.idx.msk [tilespmem:v26+s24+$0x0], $0xffff  }
0x2e9: {  	s7 =	simm.s32 $0x6000  }
0x2ea: {  	v21 =	vld.idx.msk [tilespmem:v45+s7+$0x0], $0xffff;
	_ =	sdelay $0x1  }
0x2eb: {  	v47 =	vld [tilespmem:$0x153E0];
	v46 =	vpop (erf)  }
0x2ec: {  	v48 =	vbroadcast v19, $0x7;
	v20 =	vmul.f32 v46, v20;
	_ =	sdelay $0x1  }
0x2ed: {  	v49 =	vor.u32 v1, v48;
	v20 =	vadd.f32 v20, v21;
	_ =	sdelay $0x1  }
0x2ee: {  	v20 =	vmul.f32 v20, v47;
	_ =	sdelay $0x1  }
0x2ef: {  	s21 =	simm.s32 $0x7800;
	[tilespmem:v8+s11+$0x0] =	vst.idx.msk $0xffff, v20  }
0x2f0: {  	v20 =	vld.idx.msk [tilespmem:v49+s21+$0x0], $0xffff;
	_ =	sdelay $0x4  }
0x2f1: {  	v20 =	vmul.f32 $5.000000000e-01, v20;
	_ =	sdelay $0x1  }
0x2f2: {  	v20 =	vmul.f32 $1.442695020e+00, v20;
	_ =	sdelay $0x1  }
0x2f3: {  	(erf) = vpow2.f32 v20;
	_ =	sdelay $0x4  }
0x2f4: {  	v20 =	vld.idx.msk [tilespmem:v27+s24+$0x0], $0xffff  }
0x2f5: {  	s25 =	simm.s32 $0x7000  }
0x2f6: {  	v21 =	vld.idx.msk [tilespmem:v49+s25+$0x0], $0xffff;
	_ =	sdelay $0x1  }
0x2f7: {  	v51 =	vld [tilespmem:$0x153F0];
	v50 =	vpop (erf)  }
0x2f8: {  	v52 =	vbroadcast v19, $0x8;
	v20 =	vmul.f32 v50, v20;
	_ =	sdelay $0x1  }
0x2f9: {  	v53 =	vor.u32 v1, v52;
	v20 =	vadd.f32 v20, v21;
	_ =	sdelay $0x1  }
0x2fa: {  	v20 =	vmul.f32 v20, v51;
	_ =	sdelay $0x1  }
0x2fb: {  	s28 =	simm.s32 $0x8800;
	[tilespmem:v9+s11+$0x0] =	vst.idx.msk $0xffff, v20  }
0x2fc: {  	v20 =	vld.idx.msk [tilespmem:v53+s28+$0x0], $0xffff;
	_ =	sdelay $0x4  }
0x2fd: {  	v20 =	vmul.f32 $5.000000000e-01, v20;
	_ =	sdelay $0x1  }
0x2fe: {  	v20 =	vmul.f32 $1.442695020e+00, v20;
	_ =	sdelay $0x1  }
0x2ff: {  	(erf) = vpow2.f32 v20;
	_ =	sdelay $0x4  }
0x300: {  	v20 =	vld.idx.msk [tilespmem:v28+s24+$0x0], $0xffff  }
0x301: {  	s6 =	simm.s32 $0x8000  }
0x302: {  	v21 =	vld.idx.msk [tilespmem:v53+s6+$0x0], $0xffff;
	_ =	sdelay $0x1  }
0x303: {  	v55 =	vld [tilespmem:$0x15400];
	v54 =	vpop (erf)  }
0x304: {  	v56 =	vbroadcast v19, $0x9;
	v20 =	vmul.f32 v54, v20;
	_ =	sdelay $0x1  }
0x305: {  	v57 =	vor.u32 v1, v56;
	v20 =	vadd.f32 v20, v21;
	_ =	sdelay $0x1  }
0x306: {  	v20 =	vmul.f32 v20, v55;
	_ =	sdelay $0x1  }
0x307: {  	s7 =	simm.s32 $0x9800;
	[tilespmem:v10+s11+$0x0] =	vst.idx.msk $0xffff, v20  }
0x308: {  	v20 =	vld.idx.msk [tilespmem:v57+s7+$0x0], $0xffff;
	_ =	sdelay $0x4  }
0x309: {  	v20 =	vmul.f32 $5.000000000e-01, v20;
	_ =	sdelay $0x1  }
0x30a: {  	v20 =	vmul.f32 $1.442695020e+00, v20;
	_ =	sdelay $0x1  }
0x30b: {  	(erf) = vpow2.f32 v20;
	_ =	sdelay $0x4  }
0x30c: {  	v20 =	vld.idx.msk [tilespmem:v29+s24+$0x0], $0xffff  }
0x30d: {  	s21 =	simm.s32 $0x9000  }
0x30e: {  	v21 =	vld.idx.msk [tilespmem:v57+s21+$0x0], $0xffff;
	_ =	sdelay $0x1  }
0x30f: {  	v59 =	vld [tilespmem:$0x15410];
	v58 =	vpop (erf)  }
0x310: {  	v60 =	vbroadcast v19, $0xA;
	v20 =	vmul.f32 v58, v20;
	_ =	sdelay $0x1  }
0x311: {  	v61 =	vor.u32 v1, v60;
	v20 =	vadd.f32 v20, v21;
	_ =	sdelay $0x1  }
0x312: {  	v20 =	vmul.f32 v20, v59;
	_ =	sdelay $0x1  }
0x313: {  	s25 =	simm.s32 $0xA800;
	[tilespmem:v11+s11+$0x0] =	vst.idx.msk $0xffff, v20  }
0x314: {  	v20 =	vld.idx.msk [tilespmem:v61+s25+$0x0], $0xffff;
	_ =	sdelay $0x4  }
0x315: {  	v20 =	vmul.f32 $5.000000000e-01, v20;
	_ =	sdelay $0x1  }
0x316: {  	v20 =	vmul.f32 $1.442695020e+00, v20;
	_ =	sdelay $0x1  }
0x317: {  	(erf) = vpow2.f32 v20;
	_ =	sdelay $0x4  }
0x318: {  	v20 =	vld.idx.msk [tilespmem:v30+s24+$0x0], $0xffff  }
0x319: {  	s28 =	simm.s32 $0xA000  }
0x31a: {  	v21 =	vld.idx.msk [tilespmem:v61+s28+$0x0], $0xffff;
	_ =	sdelay $0x1  }
0x31b: {  	v63 =	vld [tilespmem:$0x15420];
	v62 =	vpop (erf)  }
0x31c: {  	v24 =	vbroadcast v19, $0xB;
	v20 =	vmul.f32 v62, v20;
	_ =	sdelay $0x1  }
0x31d: {  	v25 =	vor.u32 v1, v24;
	v20 =	vadd.f32 v20, v21;
	_ =	sdelay $0x1  }
0x31e: {  	v20 =	vmul.f32 v20, v63;
	_ =	sdelay $0x1  }
0x31f: {  	s6 =	simm.s32 $0xB800;
	[tilespmem:v12+s11+$0x0] =	vst.idx.msk $0xffff, v20  }
0x320: {  	v20 =	vld.idx.msk [tilespmem:v25+s6+$0x0], $0xffff;
	_ =	sdelay $0x4  }
0x321: {  	v20 =	vmul.f32 $5.000000000e-01, v20;
	_ =	sdelay $0x1  }
0x322: {  	v20 =	vmul.f32 $1.442695020e+00, v20;
	_ =	sdelay $0x1  }
0x323: {  	(erf) = vpow2.f32 v20;
	_ =	sdelay $0x4  }
0x324: {  	v20 =	vld.idx.msk [tilespmem:v31+s24+$0x0], $0xffff  }
0x325: {  	s7 =	simm.s32 $0xB000  }
0x326: {  	v21 =	vld.idx.msk [tilespmem:v25+s7+$0x0], $0xffff;
	_ =	sdelay $0x1  }
0x327: {  	v27 =	vld [tilespmem:$0x15430];
	v26 =	vpop (erf)  }
0x328: {  	v28 =	vbroadcast v19, $0xC;
	v20 =	vmul.f32 v26, v20;
	_ =	sdelay $0x1  }
0x329: {  	v29 =	vor.u32 v1, v28;
	v20 =	vadd.f32 v20, v21;
	_ =	sdelay $0x1  }
0x32a: {  	v20 =	vmul.f32 v20, v27;
	_ =	sdelay $0x1  }
0x32b: {  	s21 =	simm.s32 $0xC800;
	[tilespmem:v13+s11+$0x0] =	vst.idx.msk $0xffff, v20  }
0x32c: {  	v20 =	vld.idx.msk [tilespmem:v29+s21+$0x0], $0xffff;
	_ =	sdelay $0x4  }
0x32d: {  	v20 =	vmul.f32 $5.000000000e-01, v20;
	_ =	sdelay $0x1  }
0x32e: {  	v20 =	vmul.f32 $1.442695020e+00, v20;
	_ =	sdelay $0x1  }
0x32f: {  	(erf) = vpow2.f32 v20;
	_ =	sdelay $0x4  }
0x330: {  	v20 =	vld.idx.msk [tilespmem:v32+s24+$0x0], $0xffff  }
0x331: {  	s25 =	simm.s32 $0xC000  }
0x332: {  	v21 =	vld.idx.msk [tilespmem:v29+s25+$0x0], $0xffff;
	_ =	sdelay $0x1  }
0x333: {  	v31 =	vld [tilespmem:$0x15440];
	v30 =	vpop (erf)  }
0x334: {  	v32 =	vbroadcast v19, $0xD;
	v20 =	vmul.f32 v30, v20;
	_ =	sdelay $0x1  }
0x335: {  	v36 =	vor.u32 v1, v32;
	v20 =	vadd.f32 v20, v21;
	_ =	sdelay $0x1  }
0x336: {  	v20 =	vmul.f32 v20, v31;
	_ =	sdelay $0x1  }
0x337: {  	s28 =	simm.s32 $0xD800;
	[tilespmem:v14+s11+$0x0] =	vst.idx.msk $0xffff, v20  }
0x338: {  	v20 =	vld.idx.msk [tilespmem:v36+s28+$0x0], $0xffff;
	_ =	sdelay $0x4  }
0x339: {  	v20 =	vmul.f32 $5.000000000e-01, v20;
	_ =	sdelay $0x1  }
0x33a: {  	v20 =	vmul.f32 $1.442695020e+00, v20;
	_ =	sdelay $0x1  }
0x33b: {  	(erf) = vpow2.f32 v20;
	_ =	sdelay $0x4  }
0x33c: {  	v20 =	vld.idx.msk [tilespmem:v33+s24+$0x0], $0xffff  }
0x33d: {  	s6 =	simm.s32 $0xD000  }
0x33e: {  	v21 =	vld.idx.msk [tilespmem:v36+s6+$0x0], $0xffff;
	_ =	sdelay $0x1  }
0x33f: {  	v38 =	vld [tilespmem:$0x15450];
	v37 =	vpop (erf)  }
0x340: {  	v39 =	vbroadcast v19, $0xE;
	v20 =	vmul.f32 v37, v20;
	_ =	sdelay $0x1  }
0x341: {  	v40 =	vor.u32 v1, v39;
	v20 =	vadd.f32 v20, v21;
	_ =	sdelay $0x1  }
0x342: {  	v20 =	vmul.f32 v20, v38;
	_ =	sdelay $0x1  }
0x343: {  	s7 =	simm.s32 $0xE800;
	[tilespmem:v15+s11+$0x0] =	vst.idx.msk $0xffff, v20  }
0x344: {  	v20 =	vld.idx.msk [tilespmem:v40+s7+$0x0], $0xffff;
	_ =	sdelay $0x4  }
0x345: {  	v20 =	vmul.f32 $5.000000000e-01, v20;
	_ =	sdelay $0x1  }
0x346: {  	v20 =	vmul.f32 $1.442695020e+00, v20;
	_ =	sdelay $0x1  }
0x347: {  	(erf) = vpow2.f32 v20;
	_ =	sdelay $0x4  }
0x348: {  	v20 =	vld.idx.msk [tilespmem:v34+s24+$0x0], $0xffff  }
0x349: {  	s21 =	simm.s32 $0xE000  }
0x34a: {  	v21 =	vld.idx.msk [tilespmem:v40+s21+$0x0], $0xffff;
	_ =	sdelay $0x1  }
0x34b: {  	v42 =	vld [tilespmem:$0x15460];
	v41 =	vpop (erf)  }
0x34c: {  	v19 =	vbroadcast v19, $0xF;
	v20 =	vmul.f32 v41, v20;
	_ =	sdelay $0x1  }
0x34d: {  	v19 =	vor.u32 v1, v19;
	v20 =	vadd.f32 v20, v21;
	_ =	sdelay $0x1  }
0x34e: {  	v20 =	vmul.f32 v20, v42;
	_ =	sdelay $0x1  }
0x34f: {  	s25 =	simm.s32 $0xF800;
	[tilespmem:v16+s11+$0x0] =	vst.idx.msk $0xffff, v20  }
0x350: {  	v20 =	vld.idx.msk [tilespmem:v19+s25+$0x0], $0xffff;
	_ =	sdelay $0x4  }
0x351: {  	v20 =	vmul.f32 $5.000000000e-01, v20;
	_ =	sdelay $0x1  }
0x352: {  	v20 =	vmul.f32 $1.442695020e+00, v20;
	_ =	sdelay $0x1  }
0x353: {  	(erf) = vpow2.f32 v20;
	_ =	sdelay $0x4  }
0x354: {  	v20 =	vld.idx.msk [tilespmem:v35+s24+$0x0], $0xffff  }
0x355: {  	s28 =	simm.s32 $0xF000  }
0x356: {  	v19 =	vld.idx.msk [tilespmem:v19+s28+$0x0], $0xffff;
	_ =	sdelay $0x1  }
0x357: {  	v44 =	vld [tilespmem:$0x15470];
	v43 =	vpop (erf)  }
0x358: {  	v20 =	vmul.f32 v43, v20;
	_ =	sdelay $0x1  }
0x359: {  	v19 =	vadd.f32 v20, v19;
	_ =	sdelay $0x1  }
0x35a: {  	v19 =	vmul.f32 v19, v44;
	_ =	sdelay $0x1  }
0x35b: {  	[tilespmem:v17+s11+$0x0] =	vst.idx.msk $0xffff, v19  }
0x35c: {  	v19 =	vld [tilespmem:$0x15080]  }
0x35d: {  	v20 =	vld [tilespmem:$0x15090];
	_ =	sdelay $0x1  }
0x35e: {  	v45 =	vld [tilespmem:$0x150A0];
	_ =	sdelay $0x1  }
0x35f: {  	v46 =	vld [tilespmem:$0x150B0]  }
0x360: {  	v19 =	vadd.f32 v20, v19  }
0x361: {  	v20 =	vld [tilespmem:$0x150C0]  }
0x362: {  	v47 =	vld [tilespmem:$0x150D0];
	v19 =	vadd.f32 v45, v19  }
0x363: {  	v48 =	vld [tilespmem:s16+$0x0]  }
0x364: {  	v49 =	vld [tilespmem:s18+$0x0];
	v19 =	vadd.f32 v46, v19  }
0x365: {  	v50 =	vld [tilespmem:$0x150E0]  }
0x366: {  	v19 =	vadd.f32 v20, v19  }
0x367: {  	v20 =	vld [tilespmem:$0x150F0]  }
0x368: {  	v51 =	vmul.f32 $5.000000000e-01, v48;
	v19 =	vadd.f32 v47, v19  }
0x369: {  	v52 =	vld [tilespmem:$0x15100];
	v22 =	vmul.f32 $5.000000000e-01, v49  }
0x36a: {  	v21 =	vmul.f32 $1.442695020e+00, v51;
	v19 =	vadd.f32 v50, v19  }
0x36b: {  	v53 =	vld [tilespmem:$0x15110];
	v22 =	vmul.f32 $1.442695020e+00, v22  }
0x36c: {  	(erf) = vpow2.f32 v21;
	v19 =	vadd.f32 v20, v19  }
0x36d: {  	(erf) = vpow2.f32 v22;
	v20 =	vld [tilespmem:$0x15120]  }
0x36e: {  	v54 =	vld [tilespmem:$0x15130];
	v19 =	vadd.f32 v52, v19  }
0x36f: {  	v55 =	vld [tilespmem:$0x15140]  }
0x370: {  	v56 =	vld [tilespmem:$0x15150];
	v19 =	vadd.f32 v53, v19  }
0x371: {  	v57 =	vld [tilespmem:s13+$0x0]  }
0x372: {  	v19 =	vadd.f32 v20, v19;
	v20 =	vld [tilespmem:s14+$0x0]  }
0x373: {  	v58 =	vld [tilespmem:s15+$0x0]  }
0x374: {  	v59 =	vld [tilespmem:s17+$0x0]  }
0x375: {  	v60 =	vpop (erf);
	v19 =	vadd.f32 v54, v19  }
0x376: {  	v61 =	vld [tilespmem:$0x15160];
	v62 =	vpop (erf);
	v24 =	vmul.f32 v60, v57  }
0x377: {  	v19 =	vadd.f32 v55, v19;
	v20 =	vmul.f32 v62, v20  }
0x378: {  	v63 =	vld [tilespmem:$0x15170];
	v24 =	vadd.f32 v24, v58  }
0x379: {  	v19 =	vadd.f32 v56, v19;
	v20 =	vadd.f32 v20, v59;
	_ =	sdelay $0x1  }
0x37a: {  	v19 =	vadd.f32 v61, v19;
	v20 =	vadd.f32 v20, v24  }
0x37b: {  	p0 =	sne.s32 s19, $0x1FF  }
.Ltmp0:
0x37c: {  	v19 =	vadd.f32 v63, v19;
	v20 =	vadd.f32 v20, v18;
	(pc) =	sbr.rel @p0 .LBB2_2-.Ltmp0, $4  }
0x37d: {  	s12 =	sadd.s32 $0x10, s12;
	s22 =	sadd.s32 $0x10, s22  }
0x37e: {  	s19 =	sadd.s32 $0x10, s19;
	s20 =	simm.s32 $0x0;
	s15 =	sadd.s32 $0x10, s15;
	v19 =	vadd.f32 v20, v19  }
0x37f: {  	s16 =	sadd.s32 $0x10, s16;
	s13 =	sadd.s32 $0x10, s13;
	s17 =	sadd.s32 $0x10, s17  }
0x380: {  	s18 =	sadd.s32 $0x10, s18;
	s14 =	sadd.s32 $0x10, s14;
	[tilespmem:s26+$0x0] =	vst v19;
	s26 =	sadd.s32 $0x10, s26  }
0x381: {  	s7 =	rddreg [dreg:$0x17];
	s0 =	simm.s32 $0x14E80;
	s14 =	simm.s32 $0x3  }
0x382: {  	[hbm4b:s7+s20] =	stream.linear.scatter [tilespmem:s0], [sflag:$0x3], $0x200, $0x38;
	[tilespmem:$0x15480] =	vst v63  }
0x383: {  	_ =	swait.ge [sflag:s14], $0x200  }
0x384: {  	s26 =	rddreg [dreg:$0x19]  }
0x385: {  	s28 =	rddreg [dreg:$0x18];
	s0 =	sadd.s32 $0x1, s26  }
0x386: {  	p0 =	sne.s32 s0, s28  }
.Ltmp1:
0x387: {  	_ = 	snop;
	(pc) =	sbr.rel @p0 .LBB2_1-.Ltmp1, $3  }
0x388: {  	_ =	sdelay $0x1  }
0x389: {  	[sflag:s14] =	ssyncset.done $0x0  }
0x38a: {  	s16 =	simm.s32 $0x1000;
	[sflag:s14] =	ssyncadd.s32 $0xFFFFFE00  }
0x38b: {  	_ =	sfence.sel $0x180000  }
0x38c: {  	[bflag:$0x0] =	sbarrier.arrive $0xFFFF  }
0x38d: {  	_ =	strace $0x90000047  }
0x38e: {  	s0 =	stileid.u32;
	[bflag:$0x2] =	sbarrier.arrive $0xFFFF  }
0x38f: {  	p0 =	sne.s32 s0, $0x0;
	s0 =	rddreg [dreg:$0xc]  }
0x390: {  	s0 =	sadd.s32 @!p0 $0x100000, s0  }
0x391: {  	[sflag:s0] =	ssyncadd.tile.s32 @!p0 $0x1;
	_ =	shalt  }
.Lfunc_end2:
_tile_overlayer_lowered:
.L_overlay_start_2:
0x392: {  	(tag) =	ssettag $0x2  }
0x393: {  	s0 =	rddreg [dreg:$0x0];
	s2 =	stileid.u32  }
0x394: {  	s1 =	rddreg [dreg:$0x1];
	p0 =	sne.s32 s2, $0x0  }
0x395: {  	s3 =	rddreg [dreg:$0x2];
	[bflag:$0x3] =	sbarrier.arrive $0xFFFF;
	s2 =	simm.s32 @!p0 $0x1C03  }
0x396: {  	[timem:s3], [sflag:s2] =	dma.local @!p0 [hbm:s0], s1  }
0x397: {  	s0 =	simm.s32 @!p0 $0x3  }
0x398: {  	_ =	swait.ge @!p0 [sflag:s0], s1  }
0x399: {  	s1 =	ssub.s32 @!p0 $0x0, s1;
	[sflag:s0] =	ssyncset.done @!p0 $0x0  }
0x39a: {  	[sflag:s0] =	ssyncadd.s32 @!p0 s1  }
0x39b: {  	[bflag:$0x3] =	sbarrier.arrive $0xFFFF  }
0x39c: {  	_ =	shalt  }

</sc_bundles>
